<compile_context>
chip_gen: v7x
topology: tpu7x:2x2x1
jax: 0.10.2.dev20260603
libtpu: 0.0.44.dev20260713+nightly
codegen_flags: <defaults>
</compile_context>

<pallas_src>
import functools

import jax
import jax.numpy as jnp
from jax import lax
from jax.experimental import pallas as pl
from jax.experimental.pallas import tpu as pltpu
from jax.experimental.pallas import tpu_sc as plsc

N = 10000
E = 320000
H = 2
HID = 128
OUT = 64

BN = 1024
NB = 10
NPAD = 10240

NC = 2
NS = 16
CH = 128
CPS = 160
NCHUNKP = NS * CPS
EPAD = NCHUNKP * CH
NBUF = 2
IGRP = 8
RPS = NPAD // NS
DSTRIPE = NPAD // NS


def _encode_body(h_ref, w_ref, b_ref, o_ref):
    o_ref[0] = jnp.dot(h_ref[...], w_ref[0],
                       preferred_element_type=jnp.float32) + b_ref[0]


def _encode(h, enc_W, enc_b3):
    return pl.pallas_call(
        _encode_body,
        grid=(H, NB),
        in_specs=[
            pl.BlockSpec((BN, HID), lambda i, j: (j, 0)),
            pl.BlockSpec((1, HID, HID), lambda i, j: (i, 0, 0)),
            pl.BlockSpec((1, 1, HID), lambda i, j: (i, 0, 0)),
        ],
        out_specs=pl.BlockSpec((1, BN, HID), lambda i, j: (i, j, 0)),
        out_shape=jax.ShapeDtypeStruct((H, N, HID), jnp.float32),
    )(h, enc_W, enc_b3)


def _sc_agg_body(compute_deg, src_hbm, dst_hbm, xflat_hbm, agg_out, deg_out,
                 sbuf, dbuf, rows, ones_v, zdeg, agg_sh, deg_sh, *sems):
    isems = sems[:2]
    gsems = sems[2:]
    cid = lax.axis_index("c")
    sid = lax.axis_index("s")
    c0 = sid * CPS

    def start_idx(slot, grp):
        pltpu.async_copy(src_hbm.at[cid, pl.ds(c0 + IGRP * grp, IGRP)],
                         sbuf.at[slot], isems[slot])
        pltpu.async_copy(dst_hbm.at[cid, pl.ds(c0 + IGRP * grp, IGRP)],
                         dbuf.at[slot], isems[slot])

    def wait_idx(slot, grp):
        pltpu.make_async_copy(src_hbm.at[cid, pl.ds(c0 + IGRP * grp, IGRP)],
                              sbuf.at[slot], isems[slot]).wait()
        pltpu.make_async_copy(dst_hbm.at[cid, pl.ds(c0 + IGRP * grp, IGRP)],
                              dbuf.at[slot], isems[slot]).wait()

    def start_gather(b, slot, row):
        pltpu.async_copy(xflat_hbm.at[sbuf.at[slot, row]], rows.at[b],
                         gsems[b])

    def wait_gather(b, slot, row):
        pltpu.make_async_copy(xflat_hbm.at[sbuf.at[slot, row]],
                              rows.at[b], gsems[b]).wait()

    start_idx(0, 0)
    start_idx(1, 1)

    zk = jnp.zeros((16,), jnp.float32)

    def zero_row(r, _):
        for c in range(HID // 16):
            rows[0, r, pl.ds(c * 16, 16)] = zk
        return 0

    lax.fori_loop(0, CH, zero_row, 0)

    def fill_vec(vec, val):
        k = jnp.full((16,), val, jnp.float32)

        def body(r, _):
            vec[pl.ds(r * 16, 16)] = k
            return 0

        lax.fori_loop(0, vec.shape[0] // 16, body, 0)

    fill_vec(ones_v, 1.0)
    fill_vec(zdeg, 0.0)

    for k in range(RPS // CH):
        pltpu.sync_copy(rows.at[0], agg_sh.at[pl.ds(sid * RPS + k * CH, CH)])
    if compute_deg:
        pltpu.sync_copy(zdeg, deg_sh.at[pl.ds(sid * DSTRIPE, DSTRIPE)])
    plsc.subcore_barrier()

    wait_idx(0, 0)
    start_gather(0, 0, 0)
    start_gather(1, 0, 1)

    NIG = CPS // IGRP
    NS_GR = NIG // 2

    def superstep(s, _):
        for q in range(2):
            for b in range(IGRP):
                rslot = b % NBUF
                wait_gather(rslot, q, b)
                pltpu.sync_copy(rows.at[rslot],
                                agg_sh.at[dbuf.at[q, b]], add=True)
                if compute_deg:
                    pltpu.sync_copy(ones_v,
                                    deg_sh.at[dbuf.at[q, b]],
                                    add=True)
                if b < IGRP - 2:
                    start_gather(rslot, q, b + 2)
                elif q == 0:
                    if b == IGRP - 2:
                        wait_idx(1, 2 * s + 1)
                    start_gather(rslot, 1, b - (IGRP - 2))
                else:
                    @pl.when(s < NS_GR - 1)
                    def _():
                        if b == IGRP - 2:
                            wait_idx(0, 2 * s + 2)
                        start_gather(rslot, 0, b - (IGRP - 2))
            @pl.when(s < NS_GR - 1)
            def _():
                start_idx(q, 2 * s + q + 2)
        return 0

    lax.fori_loop(0, NS_GR, superstep, 0)
    plsc.subcore_barrier()

    pltpu.sync_copy(agg_sh.at[pl.ds(sid * RPS, RPS)],
                    agg_out.at[cid, pl.ds(sid * RPS, RPS)])
    if compute_deg:
        pltpu.sync_copy(deg_sh.at[pl.ds(sid * DSTRIPE, DSTRIPE)],
                        deg_out.at[cid, pl.ds(sid * DSTRIPE, DSTRIPE)])


def _sc_agg(xflat, src3, dst3, compute_deg):
    mesh = plsc.VectorSubcoreMesh(core_axis_name="c", subcore_axis_name="s")
    out_type = [jax.ShapeDtypeStruct((H, NPAD, HID), jnp.float32),
                jax.ShapeDtypeStruct((H, NPAD), jnp.float32)]
    scratch = [
        pltpu.VMEM((2, IGRP, CH), jnp.int32),
        pltpu.VMEM((2, IGRP, CH), jnp.int32),
        pltpu.VMEM((NBUF, CH, HID), jnp.float32),
        pltpu.VMEM((CH,), jnp.float32),
        pltpu.VMEM((DSTRIPE,), jnp.float32),
        pltpu.VMEM_SHARED((NPAD, HID), jnp.float32),
        pltpu.VMEM_SHARED((NPAD,), jnp.float32),
    ] + [pltpu.SemaphoreType.DMA] * (2 + NBUF)
    fn = pl.kernel(
        functools.partial(_sc_agg_body, compute_deg),
        out_type=out_type,
        mesh=mesh,
        scratch_types=scratch,
        compiler_params=pltpu.CompilerParams(use_tc_tiling_on_sc=True),
    )
    return fn(src3, dst3, xflat)


def _combine_body(agg_ref, deg_ref, x_ref, wl_ref, bl_ref, wr_ref, o_ref):
    d = jnp.maximum(deg_ref[0], 1.0)
    a = agg_ref[0] / d
    o_ref[0] = (jnp.dot(a, wl_ref[0], preferred_element_type=jnp.float32)
                + bl_ref[0]
                + jnp.dot(x_ref[0], wr_ref[0],
                          preferred_element_type=jnp.float32))


def _combine(agg, deg3, x, Wl, bl3, Wr):
    return pl.pallas_call(
        _combine_body,
        grid=(H, NB),
        in_specs=[
            pl.BlockSpec((1, BN, HID), lambda i, j: (i, j, 0)),
            pl.BlockSpec((1, BN, 1), lambda i, j: (i, j, 0)),
            pl.BlockSpec((1, BN, HID), lambda i, j: (i, j, 0)),
            pl.BlockSpec((1, HID, HID), lambda i, j: (i, 0, 0)),
            pl.BlockSpec((1, 1, HID), lambda i, j: (i, 0, 0)),
            pl.BlockSpec((1, HID, HID), lambda i, j: (i, 0, 0)),
        ],
        out_specs=pl.BlockSpec((1, BN, HID), lambda i, j: (i, j, 0)),
        out_shape=jax.ShapeDtypeStruct((H, N, HID), jnp.float32),
    )(agg, deg3, x, Wl, bl3, Wr)


def _final_body(agg_ref, deg_ref, x_ref, wl_ref, bl_ref, wr_ref,
                qw_ref, qb_ref, kw_ref, kb_ref, vw_ref, vb_ref,
                beta_ref, pw_ref, pb_ref, o_ref):
    f32 = jnp.float32

    def sage(i):
        d = jnp.maximum(deg_ref[i], 1.0)
        a = agg_ref[i] / d
        return (jnp.dot(a, wl_ref[i], preferred_element_type=f32)
                + bl_ref[i]
                + jnp.dot(x_ref[i], wr_ref[i], preferred_element_type=f32))

    z0 = sage(0)
    z1 = sage(1)
    q0 = jnp.dot(z0, qw_ref[...], preferred_element_type=f32) + qb_ref[0]
    q1 = jnp.dot(z1, qw_ref[...], preferred_element_type=f32) + qb_ref[0]
    k0 = jnp.dot(z0, kw_ref[...], preferred_element_type=f32) + kb_ref[0]
    k1 = jnp.dot(z1, kw_ref[...], preferred_element_type=f32) + kb_ref[0]
    v0 = jnp.dot(z0, vw_ref[...], preferred_element_type=f32) + vb_ref[0]
    v1 = jnp.dot(z1, vw_ref[...], preferred_element_type=f32) + vb_ref[0]

    def soft2(a, b):
        m = jnp.maximum(a, b)
        ea = jnp.exp(a - m)
        eb = jnp.exp(b - m)
        s = ea + eb
        return ea / s, eb / s

    att00 = jnp.sum(q0 * k0, axis=1, keepdims=True)
    att01 = jnp.sum(q0 * k1, axis=1, keepdims=True)
    att10 = jnp.sum(q1 * k0, axis=1, keepdims=True)
    att11 = jnp.sum(q1 * k1, axis=1, keepdims=True)
    a00, a01 = soft2(att00, att01)
    a10, a11 = soft2(att10, att11)
    b = beta_ref[0, 0]
    r0 = b * (a00 * v0 + a01 * v1) + z1
    r1 = b * (a10 * v0 + a11 * v1) + z1
    o_ref[...] = (jnp.dot(r0, pw_ref[0:HID], preferred_element_type=f32)
                  + jnp.dot(r1, pw_ref[HID:2 * HID],
                            preferred_element_type=f32)
                  + pb_ref[0])


def _final(agg, deg3, x, Wl, bl3, Wr,
           Q_W, Q_b2, K_W, K_b2, V_W, V_b2, beta2, P_W, P_b2):
    full = lambda j: (0, 0)
    full3 = lambda j: (0, 0, 0)
    return pl.pallas_call(
        _final_body,
        grid=(NB,),
        in_specs=[
            pl.BlockSpec((H, BN, HID), lambda j: (0, j, 0)),
            pl.BlockSpec((H, BN, 1), lambda j: (0, j, 0)),
            pl.BlockSpec((H, BN, HID), lambda j: (0, j, 0)),
            pl.BlockSpec((H, HID, HID), full3),
            pl.BlockSpec((H, 1, HID), full3),
            pl.BlockSpec((H, HID, HID), full3),
            pl.BlockSpec((HID, HID), full),
            pl.BlockSpec((1, HID), full),
            pl.BlockSpec((HID, HID), full),
            pl.BlockSpec((1, HID), full),
            pl.BlockSpec((HID, HID), full),
            pl.BlockSpec((1, HID), full),
            pl.BlockSpec((1, 1), full),
            pl.BlockSpec((H * HID, OUT), full),
            pl.BlockSpec((1, OUT), full),
        ],
        out_specs=pl.BlockSpec((BN, OUT), lambda j: (j, 0)),
        out_shape=jax.ShapeDtypeStruct((N, OUT), jnp.float32),
    )(agg, deg3, x, Wl, bl3, Wr,
      Q_W, Q_b2, K_W, K_b2, V_W, V_b2, beta2, P_W, P_b2)


def kernel(adj_list, h, enc_W, enc_b, sage_Wl, sage_bl, sage_Wr,
           Q_W, Q_b, K_W, K_b, V_W, V_b, beta, P_W, P_b):
    offs = (jnp.arange(H, dtype=jnp.int32) * N)[:, None]
    pad_iota = jnp.arange(EPAD - E, dtype=jnp.int32)
    pad_src = jnp.broadcast_to(pad_iota % N, (H, EPAD - E))
    pad_dst = jnp.broadcast_to(N + pad_iota % (NPAD - N), (H, EPAD - E))
    src = jnp.concatenate(
        [adj_list[:, 0] + offs, pad_src], axis=1).reshape(H, NCHUNKP, CH)
    dst = jnp.concatenate(
        [adj_list[:, 1], pad_dst], axis=1).reshape(H, NCHUNKP, CH)


    x = _encode(h, enc_W, enc_b.reshape(H, 1, HID))

    agg0, deg = _sc_agg(x.reshape(H * N, HID), src, dst, True)
    deg3 = deg.reshape(H, NPAD, 1)
    x = _combine(agg0, deg3, x,
                 sage_Wl[:, 0], sage_bl[:, 0].reshape(H, 1, HID),
                 sage_Wr[:, 0])

    agg1, _ = _sc_agg(x.reshape(H * N, HID), src, dst, False)
    return _final(agg1, deg3, x,
                  sage_Wl[:, 1], sage_bl[:, 1].reshape(H, 1, HID),
                  sage_Wr[:, 1],
                  Q_W, Q_b.reshape(1, HID), K_W, K_b.reshape(1, HID),
                  V_W, V_b.reshape(1, HID), beta.reshape(1, 1),
                  P_W, P_b.reshape(1, OUT))

# --- scband reference (transcript-rebuilt; emitter-appended) ---
"""Pipeline reference for scband-se-hgnn-28037546508939 (READ-ONLY COPY).

The authoritative reference and input builder live on the scoring server;
editing this copy changes nothing except your own understanding.
"""

import jax, jax.numpy as jnp
import numpy as np

N = 10000
E = 320000
H = 2
L = 2
IN = 128
HID = 128
OUT = 64


def setup_inputs(seed: int = 0) -> dict:
    key = jax.random.key(seed)
    ks = jax.random.split(key, 12)
    s = 0.05
    h = jax.random.normal(ks[0], (N, IN), dtype=jnp.float32)
    adj_list = jax.random.randint(ks[1], (H, 2, E), 0, N, dtype=jnp.int32)
    enc_W = jax.random.normal(ks[2], (H, IN, HID), dtype=jnp.float32) * s
    enc_b = jnp.zeros((H, HID), dtype=jnp.float32)
    sage_Wl = jax.random.normal(ks[3], (H, L, HID, HID), dtype=jnp.float32) * s
    sage_bl = jnp.zeros((H, L, HID), dtype=jnp.float32)
    sage_Wr = jax.random.normal(ks[4], (H, L, HID, HID), dtype=jnp.float32) * s
    Q_W = jax.random.normal(ks[5], (HID, HID), dtype=jnp.float32) * s
    Q_b = jnp.zeros((HID,), dtype=jnp.float32)
    K_W = jax.random.normal(ks[6], (HID, HID), dtype=jnp.float32) * s
    K_b = jnp.zeros((HID,), dtype=jnp.float32)
    V_W = jax.random.normal(ks[7], (HID, HID), dtype=jnp.float32) * s
    V_b = jnp.zeros((HID,), dtype=jnp.float32)
    beta = jnp.ones((1,), dtype=jnp.float32)
    P_W = jax.random.normal(ks[8], (HID * H, OUT), dtype=jnp.float32) * s
    P_b = jnp.zeros((OUT,), dtype=jnp.float32)
    return {"adj_list": adj_list, "h": h, "enc_W": enc_W, "enc_b": enc_b,
            "sage_Wl": sage_Wl, "sage_bl": sage_bl, "sage_Wr": sage_Wr,
            "Q_W": Q_W, "Q_b": Q_b, "K_W": K_W, "K_b": K_b, "V_W": V_W, "V_b": V_b,
            "beta": beta, "P_W": P_W, "P_b": P_b}


def _sage_layer(x, src, dst, Wl, bl, Wr):
    # GraphSAGE with mean aggregation: out = W_l @ mean(x_src -> dst) + b + W_r @ x
    n = x.shape[0]
    msg = x[src]
    agg = jax.ops.segment_sum(msg, dst, num_segments=n)
    deg = jax.ops.segment_sum(jnp.ones((src.shape[0],), x.dtype), dst, num_segments=n)
    agg = agg / jnp.maximum(deg, 1.0)[:, None]
    return agg @ Wl + bl + x @ Wr


def reference(adj_list, h, enc_W, enc_b, sage_Wl, sage_bl, sage_Wr,
              Q_W, Q_b, K_W, K_b, V_W, V_b, beta, P_W, P_b):
    num_heads = enc_W.shape[0]
    num_layers = sage_Wl.shape[1]
    zs, qs, ks_, vs = [], [], [], []
    for i in range(num_heads):
        x = h @ enc_W[i] + enc_b[i]  # dropout=0.0 (eval) -> identity
        src = adj_list[i, 0]
        dst = adj_list[i, 1]
        for l in range(num_layers):
            x = _sage_layer(x, src, dst, sage_Wl[i, l], sage_bl[i, l], sage_Wr[i, l])
        z = x
        qs.append(z @ Q_W + Q_b)
        ks_.append(z @ K_W + K_b)
        vs.append(z @ V_W + V_b)
        zs.append(z)
    attns = []
    for i in range(num_heads):
        att = jnp.stack([jnp.sum(qs[i] * ks_[j], axis=1) for j in range(num_heads)], axis=1)
        attns.append(jax.nn.softmax(att, axis=1))
    results = []
    for i in range(num_heads):
        r = jnp.zeros_like(zs[0])
        for j in range(num_heads):
            r = r + beta * attns[i][:, j:j + 1] * vs[j]
        # faithful to original code: adds z of the LAST j (loop-variable leak)
        r = r + zs[num_heads - 1]
        results.append(r)
    final = jnp.concatenate(results, axis=1)
    return final @ P_W + P_b

if __name__ == "__main__":
    import jax
    _d = setup_inputs()
    print(jax.jit(kernel)(*tuple(_d.values())))

</pallas_src>

<mosaic_0001>
#map = affine_map<(d0, d1) -> (0, 0, 0)>
#map1 = affine_map<(d0, d1) -> (0, 0)>
module attributes {stable_mosaic.version = 14 : i64} {
  func.func @_sc_agg_body(%arg0: i32, %arg1: i32, %arg2: memref<2x2560x128xi32, #tpu.memory_space<hbm>>, %arg3: memref<2x2560x128xi32, #tpu.memory_space<hbm>>, %arg4: memref<20000x128xf32, #tpu.memory_space<hbm>>, %arg5: memref<2x10240x128xf32, #tpu.memory_space<hbm>>, %arg6: memref<2x10240xf32, #tpu.memory_space<hbm>>, %arg7: memref<2x8x128xi32, #tpu.memory_space<vmem>>, %arg8: memref<2x8x128xi32, #tpu.memory_space<vmem>>, %arg9: memref<2x128x128xf32, #tpu.memory_space<vmem>>, %arg10: memref<128xf32, #tpu.memory_space<vmem>>, %arg11: memref<640xf32, #tpu.memory_space<vmem>>, %arg12: memref<10240x128xf32, #tpu.memory_space<vmem_shared>>, %arg13: memref<10240xf32, #tpu.memory_space<vmem_shared>>, %arg14: memref<!tpu.dma_semaphore, #tpu.memory_space<semaphore_mem>>, %arg15: memref<!tpu.dma_semaphore, #tpu.memory_space<semaphore_mem>>, %arg16: memref<!tpu.dma_semaphore, #tpu.memory_space<semaphore_mem>>, %arg17: memref<!tpu.dma_semaphore, #tpu.memory_space<semaphore_mem>>) attributes {dimension_semantics = [#tpu.dimension_semantics<core_parallel>, #tpu.dimension_semantics<subcore_parallel>], iteration_bounds = array<i64: 2, 16>, scalar_prefetch = 0 : i64, scratch_operands = 11 : i64, tpu.core_type = #tpu.core_type<sc_vector_subcore>, window_params = [{transform_indices = #map}, {transform_indices = #map}, {transform_indices = #map1}, {transform_indices = #map}, {transform_indices = #map1}]} {
    %mul3A = arith.constant 160 : i32
    %mul3A_0 = arith.muli %arg1, %mul3A : i32
    %add3A = arith.constant 0 : i32
    %add3A_1 = arith.addi %mul3A_0, %add3A : i32
    %dma_start3A = arith.constant 0 : i32
    %dma_start3A_2 = arith.constant 0 : i32
    %dma_start3A_3 = arith.constant 0 : i32
    %dma_start3A_4 = tpu.memref_slice %arg7[%dma_start3A, %dma_start3A_2, %dma_start3A_3] : memref<2x8x128xi32, #tpu.memory_space<vmem>> -> memref<1x8x128xi32, #tpu.memory_space<vmem>>
    %dma_start3A_5 = tpu.memref_squeeze %dma_start3A_4 : memref<1x8x128xi32, #tpu.memory_space<vmem>> -> memref<8x128xi32, #tpu.memory_space<vmem>>
    %dma_start3A_6 = arith.constant 0 : i32
    %dma_start3A_7 = tpu.memref_slice %arg2[%arg0, %add3A_1, %dma_start3A_6] : memref<2x2560x128xi32, #tpu.memory_space<hbm>> -> memref<1x8x128xi32, #tpu.memory_space<hbm>>
    %dma_start3A_8 = tpu.memref_squeeze %dma_start3A_7 : memref<1x8x128xi32, #tpu.memory_space<hbm>> -> memref<8x128xi32, #tpu.memory_space<hbm>>
    %dma_start3A_9 = arith.constant 0 : i32
    %dma_start3A_10 = arith.constant 0 : i32
    %dma_start3A_11 = tpu.memref_slice %arg7[%dma_start3A, %dma_start3A_9, %dma_start3A_10] : memref<2x8x128xi32, #tpu.memory_space<vmem>> -> memref<1x8x128xi32, #tpu.memory_space<vmem>>
    %dma_start3A_12 = tpu.memref_squeeze %dma_start3A_11 : memref<1x8x128xi32, #tpu.memory_space<vmem>> -> memref<8x128xi32, #tpu.memory_space<vmem>>
    %dma_start3A_13 = arith.constant 0 : i32
    %dma_start3A_14 = tpu.memref_slice %arg2[%arg0, %add3A_1, %dma_start3A_13] : memref<2x2560x128xi32, #tpu.memory_space<hbm>> -> memref<1x8x128xi32, #tpu.memory_space<hbm>>
    %dma_start3A_15 = tpu.memref_squeeze %dma_start3A_14 : memref<1x8x128xi32, #tpu.memory_space<hbm>> -> memref<8x128xi32, #tpu.memory_space<hbm>>
    tpu.enqueue_dma source(%dma_start3A_15 : memref<8x128xi32, #tpu.memory_space<hbm>>) target(%dma_start3A_12 : memref<8x128xi32, #tpu.memory_space<vmem>>) target_semaphore(%arg14 : memref<!tpu.dma_semaphore, #tpu.memory_space<semaphore_mem>>)
    %add3A_16 = arith.constant 0 : i32
    %add3A_17 = arith.addi %mul3A_0, %add3A_16 : i32
    %dma_start3A_18 = arith.constant 0 : i32
    %dma_start3A_19 = arith.constant 0 : i32
    %dma_start3A_20 = arith.constant 0 : i32
    %dma_start3A_21 = tpu.memref_slice %arg8[%dma_start3A_18, %dma_start3A_19, %dma_start3A_20] : memref<2x8x128xi32, #tpu.memory_space<vmem>> -> memref<1x8x128xi32, #tpu.memory_space<vmem>>
    %dma_start3A_22 = tpu.memref_squeeze %dma_start3A_21 : memref<1x8x128xi32, #tpu.memory_space<vmem>> -> memref<8x128xi32, #tpu.memory_space<vmem>>
    %dma_start3A_23 = arith.constant 0 : i32
    %dma_start3A_24 = tpu.memref_slice %arg3[%arg0, %add3A_17, %dma_start3A_23] : memref<2x2560x128xi32, #tpu.memory_space<hbm>> -> memref<1x8x128xi32, #tpu.memory_space<hbm>>
    %dma_start3A_25 = tpu.memref_squeeze %dma_start3A_24 : memref<1x8x128xi32, #tpu.memory_space<hbm>> -> memref<8x128xi32, #tpu.memory_space<hbm>>
    %dma_start3A_26 = arith.constant 0 : i32
    %dma_start3A_27 = arith.constant 0 : i32
    %dma_start3A_28 = tpu.memref_slice %arg8[%dma_start3A_18, %dma_start3A_26, %dma_start3A_27] : memref<2x8x128xi32, #tpu.memory_space<vmem>> -> memref<1x8x128xi32, #tpu.memory_space<vmem>>
    %dma_start3A_29 = tpu.memref_squeeze %dma_start3A_28 : memref<1x8x128xi32, #tpu.memory_space<vmem>> -> memref<8x128xi32, #tpu.memory_space<vmem>>
    %dma_start3A_30 = arith.constant 0 : i32
    %dma_start3A_31 = tpu.memref_slice %arg3[%arg0, %add3A_17, %dma_start3A_30] : memref<2x2560x128xi32, #tpu.memory_space<hbm>> -> memref<1x8x128xi32, #tpu.memory_space<hbm>>
    %dma_start3A_32 = tpu.memref_squeeze %dma_start3A_31 : memref<1x8x128xi32, #tpu.memory_space<hbm>> -> memref<8x128xi32, #tpu.memory_space<hbm>>
    tpu.enqueue_dma source(%dma_start3A_32 : memref<8x128xi32, #tpu.memory_space<hbm>>) target(%dma_start3A_29 : memref<8x128xi32, #tpu.memory_space<vmem>>) target_semaphore(%arg14 : memref<!tpu.dma_semaphore, #tpu.memory_space<semaphore_mem>>)
    %add3A_33 = arith.constant 8 : i32
    %add3A_34 = arith.addi %mul3A_0, %add3A_33 : i32
    %dma_start3A_35 = arith.constant 1 : i32
    %dma_start3A_36 = arith.constant 0 : i32
    %dma_start3A_37 = arith.constant 0 : i32
    %dma_start3A_38 = tpu.memref_slice %arg7[%dma_start3A_35, %dma_start3A_36, %dma_start3A_37] : memref<2x8x128xi32, #tpu.memory_space<vmem>> -> memref<1x8x128xi32, #tpu.memory_space<vmem>>
    %dma_start3A_39 = tpu.memref_squeeze %dma_start3A_38 : memref<1x8x128xi32, #tpu.memory_space<vmem>> -> memref<8x128xi32, #tpu.memory_space<vmem>>
    %dma_start3A_40 = arith.constant 0 : i32
    %dma_start3A_41 = tpu.memref_slice %arg2[%arg0, %add3A_34, %dma_start3A_40] : memref<2x2560x128xi32, #tpu.memory_space<hbm>> -> memref<1x8x128xi32, #tpu.memory_space<hbm>>
    %dma_start3A_42 = tpu.memref_squeeze %dma_start3A_41 : memref<1x8x128xi32, #tpu.memory_space<hbm>> -> memref<8x128xi32, #tpu.memory_space<hbm>>
    %dma_start3A_43 = arith.constant 0 : i32
    %dma_start3A_44 = arith.constant 0 : i32
    %dma_start3A_45 = tpu.memref_slice %arg7[%dma_start3A_35, %dma_start3A_43, %dma_start3A_44] : memref<2x8x128xi32, #tpu.memory_space<vmem>> -> memref<1x8x128xi32, #tpu.memory_space<vmem>>
    %dma_start3A_46 = tpu.memref_squeeze %dma_start3A_45 : memref<1x8x128xi32, #tpu.memory_space<vmem>> -> memref<8x128xi32, #tpu.memory_space<vmem>>
    %dma_start3A_47 = arith.constant 0 : i32
    %dma_start3A_48 = tpu.memref_slice %arg2[%arg0, %add3A_34, %dma_start3A_47] : memref<2x2560x128xi32, #tpu.memory_space<hbm>> -> memref<1x8x128xi32, #tpu.memory_space<hbm>>
    %dma_start3A_49 = tpu.memref_squeeze %dma_start3A_48 : memref<1x8x128xi32, #tpu.memory_space<hbm>> -> memref<8x128xi32, #tpu.memory_space<hbm>>
    tpu.enqueue_dma source(%dma_start3A_49 : memref<8x128xi32, #tpu.memory_space<hbm>>) target(%dma_start3A_46 : memref<8x128xi32, #tpu.memory_space<vmem>>) target_semaphore(%arg15 : memref<!tpu.dma_semaphore, #tpu.memory_space<semaphore_mem>>)
    %add3A_50 = arith.constant 8 : i32
    %add3A_51 = arith.addi %mul3A_0, %add3A_50 : i32
    %dma_start3A_52 = arith.constant 1 : i32
    %dma_start3A_53 = arith.constant 0 : i32
    %dma_start3A_54 = arith.constant 0 : i32
    %dma_start3A_55 = tpu.memref_slice %arg8[%dma_start3A_52, %dma_start3A_53, %dma_start3A_54] : memref<2x8x128xi32, #tpu.memory_space<vmem>> -> memref<1x8x128xi32, #tpu.memory_space<vmem>>
    %dma_start3A_56 = tpu.memref_squeeze %dma_start3A_55 : memref<1x8x128xi32, #tpu.memory_space<vmem>> -> memref<8x128xi32, #tpu.memory_space<vmem>>
    %dma_start3A_57 = arith.constant 0 : i32
    %dma_start3A_58 = tpu.memref_slice %arg3[%arg0, %add3A_51, %dma_start3A_57] : memref<2x2560x128xi32, #tpu.memory_space<hbm>> -> memref<1x8x128xi32, #tpu.memory_space<hbm>>
    %dma_start3A_59 = tpu.memref_squeeze %dma_start3A_58 : memref<1x8x128xi32, #tpu.memory_space<hbm>> -> memref<8x128xi32, #tpu.memory_space<hbm>>
    %dma_start3A_60 = arith.constant 0 : i32
    %dma_start3A_61 = arith.constant 0 : i32
    %dma_start3A_62 = tpu.memref_slice %arg8[%dma_start3A_52, %dma_start3A_60, %dma_start3A_61] : memref<2x8x128xi32, #tpu.memory_space<vmem>> -> memref<1x8x128xi32, #tpu.memory_space<vmem>>
    %dma_start3A_63 = tpu.memref_squeeze %dma_start3A_62 : memref<1x8x128xi32, #tpu.memory_space<vmem>> -> memref<8x128xi32, #tpu.memory_space<vmem>>
    %dma_start3A_64 = arith.constant 0 : i32
    %dma_start3A_65 = tpu.memref_slice %arg3[%arg0, %add3A_51, %dma_start3A_64] : memref<2x2560x128xi32, #tpu.memory_space<hbm>> -> memref<1x8x128xi32, #tpu.memory_space<hbm>>
    %dma_start3A_66 = tpu.memref_squeeze %dma_start3A_65 : memref<1x8x128xi32, #tpu.memory_space<hbm>> -> memref<8x128xi32, #tpu.memory_space<hbm>>
    tpu.enqueue_dma source(%dma_start3A_66 : memref<8x128xi32, #tpu.memory_space<hbm>>) target(%dma_start3A_63 : memref<8x128xi32, #tpu.memory_space<vmem>>) target_semaphore(%arg15 : memref<!tpu.dma_semaphore, #tpu.memory_space<semaphore_mem>>)
    %broadcast_in_dim3A = arith.constant 0.000000e+00 : f32
    %broadcast_in_dim3A_67 = vector.broadcast %broadcast_in_dim3A : f32 to vector<16xf32>
    %scan3A = arith.constant 0 : i32
    %scan3A_68 = arith.constant 0 : i32
    %scan3A_69 = arith.constant 128 : i32
    %scan3A_70 = arith.addi %scan3A_68, %scan3A_69 : i32
    %scan3A_71 = arith.constant 1 : i32
    %scan3A_72 = scf.for %scan3A_193 = %scan3A_68 to %scan3A_70 step %scan3A_71 iter_args(%scan3A_194 = %scan3A) -> (i32)  : i32 {
      %swap3A = arith.constant 0 : i32
      %swap3A_195 = arith.index_cast %swap3A : i32 to index
      %swap3A_196 = arith.index_cast %scan3A_193 : i32 to index
      %swap3A_197 = arith.constant 0 : index
      %swap3A_198 = tpu.vector_load %arg9[%swap3A_195, %swap3A_196, %swap3A_197] {strides = array<i32>} : memref<2x128x128xf32, #tpu.memory_space<vmem>>, vector<1x1x16xf32>,
      %swap3A_199 = vector.shape_cast %swap3A_198 : vector<1x1x16xf32> to vector<16xf32>
      %swap3A_200 = vector.shape_cast %broadcast_in_dim3A_67 : vector<16xf32> to vector<1x1x16xf32>
      tpu.vector_store %arg9[%swap3A_195, %swap3A_196, %swap3A_197], %swap3A_200 {strides = array<i32>} : memref<2x128x128xf32, #tpu.memory_space<vmem>>, vector<1x1x16xf32>,
      %swap3A_201 = arith.constant 0 : i32
      %swap3A_202 = arith.index_cast %swap3A_201 : i32 to index
      %swap3A_203 = arith.index_cast %scan3A_193 : i32 to index
      %swap3A_204 = arith.constant 16 : index
      %swap3A_205 = tpu.vector_load %arg9[%swap3A_202, %swap3A_203, %swap3A_204] {strides = array<i32>} : memref<2x128x128xf32, #tpu.memory_space<vmem>>, vector<1x1x16xf32>,
      %swap3A_206 = vector.shape_cast %swap3A_205 : vector<1x1x16xf32> to vector<16xf32>
      %swap3A_207 = vector.shape_cast %broadcast_in_dim3A_67 : vector<16xf32> to vector<1x1x16xf32>
      tpu.vector_store %arg9[%swap3A_202, %swap3A_203, %swap3A_204], %swap3A_207 {strides = array<i32>} : memref<2x128x128xf32, #tpu.memory_space<vmem>>, vector<1x1x16xf32>,
      %swap3A_208 = arith.constant 0 : i32
      %swap3A_209 = arith.index_cast %swap3A_208 : i32 to index
      %swap3A_210 = arith.index_cast %scan3A_193 : i32 to index
      %swap3A_211 = arith.constant 32 : index
      %swap3A_212 = tpu.vector_load %arg9[%swap3A_209, %swap3A_210, %swap3A_211] {strides = array<i32>} : memref<2x128x128xf32, #tpu.memory_space<vmem>>, vector<1x1x16xf32>,
      %swap3A_213 = vector.shape_cast %swap3A_212 : vector<1x1x16xf32> to vector<16xf32>
      %swap3A_214 = vector.shape_cast %broadcast_in_dim3A_67 : vector<16xf32> to vector<1x1x16xf32>
      tpu.vector_store %arg9[%swap3A_209, %swap3A_210, %swap3A_211], %swap3A_214 {strides = array<i32>} : memref<2x128x128xf32, #tpu.memory_space<vmem>>, vector<1x1x16xf32>,
      %swap3A_215 = arith.constant 0 : i32
      %swap3A_216 = arith.index_cast %swap3A_215 : i32 to index
      %swap3A_217 = arith.index_cast %scan3A_193 : i32 to index
      %swap3A_218 = arith.constant 48 : index
      %swap3A_219 = tpu.vector_load %arg9[%swap3A_216, %swap3A_217, %swap3A_218] {strides = array<i32>} : memref<2x128x128xf32, #tpu.memory_space<vmem>>, vector<1x1x16xf32>,
      %swap3A_220 = vector.shape_cast %swap3A_219 : vector<1x1x16xf32> to vector<16xf32>
      %swap3A_221 = vector.shape_cast %broadcast_in_dim3A_67 : vector<16xf32> to vector<1x1x16xf32>
      tpu.vector_store %arg9[%swap3A_216, %swap3A_217, %swap3A_218], %swap3A_221 {strides = array<i32>} : memref<2x128x128xf32, #tpu.memory_space<vmem>>, vector<1x1x16xf32>,
      %swap3A_222 = arith.constant 0 : i32
      %swap3A_223 = arith.index_cast %swap3A_222 : i32 to index
      %swap3A_224 = arith.index_cast %scan3A_193 : i32 to index
      %swap3A_225 = arith.constant 64 : index
      %swap3A_226 = tpu.vector_load %arg9[%swap3A_223, %swap3A_224, %swap3A_225] {strides = array<i32>} : memref<2x128x128xf32, #tpu.memory_space<vmem>>, vector<1x1x16xf32>,
      %swap3A_227 = vector.shape_cast %swap3A_226 : vector<1x1x16xf32> to vector<16xf32>
      %swap3A_228 = vector.shape_cast %broadcast_in_dim3A_67 : vector<16xf32> to vector<1x1x16xf32>
      tpu.vector_store %arg9[%swap3A_223, %swap3A_224, %swap3A_225], %swap3A_228 {strides = array<i32>} : memref<2x128x128xf32, #tpu.memory_space<vmem>>, vector<1x1x16xf32>,
      %swap3A_229 = arith.constant 0 : i32
      %swap3A_230 = arith.index_cast %swap3A_229 : i32 to index
      %swap3A_231 = arith.index_cast %scan3A_193 : i32 to index
      %swap3A_232 = arith.constant 80 : index
      %swap3A_233 = tpu.vector_load %arg9[%swap3A_230, %swap3A_231, %swap3A_232] {strides = array<i32>} : memref<2x128x128xf32, #tpu.memory_space<vmem>>, vector<1x1x16xf32>,
      %swap3A_234 = vector.shape_cast %swap3A_233 : vector<1x1x16xf32> to vector<16xf32>
      %swap3A_235 = vector.shape_cast %broadcast_in_dim3A_67 : vector<16xf32> to vector<1x1x16xf32>
      tpu.vector_store %arg9[%swap3A_230, %swap3A_231, %swap3A_232], %swap3A_235 {strides = array<i32>} : memref<2x128x128xf32, #tpu.memory_space<vmem>>, vector<1x1x16xf32>,
      %swap3A_236 = arith.constant 0 : i32
      %swap3A_237 = arith.index_cast %swap3A_236 : i32 to index
      %swap3A_238 = arith.index_cast %scan3A_193 : i32 to index
      %swap3A_239 = arith.constant 96 : index
      %swap3A_240 = tpu.vector_load %arg9[%swap3A_237, %swap3A_238, %swap3A_239] {strides = array<i32>} : memref<2x128x128xf32, #tpu.memory_space<vmem>>, vector<1x1x16xf32>,
      %swap3A_241 = vector.shape_cast %swap3A_240 : vector<1x1x16xf32> to vector<16xf32>
      %swap3A_242 = vector.shape_cast %broadcast_in_dim3A_67 : vector<16xf32> to vector<1x1x16xf32>
      tpu.vector_store %arg9[%swap3A_237, %swap3A_238, %swap3A_239], %swap3A_242 {strides = array<i32>} : memref<2x128x128xf32, #tpu.memory_space<vmem>>, vector<1x1x16xf32>,
      %swap3A_243 = arith.constant 0 : i32
      %swap3A_244 = arith.index_cast %swap3A_243 : i32 to index
      %swap3A_245 = arith.index_cast %scan3A_193 : i32 to index
      %swap3A_246 = arith.constant 112 : index
      %swap3A_247 = tpu.vector_load %arg9[%swap3A_244, %swap3A_245, %swap3A_246] {strides = array<i32>} : memref<2x128x128xf32, #tpu.memory_space<vmem>>, vector<1x1x16xf32>,
      %swap3A_248 = vector.shape_cast %swap3A_247 : vector<1x1x16xf32> to vector<16xf32>
      %swap3A_249 = vector.shape_cast %broadcast_in_dim3A_67 : vector<16xf32> to vector<1x1x16xf32>
      tpu.vector_store %arg9[%swap3A_244, %swap3A_245, %swap3A_246], %swap3A_249 {strides = array<i32>} : memref<2x128x128xf32, #tpu.memory_space<vmem>>, vector<1x1x16xf32>,
      %scan3A_250 = arith.constant 0 : i32
      scf.yield %scan3A_250 : i32
    }
    %scan3A_73 = arith.constant 128 : i32
    %broadcast_in_dim3A_74 = arith.constant 1.000000e+00 : f32
    %broadcast_in_dim3A_75 = vector.broadcast %broadcast_in_dim3A_74 : f32 to vector<16xf32>
    %scan3A_76 = arith.constant 0 : i32
    %scan3A_77 = arith.constant 0 : i32
    %scan3A_78 = arith.constant 8 : i32
    %scan3A_79 = arith.addi %scan3A_77, %scan3A_78 : i32
    %scan3A_80 = arith.constant 1 : i32
    %scan3A_81 = scf.for %scan3A_193 = %scan3A_77 to %scan3A_79 step %scan3A_80 iter_args(%scan3A_194 = %scan3A_76) -> (i32)  : i32 {
      %mul3A_195 = arith.constant 16 : i32
      %mul3A_196 = arith.muli %scan3A_193, %mul3A_195 : i32
      %swap3A = arith.index_cast %mul3A_196 : i32 to index
      %swap3A_197 = tpu.vector_load %arg10[%swap3A] {strides = array<i32>} : memref<128xf32, #tpu.memory_space<vmem>>, vector<16xf32>,
      %swap3A_198 = vector.shape_cast %swap3A_197 : vector<16xf32> to vector<16xf32>
      %swap3A_199 = vector.shape_cast %broadcast_in_dim3A_75 : vector<16xf32> to vector<16xf32>
      tpu.vector_store %arg10[%swap3A], %swap3A_199 {strides = array<i32>} : memref<128xf32, #tpu.memory_space<vmem>>, vector<16xf32>,
      %scan3A_200 = arith.constant 0 : i32
      scf.yield %scan3A_200 : i32
    }
    %scan3A_82 = arith.constant 8 : i32
    %broadcast_in_dim3A_83 = arith.constant 0.000000e+00 : f32
    %broadcast_in_dim3A_84 = vector.broadcast %broadcast_in_dim3A_83 : f32 to vector<16xf32>
    %scan3A_85 = arith.constant 0 : i32
    %scan3A_86 = arith.constant 0 : i32
    %scan3A_87 = arith.constant 40 : i32
    %scan3A_88 = arith.addi %scan3A_86, %scan3A_87 : i32
    %scan3A_89 = arith.constant 1 : i32
    %scan3A_90 = scf.for %scan3A_193 = %scan3A_86 to %scan3A_88 step %scan3A_89 iter_args(%scan3A_194 = %scan3A_85) -> (i32)  : i32 {
      %mul3A_195 = arith.constant 16 : i32
      %mul3A_196 = arith.muli %scan3A_193, %mul3A_195 : i32
      %swap3A = arith.index_cast %mul3A_196 : i32 to index
      %swap3A_197 = tpu.vector_load %arg11[%swap3A] {strides = array<i32>} : memref<640xf32, #tpu.memory_space<vmem>>, vector<16xf32>,
      %swap3A_198 = vector.shape_cast %swap3A_197 : vector<16xf32> to vector<16xf32>
      %swap3A_199 = vector.shape_cast %broadcast_in_dim3A_84 : vector<16xf32> to vector<16xf32>
      tpu.vector_store %arg11[%swap3A], %swap3A_199 {strides = array<i32>} : memref<640xf32, #tpu.memory_space<vmem>>, vector<16xf32>,
      %scan3A_200 = arith.constant 0 : i32
      scf.yield %scan3A_200 : i32
    }
    %scan3A_91 = arith.constant 40 : i32
    %mul3A_92 = arith.constant 640 : i32
    %mul3A_93 = arith.muli %arg1, %mul3A_92 : i32
    %add3A_94 = arith.constant 0 : i32
    %add3A_95 = arith.addi %mul3A_93, %add3A_94 : i32
    %run_scoped3A = arith.constant 0 : i32
    "tpu.region"() ({
      %run_scoped3A_193 = tpu.sem_alloc : memref<!tpu.dma_semaphore, #tpu.memory_space<semaphore_mem>>
      %dma_start3A_194 = arith.constant 0 : i32
      %dma_start3A_195 = arith.constant 0 : i32
      %dma_start3A_196 = tpu.memref_slice %arg9[%run_scoped3A, %dma_start3A_194, %dma_start3A_195] : memref<2x128x128xf32, #tpu.memory_space<vmem>> -> memref<1x128x128xf32, #tpu.memory_space<vmem>>
      %dma_start3A_197 = tpu.memref_squeeze %dma_start3A_196 : memref<1x128x128xf32, #tpu.memory_space<vmem>> -> memref<128x128xf32, #tpu.memory_space<vmem>>
      %dma_start3A_198 = arith.constant 0 : i32
      %dma_start3A_199 = tpu.memref_slice %arg12[%add3A_95, %dma_start3A_198] : memref<10240x128xf32, #tpu.memory_space<vmem_shared>> -> memref<128x128xf32, #tpu.memory_space<vmem_shared>>
      %dma_start3A_200 = arith.constant 0 : i32
      %dma_start3A_201 = tpu.memref_slice %arg12[%add3A_95, %dma_start3A_200] : memref<10240x128xf32, #tpu.memory_space<vmem_shared>> -> memref<128x128xf32, #tpu.memory_space<vmem_shared>>
      %dma_start3A_202 = arith.constant 0 : i32
      %dma_start3A_203 = arith.constant 0 : i32
      %dma_start3A_204 = tpu.memref_slice %arg9[%run_scoped3A, %dma_start3A_202, %dma_start3A_203] : memref<2x128x128xf32, #tpu.memory_space<vmem>> -> memref<1x128x128xf32, #tpu.memory_space<vmem>>
      %dma_start3A_205 = tpu.memref_squeeze %dma_start3A_204 : memref<1x128x128xf32, #tpu.memory_space<vmem>> -> memref<128x128xf32, #tpu.memory_space<vmem>>
      tpu.enqueue_dma source(%dma_start3A_205 : memref<128x128xf32, #tpu.memory_space<vmem>>) target(%dma_start3A_201 : memref<128x128xf32, #tpu.memory_space<vmem_shared>>) target_semaphore(%run_scoped3A_193 : memref<!tpu.dma_semaphore, #tpu.memory_space<semaphore_mem>>)
      %dma_wait3A_206 = arith.constant 0 : i32
      %dma_wait3A_207 = arith.constant 0 : i32
      %dma_wait3A_208 = tpu.memref_slice %arg9[%run_scoped3A, %dma_wait3A_206, %dma_wait3A_207] : memref<2x128x128xf32, #tpu.memory_space<vmem>> -> memref<1x128x128xf32, #tpu.memory_space<vmem>>
      %dma_wait3A_209 = tpu.memref_squeeze %dma_wait3A_208 : memref<1x128x128xf32, #tpu.memory_space<vmem>> -> memref<128x128xf32, #tpu.memory_space<vmem>>
      %dma_wait3A_210 = arith.constant 0 : i32
      %dma_wait3A_211 = tpu.memref_slice %arg12[%add3A_95, %dma_wait3A_210] : memref<10240x128xf32, #tpu.memory_space<vmem_shared>> -> memref<128x128xf32, #tpu.memory_space<vmem_shared>>
      %dma_wait3A_212 = arith.constant 0 : i32
      %dma_wait3A_213 = tpu.memref_slice %arg12[%add3A_95, %dma_wait3A_212] : memref<10240x128xf32, #tpu.memory_space<vmem_shared>> -> memref<128x128xf32, #tpu.memory_space<vmem_shared>>
      %dma_wait3A_214 = arith.constant 0 : i32
      %dma_wait3A_215 = arith.constant 0 : i32
      %dma_wait3A_216 = tpu.memref_slice %arg9[%run_scoped3A, %dma_wait3A_214, %dma_wait3A_215] : memref<2x128x128xf32, #tpu.memory_space<vmem>> -> memref<1x128x128xf32, #tpu.memory_space<vmem>>
      %dma_wait3A_217 = tpu.memref_squeeze %dma_wait3A_216 : memref<1x128x128xf32, #tpu.memory_space<vmem>> -> memref<128x128xf32, #tpu.memory_space<vmem>>
      tpu.wait_dma2 semaphore(%run_scoped3A_193 : memref<!tpu.dma_semaphore, #tpu.memory_space<semaphore_mem>>) src(%dma_wait3A_217 : memref<128x128xf32, #tpu.memory_space<vmem>>) dst(%dma_wait3A_213 : memref<128x128xf32, #tpu.memory_space<vmem_shared>>)
      tpu.yield
    }) : () -> ()
    %mul3A_96 = arith.constant 640 : i32
    %mul3A_97 = arith.muli %arg1, %mul3A_96 : i32
    %add3A_98 = arith.constant 128 : i32
    %add3A_99 = arith.addi %mul3A_97, %add3A_98 : i32
    %run_scoped3A_100 = arith.constant 0 : i32
    "tpu.region"() ({
      %run_scoped3A_193 = tpu.sem_alloc : memref<!tpu.dma_semaphore, #tpu.memory_space<semaphore_mem>>
      %dma_start3A_194 = arith.constant 0 : i32
      %dma_start3A_195 = arith.constant 0 : i32
      %dma_start3A_196 = tpu.memref_slice %arg9[%run_scoped3A_100, %dma_start3A_194, %dma_start3A_195] : memref<2x128x128xf32, #tpu.memory_space<vmem>> -> memref<1x128x128xf32, #tpu.memory_space<vmem>>
      %dma_start3A_197 = tpu.memref_squeeze %dma_start3A_196 : memref<1x128x128xf32, #tpu.memory_space<vmem>> -> memref<128x128xf32, #tpu.memory_space<vmem>>
      %dma_start3A_198 = arith.constant 0 : i32
      %dma_start3A_199 = tpu.memref_slice %arg12[%add3A_99, %dma_start3A_198] : memref<10240x128xf32, #tpu.memory_space<vmem_shared>> -> memref<128x128xf32, #tpu.memory_space<vmem_shared>>
      %dma_start3A_200 = arith.constant 0 : i32
      %dma_start3A_201 = tpu.memref_slice %arg12[%add3A_99, %dma_start3A_200] : memref<10240x128xf32, #tpu.memory_space<vmem_shared>> -> memref<128x128xf32, #tpu.memory_space<vmem_shared>>
      %dma_start3A_202 = arith.constant 0 : i32
      %dma_start3A_203 = arith.constant 0 : i32
      %dma_start3A_204 = tpu.memref_slice %arg9[%run_scoped3A_100, %dma_start3A_202, %dma_start3A_203] : memref<2x128x128xf32, #tpu.memory_space<vmem>> -> memref<1x128x128xf32, #tpu.memory_space<vmem>>
      %dma_start3A_205 = tpu.memref_squeeze %dma_start3A_204 : memref<1x128x128xf32, #tpu.memory_space<vmem>> -> memref<128x128xf32, #tpu.memory_space<vmem>>
      tpu.enqueue_dma source(%dma_start3A_205 : memref<128x128xf32, #tpu.memory_space<vmem>>) target(%dma_start3A_201 : memref<128x128xf32, #tpu.memory_space<vmem_shared>>) target_semaphore(%run_scoped3A_193 : memref<!tpu.dma_semaphore, #tpu.memory_space<semaphore_mem>>)
      %dma_wait3A_206 = arith.constant 0 : i32
      %dma_wait3A_207 = arith.constant 0 : i32
      %dma_wait3A_208 = tpu.memref_slice %arg9[%run_scoped3A_100, %dma_wait3A_206, %dma_wait3A_207] : memref<2x128x128xf32, #tpu.memory_space<vmem>> -> memref<1x128x128xf32, #tpu.memory_space<vmem>>
      %dma_wait3A_209 = tpu.memref_squeeze %dma_wait3A_208 : memref<1x128x128xf32, #tpu.memory_space<vmem>> -> memref<128x128xf32, #tpu.memory_space<vmem>>
      %dma_wait3A_210 = arith.constant 0 : i32
      %dma_wait3A_211 = tpu.memref_slice %arg12[%add3A_99, %dma_wait3A_210] : memref<10240x128xf32, #tpu.memory_space<vmem_shared>> -> memref<128x128xf32, #tpu.memory_space<vmem_shared>>
      %dma_wait3A_212 = arith.constant 0 : i32
      %dma_wait3A_213 = tpu.memref_slice %arg12[%add3A_99, %dma_wait3A_212] : memref<10240x128xf32, #tpu.memory_space<vmem_shared>> -> memref<128x128xf32, #tpu.memory_space<vmem_shared>>
      %dma_wait3A_214 = arith.constant 0 : i32
      %dma_wait3A_215 = arith.constant 0 : i32
      %dma_wait3A_216 = tpu.memref_slice %arg9[%run_scoped3A_100, %dma_wait3A_214, %dma_wait3A_215] : memref<2x128x128xf32, #tpu.memory_space<vmem>> -> memref<1x128x128xf32, #tpu.memory_space<vmem>>
      %dma_wait3A_217 = tpu.memref_squeeze %dma_wait3A_216 : memref<1x128x128xf32, #tpu.memory_space<vmem>> -> memref<128x128xf32, #tpu.memory_space<vmem>>
      tpu.wait_dma2 semaphore(%run_scoped3A_193 : memref<!tpu.dma_semaphore, #tpu.memory_space<semaphore_mem>>) src(%dma_wait3A_217 : memref<128x128xf32, #tpu.memory_space<vmem>>) dst(%dma_wait3A_213 : memref<128x128xf32, #tpu.memory_space<vmem_shared>>)
      tpu.yield
    }) : () -> ()
    %mul3A_101 = arith.constant 640 : i32
    %mul3A_102 = arith.muli %arg1, %mul3A_101 : i32
    %add3A_103 = arith.constant 256 : i32
    %add3A_104 = arith.addi %mul3A_102, %add3A_103 : i32
    %run_scoped3A_105 = arith.constant 0 : i32
    "tpu.region"() ({
      %run_scoped3A_193 = tpu.sem_alloc : memref<!tpu.dma_semaphore, #tpu.memory_space<semaphore_mem>>
      %dma_start3A_194 = arith.constant 0 : i32
      %dma_start3A_195 = arith.constant 0 : i32
      %dma_start3A_196 = tpu.memref_slice %arg9[%run_scoped3A_105, %dma_start3A_194, %dma_start3A_195] : memref<2x128x128xf32, #tpu.memory_space<vmem>> -> memref<1x128x128xf32, #tpu.memory_space<vmem>>
      %dma_start3A_197 = tpu.memref_squeeze %dma_start3A_196 : memref<1x128x128xf32, #tpu.memory_space<vmem>> -> memref<128x128xf32, #tpu.memory_space<vmem>>
      %dma_start3A_198 = arith.constant 0 : i32
      %dma_start3A_199 = tpu.memref_slice %arg12[%add3A_104, %dma_start3A_198] : memref<10240x128xf32, #tpu.memory_space<vmem_shared>> -> memref<128x128xf32, #tpu.memory_space<vmem_shared>>
      %dma_start3A_200 = arith.constant 0 : i32
      %dma_start3A_201 = tpu.memref_slice %arg12[%add3A_104, %dma_start3A_200] : memref<10240x128xf32, #tpu.memory_space<vmem_shared>> -> memref<128x128xf32, #tpu.memory_space<vmem_shared>>
      %dma_start3A_202 = arith.constant 0 : i32
      %dma_start3A_203 = arith.constant 0 : i32
      %dma_start3A_204 = tpu.memref_slice %arg9[%run_scoped3A_105, %dma_start3A_202, %dma_start3A_203] : memref<2x128x128xf32, #tpu.memory_space<vmem>> -> memref<1x128x128xf32, #tpu.memory_space<vmem>>
      %dma_start3A_205 = tpu.memref_squeeze %dma_start3A_204 : memref<1x128x128xf32, #tpu.memory_space<vmem>> -> memref<128x128xf32, #tpu.memory_space<vmem>>
      tpu.enqueue_dma source(%dma_start3A_205 : memref<128x128xf32, #tpu.memory_space<vmem>>) target(%dma_start3A_201 : memref<128x128xf32, #tpu.memory_space<vmem_shared>>) target_semaphore(%run_scoped3A_193 : memref<!tpu.dma_semaphore, #tpu.memory_space<semaphore_mem>>)
      %dma_wait3A_206 = arith.constant 0 : i32
      %dma_wait3A_207 = arith.constant 0 : i32
      %dma_wait3A_208 = tpu.memref_slice %arg9[%run_scoped3A_105, %dma_wait3A_206, %dma_wait3A_207] : memref<2x128x128xf32, #tpu.memory_space<vmem>> -> memref<1x128x128xf32, #tpu.memory_space<vmem>>
      %dma_wait3A_209 = tpu.memref_squeeze %dma_wait3A_208 : memref<1x128x128xf32, #tpu.memory_space<vmem>> -> memref<128x128xf32, #tpu.memory_space<vmem>>
      %dma_wait3A_210 = arith.constant 0 : i32
      %dma_wait3A_211 = tpu.memref_slice %arg12[%add3A_104, %dma_wait3A_210] : memref<10240x128xf32, #tpu.memory_space<vmem_shared>> -> memref<128x128xf32, #tpu.memory_space<vmem_shared>>
      %dma_wait3A_212 = arith.constant 0 : i32
      %dma_wait3A_213 = tpu.memref_slice %arg12[%add3A_104, %dma_wait3A_212] : memref<10240x128xf32, #tpu.memory_space<vmem_shared>> -> memref<128x128xf32, #tpu.memory_space<vmem_shared>>
      %dma_wait3A_214 = arith.constant 0 : i32
      %dma_wait3A_215 = arith.constant 0 : i32
      %dma_wait3A_216 = tpu.memref_slice %arg9[%run_scoped3A_105, %dma_wait3A_214, %dma_wait3A_215] : memref<2x128x128xf32, #tpu.memory_space<vmem>> -> memref<1x128x128xf32, #tpu.memory_space<vmem>>
      %dma_wait3A_217 = tpu.memref_squeeze %dma_wait3A_216 : memref<1x128x128xf32, #tpu.memory_space<vmem>> -> memref<128x128xf32, #tpu.memory_space<vmem>>
      tpu.wait_dma2 semaphore(%run_scoped3A_193 : memref<!tpu.dma_semaphore, #tpu.memory_space<semaphore_mem>>) src(%dma_wait3A_217 : memref<128x128xf32, #tpu.memory_space<vmem>>) dst(%dma_wait3A_213 : memref<128x128xf32, #tpu.memory_space<vmem_shared>>)
      tpu.yield
    }) : () -> ()
    %mul3A_106 = arith.constant 640 : i32
    %mul3A_107 = arith.muli %arg1, %mul3A_106 : i32
    %add3A_108 = arith.constant 384 : i32
    %add3A_109 = arith.addi %mul3A_107, %add3A_108 : i32
    %run_scoped3A_110 = arith.constant 0 : i32
    "tpu.region"() ({
      %run_scoped3A_193 = tpu.sem_alloc : memref<!tpu.dma_semaphore, #tpu.memory_space<semaphore_mem>>
      %dma_start3A_194 = arith.constant 0 : i32
      %dma_start3A_195 = arith.constant 0 : i32
      %dma_start3A_196 = tpu.memref_slice %arg9[%run_scoped3A_110, %dma_start3A_194, %dma_start3A_195] : memref<2x128x128xf32, #tpu.memory_space<vmem>> -> memref<1x128x128xf32, #tpu.memory_space<vmem>>
      %dma_start3A_197 = tpu.memref_squeeze %dma_start3A_196 : memref<1x128x128xf32, #tpu.memory_space<vmem>> -> memref<128x128xf32, #tpu.memory_space<vmem>>
      %dma_start3A_198 = arith.constant 0 : i32
      %dma_start3A_199 = tpu.memref_slice %arg12[%add3A_109, %dma_start3A_198] : memref<10240x128xf32, #tpu.memory_space<vmem_shared>> -> memref<128x128xf32, #tpu.memory_space<vmem_shared>>
      %dma_start3A_200 = arith.constant 0 : i32
      %dma_start3A_201 = tpu.memref_slice %arg12[%add3A_109, %dma_start3A_200] : memref<10240x128xf32, #tpu.memory_space<vmem_shared>> -> memref<128x128xf32, #tpu.memory_space<vmem_shared>>
      %dma_start3A_202 = arith.constant 0 : i32
      %dma_start3A_203 = arith.constant 0 : i32
      %dma_start3A_204 = tpu.memref_slice %arg9[%run_scoped3A_110, %dma_start3A_202, %dma_start3A_203] : memref<2x128x128xf32, #tpu.memory_space<vmem>> -> memref<1x128x128xf32, #tpu.memory_space<vmem>>
      %dma_start3A_205 = tpu.memref_squeeze %dma_start3A_204 : memref<1x128x128xf32, #tpu.memory_space<vmem>> -> memref<128x128xf32, #tpu.memory_space<vmem>>
      tpu.enqueue_dma source(%dma_start3A_205 : memref<128x128xf32, #tpu.memory_space<vmem>>) target(%dma_start3A_201 : memref<128x128xf32, #tpu.memory_space<vmem_shared>>) target_semaphore(%run_scoped3A_193 : memref<!tpu.dma_semaphore, #tpu.memory_space<semaphore_mem>>)
      %dma_wait3A_206 = arith.constant 0 : i32
      %dma_wait3A_207 = arith.constant 0 : i32
      %dma_wait3A_208 = tpu.memref_slice %arg9[%run_scoped3A_110, %dma_wait3A_206, %dma_wait3A_207] : memref<2x128x128xf32, #tpu.memory_space<vmem>> -> memref<1x128x128xf32, #tpu.memory_space<vmem>>
      %dma_wait3A_209 = tpu.memref_squeeze %dma_wait3A_208 : memref<1x128x128xf32, #tpu.memory_space<vmem>> -> memref<128x128xf32, #tpu.memory_space<vmem>>
      %dma_wait3A_210 = arith.constant 0 : i32
      %dma_wait3A_211 = tpu.memref_slice %arg12[%add3A_109, %dma_wait3A_210] : memref<10240x128xf32, #tpu.memory_space<vmem_shared>> -> memref<128x128xf32, #tpu.memory_space<vmem_shared>>
      %dma_wait3A_212 = arith.constant 0 : i32
      %dma_wait3A_213 = tpu.memref_slice %arg12[%add3A_109, %dma_wait3A_212] : memref<10240x128xf32, #tpu.memory_space<vmem_shared>> -> memref<128x128xf32, #tpu.memory_space<vmem_shared>>
      %dma_wait3A_214 = arith.constant 0 : i32
      %dma_wait3A_215 = arith.constant 0 : i32
      %dma_wait3A_216 = tpu.memref_slice %arg9[%run_scoped3A_110, %dma_wait3A_214, %dma_wait3A_215] : memref<2x128x128xf32, #tpu.memory_space<vmem>> -> memref<1x128x128xf32, #tpu.memory_space<vmem>>
      %dma_wait3A_217 = tpu.memref_squeeze %dma_wait3A_216 : memref<1x128x128xf32, #tpu.memory_space<vmem>> -> memref<128x128xf32, #tpu.memory_space<vmem>>
      tpu.wait_dma2 semaphore(%run_scoped3A_193 : memref<!tpu.dma_semaphore, #tpu.memory_space<semaphore_mem>>) src(%dma_wait3A_217 : memref<128x128xf32, #tpu.memory_space<vmem>>) dst(%dma_wait3A_213 : memref<128x128xf32, #tpu.memory_space<vmem_shared>>)
      tpu.yield
    }) : () -> ()
    %mul3A_111 = arith.constant 640 : i32
    %mul3A_112 = arith.muli %arg1, %mul3A_111 : i32
    %add3A_113 = arith.constant 512 : i32
    %add3A_114 = arith.addi %mul3A_112, %add3A_113 : i32
    %run_scoped3A_115 = arith.constant 0 : i32
    "tpu.region"() ({
      %run_scoped3A_193 = tpu.sem_alloc : memref<!tpu.dma_semaphore, #tpu.memory_space<semaphore_mem>>
      %dma_start3A_194 = arith.constant 0 : i32
      %dma_start3A_195 = arith.constant 0 : i32
      %dma_start3A_196 = tpu.memref_slice %arg9[%run_scoped3A_115, %dma_start3A_194, %dma_start3A_195] : memref<2x128x128xf32, #tpu.memory_space<vmem>> -> memref<1x128x128xf32, #tpu.memory_space<vmem>>
      %dma_start3A_197 = tpu.memref_squeeze %dma_start3A_196 : memref<1x128x128xf32, #tpu.memory_space<vmem>> -> memref<128x128xf32, #tpu.memory_space<vmem>>
      %dma_start3A_198 = arith.constant 0 : i32
      %dma_start3A_199 = tpu.memref_slice %arg12[%add3A_114, %dma_start3A_198] : memref<10240x128xf32, #tpu.memory_space<vmem_shared>> -> memref<128x128xf32, #tpu.memory_space<vmem_shared>>
      %dma_start3A_200 = arith.constant 0 : i32
      %dma_start3A_201 = tpu.memref_slice %arg12[%add3A_114, %dma_start3A_200] : memref<10240x128xf32, #tpu.memory_space<vmem_shared>> -> memref<128x128xf32, #tpu.memory_space<vmem_shared>>
      %dma_start3A_202 = arith.constant 0 : i32
      %dma_start3A_203 = arith.constant 0 : i32
      %dma_start3A_204 = tpu.memref_slice %arg9[%run_scoped3A_115, %dma_start3A_202, %dma_start3A_203] : memref<2x128x128xf32, #tpu.memory_space<vmem>> -> memref<1x128x128xf32, #tpu.memory_space<vmem>>
      %dma_start3A_205 = tpu.memref_squeeze %dma_start3A_204 : memref<1x128x128xf32, #tpu.memory_space<vmem>> -> memref<128x128xf32, #tpu.memory_space<vmem>>
      tpu.enqueue_dma source(%dma_start3A_205 : memref<128x128xf32, #tpu.memory_space<vmem>>) target(%dma_start3A_201 : memref<128x128xf32, #tpu.memory_space<vmem_shared>>) target_semaphore(%run_scoped3A_193 : memref<!tpu.dma_semaphore, #tpu.memory_space<semaphore_mem>>)
      %dma_wait3A_206 = arith.constant 0 : i32
      %dma_wait3A_207 = arith.constant 0 : i32
      %dma_wait3A_208 = tpu.memref_slice %arg9[%run_scoped3A_115, %dma_wait3A_206, %dma_wait3A_207] : memref<2x128x128xf32, #tpu.memory_space<vmem>> -> memref<1x128x128xf32, #tpu.memory_space<vmem>>
      %dma_wait3A_209 = tpu.memref_squeeze %dma_wait3A_208 : memref<1x128x128xf32, #tpu.memory_space<vmem>> -> memref<128x128xf32, #tpu.memory_space<vmem>>
      %dma_wait3A_210 = arith.constant 0 : i32
      %dma_wait3A_211 = tpu.memref_slice %arg12[%add3A_114, %dma_wait3A_210] : memref<10240x128xf32, #tpu.memory_space<vmem_shared>> -> memref<128x128xf32, #tpu.memory_space<vmem_shared>>
      %dma_wait3A_212 = arith.constant 0 : i32
      %dma_wait3A_213 = tpu.memref_slice %arg12[%add3A_114, %dma_wait3A_212] : memref<10240x128xf32, #tpu.memory_space<vmem_shared>> -> memref<128x128xf32, #tpu.memory_space<vmem_shared>>
      %dma_wait3A_214 = arith.constant 0 : i32
      %dma_wait3A_215 = arith.constant 0 : i32
      %dma_wait3A_216 = tpu.memref_slice %arg9[%run_scoped3A_115, %dma_wait3A_214, %dma_wait3A_215] : memref<2x128x128xf32, #tpu.memory_space<vmem>> -> memref<1x128x128xf32, #tpu.memory_space<vmem>>
      %dma_wait3A_217 = tpu.memref_squeeze %dma_wait3A_216 : memref<1x128x128xf32, #tpu.memory_space<vmem>> -> memref<128x128xf32, #tpu.memory_space<vmem>>
      tpu.wait_dma2 semaphore(%run_scoped3A_193 : memref<!tpu.dma_semaphore, #tpu.memory_space<semaphore_mem>>) src(%dma_wait3A_217 : memref<128x128xf32, #tpu.memory_space<vmem>>) dst(%dma_wait3A_213 : memref<128x128xf32, #tpu.memory_space<vmem_shared>>)
      tpu.yield
    }) : () -> ()
    %mul3A_116 = arith.constant 640 : i32
    %mul3A_117 = arith.muli %arg1, %mul3A_116 : i32
    "tpu.region"() ({
      %run_scoped3A_193 = tpu.sem_alloc : memref<!tpu.dma_semaphore, #tpu.memory_space<semaphore_mem>>
      %dma_start3A_194 = tpu.memref_slice %arg13[%mul3A_117] : memref<10240xf32, #tpu.memory_space<vmem_shared>> -> memref<640xf32, #tpu.memory_space<vmem_shared>>
      %dma_start3A_195 = tpu.memref_slice %arg13[%mul3A_117] : memref<10240xf32, #tpu.memory_space<vmem_shared>> -> memref<640xf32, #tpu.memory_space<vmem_shared>>
      tpu.enqueue_dma source(%arg11 : memref<640xf32, #tpu.memory_space<vmem>>) target(%dma_start3A_195 : memref<640xf32, #tpu.memory_space<vmem_shared>>) target_semaphore(%run_scoped3A_193 : memref<!tpu.dma_semaphore, #tpu.memory_space<semaphore_mem>>)
      %dma_wait3A_196 = tpu.memref_slice %arg13[%mul3A_117] : memref<10240xf32, #tpu.memory_space<vmem_shared>> -> memref<640xf32, #tpu.memory_space<vmem_shared>>
      %dma_wait3A_197 = tpu.memref_slice %arg13[%mul3A_117] : memref<10240xf32, #tpu.memory_space<vmem_shared>> -> memref<640xf32, #tpu.memory_space<vmem_shared>>
      tpu.wait_dma2 semaphore(%run_scoped3A_193 : memref<!tpu.dma_semaphore, #tpu.memory_space<semaphore_mem>>) src(%arg11 : memref<640xf32, #tpu.memory_space<vmem>>) dst(%dma_wait3A_197 : memref<640xf32, #tpu.memory_space<vmem_shared>>)
      tpu.yield
    }) : () -> ()
    %barrier3A = arith.constant 0 : index
    tpu.barrier barrier_id(%barrier3A)
    %add3A_118 = arith.constant 0 : i32
    %add3A_119 = arith.addi %mul3A_0, %add3A_118 : i32
    %dma_wait3A = arith.constant 0 : i32
    %dma_wait3A_120 = arith.constant 0 : i32
    %dma_wait3A_121 = arith.constant 0 : i32
    %dma_wait3A_122 = tpu.memref_slice %arg7[%dma_wait3A, %dma_wait3A_120, %dma_wait3A_121] : memref<2x8x128xi32, #tpu.memory_space<vmem>> -> memref<1x8x128xi32, #tpu.memory_space<vmem>>
    %dma_wait3A_123 = tpu.memref_squeeze %dma_wait3A_122 : memref<1x8x128xi32, #tpu.memory_space<vmem>> -> memref<8x128xi32, #tpu.memory_space<vmem>>
    %dma_wait3A_124 = arith.constant 0 : i32
    %dma_wait3A_125 = tpu.memref_slice %arg2[%arg0, %add3A_119, %dma_wait3A_124] : memref<2x2560x128xi32, #tpu.memory_space<hbm>> -> memref<1x8x128xi32, #tpu.memory_space<hbm>>
    %dma_wait3A_126 = tpu.memref_squeeze %dma_wait3A_125 : memref<1x8x128xi32, #tpu.memory_space<hbm>> -> memref<8x128xi32, #tpu.memory_space<hbm>>
    %dma_wait3A_127 = arith.constant 0 : i32
    %dma_wait3A_128 = arith.constant 0 : i32
    %dma_wait3A_129 = tpu.memref_slice %arg7[%dma_wait3A, %dma_wait3A_127, %dma_wait3A_128] : memref<2x8x128xi32, #tpu.memory_space<vmem>> -> memref<1x8x128xi32, #tpu.memory_space<vmem>>
    %dma_wait3A_130 = tpu.memref_squeeze %dma_wait3A_129 : memref<1x8x128xi32, #tpu.memory_space<vmem>> -> memref<8x128xi32, #tpu.memory_space<vmem>>
    %dma_wait3A_131 = arith.constant 0 : i32
    %dma_wait3A_132 = tpu.memref_slice %arg2[%arg0, %add3A_119, %dma_wait3A_131] : memref<2x2560x128xi32, #tpu.memory_space<hbm>> -> memref<1x8x128xi32, #tpu.memory_space<hbm>>
    %dma_wait3A_133 = tpu.memref_squeeze %dma_wait3A_132 : memref<1x8x128xi32, #tpu.memory_space<hbm>> -> memref<8x128xi32, #tpu.memory_space<hbm>>
    tpu.wait_dma2 semaphore(%arg14 : memref<!tpu.dma_semaphore, #tpu.memory_space<semaphore_mem>>) src(%dma_wait3A_133 : memref<8x128xi32, #tpu.memory_space<hbm>>) dst(%dma_wait3A_130 : memref<8x128xi32, #tpu.memory_space<vmem>>)
    %add3A_134 = arith.constant 0 : i32
    %add3A_135 = arith.addi %mul3A_0, %add3A_134 : i32
    %dma_wait3A_136 = arith.constant 0 : i32
    %dma_wait3A_137 = arith.constant 0 : i32
    %dma_wait3A_138 = arith.constant 0 : i32
    %dma_wait3A_139 = tpu.memref_slice %arg8[%dma_wait3A_136, %dma_wait3A_137, %dma_wait3A_138] : memref<2x8x128xi32, #tpu.memory_space<vmem>> -> memref<1x8x128xi32, #tpu.memory_space<vmem>>
    %dma_wait3A_140 = tpu.memref_squeeze %dma_wait3A_139 : memref<1x8x128xi32, #tpu.memory_space<vmem>> -> memref<8x128xi32, #tpu.memory_space<vmem>>
    %dma_wait3A_141 = arith.constant 0 : i32
    %dma_wait3A_142 = tpu.memref_slice %arg3[%arg0, %add3A_135, %dma_wait3A_141] : memref<2x2560x128xi32, #tpu.memory_space<hbm>> -> memref<1x8x128xi32, #tpu.memory_space<hbm>>
    %dma_wait3A_143 = tpu.memref_squeeze %dma_wait3A_142 : memref<1x8x128xi32, #tpu.memory_space<hbm>> -> memref<8x128xi32, #tpu.memory_space<hbm>>
    %dma_wait3A_144 = arith.constant 0 : i32
    %dma_wait3A_145 = arith.constant 0 : i32
    %dma_wait3A_146 = tpu.memref_slice %arg8[%dma_wait3A_136, %dma_wait3A_144, %dma_wait3A_145] : memref<2x8x128xi32, #tpu.memory_space<vmem>> -> memref<1x8x128xi32, #tpu.memory_space<vmem>>
    %dma_wait3A_147 = tpu.memref_squeeze %dma_wait3A_146 : memref<1x8x128xi32, #tpu.memory_space<vmem>> -> memref<8x128xi32, #tpu.memory_space<vmem>>
    %dma_wait3A_148 = arith.constant 0 : i32
    %dma_wait3A_149 = tpu.memref_slice %arg3[%arg0, %add3A_135, %dma_wait3A_148] : memref<2x2560x128xi32, #tpu.memory_space<hbm>> -> memref<1x8x128xi32, #tpu.memory_space<hbm>>
    %dma_wait3A_150 = tpu.memref_squeeze %dma_wait3A_149 : memref<1x8x128xi32, #tpu.memory_space<hbm>> -> memref<8x128xi32, #tpu.memory_space<hbm>>
    tpu.wait_dma2 semaphore(%arg14 : memref<!tpu.dma_semaphore, #tpu.memory_space<semaphore_mem>>) src(%dma_wait3A_150 : memref<8x128xi32, #tpu.memory_space<hbm>>) dst(%dma_wait3A_147 : memref<8x128xi32, #tpu.memory_space<vmem>>)
    %dma_start3A_151 = arith.constant 0 : i32
    %dma_start3A_152 = arith.constant 0 : i32
    %dma_start3A_153 = arith.constant 0 : i32
    %dma_start3A_154 = arith.constant 0 : i32
    %dma_start3A_155 = arith.constant 0 : i32
    %dma_start3A_156 = tpu.memref_slice %arg9[%dma_start3A_153, %dma_start3A_154, %dma_start3A_155] : memref<2x128x128xf32, #tpu.memory_space<vmem>> -> memref<1x128x128xf32, #tpu.memory_space<vmem>>
    %dma_start3A_157 = tpu.memref_squeeze %dma_start3A_156 : memref<1x128x128xf32, #tpu.memory_space<vmem>> -> memref<128x128xf32, #tpu.memory_space<vmem>>
    %dma_start3A_158 = arith.constant 0 : i32
    %dma_start3A_159 = tpu.memref_slice %arg7[%dma_start3A_151, %dma_start3A_152, %dma_start3A_158] : memref<2x8x128xi32, #tpu.memory_space<vmem>> -> memref<1x1x128xi32, #tpu.memory_space<vmem>>
    %dma_start3A_160 = tpu.memref_squeeze %dma_start3A_159 : memref<1x1x128xi32, #tpu.memory_space<vmem>> -> memref<128xi32, #tpu.memory_space<vmem>>
    %dma_start3A_161 = arith.constant 0 : i32
    %dma_start3A_162 = arith.constant 0 : i32
    %dma_start3A_163 = tpu.memref_slice %arg4[%dma_start3A_161, %dma_start3A_162] : memref<20000x128xf32, #tpu.memory_space<hbm>> -> memref<20000x128xf32, #tpu.memory_space<hbm>>
    tpu.enqueue_indirect_dma source(%dma_start3A_163 : memref<20000x128xf32, #tpu.memory_space<hbm>>) target(%dma_start3A_157 : memref<128x128xf32, #tpu.memory_space<vmem>>) offsets(%dma_start3A_160 : memref<128xi32, #tpu.memory_space<vmem>>) semaphore(%arg16 : memref<!tpu.dma_semaphore, #tpu.memory_space<semaphore_mem>>)
    %dma_start3A_164 = arith.constant 0 : i32
    %dma_start3A_165 = arith.constant 1 : i32
    %dma_start3A_166 = arith.constant 1 : i32
    %dma_start3A_167 = arith.constant 0 : i32
    %dma_start3A_168 = arith.constant 0 : i32
    %dma_start3A_169 = tpu.memref_slice %arg9[%dma_start3A_166, %dma_start3A_167, %dma_start3A_168] : memref<2x128x128xf32, #tpu.memory_space<vmem>> -> memref<1x128x128xf32, #tpu.memory_space<vmem>>
    %dma_start3A_170 = tpu.memref_squeeze %dma_start3A_169 : memref<1x128x128xf32, #tpu.memory_space<vmem>> -> memref<128x128xf32, #tpu.memory_space<vmem>>
    %dma_start3A_171 = arith.constant 0 : i32
    %dma_start3A_172 = tpu.memref_slice %arg7[%dma_start3A_164, %dma_start3A_165, %dma_start3A_171] : memref<2x8x128xi32, #tpu.memory_space<vmem>> -> memref<1x1x128xi32, #tpu.memory_space<vmem>>
    %dma_start3A_173 = tpu.memref_squeeze %dma_start3A_172 : memref<1x1x128xi32, #tpu.memory_space<vmem>> -> memref<128xi32, #tpu.memory_space<vmem>>
    %dma_start3A_174 = arith.constant 0 : i32
    %dma_start3A_175 = arith.constant 0 : i32
    %dma_start3A_176 = tpu.memref_slice %arg4[%dma_start3A_174, %dma_start3A_175] : memref<20000x128xf32, #tpu.memory_space<hbm>> -> memref<20000x128xf32, #tpu.memory_space<hbm>>
    tpu.enqueue_indirect_dma source(%dma_start3A_176 : memref<20000x128xf32, #tpu.memory_space<hbm>>) target(%dma_start3A_170 : memref<128x128xf32, #tpu.memory_space<vmem>>) offsets(%dma_start3A_173 : memref<128xi32, #tpu.memory_space<vmem>>) semaphore(%arg17 : memref<!tpu.dma_semaphore, #tpu.memory_space<semaphore_mem>>)
    %scan3A_177 = arith.constant 0 : i32
    %scan3A_178 = arith.constant 0 : i32
    %scan3A_179 = arith.constant 10 : i32
    %scan3A_180 = arith.addi %scan3A_178, %scan3A_179 : i32
    %scan3A_181 = arith.constant 1 : i32
    %scan3A_182 = scf.for %scan3A_193 = %scan3A_178 to %scan3A_180 step %scan3A_181 iter_args(%scan3A_194 = %scan3A_177) -> (i32)  : i32 {
      %dma_wait3A_195 = arith.constant 0 : i32
      %dma_wait3A_196 = arith.constant 0 : i32
      %dma_wait3A_197 = arith.constant 0 : i32
      %dma_wait3A_198 = arith.constant 0 : i32
      %dma_wait3A_199 = arith.constant 0 : i32
      %dma_wait3A_200 = tpu.memref_slice %arg9[%dma_wait3A_197, %dma_wait3A_198, %dma_wait3A_199] : memref<2x128x128xf32, #tpu.memory_space<vmem>> -> memref<1x128x128xf32, #tpu.memory_space<vmem>>
      %dma_wait3A_201 = tpu.memref_squeeze %dma_wait3A_200 : memref<1x128x128xf32, #tpu.memory_space<vmem>> -> memref<128x128xf32, #tpu.memory_space<vmem>>
      %dma_wait3A_202 = arith.constant 0 : i32
      %dma_wait3A_203 = tpu.memref_slice %arg7[%dma_wait3A_195, %dma_wait3A_196, %dma_wait3A_202] : memref<2x8x128xi32, #tpu.memory_space<vmem>> -> memref<1x1x128xi32, #tpu.memory_space<vmem>>
      %dma_wait3A_204 = tpu.memref_squeeze %dma_wait3A_203 : memref<1x1x128xi32, #tpu.memory_space<vmem>> -> memref<128xi32, #tpu.memory_space<vmem>>
      %dma_wait3A_205 = arith.constant 0 : i32
      %dma_wait3A_206 = arith.constant 0 : i32
      %dma_wait3A_207 = tpu.memref_slice %arg4[%dma_wait3A_205, %dma_wait3A_206] : memref<20000x128xf32, #tpu.memory_space<hbm>> -> memref<20000x128xf32, #tpu.memory_space<hbm>>
      tpu.wait_indirect_dma semaphore(%arg16 : memref<!tpu.dma_semaphore, #tpu.memory_space<semaphore_mem>>) src(%dma_wait3A_207 : memref<20000x128xf32, #tpu.memory_space<hbm>>) dst(%dma_wait3A_201 : memref<128x128xf32, #tpu.memory_space<vmem>>)
      %run_scoped3A_208 = arith.constant 0 : i32
      %run_scoped3A_209 = arith.constant 0 : i32
      %run_scoped3A_210 = arith.constant 0 : i32
      "tpu.region"() ({
        %run_scoped3A_723 = tpu.sem_alloc : memref<!tpu.dma_semaphore, #tpu.memory_space<semaphore_mem>>
        %dma_start3A_724 = arith.constant 0 : i32
        %dma_start3A_725 = arith.constant 0 : i32
        %dma_start3A_726 = tpu.memref_slice %arg9[%run_scoped3A_208, %dma_start3A_724, %dma_start3A_725] : memref<2x128x128xf32, #tpu.memory_space<vmem>> -> memref<1x128x128xf32, #tpu.memory_space<vmem>>
        %dma_start3A_727 = tpu.memref_squeeze %dma_start3A_726 : memref<1x128x128xf32, #tpu.memory_space<vmem>> -> memref<128x128xf32, #tpu.memory_space<vmem>>
        %dma_start3A_728 = arith.constant 0 : i32
        %dma_start3A_729 = tpu.memref_slice %arg8[%run_scoped3A_209, %run_scoped3A_210, %dma_start3A_728] : memref<2x8x128xi32, #tpu.memory_space<vmem>> -> memref<1x1x128xi32, #tpu.memory_space<vmem>>
        %dma_start3A_730 = tpu.memref_squeeze %dma_start3A_729 : memref<1x1x128xi32, #tpu.memory_space<vmem>> -> memref<128xi32, #tpu.memory_space<vmem>>
        %dma_start3A_731 = arith.constant 0 : i32
        %dma_start3A_732 = arith.constant 0 : i32
        %dma_start3A_733 = tpu.memref_slice %arg12[%dma_start3A_731, %dma_start3A_732] : memref<10240x128xf32, #tpu.memory_space<vmem_shared>> -> memref<10240x128xf32, #tpu.memory_space<vmem_shared>>
        tpu.enqueue_indirect_dma source(%dma_start3A_727 : memref<128x128xf32, #tpu.memory_space<vmem>>) target(%dma_start3A_733 : memref<10240x128xf32, #tpu.memory_space<vmem_shared>>) offsets(%dma_start3A_730 : memref<128xi32, #tpu.memory_space<vmem>>) semaphore(%run_scoped3A_723 : memref<!tpu.dma_semaphore, #tpu.memory_space<semaphore_mem>>) {add = true}
        %dma_wait3A_734 = arith.constant 0 : i32
        %dma_wait3A_735 = arith.constant 0 : i32
        %dma_wait3A_736 = tpu.memref_slice %arg9[%run_scoped3A_208, %dma_wait3A_734, %dma_wait3A_735] : memref<2x128x128xf32, #tpu.memory_space<vmem>> -> memref<1x128x128xf32, #tpu.memory_space<vmem>>
        %dma_wait3A_737 = tpu.memref_squeeze %dma_wait3A_736 : memref<1x128x128xf32, #tpu.memory_space<vmem>> -> memref<128x128xf32, #tpu.memory_space<vmem>>
        %dma_wait3A_738 = arith.constant 0 : i32
        %dma_wait3A_739 = tpu.memref_slice %arg8[%run_scoped3A_209, %run_scoped3A_210, %dma_wait3A_738] : memref<2x8x128xi32, #tpu.memory_space<vmem>> -> memref<1x1x128xi32, #tpu.memory_space<vmem>>
        %dma_wait3A_740 = tpu.memref_squeeze %dma_wait3A_739 : memref<1x1x128xi32, #tpu.memory_space<vmem>> -> memref<128xi32, #tpu.memory_space<vmem>>
        %dma_wait3A_741 = arith.constant 0 : i32
        %dma_wait3A_742 = arith.constant 0 : i32
        %dma_wait3A_743 = tpu.memref_slice %arg12[%dma_wait3A_741, %dma_wait3A_742] : memref<10240x128xf32, #tpu.memory_space<vmem_shared>> -> memref<10240x128xf32, #tpu.memory_space<vmem_shared>>
        tpu.wait_indirect_dma semaphore(%run_scoped3A_723 : memref<!tpu.dma_semaphore, #tpu.memory_space<semaphore_mem>>) src(%dma_wait3A_737 : memref<128x128xf32, #tpu.memory_space<vmem>>) dst(%dma_wait3A_743 : memref<10240x128xf32, #tpu.memory_space<vmem_shared>>)
        tpu.yield
      }) : () -> ()
      %run_scoped3A_211 = arith.constant 0 : i32
      %run_scoped3A_212 = arith.constant 0 : i32
      "tpu.region"() ({
        %run_scoped3A_723 = tpu.sem_alloc : memref<!tpu.dma_semaphore, #tpu.memory_space<semaphore_mem>>
        %dma_start3A_724 = arith.constant 0 : i32
        %dma_start3A_725 = tpu.memref_slice %arg8[%run_scoped3A_211, %run_scoped3A_212, %dma_start3A_724] : memref<2x8x128xi32, #tpu.memory_space<vmem>> -> memref<1x1x128xi32, #tpu.memory_space<vmem>>
        %dma_start3A_726 = tpu.memref_squeeze %dma_start3A_725 : memref<1x1x128xi32, #tpu.memory_space<vmem>> -> memref<128xi32, #tpu.memory_space<vmem>>
        %dma_start3A_727 = arith.constant 0 : i32
        %dma_start3A_728 = tpu.memref_slice %arg13[%dma_start3A_727] : memref<10240xf32, #tpu.memory_space<vmem_shared>> -> memref<10240xf32, #tpu.memory_space<vmem_shared>>
        tpu.enqueue_indirect_dma source(%arg10 : memref<128xf32, #tpu.memory_space<vmem>>) target(%dma_start3A_728 : memref<10240xf32, #tpu.memory_space<vmem_shared>>) offsets(%dma_start3A_726 : memref<128xi32, #tpu.memory_space<vmem>>) semaphore(%run_scoped3A_723 : memref<!tpu.dma_semaphore, #tpu.memory_space<semaphore_mem>>) {add = true}
        %dma_wait3A_729 = arith.constant 0 : i32
        %dma_wait3A_730 = tpu.memref_slice %arg8[%run_scoped3A_211, %run_scoped3A_212, %dma_wait3A_729] : memref<2x8x128xi32, #tpu.memory_space<vmem>> -> memref<1x1x128xi32, #tpu.memory_space<vmem>>
        %dma_wait3A_731 = tpu.memref_squeeze %dma_wait3A_730 : memref<1x1x128xi32, #tpu.memory_space<vmem>> -> memref<128xi32, #tpu.memory_space<vmem>>
        %dma_wait3A_732 = arith.constant 0 : i32
        %dma_wait3A_733 = tpu.memref_slice %arg13[%dma_wait3A_732] : memref<10240xf32, #tpu.memory_space<vmem_shared>> -> memref<10240xf32, #tpu.memory_space<vmem_shared>>
        tpu.wait_indirect_dma semaphore(%run_scoped3A_723 : memref<!tpu.dma_semaphore, #tpu.memory_space<semaphore_mem>>) src(%arg10 : memref<128xf32, #tpu.memory_space<vmem>>) dst(%dma_wait3A_733 : memref<10240xf32, #tpu.memory_space<vmem_shared>>)
        tpu.yield
      }) : () -> ()
      %dma_start3A_213 = arith.constant 0 : i32
      %dma_start3A_214 = arith.constant 2 : i32
      %dma_start3A_215 = arith.constant 0 : i32
      %dma_start3A_216 = arith.constant 0 : i32
      %dma_start3A_217 = arith.constant 0 : i32
      %dma_start3A_218 = tpu.memref_slice %arg9[%dma_start3A_215, %dma_start3A_216, %dma_start3A_217] : memref<2x128x128xf32, #tpu.memory_space<vmem>> -> memref<1x128x128xf32, #tpu.memory_space<vmem>>
      %dma_start3A_219 = tpu.memref_squeeze %dma_start3A_218 : memref<1x128x128xf32, #tpu.memory_space<vmem>> -> memref<128x128xf32, #tpu.memory_space<vmem>>
      %dma_start3A_220 = arith.constant 0 : i32
      %dma_start3A_221 = tpu.memref_slice %arg7[%dma_start3A_213, %dma_start3A_214, %dma_start3A_220] : memref<2x8x128xi32, #tpu.memory_space<vmem>> -> memref<1x1x128xi32, #tpu.memory_space<vmem>>
      %dma_start3A_222 = tpu.memref_squeeze %dma_start3A_221 : memref<1x1x128xi32, #tpu.memory_space<vmem>> -> memref<128xi32, #tpu.memory_space<vmem>>
      %dma_start3A_223 = arith.constant 0 : i32
      %dma_start3A_224 = arith.constant 0 : i32
      %dma_start3A_225 = tpu.memref_slice %arg4[%dma_start3A_223, %dma_start3A_224] : memref<20000x128xf32, #tpu.memory_space<hbm>> -> memref<20000x128xf32, #tpu.memory_space<hbm>>
      tpu.enqueue_indirect_dma source(%dma_start3A_225 : memref<20000x128xf32, #tpu.memory_space<hbm>>) target(%dma_start3A_219 : memref<128x128xf32, #tpu.memory_space<vmem>>) offsets(%dma_start3A_222 : memref<128xi32, #tpu.memory_space<vmem>>) semaphore(%arg16 : memref<!tpu.dma_semaphore, #tpu.memory_space<semaphore_mem>>)
      %dma_wait3A_226 = arith.constant 0 : i32
      %dma_wait3A_227 = arith.constant 1 : i32
      %dma_wait3A_228 = arith.constant 1 : i32
      %dma_wait3A_229 = arith.constant 0 : i32
      %dma_wait3A_230 = arith.constant 0 : i32
      %dma_wait3A_231 = tpu.memref_slice %arg9[%dma_wait3A_228, %dma_wait3A_229, %dma_wait3A_230] : memref<2x128x128xf32, #tpu.memory_space<vmem>> -> memref<1x128x128xf32, #tpu.memory_space<vmem>>
      %dma_wait3A_232 = tpu.memref_squeeze %dma_wait3A_231 : memref<1x128x128xf32, #tpu.memory_space<vmem>> -> memref<128x128xf32, #tpu.memory_space<vmem>>
      %dma_wait3A_233 = arith.constant 0 : i32
      %dma_wait3A_234 = tpu.memref_slice %arg7[%dma_wait3A_226, %dma_wait3A_227, %dma_wait3A_233] : memref<2x8x128xi32, #tpu.memory_space<vmem>> -> memref<1x1x128xi32, #tpu.memory_space<vmem>>
      %dma_wait3A_235 = tpu.memref_squeeze %dma_wait3A_234 : memref<1x1x128xi32, #tpu.memory_space<vmem>> -> memref<128xi32, #tpu.memory_space<vmem>>
      %dma_wait3A_236 = arith.constant 0 : i32
      %dma_wait3A_237 = arith.constant 0 : i32
      %dma_wait3A_238 = tpu.memref_slice %arg4[%dma_wait3A_236, %dma_wait3A_237] : memref<20000x128xf32, #tpu.memory_space<hbm>> -> memref<20000x128xf32, #tpu.memory_space<hbm>>
      tpu.wait_indirect_dma semaphore(%arg17 : memref<!tpu.dma_semaphore, #tpu.memory_space<semaphore_mem>>) src(%dma_wait3A_238 : memref<20000x128xf32, #tpu.memory_space<hbm>>) dst(%dma_wait3A_232 : memref<128x128xf32, #tpu.memory_space<vmem>>)
      %run_scoped3A_239 = arith.constant 1 : i32
      %run_scoped3A_240 = arith.constant 0 : i32
      %run_scoped3A_241 = arith.constant 1 : i32
      "tpu.region"() ({
        %run_scoped3A_723 = tpu.sem_alloc : memref<!tpu.dma_semaphore, #tpu.memory_space<semaphore_mem>>
        %dma_start3A_724 = arith.constant 0 : i32
        %dma_start3A_725 = arith.constant 0 : i32
        %dma_start3A_726 = tpu.memref_slice %arg9[%run_scoped3A_239, %dma_start3A_724, %dma_start3A_725] : memref<2x128x128xf32, #tpu.memory_space<vmem>> -> memref<1x128x128xf32, #tpu.memory_space<vmem>>
        %dma_start3A_727 = tpu.memref_squeeze %dma_start3A_726 : memref<1x128x128xf32, #tpu.memory_space<vmem>> -> memref<128x128xf32, #tpu.memory_space<vmem>>
        %dma_start3A_728 = arith.constant 0 : i32
        %dma_start3A_729 = tpu.memref_slice %arg8[%run_scoped3A_240, %run_scoped3A_241, %dma_start3A_728] : memref<2x8x128xi32, #tpu.memory_space<vmem>> -> memref<1x1x128xi32, #tpu.memory_space<vmem>>
        %dma_start3A_730 = tpu.memref_squeeze %dma_start3A_729 : memref<1x1x128xi32, #tpu.memory_space<vmem>> -> memref<128xi32, #tpu.memory_space<vmem>>
        %dma_start3A_731 = arith.constant 0 : i32
        %dma_start3A_732 = arith.constant 0 : i32
        %dma_start3A_733 = tpu.memref_slice %arg12[%dma_start3A_731, %dma_start3A_732] : memref<10240x128xf32, #tpu.memory_space<vmem_shared>> -> memref<10240x128xf32, #tpu.memory_space<vmem_shared>>
        tpu.enqueue_indirect_dma source(%dma_start3A_727 : memref<128x128xf32, #tpu.memory_space<vmem>>) target(%dma_start3A_733 : memref<10240x128xf32, #tpu.memory_space<vmem_shared>>) offsets(%dma_start3A_730 : memref<128xi32, #tpu.memory_space<vmem>>) semaphore(%run_scoped3A_723 : memref<!tpu.dma_semaphore, #tpu.memory_space<semaphore_mem>>) {add = true}
        %dma_wait3A_734 = arith.constant 0 : i32
        %dma_wait3A_735 = arith.constant 0 : i32
        %dma_wait3A_736 = tpu.memref_slice %arg9[%run_scoped3A_239, %dma_wait3A_734, %dma_wait3A_735] : memref<2x128x128xf32, #tpu.memory_space<vmem>> -> memref<1x128x128xf32, #tpu.memory_space<vmem>>
        %dma_wait3A_737 = tpu.memref_squeeze %dma_wait3A_736 : memref<1x128x128xf32, #tpu.memory_space<vmem>> -> memref<128x128xf32, #tpu.memory_space<vmem>>
        %dma_wait3A_738 = arith.constant 0 : i32
        %dma_wait3A_739 = tpu.memref_slice %arg8[%run_scoped3A_240, %run_scoped3A_241, %dma_wait3A_738] : memref<2x8x128xi32, #tpu.memory_space<vmem>> -> memref<1x1x128xi32, #tpu.memory_space<vmem>>
        %dma_wait3A_740 = tpu.memref_squeeze %dma_wait3A_739 : memref<1x1x128xi32, #tpu.memory_space<vmem>> -> memref<128xi32, #tpu.memory_space<vmem>>
        %dma_wait3A_741 = arith.constant 0 : i32
        %dma_wait3A_742 = arith.constant 0 : i32
        %dma_wait3A_743 = tpu.memref_slice %arg12[%dma_wait3A_741, %dma_wait3A_742] : memref<10240x128xf32, #tpu.memory_space<vmem_shared>> -> memref<10240x128xf32, #tpu.memory_space<vmem_shared>>
        tpu.wait_indirect_dma semaphore(%run_scoped3A_723 : memref<!tpu.dma_semaphore, #tpu.memory_space<semaphore_mem>>) src(%dma_wait3A_737 : memref<128x128xf32, #tpu.memory_space<vmem>>) dst(%dma_wait3A_743 : memref<10240x128xf32, #tpu.memory_space<vmem_shared>>)
        tpu.yield
      }) : () -> ()
      %run_scoped3A_242 = arith.constant 0 : i32
      %run_scoped3A_243 = arith.constant 1 : i32
      "tpu.region"() ({
        %run_scoped3A_723 = tpu.sem_alloc : memref<!tpu.dma_semaphore, #tpu.memory_space<semaphore_mem>>
        %dma_start3A_724 = arith.constant 0 : i32
        %dma_start3A_725 = tpu.memref_slice %arg8[%run_scoped3A_242, %run_scoped3A_243, %dma_start3A_724] : memref<2x8x128xi32, #tpu.memory_space<vmem>> -> memref<1x1x128xi32, #tpu.memory_space<vmem>>
        %dma_start3A_726 = tpu.memref_squeeze %dma_start3A_725 : memref<1x1x128xi32, #tpu.memory_space<vmem>> -> memref<128xi32, #tpu.memory_space<vmem>>
        %dma_start3A_727 = arith.constant 0 : i32
        %dma_start3A_728 = tpu.memref_slice %arg13[%dma_start3A_727] : memref<10240xf32, #tpu.memory_space<vmem_shared>> -> memref<10240xf32, #tpu.memory_space<vmem_shared>>
        tpu.enqueue_indirect_dma source(%arg10 : memref<128xf32, #tpu.memory_space<vmem>>) target(%dma_start3A_728 : memref<10240xf32, #tpu.memory_space<vmem_shared>>) offsets(%dma_start3A_726 : memref<128xi32, #tpu.memory_space<vmem>>) semaphore(%run_scoped3A_723 : memref<!tpu.dma_semaphore, #tpu.memory_space<semaphore_mem>>) {add = true}
        %dma_wait3A_729 = arith.constant 0 : i32
        %dma_wait3A_730 = tpu.memref_slice %arg8[%run_scoped3A_242, %run_scoped3A_243, %dma_wait3A_729] : memref<2x8x128xi32, #tpu.memory_space<vmem>> -> memref<1x1x128xi32, #tpu.memory_space<vmem>>
        %dma_wait3A_731 = tpu.memref_squeeze %dma_wait3A_730 : memref<1x1x128xi32, #tpu.memory_space<vmem>> -> memref<128xi32, #tpu.memory_space<vmem>>
        %dma_wait3A_732 = arith.constant 0 : i32
        %dma_wait3A_733 = tpu.memref_slice %arg13[%dma_wait3A_732] : memref<10240xf32, #tpu.memory_space<vmem_shared>> -> memref<10240xf32, #tpu.memory_space<vmem_shared>>
        tpu.wait_indirect_dma semaphore(%run_scoped3A_723 : memref<!tpu.dma_semaphore, #tpu.memory_space<semaphore_mem>>) src(%arg10 : memref<128xf32, #tpu.memory_space<vmem>>) dst(%dma_wait3A_733 : memref<10240xf32, #tpu.memory_space<vmem_shared>>)
        tpu.yield
      }) : () -> ()
      %dma_start3A_244 = arith.constant 0 : i32
      %dma_start3A_245 = arith.constant 3 : i32
      %dma_start3A_246 = arith.constant 1 : i32
      %dma_start3A_247 = arith.constant 0 : i32
      %dma_start3A_248 = arith.constant 0 : i32
      %dma_start3A_249 = tpu.memref_slice %arg9[%dma_start3A_246, %dma_start3A_247, %dma_start3A_248] : memref<2x128x128xf32, #tpu.memory_space<vmem>> -> memref<1x128x128xf32, #tpu.memory_space<vmem>>
      %dma_start3A_250 = tpu.memref_squeeze %dma_start3A_249 : memref<1x128x128xf32, #tpu.memory_space<vmem>> -> memref<128x128xf32, #tpu.memory_space<vmem>>
      %dma_start3A_251 = arith.constant 0 : i32
      %dma_start3A_252 = tpu.memref_slice %arg7[%dma_start3A_244, %dma_start3A_245, %dma_start3A_251] : memref<2x8x128xi32, #tpu.memory_space<vmem>> -> memref<1x1x128xi32, #tpu.memory_space<vmem>>
      %dma_start3A_253 = tpu.memref_squeeze %dma_start3A_252 : memref<1x1x128xi32, #tpu.memory_space<vmem>> -> memref<128xi32, #tpu.memory_space<vmem>>
      %dma_start3A_254 = arith.constant 0 : i32
      %dma_start3A_255 = arith.constant 0 : i32
      %dma_start3A_256 = tpu.memref_slice %arg4[%dma_start3A_254, %dma_start3A_255] : memref<20000x128xf32, #tpu.memory_space<hbm>> -> memref<20000x128xf32, #tpu.memory_space<hbm>>
      tpu.enqueue_indirect_dma source(%dma_start3A_256 : memref<20000x128xf32, #tpu.memory_space<hbm>>) target(%dma_start3A_250 : memref<128x128xf32, #tpu.memory_space<vmem>>) offsets(%dma_start3A_253 : memref<128xi32, #tpu.memory_space<vmem>>) semaphore(%arg17 : memref<!tpu.dma_semaphore, #tpu.memory_space<semaphore_mem>>)
      %dma_wait3A_257 = arith.constant 0 : i32
      %dma_wait3A_258 = arith.constant 2 : i32
      %dma_wait3A_259 = arith.constant 0 : i32
      %dma_wait3A_260 = arith.constant 0 : i32
      %dma_wait3A_261 = arith.constant 0 : i32
      %dma_wait3A_262 = tpu.memref_slice %arg9[%dma_wait3A_259, %dma_wait3A_260, %dma_wait3A_261] : memref<2x128x128xf32, #tpu.memory_space<vmem>> -> memref<1x128x128xf32, #tpu.memory_space<vmem>>
      %dma_wait3A_263 = tpu.memref_squeeze %dma_wait3A_262 : memref<1x128x128xf32, #tpu.memory_space<vmem>> -> memref<128x128xf32, #tpu.memory_space<vmem>>
      %dma_wait3A_264 = arith.constant 0 : i32
      %dma_wait3A_265 = tpu.memref_slice %arg7[%dma_wait3A_257, %dma_wait3A_258, %dma_wait3A_264] : memref<2x8x128xi32, #tpu.memory_space<vmem>> -> memref<1x1x128xi32, #tpu.memory_space<vmem>>
      %dma_wait3A_266 = tpu.memref_squeeze %dma_wait3A_265 : memref<1x1x128xi32, #tpu.memory_space<vmem>> -> memref<128xi32, #tpu.memory_space<vmem>>
      %dma_wait3A_267 = arith.constant 0 : i32
      %dma_wait3A_268 = arith.constant 0 : i32
      %dma_wait3A_269 = tpu.memref_slice %arg4[%dma_wait3A_267, %dma_wait3A_268] : memref<20000x128xf32, #tpu.memory_space<hbm>> -> memref<20000x128xf32, #tpu.memory_space<hbm>>
      tpu.wait_indirect_dma semaphore(%arg16 : memref<!tpu.dma_semaphore, #tpu.memory_space<semaphore_mem>>) src(%dma_wait3A_269 : memref<20000x128xf32, #tpu.memory_space<hbm>>) dst(%dma_wait3A_263 : memref<128x128xf32, #tpu.memory_space<vmem>>)
      %run_scoped3A_270 = arith.constant 0 : i32
      %run_scoped3A_271 = arith.constant 0 : i32
      %run_scoped3A_272 = arith.constant 2 : i32
      "tpu.region"() ({
        %run_scoped3A_723 = tpu.sem_alloc : memref<!tpu.dma_semaphore, #tpu.memory_space<semaphore_mem>>
        %dma_start3A_724 = arith.constant 0 : i32
        %dma_start3A_725 = arith.constant 0 : i32
        %dma_start3A_726 = tpu.memref_slice %arg9[%run_scoped3A_270, %dma_start3A_724, %dma_start3A_725] : memref<2x128x128xf32, #tpu.memory_space<vmem>> -> memref<1x128x128xf32, #tpu.memory_space<vmem>>
        %dma_start3A_727 = tpu.memref_squeeze %dma_start3A_726 : memref<1x128x128xf32, #tpu.memory_space<vmem>> -> memref<128x128xf32, #tpu.memory_space<vmem>>
        %dma_start3A_728 = arith.constant 0 : i32
        %dma_start3A_729 = tpu.memref_slice %arg8[%run_scoped3A_271, %run_scoped3A_272, %dma_start3A_728] : memref<2x8x128xi32, #tpu.memory_space<vmem>> -> memref<1x1x128xi32, #tpu.memory_space<vmem>>
        %dma_start3A_730 = tpu.memref_squeeze %dma_start3A_729 : memref<1x1x128xi32, #tpu.memory_space<vmem>> -> memref<128xi32, #tpu.memory_space<vmem>>
        %dma_start3A_731 = arith.constant 0 : i32
        %dma_start3A_732 = arith.constant 0 : i32
        %dma_start3A_733 = tpu.memref_slice %arg12[%dma_start3A_731, %dma_start3A_732] : memref<10240x128xf32, #tpu.memory_space<vmem_shared>> -> memref<10240x128xf32, #tpu.memory_space<vmem_shared>>
        tpu.enqueue_indirect_dma source(%dma_start3A_727 : memref<128x128xf32, #tpu.memory_space<vmem>>) target(%dma_start3A_733 : memref<10240x128xf32, #tpu.memory_space<vmem_shared>>) offsets(%dma_start3A_730 : memref<128xi32, #tpu.memory_space<vmem>>) semaphore(%run_scoped3A_723 : memref<!tpu.dma_semaphore, #tpu.memory_space<semaphore_mem>>) {add = true}
        %dma_wait3A_734 = arith.constant 0 : i32
        %dma_wait3A_735 = arith.constant 0 : i32
        %dma_wait3A_736 = tpu.memref_slice %arg9[%run_scoped3A_270, %dma_wait3A_734, %dma_wait3A_735] : memref<2x128x128xf32, #tpu.memory_space<vmem>> -> memref<1x128x128xf32, #tpu.memory_space<vmem>>
        %dma_wait3A_737 = tpu.memref_squeeze %dma_wait3A_736 : memref<1x128x128xf32, #tpu.memory_space<vmem>> -> memref<128x128xf32, #tpu.memory_space<vmem>>
        %dma_wait3A_738 = arith.constant 0 : i32
        %dma_wait3A_739 = tpu.memref_slice %arg8[%run_scoped3A_271, %run_scoped3A_272, %dma_wait3A_738] : memref<2x8x128xi32, #tpu.memory_space<vmem>> -> memref<1x1x128xi32, #tpu.memory_space<vmem>>
        %dma_wait3A_740 = tpu.memref_squeeze %dma_wait3A_739 : memref<1x1x128xi32, #tpu.memory_space<vmem>> -> memref<128xi32, #tpu.memory_space<vmem>>
        %dma_wait3A_741 = arith.constant 0 : i32
        %dma_wait3A_742 = arith.constant 0 : i32
        %dma_wait3A_743 = tpu.memref_slice %arg12[%dma_wait3A_741, %dma_wait3A_742] : memref<10240x128xf32, #tpu.memory_space<vmem_shared>> -> memref<10240x128xf32, #tpu.memory_space<vmem_shared>>
        tpu.wait_indirect_dma semaphore(%run_scoped3A_723 : memref<!tpu.dma_semaphore, #tpu.memory_space<semaphore_mem>>) src(%dma_wait3A_737 : memref<128x128xf32, #tpu.memory_space<vmem>>) dst(%dma_wait3A_743 : memref<10240x128xf32, #tpu.memory_space<vmem_shared>>)
        tpu.yield
      }) : () -> ()
      %run_scoped3A_273 = arith.constant 0 : i32
      %run_scoped3A_274 = arith.constant 2 : i32
      "tpu.region"() ({
        %run_scoped3A_723 = tpu.sem_alloc : memref<!tpu.dma_semaphore, #tpu.memory_space<semaphore_mem>>
        %dma_start3A_724 = arith.constant 0 : i32
        %dma_start3A_725 = tpu.memref_slice %arg8[%run_scoped3A_273, %run_scoped3A_274, %dma_start3A_724] : memref<2x8x128xi32, #tpu.memory_space<vmem>> -> memref<1x1x128xi32, #tpu.memory_space<vmem>>
        %dma_start3A_726 = tpu.memref_squeeze %dma_start3A_725 : memref<1x1x128xi32, #tpu.memory_space<vmem>> -> memref<128xi32, #tpu.memory_space<vmem>>
        %dma_start3A_727 = arith.constant 0 : i32
        %dma_start3A_728 = tpu.memref_slice %arg13[%dma_start3A_727] : memref<10240xf32, #tpu.memory_space<vmem_shared>> -> memref<10240xf32, #tpu.memory_space<vmem_shared>>
        tpu.enqueue_indirect_dma source(%arg10 : memref<128xf32, #tpu.memory_space<vmem>>) target(%dma_start3A_728 : memref<10240xf32, #tpu.memory_space<vmem_shared>>) offsets(%dma_start3A_726 : memref<128xi32, #tpu.memory_space<vmem>>) semaphore(%run_scoped3A_723 : memref<!tpu.dma_semaphore, #tpu.memory_space<semaphore_mem>>) {add = true}
        %dma_wait3A_729 = arith.constant 0 : i32
        %dma_wait3A_730 = tpu.memref_slice %arg8[%run_scoped3A_273, %run_scoped3A_274, %dma_wait3A_729] : memref<2x8x128xi32, #tpu.memory_space<vmem>> -> memref<1x1x128xi32, #tpu.memory_space<vmem>>
        %dma_wait3A_731 = tpu.memref_squeeze %dma_wait3A_730 : memref<1x1x128xi32, #tpu.memory_space<vmem>> -> memref<128xi32, #tpu.memory_space<vmem>>
        %dma_wait3A_732 = arith.constant 0 : i32
        %dma_wait3A_733 = tpu.memref_slice %arg13[%dma_wait3A_732] : memref<10240xf32, #tpu.memory_space<vmem_shared>> -> memref<10240xf32, #tpu.memory_space<vmem_shared>>
        tpu.wait_indirect_dma semaphore(%run_scoped3A_723 : memref<!tpu.dma_semaphore, #tpu.memory_space<semaphore_mem>>) src(%arg10 : memref<128xf32, #tpu.memory_space<vmem>>) dst(%dma_wait3A_733 : memref<10240xf32, #tpu.memory_space<vmem_shared>>)
        tpu.yield
      }) : () -> ()
      %dma_start3A_275 = arith.constant 0 : i32
      %dma_start3A_276 = arith.constant 4 : i32
      %dma_start3A_277 = arith.constant 0 : i32
      %dma_start3A_278 = arith.constant 0 : i32
      %dma_start3A_279 = arith.constant 0 : i32
      %dma_start3A_280 = tpu.memref_slice %arg9[%dma_start3A_277, %dma_start3A_278, %dma_start3A_279] : memref<2x128x128xf32, #tpu.memory_space<vmem>> -> memref<1x128x128xf32, #tpu.memory_space<vmem>>
      %dma_start3A_281 = tpu.memref_squeeze %dma_start3A_280 : memref<1x128x128xf32, #tpu.memory_space<vmem>> -> memref<128x128xf32, #tpu.memory_space<vmem>>
      %dma_start3A_282 = arith.constant 0 : i32
      %dma_start3A_283 = tpu.memref_slice %arg7[%dma_start3A_275, %dma_start3A_276, %dma_start3A_282] : memref<2x8x128xi32, #tpu.memory_space<vmem>> -> memref<1x1x128xi32, #tpu.memory_space<vmem>>
      %dma_start3A_284 = tpu.memref_squeeze %dma_start3A_283 : memref<1x1x128xi32, #tpu.memory_space<vmem>> -> memref<128xi32, #tpu.memory_space<vmem>>
      %dma_start3A_285 = arith.constant 0 : i32
      %dma_start3A_286 = arith.constant 0 : i32
      %dma_start3A_287 = tpu.memref_slice %arg4[%dma_start3A_285, %dma_start3A_286] : memref<20000x128xf32, #tpu.memory_space<hbm>> -> memref<20000x128xf32, #tpu.memory_space<hbm>>
      tpu.enqueue_indirect_dma source(%dma_start3A_287 : memref<20000x128xf32, #tpu.memory_space<hbm>>) target(%dma_start3A_281 : memref<128x128xf32, #tpu.memory_space<vmem>>) offsets(%dma_start3A_284 : memref<128xi32, #tpu.memory_space<vmem>>) semaphore(%arg16 : memref<!tpu.dma_semaphore, #tpu.memory_space<semaphore_mem>>)
      %dma_wait3A_288 = arith.constant 0 : i32
      %dma_wait3A_289 = arith.constant 3 : i32
      %dma_wait3A_290 = arith.constant 1 : i32
      %dma_wait3A_291 = arith.constant 0 : i32
      %dma_wait3A_292 = arith.constant 0 : i32
      %dma_wait3A_293 = tpu.memref_slice %arg9[%dma_wait3A_290, %dma_wait3A_291, %dma_wait3A_292] : memref<2x128x128xf32, #tpu.memory_space<vmem>> -> memref<1x128x128xf32, #tpu.memory_space<vmem>>
      %dma_wait3A_294 = tpu.memref_squeeze %dma_wait3A_293 : memref<1x128x128xf32, #tpu.memory_space<vmem>> -> memref<128x128xf32, #tpu.memory_space<vmem>>
      %dma_wait3A_295 = arith.constant 0 : i32
      %dma_wait3A_296 = tpu.memref_slice %arg7[%dma_wait3A_288, %dma_wait3A_289, %dma_wait3A_295] : memref<2x8x128xi32, #tpu.memory_space<vmem>> -> memref<1x1x128xi32, #tpu.memory_space<vmem>>
      %dma_wait3A_297 = tpu.memref_squeeze %dma_wait3A_296 : memref<1x1x128xi32, #tpu.memory_space<vmem>> -> memref<128xi32, #tpu.memory_space<vmem>>
      %dma_wait3A_298 = arith.constant 0 : i32
      %dma_wait3A_299 = arith.constant 0 : i32
      %dma_wait3A_300 = tpu.memref_slice %arg4[%dma_wait3A_298, %dma_wait3A_299] : memref<20000x128xf32, #tpu.memory_space<hbm>> -> memref<20000x128xf32, #tpu.memory_space<hbm>>
      tpu.wait_indirect_dma semaphore(%arg17 : memref<!tpu.dma_semaphore, #tpu.memory_space<semaphore_mem>>) src(%dma_wait3A_300 : memref<20000x128xf32, #tpu.memory_space<hbm>>) dst(%dma_wait3A_294 : memref<128x128xf32, #tpu.memory_space<vmem>>)
      %run_scoped3A_301 = arith.constant 1 : i32
      %run_scoped3A_302 = arith.constant 0 : i32
      %run_scoped3A_303 = arith.constant 3 : i32
      "tpu.region"() ({
        %run_scoped3A_723 = tpu.sem_alloc : memref<!tpu.dma_semaphore, #tpu.memory_space<semaphore_mem>>
        %dma_start3A_724 = arith.constant 0 : i32
        %dma_start3A_725 = arith.constant 0 : i32
        %dma_start3A_726 = tpu.memref_slice %arg9[%run_scoped3A_301, %dma_start3A_724, %dma_start3A_725] : memref<2x128x128xf32, #tpu.memory_space<vmem>> -> memref<1x128x128xf32, #tpu.memory_space<vmem>>
        %dma_start3A_727 = tpu.memref_squeeze %dma_start3A_726 : memref<1x128x128xf32, #tpu.memory_space<vmem>> -> memref<128x128xf32, #tpu.memory_space<vmem>>
        %dma_start3A_728 = arith.constant 0 : i32
        %dma_start3A_729 = tpu.memref_slice %arg8[%run_scoped3A_302, %run_scoped3A_303, %dma_start3A_728] : memref<2x8x128xi32, #tpu.memory_space<vmem>> -> memref<1x1x128xi32, #tpu.memory_space<vmem>>
        %dma_start3A_730 = tpu.memref_squeeze %dma_start3A_729 : memref<1x1x128xi32, #tpu.memory_space<vmem>> -> memref<128xi32, #tpu.memory_space<vmem>>
        %dma_start3A_731 = arith.constant 0 : i32
        %dma_start3A_732 = arith.constant 0 : i32
        %dma_start3A_733 = tpu.memref_slice %arg12[%dma_start3A_731, %dma_start3A_732] : memref<10240x128xf32, #tpu.memory_space<vmem_shared>> -> memref<10240x128xf32, #tpu.memory_space<vmem_shared>>
        tpu.enqueue_indirect_dma source(%dma_start3A_727 : memref<128x128xf32, #tpu.memory_space<vmem>>) target(%dma_start3A_733 : memref<10240x128xf32, #tpu.memory_space<vmem_shared>>) offsets(%dma_start3A_730 : memref<128xi32, #tpu.memory_space<vmem>>) semaphore(%run_scoped3A_723 : memref<!tpu.dma_semaphore, #tpu.memory_space<semaphore_mem>>) {add = true}
        %dma_wait3A_734 = arith.constant 0 : i32
        %dma_wait3A_735 = arith.constant 0 : i32
        %dma_wait3A_736 = tpu.memref_slice %arg9[%run_scoped3A_301, %dma_wait3A_734, %dma_wait3A_735] : memref<2x128x128xf32, #tpu.memory_space<vmem>> -> memref<1x128x128xf32, #tpu.memory_space<vmem>>
        %dma_wait3A_737 = tpu.memref_squeeze %dma_wait3A_736 : memref<1x128x128xf32, #tpu.memory_space<vmem>> -> memref<128x128xf32, #tpu.memory_space<vmem>>
        %dma_wait3A_738 = arith.constant 0 : i32
        %dma_wait3A_739 = tpu.memref_slice %arg8[%run_scoped3A_302, %run_scoped3A_303, %dma_wait3A_738] : memref<2x8x128xi32, #tpu.memory_space<vmem>> -> memref<1x1x128xi32, #tpu.memory_space<vmem>>
        %dma_wait3A_740 = tpu.memref_squeeze %dma_wait3A_739 : memref<1x1x128xi32, #tpu.memory_space<vmem>> -> memref<128xi32, #tpu.memory_space<vmem>>
        %dma_wait3A_741 = arith.constant 0 : i32
        %dma_wait3A_742 = arith.constant 0 : i32
        %dma_wait3A_743 = tpu.memref_slice %arg12[%dma_wait3A_741, %dma_wait3A_742] : memref<10240x128xf32, #tpu.memory_space<vmem_shared>> -> memref<10240x128xf32, #tpu.memory_space<vmem_shared>>
        tpu.wait_indirect_dma semaphore(%run_scoped3A_723 : memref<!tpu.dma_semaphore, #tpu.memory_space<semaphore_mem>>) src(%dma_wait3A_737 : memref<128x128xf32, #tpu.memory_space<vmem>>) dst(%dma_wait3A_743 : memref<10240x128xf32, #tpu.memory_space<vmem_shared>>)
        tpu.yield
      }) : () -> ()
      %run_scoped3A_304 = arith.constant 0 : i32
      %run_scoped3A_305 = arith.constant 3 : i32
      "tpu.region"() ({
        %run_scoped3A_723 = tpu.sem_alloc : memref<!tpu.dma_semaphore, #tpu.memory_space<semaphore_mem>>
        %dma_start3A_724 = arith.constant 0 : i32
        %dma_start3A_725 = tpu.memref_slice %arg8[%run_scoped3A_304, %run_scoped3A_305, %dma_start3A_724] : memref<2x8x128xi32, #tpu.memory_space<vmem>> -> memref<1x1x128xi32, #tpu.memory_space<vmem>>
        %dma_start3A_726 = tpu.memref_squeeze %dma_start3A_725 : memref<1x1x128xi32, #tpu.memory_space<vmem>> -> memref<128xi32, #tpu.memory_space<vmem>>
        %dma_start3A_727 = arith.constant 0 : i32
        %dma_start3A_728 = tpu.memref_slice %arg13[%dma_start3A_727] : memref<10240xf32, #tpu.memory_space<vmem_shared>> -> memref<10240xf32, #tpu.memory_space<vmem_shared>>
        tpu.enqueue_indirect_dma source(%arg10 : memref<128xf32, #tpu.memory_space<vmem>>) target(%dma_start3A_728 : memref<10240xf32, #tpu.memory_space<vmem_shared>>) offsets(%dma_start3A_726 : memref<128xi32, #tpu.memory_space<vmem>>) semaphore(%run_scoped3A_723 : memref<!tpu.dma_semaphore, #tpu.memory_space<semaphore_mem>>) {add = true}
        %dma_wait3A_729 = arith.constant 0 : i32
        %dma_wait3A_730 = tpu.memref_slice %arg8[%run_scoped3A_304, %run_scoped3A_305, %dma_wait3A_729] : memref<2x8x128xi32, #tpu.memory_space<vmem>> -> memref<1x1x128xi32, #tpu.memory_space<vmem>>
        %dma_wait3A_731 = tpu.memref_squeeze %dma_wait3A_730 : memref<1x1x128xi32, #tpu.memory_space<vmem>> -> memref<128xi32, #tpu.memory_space<vmem>>
        %dma_wait3A_732 = arith.constant 0 : i32
        %dma_wait3A_733 = tpu.memref_slice %arg13[%dma_wait3A_732] : memref<10240xf32, #tpu.memory_space<vmem_shared>> -> memref<10240xf32, #tpu.memory_space<vmem_shared>>
        tpu.wait_indirect_dma semaphore(%run_scoped3A_723 : memref<!tpu.dma_semaphore, #tpu.memory_space<semaphore_mem>>) src(%arg10 : memref<128xf32, #tpu.memory_space<vmem>>) dst(%dma_wait3A_733 : memref<10240xf32, #tpu.memory_space<vmem_shared>>)
        tpu.yield
      }) : () -> ()
      %dma_start3A_306 = arith.constant 0 : i32
      %dma_start3A_307 = arith.constant 5 : i32
      %dma_start3A_308 = arith.constant 1 : i32
      %dma_start3A_309 = arith.constant 0 : i32
      %dma_start3A_310 = arith.constant 0 : i32
      %dma_start3A_311 = tpu.memref_slice %arg9[%dma_start3A_308, %dma_start3A_309, %dma_start3A_310] : memref<2x128x128xf32, #tpu.memory_space<vmem>> -> memref<1x128x128xf32, #tpu.memory_space<vmem>>
      %dma_start3A_312 = tpu.memref_squeeze %dma_start3A_311 : memref<1x128x128xf32, #tpu.memory_space<vmem>> -> memref<128x128xf32, #tpu.memory_space<vmem>>
      %dma_start3A_313 = arith.constant 0 : i32
      %dma_start3A_314 = tpu.memref_slice %arg7[%dma_start3A_306, %dma_start3A_307, %dma_start3A_313] : memref<2x8x128xi32, #tpu.memory_space<vmem>> -> memref<1x1x128xi32, #tpu.memory_space<vmem>>
      %dma_start3A_315 = tpu.memref_squeeze %dma_start3A_314 : memref<1x1x128xi32, #tpu.memory_space<vmem>> -> memref<128xi32, #tpu.memory_space<vmem>>
      %dma_start3A_316 = arith.constant 0 : i32
      %dma_start3A_317 = arith.constant 0 : i32
      %dma_start3A_318 = tpu.memref_slice %arg4[%dma_start3A_316, %dma_start3A_317] : memref<20000x128xf32, #tpu.memory_space<hbm>> -> memref<20000x128xf32, #tpu.memory_space<hbm>>
      tpu.enqueue_indirect_dma source(%dma_start3A_318 : memref<20000x128xf32, #tpu.memory_space<hbm>>) target(%dma_start3A_312 : memref<128x128xf32, #tpu.memory_space<vmem>>) offsets(%dma_start3A_315 : memref<128xi32, #tpu.memory_space<vmem>>) semaphore(%arg17 : memref<!tpu.dma_semaphore, #tpu.memory_space<semaphore_mem>>)
      %dma_wait3A_319 = arith.constant 0 : i32
      %dma_wait3A_320 = arith.constant 4 : i32
      %dma_wait3A_321 = arith.constant 0 : i32
      %dma_wait3A_322 = arith.constant 0 : i32
      %dma_wait3A_323 = arith.constant 0 : i32
      %dma_wait3A_324 = tpu.memref_slice %arg9[%dma_wait3A_321, %dma_wait3A_322, %dma_wait3A_323] : memref<2x128x128xf32, #tpu.memory_space<vmem>> -> memref<1x128x128xf32, #tpu.memory_space<vmem>>
      %dma_wait3A_325 = tpu.memref_squeeze %dma_wait3A_324 : memref<1x128x128xf32, #tpu.memory_space<vmem>> -> memref<128x128xf32, #tpu.memory_space<vmem>>
      %dma_wait3A_326 = arith.constant 0 : i32
      %dma_wait3A_327 = tpu.memref_slice %arg7[%dma_wait3A_319, %dma_wait3A_320, %dma_wait3A_326] : memref<2x8x128xi32, #tpu.memory_space<vmem>> -> memref<1x1x128xi32, #tpu.memory_space<vmem>>
      %dma_wait3A_328 = tpu.memref_squeeze %dma_wait3A_327 : memref<1x1x128xi32, #tpu.memory_space<vmem>> -> memref<128xi32, #tpu.memory_space<vmem>>
      %dma_wait3A_329 = arith.constant 0 : i32
      %dma_wait3A_330 = arith.constant 0 : i32
      %dma_wait3A_331 = tpu.memref_slice %arg4[%dma_wait3A_329, %dma_wait3A_330] : memref<20000x128xf32, #tpu.memory_space<hbm>> -> memref<20000x128xf32, #tpu.memory_space<hbm>>
      tpu.wait_indirect_dma semaphore(%arg16 : memref<!tpu.dma_semaphore, #tpu.memory_space<semaphore_mem>>) src(%dma_wait3A_331 : memref<20000x128xf32, #tpu.memory_space<hbm>>) dst(%dma_wait3A_325 : memref<128x128xf32, #tpu.memory_space<vmem>>)
      %run_scoped3A_332 = arith.constant 0 : i32
      %run_scoped3A_333 = arith.constant 0 : i32
      %run_scoped3A_334 = arith.constant 4 : i32
      "tpu.region"() ({
        %run_scoped3A_723 = tpu.sem_alloc : memref<!tpu.dma_semaphore, #tpu.memory_space<semaphore_mem>>
        %dma_start3A_724 = arith.constant 0 : i32
        %dma_start3A_725 = arith.constant 0 : i32
        %dma_start3A_726 = tpu.memref_slice %arg9[%run_scoped3A_332, %dma_start3A_724, %dma_start3A_725] : memref<2x128x128xf32, #tpu.memory_space<vmem>> -> memref<1x128x128xf32, #tpu.memory_space<vmem>>
        %dma_start3A_727 = tpu.memref_squeeze %dma_start3A_726 : memref<1x128x128xf32, #tpu.memory_space<vmem>> -> memref<128x128xf32, #tpu.memory_space<vmem>>
        %dma_start3A_728 = arith.constant 0 : i32
        %dma_start3A_729 = tpu.memref_slice %arg8[%run_scoped3A_333, %run_scoped3A_334, %dma_start3A_728] : memref<2x8x128xi32, #tpu.memory_space<vmem>> -> memref<1x1x128xi32, #tpu.memory_space<vmem>>
        %dma_start3A_730 = tpu.memref_squeeze %dma_start3A_729 : memref<1x1x128xi32, #tpu.memory_space<vmem>> -> memref<128xi32, #tpu.memory_space<vmem>>
        %dma_start3A_731 = arith.constant 0 : i32
        %dma_start3A_732 = arith.constant 0 : i32
        %dma_start3A_733 = tpu.memref_slice %arg12[%dma_start3A_731, %dma_start3A_732] : memref<10240x128xf32, #tpu.memory_space<vmem_shared>> -> memref<10240x128xf32, #tpu.memory_space<vmem_shared>>
        tpu.enqueue_indirect_dma source(%dma_start3A_727 : memref<128x128xf32, #tpu.memory_space<vmem>>) target(%dma_start3A_733 : memref<10240x128xf32, #tpu.memory_space<vmem_shared>>) offsets(%dma_start3A_730 : memref<128xi32, #tpu.memory_space<vmem>>) semaphore(%run_scoped3A_723 : memref<!tpu.dma_semaphore, #tpu.memory_space<semaphore_mem>>) {add = true}
        %dma_wait3A_734 = arith.constant 0 : i32
        %dma_wait3A_735 = arith.constant 0 : i32
        %dma_wait3A_736 = tpu.memref_slice %arg9[%run_scoped3A_332, %dma_wait3A_734, %dma_wait3A_735] : memref<2x128x128xf32, #tpu.memory_space<vmem>> -> memref<1x128x128xf32, #tpu.memory_space<vmem>>
        %dma_wait3A_737 = tpu.memref_squeeze %dma_wait3A_736 : memref<1x128x128xf32, #tpu.memory_space<vmem>> -> memref<128x128xf32, #tpu.memory_space<vmem>>
        %dma_wait3A_738 = arith.constant 0 : i32
        %dma_wait3A_739 = tpu.memref_slice %arg8[%run_scoped3A_333, %run_scoped3A_334, %dma_wait3A_738] : memref<2x8x128xi32, #tpu.memory_space<vmem>> -> memref<1x1x128xi32, #tpu.memory_space<vmem>>
        %dma_wait3A_740 = tpu.memref_squeeze %dma_wait3A_739 : memref<1x1x128xi32, #tpu.memory_space<vmem>> -> memref<128xi32, #tpu.memory_space<vmem>>
        %dma_wait3A_741 = arith.constant 0 : i32
        %dma_wait3A_742 = arith.constant 0 : i32
        %dma_wait3A_743 = tpu.memref_slice %arg12[%dma_wait3A_741, %dma_wait3A_742] : memref<10240x128xf32, #tpu.memory_space<vmem_shared>> -> memref<10240x128xf32, #tpu.memory_space<vmem_shared>>
        tpu.wait_indirect_dma semaphore(%run_scoped3A_723 : memref<!tpu.dma_semaphore, #tpu.memory_space<semaphore_mem>>) src(%dma_wait3A_737 : memref<128x128xf32, #tpu.memory_space<vmem>>) dst(%dma_wait3A_743 : memref<10240x128xf32, #tpu.memory_space<vmem_shared>>)
        tpu.yield
      }) : () -> ()
      %run_scoped3A_335 = arith.constant 0 : i32
      %run_scoped3A_336 = arith.constant 4 : i32
      "tpu.region"() ({
        %run_scoped3A_723 = tpu.sem_alloc : memref<!tpu.dma_semaphore, #tpu.memory_space<semaphore_mem>>
        %dma_start3A_724 = arith.constant 0 : i32
        %dma_start3A_725 = tpu.memref_slice %arg8[%run_scoped3A_335, %run_scoped3A_336, %dma_start3A_724] : memref<2x8x128xi32, #tpu.memory_space<vmem>> -> memref<1x1x128xi32, #tpu.memory_space<vmem>>
        %dma_start3A_726 = tpu.memref_squeeze %dma_start3A_725 : memref<1x1x128xi32, #tpu.memory_space<vmem>> -> memref<128xi32, #tpu.memory_space<vmem>>
        %dma_start3A_727 = arith.constant 0 : i32
        %dma_start3A_728 = tpu.memref_slice %arg13[%dma_start3A_727] : memref<10240xf32, #tpu.memory_space<vmem_shared>> -> memref<10240xf32, #tpu.memory_space<vmem_shared>>
        tpu.enqueue_indirect_dma source(%arg10 : memref<128xf32, #tpu.memory_space<vmem>>) target(%dma_start3A_728 : memref<10240xf32, #tpu.memory_space<vmem_shared>>) offsets(%dma_start3A_726 : memref<128xi32, #tpu.memory_space<vmem>>) semaphore(%run_scoped3A_723 : memref<!tpu.dma_semaphore, #tpu.memory_space<semaphore_mem>>) {add = true}
        %dma_wait3A_729 = arith.constant 0 : i32
        %dma_wait3A_730 = tpu.memref_slice %arg8[%run_scoped3A_335, %run_scoped3A_336, %dma_wait3A_729] : memref<2x8x128xi32, #tpu.memory_space<vmem>> -> memref<1x1x128xi32, #tpu.memory_space<vmem>>
        %dma_wait3A_731 = tpu.memref_squeeze %dma_wait3A_730 : memref<1x1x128xi32, #tpu.memory_space<vmem>> -> memref<128xi32, #tpu.memory_space<vmem>>
        %dma_wait3A_732 = arith.constant 0 : i32
        %dma_wait3A_733 = tpu.memref_slice %arg13[%dma_wait3A_732] : memref<10240xf32, #tpu.memory_space<vmem_shared>> -> memref<10240xf32, #tpu.memory_space<vmem_shared>>
        tpu.wait_indirect_dma semaphore(%run_scoped3A_723 : memref<!tpu.dma_semaphore, #tpu.memory_space<semaphore_mem>>) src(%arg10 : memref<128xf32, #tpu.memory_space<vmem>>) dst(%dma_wait3A_733 : memref<10240xf32, #tpu.memory_space<vmem_shared>>)
        tpu.yield
      }) : () -> ()
      %dma_start3A_337 = arith.constant 0 : i32
      %dma_start3A_338 = arith.constant 6 : i32
      %dma_start3A_339 = arith.constant 0 : i32
      %dma_start3A_340 = arith.constant 0 : i32
      %dma_start3A_341 = arith.constant 0 : i32
      %dma_start3A_342 = tpu.memref_slice %arg9[%dma_start3A_339, %dma_start3A_340, %dma_start3A_341] : memref<2x128x128xf32, #tpu.memory_space<vmem>> -> memref<1x128x128xf32, #tpu.memory_space<vmem>>
      %dma_start3A_343 = tpu.memref_squeeze %dma_start3A_342 : memref<1x128x128xf32, #tpu.memory_space<vmem>> -> memref<128x128xf32, #tpu.memory_space<vmem>>
      %dma_start3A_344 = arith.constant 0 : i32
      %dma_start3A_345 = tpu.memref_slice %arg7[%dma_start3A_337, %dma_start3A_338, %dma_start3A_344] : memref<2x8x128xi32, #tpu.memory_space<vmem>> -> memref<1x1x128xi32, #tpu.memory_space<vmem>>
      %dma_start3A_346 = tpu.memref_squeeze %dma_start3A_345 : memref<1x1x128xi32, #tpu.memory_space<vmem>> -> memref<128xi32, #tpu.memory_space<vmem>>
      %dma_start3A_347 = arith.constant 0 : i32
      %dma_start3A_348 = arith.constant 0 : i32
      %dma_start3A_349 = tpu.memref_slice %arg4[%dma_start3A_347, %dma_start3A_348] : memref<20000x128xf32, #tpu.memory_space<hbm>> -> memref<20000x128xf32, #tpu.memory_space<hbm>>
      tpu.enqueue_indirect_dma source(%dma_start3A_349 : memref<20000x128xf32, #tpu.memory_space<hbm>>) target(%dma_start3A_343 : memref<128x128xf32, #tpu.memory_space<vmem>>) offsets(%dma_start3A_346 : memref<128xi32, #tpu.memory_space<vmem>>) semaphore(%arg16 : memref<!tpu.dma_semaphore, #tpu.memory_space<semaphore_mem>>)
      %dma_wait3A_350 = arith.constant 0 : i32
      %dma_wait3A_351 = arith.constant 5 : i32
      %dma_wait3A_352 = arith.constant 1 : i32
      %dma_wait3A_353 = arith.constant 0 : i32
      %dma_wait3A_354 = arith.constant 0 : i32
      %dma_wait3A_355 = tpu.memref_slice %arg9[%dma_wait3A_352, %dma_wait3A_353, %dma_wait3A_354] : memref<2x128x128xf32, #tpu.memory_space<vmem>> -> memref<1x128x128xf32, #tpu.memory_space<vmem>>
      %dma_wait3A_356 = tpu.memref_squeeze %dma_wait3A_355 : memref<1x128x128xf32, #tpu.memory_space<vmem>> -> memref<128x128xf32, #tpu.memory_space<vmem>>
      %dma_wait3A_357 = arith.constant 0 : i32
      %dma_wait3A_358 = tpu.memref_slice %arg7[%dma_wait3A_350, %dma_wait3A_351, %dma_wait3A_357] : memref<2x8x128xi32, #tpu.memory_space<vmem>> -> memref<1x1x128xi32, #tpu.memory_space<vmem>>
      %dma_wait3A_359 = tpu.memref_squeeze %dma_wait3A_358 : memref<1x1x128xi32, #tpu.memory_space<vmem>> -> memref<128xi32, #tpu.memory_space<vmem>>
      %dma_wait3A_360 = arith.constant 0 : i32
      %dma_wait3A_361 = arith.constant 0 : i32
      %dma_wait3A_362 = tpu.memref_slice %arg4[%dma_wait3A_360, %dma_wait3A_361] : memref<20000x128xf32, #tpu.memory_space<hbm>> -> memref<20000x128xf32, #tpu.memory_space<hbm>>
      tpu.wait_indirect_dma semaphore(%arg17 : memref<!tpu.dma_semaphore, #tpu.memory_space<semaphore_mem>>) src(%dma_wait3A_362 : memref<20000x128xf32, #tpu.memory_space<hbm>>) dst(%dma_wait3A_356 : memref<128x128xf32, #tpu.memory_space<vmem>>)
      %run_scoped3A_363 = arith.constant 1 : i32
      %run_scoped3A_364 = arith.constant 0 : i32
      %run_scoped3A_365 = arith.constant 5 : i32
      "tpu.region"() ({
        %run_scoped3A_723 = tpu.sem_alloc : memref<!tpu.dma_semaphore, #tpu.memory_space<semaphore_mem>>
        %dma_start3A_724 = arith.constant 0 : i32
        %dma_start3A_725 = arith.constant 0 : i32
        %dma_start3A_726 = tpu.memref_slice %arg9[%run_scoped3A_363, %dma_start3A_724, %dma_start3A_725] : memref<2x128x128xf32, #tpu.memory_space<vmem>> -> memref<1x128x128xf32, #tpu.memory_space<vmem>>
        %dma_start3A_727 = tpu.memref_squeeze %dma_start3A_726 : memref<1x128x128xf32, #tpu.memory_space<vmem>> -> memref<128x128xf32, #tpu.memory_space<vmem>>
        %dma_start3A_728 = arith.constant 0 : i32
        %dma_start3A_729 = tpu.memref_slice %arg8[%run_scoped3A_364, %run_scoped3A_365, %dma_start3A_728] : memref<2x8x128xi32, #tpu.memory_space<vmem>> -> memref<1x1x128xi32, #tpu.memory_space<vmem>>
        %dma_start3A_730 = tpu.memref_squeeze %dma_start3A_729 : memref<1x1x128xi32, #tpu.memory_space<vmem>> -> memref<128xi32, #tpu.memory_space<vmem>>
        %dma_start3A_731 = arith.constant 0 : i32
        %dma_start3A_732 = arith.constant 0 : i32
        %dma_start3A_733 = tpu.memref_slice %arg12[%dma_start3A_731, %dma_start3A_732] : memref<10240x128xf32, #tpu.memory_space<vmem_shared>> -> memref<10240x128xf32, #tpu.memory_space<vmem_shared>>
        tpu.enqueue_indirect_dma source(%dma_start3A_727 : memref<128x128xf32, #tpu.memory_space<vmem>>) target(%dma_start3A_733 : memref<10240x128xf32, #tpu.memory_space<vmem_shared>>) offsets(%dma_start3A_730 : memref<128xi32, #tpu.memory_space<vmem>>) semaphore(%run_scoped3A_723 : memref<!tpu.dma_semaphore, #tpu.memory_space<semaphore_mem>>) {add = true}
        %dma_wait3A_734 = arith.constant 0 : i32
        %dma_wait3A_735 = arith.constant 0 : i32
        %dma_wait3A_736 = tpu.memref_slice %arg9[%run_scoped3A_363, %dma_wait3A_734, %dma_wait3A_735] : memref<2x128x128xf32, #tpu.memory_space<vmem>> -> memref<1x128x128xf32, #tpu.memory_space<vmem>>
        %dma_wait3A_737 = tpu.memref_squeeze %dma_wait3A_736 : memref<1x128x128xf32, #tpu.memory_space<vmem>> -> memref<128x128xf32, #tpu.memory_space<vmem>>
        %dma_wait3A_738 = arith.constant 0 : i32
        %dma_wait3A_739 = tpu.memref_slice %arg8[%run_scoped3A_364, %run_scoped3A_365, %dma_wait3A_738] : memref<2x8x128xi32, #tpu.memory_space<vmem>> -> memref<1x1x128xi32, #tpu.memory_space<vmem>>
        %dma_wait3A_740 = tpu.memref_squeeze %dma_wait3A_739 : memref<1x1x128xi32, #tpu.memory_space<vmem>> -> memref<128xi32, #tpu.memory_space<vmem>>
        %dma_wait3A_741 = arith.constant 0 : i32
        %dma_wait3A_742 = arith.constant 0 : i32
        %dma_wait3A_743 = tpu.memref_slice %arg12[%dma_wait3A_741, %dma_wait3A_742] : memref<10240x128xf32, #tpu.memory_space<vmem_shared>> -> memref<10240x128xf32, #tpu.memory_space<vmem_shared>>
        tpu.wait_indirect_dma semaphore(%run_scoped3A_723 : memref<!tpu.dma_semaphore, #tpu.memory_space<semaphore_mem>>) src(%dma_wait3A_737 : memref<128x128xf32, #tpu.memory_space<vmem>>) dst(%dma_wait3A_743 : memref<10240x128xf32, #tpu.memory_space<vmem_shared>>)
        tpu.yield
      }) : () -> ()
      %run_scoped3A_366 = arith.constant 0 : i32
      %run_scoped3A_367 = arith.constant 5 : i32
      "tpu.region"() ({
        %run_scoped3A_723 = tpu.sem_alloc : memref<!tpu.dma_semaphore, #tpu.memory_space<semaphore_mem>>
        %dma_start3A_724 = arith.constant 0 : i32
        %dma_start3A_725 = tpu.memref_slice %arg8[%run_scoped3A_366, %run_scoped3A_367, %dma_start3A_724] : memref<2x8x128xi32, #tpu.memory_space<vmem>> -> memref<1x1x128xi32, #tpu.memory_space<vmem>>
        %dma_start3A_726 = tpu.memref_squeeze %dma_start3A_725 : memref<1x1x128xi32, #tpu.memory_space<vmem>> -> memref<128xi32, #tpu.memory_space<vmem>>
        %dma_start3A_727 = arith.constant 0 : i32
        %dma_start3A_728 = tpu.memref_slice %arg13[%dma_start3A_727] : memref<10240xf32, #tpu.memory_space<vmem_shared>> -> memref<10240xf32, #tpu.memory_space<vmem_shared>>
        tpu.enqueue_indirect_dma source(%arg10 : memref<128xf32, #tpu.memory_space<vmem>>) target(%dma_start3A_728 : memref<10240xf32, #tpu.memory_space<vmem_shared>>) offsets(%dma_start3A_726 : memref<128xi32, #tpu.memory_space<vmem>>) semaphore(%run_scoped3A_723 : memref<!tpu.dma_semaphore, #tpu.memory_space<semaphore_mem>>) {add = true}
        %dma_wait3A_729 = arith.constant 0 : i32
        %dma_wait3A_730 = tpu.memref_slice %arg8[%run_scoped3A_366, %run_scoped3A_367, %dma_wait3A_729] : memref<2x8x128xi32, #tpu.memory_space<vmem>> -> memref<1x1x128xi32, #tpu.memory_space<vmem>>
        %dma_wait3A_731 = tpu.memref_squeeze %dma_wait3A_730 : memref<1x1x128xi32, #tpu.memory_space<vmem>> -> memref<128xi32, #tpu.memory_space<vmem>>
        %dma_wait3A_732 = arith.constant 0 : i32
        %dma_wait3A_733 = tpu.memref_slice %arg13[%dma_wait3A_732] : memref<10240xf32, #tpu.memory_space<vmem_shared>> -> memref<10240xf32, #tpu.memory_space<vmem_shared>>
        tpu.wait_indirect_dma semaphore(%run_scoped3A_723 : memref<!tpu.dma_semaphore, #tpu.memory_space<semaphore_mem>>) src(%arg10 : memref<128xf32, #tpu.memory_space<vmem>>) dst(%dma_wait3A_733 : memref<10240xf32, #tpu.memory_space<vmem_shared>>)
        tpu.yield
      }) : () -> ()
      %dma_start3A_368 = arith.constant 0 : i32
      %dma_start3A_369 = arith.constant 7 : i32
      %dma_start3A_370 = arith.constant 1 : i32
      %dma_start3A_371 = arith.constant 0 : i32
      %dma_start3A_372 = arith.constant 0 : i32
      %dma_start3A_373 = tpu.memref_slice %arg9[%dma_start3A_370, %dma_start3A_371, %dma_start3A_372] : memref<2x128x128xf32, #tpu.memory_space<vmem>> -> memref<1x128x128xf32, #tpu.memory_space<vmem>>
      %dma_start3A_374 = tpu.memref_squeeze %dma_start3A_373 : memref<1x128x128xf32, #tpu.memory_space<vmem>> -> memref<128x128xf32, #tpu.memory_space<vmem>>
      %dma_start3A_375 = arith.constant 0 : i32
      %dma_start3A_376 = tpu.memref_slice %arg7[%dma_start3A_368, %dma_start3A_369, %dma_start3A_375] : memref<2x8x128xi32, #tpu.memory_space<vmem>> -> memref<1x1x128xi32, #tpu.memory_space<vmem>>
      %dma_start3A_377 = tpu.memref_squeeze %dma_start3A_376 : memref<1x1x128xi32, #tpu.memory_space<vmem>> -> memref<128xi32, #tpu.memory_space<vmem>>
      %dma_start3A_378 = arith.constant 0 : i32
      %dma_start3A_379 = arith.constant 0 : i32
      %dma_start3A_380 = tpu.memref_slice %arg4[%dma_start3A_378, %dma_start3A_379] : memref<20000x128xf32, #tpu.memory_space<hbm>> -> memref<20000x128xf32, #tpu.memory_space<hbm>>
      tpu.enqueue_indirect_dma source(%dma_start3A_380 : memref<20000x128xf32, #tpu.memory_space<hbm>>) target(%dma_start3A_374 : memref<128x128xf32, #tpu.memory_space<vmem>>) offsets(%dma_start3A_377 : memref<128xi32, #tpu.memory_space<vmem>>) semaphore(%arg17 : memref<!tpu.dma_semaphore, #tpu.memory_space<semaphore_mem>>)
      %dma_wait3A_381 = arith.constant 0 : i32
      %dma_wait3A_382 = arith.constant 6 : i32
      %dma_wait3A_383 = arith.constant 0 : i32
      %dma_wait3A_384 = arith.constant 0 : i32
      %dma_wait3A_385 = arith.constant 0 : i32
      %dma_wait3A_386 = tpu.memref_slice %arg9[%dma_wait3A_383, %dma_wait3A_384, %dma_wait3A_385] : memref<2x128x128xf32, #tpu.memory_space<vmem>> -> memref<1x128x128xf32, #tpu.memory_space<vmem>>
      %dma_wait3A_387 = tpu.memref_squeeze %dma_wait3A_386 : memref<1x128x128xf32, #tpu.memory_space<vmem>> -> memref<128x128xf32, #tpu.memory_space<vmem>>
      %dma_wait3A_388 = arith.constant 0 : i32
      %dma_wait3A_389 = tpu.memref_slice %arg7[%dma_wait3A_381, %dma_wait3A_382, %dma_wait3A_388] : memref<2x8x128xi32, #tpu.memory_space<vmem>> -> memref<1x1x128xi32, #tpu.memory_space<vmem>>
      %dma_wait3A_390 = tpu.memref_squeeze %dma_wait3A_389 : memref<1x1x128xi32, #tpu.memory_space<vmem>> -> memref<128xi32, #tpu.memory_space<vmem>>
      %dma_wait3A_391 = arith.constant 0 : i32
      %dma_wait3A_392 = arith.constant 0 : i32
      %dma_wait3A_393 = tpu.memref_slice %arg4[%dma_wait3A_391, %dma_wait3A_392] : memref<20000x128xf32, #tpu.memory_space<hbm>> -> memref<20000x128xf32, #tpu.memory_space<hbm>>
      tpu.wait_indirect_dma semaphore(%arg16 : memref<!tpu.dma_semaphore, #tpu.memory_space<semaphore_mem>>) src(%dma_wait3A_393 : memref<20000x128xf32, #tpu.memory_space<hbm>>) dst(%dma_wait3A_387 : memref<128x128xf32, #tpu.memory_space<vmem>>)
      %run_scoped3A_394 = arith.constant 0 : i32
      %run_scoped3A_395 = arith.constant 0 : i32
      %run_scoped3A_396 = arith.constant 6 : i32
      "tpu.region"() ({
        %run_scoped3A_723 = tpu.sem_alloc : memref<!tpu.dma_semaphore, #tpu.memory_space<semaphore_mem>>
        %dma_start3A_724 = arith.constant 0 : i32
        %dma_start3A_725 = arith.constant 0 : i32
        %dma_start3A_726 = tpu.memref_slice %arg9[%run_scoped3A_394, %dma_start3A_724, %dma_start3A_725] : memref<2x128x128xf32, #tpu.memory_space<vmem>> -> memref<1x128x128xf32, #tpu.memory_space<vmem>>
        %dma_start3A_727 = tpu.memref_squeeze %dma_start3A_726 : memref<1x128x128xf32, #tpu.memory_space<vmem>> -> memref<128x128xf32, #tpu.memory_space<vmem>>
        %dma_start3A_728 = arith.constant 0 : i32
        %dma_start3A_729 = tpu.memref_slice %arg8[%run_scoped3A_395, %run_scoped3A_396, %dma_start3A_728] : memref<2x8x128xi32, #tpu.memory_space<vmem>> -> memref<1x1x128xi32, #tpu.memory_space<vmem>>
        %dma_start3A_730 = tpu.memref_squeeze %dma_start3A_729 : memref<1x1x128xi32, #tpu.memory_space<vmem>> -> memref<128xi32, #tpu.memory_space<vmem>>
        %dma_start3A_731 = arith.constant 0 : i32
        %dma_start3A_732 = arith.constant 0 : i32
        %dma_start3A_733 = tpu.memref_slice %arg12[%dma_start3A_731, %dma_start3A_732] : memref<10240x128xf32, #tpu.memory_space<vmem_shared>> -> memref<10240x128xf32, #tpu.memory_space<vmem_shared>>
        tpu.enqueue_indirect_dma source(%dma_start3A_727 : memref<128x128xf32, #tpu.memory_space<vmem>>) target(%dma_start3A_733 : memref<10240x128xf32, #tpu.memory_space<vmem_shared>>) offsets(%dma_start3A_730 : memref<128xi32, #tpu.memory_space<vmem>>) semaphore(%run_scoped3A_723 : memref<!tpu.dma_semaphore, #tpu.memory_space<semaphore_mem>>) {add = true}
        %dma_wait3A_734 = arith.constant 0 : i32
        %dma_wait3A_735 = arith.constant 0 : i32
        %dma_wait3A_736 = tpu.memref_slice %arg9[%run_scoped3A_394, %dma_wait3A_734, %dma_wait3A_735] : memref<2x128x128xf32, #tpu.memory_space<vmem>> -> memref<1x128x128xf32, #tpu.memory_space<vmem>>
        %dma_wait3A_737 = tpu.memref_squeeze %dma_wait3A_736 : memref<1x128x128xf32, #tpu.memory_space<vmem>> -> memref<128x128xf32, #tpu.memory_space<vmem>>
        %dma_wait3A_738 = arith.constant 0 : i32
        %dma_wait3A_739 = tpu.memref_slice %arg8[%run_scoped3A_395, %run_scoped3A_396, %dma_wait3A_738] : memref<2x8x128xi32, #tpu.memory_space<vmem>> -> memref<1x1x128xi32, #tpu.memory_space<vmem>>
        %dma_wait3A_740 = tpu.memref_squeeze %dma_wait3A_739 : memref<1x1x128xi32, #tpu.memory_space<vmem>> -> memref<128xi32, #tpu.memory_space<vmem>>
        %dma_wait3A_741 = arith.constant 0 : i32
        %dma_wait3A_742 = arith.constant 0 : i32
        %dma_wait3A_743 = tpu.memref_slice %arg12[%dma_wait3A_741, %dma_wait3A_742] : memref<10240x128xf32, #tpu.memory_space<vmem_shared>> -> memref<10240x128xf32, #tpu.memory_space<vmem_shared>>
        tpu.wait_indirect_dma semaphore(%run_scoped3A_723 : memref<!tpu.dma_semaphore, #tpu.memory_space<semaphore_mem>>) src(%dma_wait3A_737 : memref<128x128xf32, #tpu.memory_space<vmem>>) dst(%dma_wait3A_743 : memref<10240x128xf32, #tpu.memory_space<vmem_shared>>)
        tpu.yield
      }) : () -> ()
      %run_scoped3A_397 = arith.constant 0 : i32
      %run_scoped3A_398 = arith.constant 6 : i32
      "tpu.region"() ({
        %run_scoped3A_723 = tpu.sem_alloc : memref<!tpu.dma_semaphore, #tpu.memory_space<semaphore_mem>>
        %dma_start3A_724 = arith.constant 0 : i32
        %dma_start3A_725 = tpu.memref_slice %arg8[%run_scoped3A_397, %run_scoped3A_398, %dma_start3A_724] : memref<2x8x128xi32, #tpu.memory_space<vmem>> -> memref<1x1x128xi32, #tpu.memory_space<vmem>>
        %dma_start3A_726 = tpu.memref_squeeze %dma_start3A_725 : memref<1x1x128xi32, #tpu.memory_space<vmem>> -> memref<128xi32, #tpu.memory_space<vmem>>
        %dma_start3A_727 = arith.constant 0 : i32
        %dma_start3A_728 = tpu.memref_slice %arg13[%dma_start3A_727] : memref<10240xf32, #tpu.memory_space<vmem_shared>> -> memref<10240xf32, #tpu.memory_space<vmem_shared>>
        tpu.enqueue_indirect_dma source(%arg10 : memref<128xf32, #tpu.memory_space<vmem>>) target(%dma_start3A_728 : memref<10240xf32, #tpu.memory_space<vmem_shared>>) offsets(%dma_start3A_726 : memref<128xi32, #tpu.memory_space<vmem>>) semaphore(%run_scoped3A_723 : memref<!tpu.dma_semaphore, #tpu.memory_space<semaphore_mem>>) {add = true}
        %dma_wait3A_729 = arith.constant 0 : i32
        %dma_wait3A_730 = tpu.memref_slice %arg8[%run_scoped3A_397, %run_scoped3A_398, %dma_wait3A_729] : memref<2x8x128xi32, #tpu.memory_space<vmem>> -> memref<1x1x128xi32, #tpu.memory_space<vmem>>
        %dma_wait3A_731 = tpu.memref_squeeze %dma_wait3A_730 : memref<1x1x128xi32, #tpu.memory_space<vmem>> -> memref<128xi32, #tpu.memory_space<vmem>>
        %dma_wait3A_732 = arith.constant 0 : i32
        %dma_wait3A_733 = tpu.memref_slice %arg13[%dma_wait3A_732] : memref<10240xf32, #tpu.memory_space<vmem_shared>> -> memref<10240xf32, #tpu.memory_space<vmem_shared>>
        tpu.wait_indirect_dma semaphore(%run_scoped3A_723 : memref<!tpu.dma_semaphore, #tpu.memory_space<semaphore_mem>>) src(%arg10 : memref<128xf32, #tpu.memory_space<vmem>>) dst(%dma_wait3A_733 : memref<10240xf32, #tpu.memory_space<vmem_shared>>)
        tpu.yield
      }) : () -> ()
      %mul3A_399 = arith.constant 2 : i32
      %mul3A_400 = arith.muli %mul3A_399, %scan3A_193 : i32
      %add3A_401 = arith.constant 1 : i32
      %add3A_402 = arith.addi %mul3A_400, %add3A_401 : i32
      %mul3A_403 = arith.constant 8 : i32
      %mul3A_404 = arith.muli %mul3A_403, %add3A_402 : i32
      %add3A_405 = arith.addi %mul3A_0, %mul3A_404 : i32
      %dma_wait3A_406 = arith.constant 1 : i32
      %dma_wait3A_407 = arith.constant 0 : i32
      %dma_wait3A_408 = arith.constant 0 : i32
      %dma_wait3A_409 = tpu.memref_slice %arg7[%dma_wait3A_406, %dma_wait3A_407, %dma_wait3A_408] : memref<2x8x128xi32, #tpu.memory_space<vmem>> -> memref<1x8x128xi32, #tpu.memory_space<vmem>>
      %dma_wait3A_410 = tpu.memref_squeeze %dma_wait3A_409 : memref<1x8x128xi32, #tpu.memory_space<vmem>> -> memref<8x128xi32, #tpu.memory_space<vmem>>
      %dma_wait3A_411 = arith.constant 0 : i32
      %dma_wait3A_412 = tpu.memref_slice %arg2[%arg0, %add3A_405, %dma_wait3A_411] : memref<2x2560x128xi32, #tpu.memory_space<hbm>> -> memref<1x8x128xi32, #tpu.memory_space<hbm>>
      %dma_wait3A_413 = tpu.memref_squeeze %dma_wait3A_412 : memref<1x8x128xi32, #tpu.memory_space<hbm>> -> memref<8x128xi32, #tpu.memory_space<hbm>>
      %dma_wait3A_414 = arith.constant 0 : i32
      %dma_wait3A_415 = arith.constant 0 : i32
      %dma_wait3A_416 = tpu.memref_slice %arg7[%dma_wait3A_406, %dma_wait3A_414, %dma_wait3A_415] : memref<2x8x128xi32, #tpu.memory_space<vmem>> -> memref<1x8x128xi32, #tpu.memory_space<vmem>>
      %dma_wait3A_417 = tpu.memref_squeeze %dma_wait3A_416 : memref<1x8x128xi32, #tpu.memory_space<vmem>> -> memref<8x128xi32, #tpu.memory_space<vmem>>
      %dma_wait3A_418 = arith.constant 0 : i32
      %dma_wait3A_419 = tpu.memref_slice %arg2[%arg0, %add3A_405, %dma_wait3A_418] : memref<2x2560x128xi32, #tpu.memory_space<hbm>> -> memref<1x8x128xi32, #tpu.memory_space<hbm>>
      %dma_wait3A_420 = tpu.memref_squeeze %dma_wait3A_419 : memref<1x8x128xi32, #tpu.memory_space<hbm>> -> memref<8x128xi32, #tpu.memory_space<hbm>>
      tpu.wait_dma2 semaphore(%arg15 : memref<!tpu.dma_semaphore, #tpu.memory_space<semaphore_mem>>) src(%dma_wait3A_420 : memref<8x128xi32, #tpu.memory_space<hbm>>) dst(%dma_wait3A_417 : memref<8x128xi32, #tpu.memory_space<vmem>>)
      %mul3A_421 = arith.constant 8 : i32
      %mul3A_422 = arith.muli %mul3A_421, %add3A_402 : i32
      %add3A_423 = arith.addi %mul3A_0, %mul3A_422 : i32
      %dma_wait3A_424 = arith.constant 1 : i32
      %dma_wait3A_425 = arith.constant 0 : i32
      %dma_wait3A_426 = arith.constant 0 : i32
      %dma_wait3A_427 = tpu.memref_slice %arg8[%dma_wait3A_424, %dma_wait3A_425, %dma_wait3A_426] : memref<2x8x128xi32, #tpu.memory_space<vmem>> -> memref<1x8x128xi32, #tpu.memory_space<vmem>>
      %dma_wait3A_428 = tpu.memref_squeeze %dma_wait3A_427 : memref<1x8x128xi32, #tpu.memory_space<vmem>> -> memref<8x128xi32, #tpu.memory_space<vmem>>
      %dma_wait3A_429 = arith.constant 0 : i32
      %dma_wait3A_430 = tpu.memref_slice %arg3[%arg0, %add3A_423, %dma_wait3A_429] : memref<2x2560x128xi32, #tpu.memory_space<hbm>> -> memref<1x8x128xi32, #tpu.memory_space<hbm>>
      %dma_wait3A_431 = tpu.memref_squeeze %dma_wait3A_430 : memref<1x8x128xi32, #tpu.memory_space<hbm>> -> memref<8x128xi32, #tpu.memory_space<hbm>>
      %dma_wait3A_432 = arith.constant 0 : i32
      %dma_wait3A_433 = arith.constant 0 : i32
      %dma_wait3A_434 = tpu.memref_slice %arg8[%dma_wait3A_424, %dma_wait3A_432, %dma_wait3A_433] : memref<2x8x128xi32, #tpu.memory_space<vmem>> -> memref<1x8x128xi32, #tpu.memory_space<vmem>>
      %dma_wait3A_435 = tpu.memref_squeeze %dma_wait3A_434 : memref<1x8x128xi32, #tpu.memory_space<vmem>> -> memref<8x128xi32, #tpu.memory_space<vmem>>
      %dma_wait3A_436 = arith.constant 0 : i32
      %dma_wait3A_437 = tpu.memref_slice %arg3[%arg0, %add3A_423, %dma_wait3A_436] : memref<2x2560x128xi32, #tpu.memory_space<hbm>> -> memref<1x8x128xi32, #tpu.memory_space<hbm>>
      %dma_wait3A_438 = tpu.memref_squeeze %dma_wait3A_437 : memref<1x8x128xi32, #tpu.memory_space<hbm>> -> memref<8x128xi32, #tpu.memory_space<hbm>>
      tpu.wait_dma2 semaphore(%arg15 : memref<!tpu.dma_semaphore, #tpu.memory_space<semaphore_mem>>) src(%dma_wait3A_438 : memref<8x128xi32, #tpu.memory_space<hbm>>) dst(%dma_wait3A_435 : memref<8x128xi32, #tpu.memory_space<vmem>>)
      %dma_start3A_439 = arith.constant 1 : i32
      %dma_start3A_440 = arith.constant 0 : i32
      %dma_start3A_441 = arith.constant 0 : i32
      %dma_start3A_442 = arith.constant 0 : i32
      %dma_start3A_443 = arith.constant 0 : i32
      %dma_start3A_444 = tpu.memref_slice %arg9[%dma_start3A_441, %dma_start3A_442, %dma_start3A_443] : memref<2x128x128xf32, #tpu.memory_space<vmem>> -> memref<1x128x128xf32, #tpu.memory_space<vmem>>
      %dma_start3A_445 = tpu.memref_squeeze %dma_start3A_444 : memref<1x128x128xf32, #tpu.memory_space<vmem>> -> memref<128x128xf32, #tpu.memory_space<vmem>>
      %dma_start3A_446 = arith.constant 0 : i32
      %dma_start3A_447 = tpu.memref_slice %arg7[%dma_start3A_439, %dma_start3A_440, %dma_start3A_446] : memref<2x8x128xi32, #tpu.memory_space<vmem>> -> memref<1x1x128xi32, #tpu.memory_space<vmem>>
      %dma_start3A_448 = tpu.memref_squeeze %dma_start3A_447 : memref<1x1x128xi32, #tpu.memory_space<vmem>> -> memref<128xi32, #tpu.memory_space<vmem>>
      %dma_start3A_449 = arith.constant 0 : i32
      %dma_start3A_450 = arith.constant 0 : i32
      %dma_start3A_451 = tpu.memref_slice %arg4[%dma_start3A_449, %dma_start3A_450] : memref<20000x128xf32, #tpu.memory_space<hbm>> -> memref<20000x128xf32, #tpu.memory_space<hbm>>
      tpu.enqueue_indirect_dma source(%dma_start3A_451 : memref<20000x128xf32, #tpu.memory_space<hbm>>) target(%dma_start3A_445 : memref<128x128xf32, #tpu.memory_space<vmem>>) offsets(%dma_start3A_448 : memref<128xi32, #tpu.memory_space<vmem>>) semaphore(%arg16 : memref<!tpu.dma_semaphore, #tpu.memory_space<semaphore_mem>>)
      %dma_wait3A_452 = arith.constant 0 : i32
      %dma_wait3A_453 = arith.constant 7 : i32
      %dma_wait3A_454 = arith.constant 1 : i32
      %dma_wait3A_455 = arith.constant 0 : i32
      %dma_wait3A_456 = arith.constant 0 : i32
      %dma_wait3A_457 = tpu.memref_slice %arg9[%dma_wait3A_454, %dma_wait3A_455, %dma_wait3A_456] : memref<2x128x128xf32, #tpu.memory_space<vmem>> -> memref<1x128x128xf32, #tpu.memory_space<vmem>>
      %dma_wait3A_458 = tpu.memref_squeeze %dma_wait3A_457 : memref<1x128x128xf32, #tpu.memory_space<vmem>> -> memref<128x128xf32, #tpu.memory_space<vmem>>
      %dma_wait3A_459 = arith.constant 0 : i32
      %dma_wait3A_460 = tpu.memref_slice %arg7[%dma_wait3A_452, %dma_wait3A_453, %dma_wait3A_459] : memref<2x8x128xi32, #tpu.memory_space<vmem>> -> memref<1x1x128xi32, #tpu.memory_space<vmem>>
      %dma_wait3A_461 = tpu.memref_squeeze %dma_wait3A_460 : memref<1x1x128xi32, #tpu.memory_space<vmem>> -> memref<128xi32, #tpu.memory_space<vmem>>
      %dma_wait3A_462 = arith.constant 0 : i32
      %dma_wait3A_463 = arith.constant 0 : i32
      %dma_wait3A_464 = tpu.memref_slice %arg4[%dma_wait3A_462, %dma_wait3A_463] : memref<20000x128xf32, #tpu.memory_space<hbm>> -> memref<20000x128xf32, #tpu.memory_space<hbm>>
      tpu.wait_indirect_dma semaphore(%arg17 : memref<!tpu.dma_semaphore, #tpu.memory_space<semaphore_mem>>) src(%dma_wait3A_464 : memref<20000x128xf32, #tpu.memory_space<hbm>>) dst(%dma_wait3A_458 : memref<128x128xf32, #tpu.memory_space<vmem>>)
      %run_scoped3A_465 = arith.constant 1 : i32
      %run_scoped3A_466 = arith.constant 0 : i32
      %run_scoped3A_467 = arith.constant 7 : i32
      "tpu.region"() ({
        %run_scoped3A_723 = tpu.sem_alloc : memref<!tpu.dma_semaphore, #tpu.memory_space<semaphore_mem>>
        %dma_start3A_724 = arith.constant 0 : i32
        %dma_start3A_725 = arith.constant 0 : i32
        %dma_start3A_726 = tpu.memref_slice %arg9[%run_scoped3A_465, %dma_start3A_724, %dma_start3A_725] : memref<2x128x128xf32, #tpu.memory_space<vmem>> -> memref<1x128x128xf32, #tpu.memory_space<vmem>>
        %dma_start3A_727 = tpu.memref_squeeze %dma_start3A_726 : memref<1x128x128xf32, #tpu.memory_space<vmem>> -> memref<128x128xf32, #tpu.memory_space<vmem>>
        %dma_start3A_728 = arith.constant 0 : i32
        %dma_start3A_729 = tpu.memref_slice %arg8[%run_scoped3A_466, %run_scoped3A_467, %dma_start3A_728] : memref<2x8x128xi32, #tpu.memory_space<vmem>> -> memref<1x1x128xi32, #tpu.memory_space<vmem>>
        %dma_start3A_730 = tpu.memref_squeeze %dma_start3A_729 : memref<1x1x128xi32, #tpu.memory_space<vmem>> -> memref<128xi32, #tpu.memory_space<vmem>>
        %dma_start3A_731 = arith.constant 0 : i32
        %dma_start3A_732 = arith.constant 0 : i32
        %dma_start3A_733 = tpu.memref_slice %arg12[%dma_start3A_731, %dma_start3A_732] : memref<10240x128xf32, #tpu.memory_space<vmem_shared>> -> memref<10240x128xf32, #tpu.memory_space<vmem_shared>>
        tpu.enqueue_indirect_dma source(%dma_start3A_727 : memref<128x128xf32, #tpu.memory_space<vmem>>) target(%dma_start3A_733 : memref<10240x128xf32, #tpu.memory_space<vmem_shared>>) offsets(%dma_start3A_730 : memref<128xi32, #tpu.memory_space<vmem>>) semaphore(%run_scoped3A_723 : memref<!tpu.dma_semaphore, #tpu.memory_space<semaphore_mem>>) {add = true}
        %dma_wait3A_734 = arith.constant 0 : i32
        %dma_wait3A_735 = arith.constant 0 : i32
        %dma_wait3A_736 = tpu.memref_slice %arg9[%run_scoped3A_465, %dma_wait3A_734, %dma_wait3A_735] : memref<2x128x128xf32, #tpu.memory_space<vmem>> -> memref<1x128x128xf32, #tpu.memory_space<vmem>>
        %dma_wait3A_737 = tpu.memref_squeeze %dma_wait3A_736 : memref<1x128x128xf32, #tpu.memory_space<vmem>> -> memref<128x128xf32, #tpu.memory_space<vmem>>
        %dma_wait3A_738 = arith.constant 0 : i32
        %dma_wait3A_739 = tpu.memref_slice %arg8[%run_scoped3A_466, %run_scoped3A_467, %dma_wait3A_738] : memref<2x8x128xi32, #tpu.memory_space<vmem>> -> memref<1x1x128xi32, #tpu.memory_space<vmem>>
        %dma_wait3A_740 = tpu.memref_squeeze %dma_wait3A_739 : memref<1x1x128xi32, #tpu.memory_space<vmem>> -> memref<128xi32, #tpu.memory_space<vmem>>
        %dma_wait3A_741 = arith.constant 0 : i32
        %dma_wait3A_742 = arith.constant 0 : i32
        %dma_wait3A_743 = tpu.memref_slice %arg12[%dma_wait3A_741, %dma_wait3A_742] : memref<10240x128xf32, #tpu.memory_space<vmem_shared>> -> memref<10240x128xf32, #tpu.memory_space<vmem_shared>>
        tpu.wait_indirect_dma semaphore(%run_scoped3A_723 : memref<!tpu.dma_semaphore, #tpu.memory_space<semaphore_mem>>) src(%dma_wait3A_737 : memref<128x128xf32, #tpu.memory_space<vmem>>) dst(%dma_wait3A_743 : memref<10240x128xf32, #tpu.memory_space<vmem_shared>>)
        tpu.yield
      }) : () -> ()
      %run_scoped3A_468 = arith.constant 0 : i32
      %run_scoped3A_469 = arith.constant 7 : i32
      "tpu.region"() ({
        %run_scoped3A_723 = tpu.sem_alloc : memref<!tpu.dma_semaphore, #tpu.memory_space<semaphore_mem>>
        %dma_start3A_724 = arith.constant 0 : i32
        %dma_start3A_725 = tpu.memref_slice %arg8[%run_scoped3A_468, %run_scoped3A_469, %dma_start3A_724] : memref<2x8x128xi32, #tpu.memory_space<vmem>> -> memref<1x1x128xi32, #tpu.memory_space<vmem>>
        %dma_start3A_726 = tpu.memref_squeeze %dma_start3A_725 : memref<1x1x128xi32, #tpu.memory_space<vmem>> -> memref<128xi32, #tpu.memory_space<vmem>>
        %dma_start3A_727 = arith.constant 0 : i32
        %dma_start3A_728 = tpu.memref_slice %arg13[%dma_start3A_727] : memref<10240xf32, #tpu.memory_space<vmem_shared>> -> memref<10240xf32, #tpu.memory_space<vmem_shared>>
        tpu.enqueue_indirect_dma source(%arg10 : memref<128xf32, #tpu.memory_space<vmem>>) target(%dma_start3A_728 : memref<10240xf32, #tpu.memory_space<vmem_shared>>) offsets(%dma_start3A_726 : memref<128xi32, #tpu.memory_space<vmem>>) semaphore(%run_scoped3A_723 : memref<!tpu.dma_semaphore, #tpu.memory_space<semaphore_mem>>) {add = true}
        %dma_wait3A_729 = arith.constant 0 : i32
        %dma_wait3A_730 = tpu.memref_slice %arg8[%run_scoped3A_468, %run_scoped3A_469, %dma_wait3A_729] : memref<2x8x128xi32, #tpu.memory_space<vmem>> -> memref<1x1x128xi32, #tpu.memory_space<vmem>>
        %dma_wait3A_731 = tpu.memref_squeeze %dma_wait3A_730 : memref<1x1x128xi32, #tpu.memory_space<vmem>> -> memref<128xi32, #tpu.memory_space<vmem>>
        %dma_wait3A_732 = arith.constant 0 : i32
        %dma_wait3A_733 = tpu.memref_slice %arg13[%dma_wait3A_732] : memref<10240xf32, #tpu.memory_space<vmem_shared>> -> memref<10240xf32, #tpu.memory_space<vmem_shared>>
        tpu.wait_indirect_dma semaphore(%run_scoped3A_723 : memref<!tpu.dma_semaphore, #tpu.memory_space<semaphore_mem>>) src(%arg10 : memref<128xf32, #tpu.memory_space<vmem>>) dst(%dma_wait3A_733 : memref<10240xf32, #tpu.memory_space<vmem_shared>>)
        tpu.yield
      }) : () -> ()
      %dma_start3A_470 = arith.constant 1 : i32
      %dma_start3A_471 = arith.constant 1 : i32
      %dma_start3A_472 = arith.constant 1 : i32
      %dma_start3A_473 = arith.constant 0 : i32
      %dma_start3A_474 = arith.constant 0 : i32
      %dma_start3A_475 = tpu.memref_slice %arg9[%dma_start3A_472, %dma_start3A_473, %dma_start3A_474] : memref<2x128x128xf32, #tpu.memory_space<vmem>> -> memref<1x128x128xf32, #tpu.memory_space<vmem>>
      %dma_start3A_476 = tpu.memref_squeeze %dma_start3A_475 : memref<1x128x128xf32, #tpu.memory_space<vmem>> -> memref<128x128xf32, #tpu.memory_space<vmem>>
      %dma_start3A_477 = arith.constant 0 : i32
      %dma_start3A_478 = tpu.memref_slice %arg7[%dma_start3A_470, %dma_start3A_471, %dma_start3A_477] : memref<2x8x128xi32, #tpu.memory_space<vmem>> -> memref<1x1x128xi32, #tpu.memory_space<vmem>>
      %dma_start3A_479 = tpu.memref_squeeze %dma_start3A_478 : memref<1x1x128xi32, #tpu.memory_space<vmem>> -> memref<128xi32, #tpu.memory_space<vmem>>
      %dma_start3A_480 = arith.constant 0 : i32
      %dma_start3A_481 = arith.constant 0 : i32
      %dma_start3A_482 = tpu.memref_slice %arg4[%dma_start3A_480, %dma_start3A_481] : memref<20000x128xf32, #tpu.memory_space<hbm>> -> memref<20000x128xf32, #tpu.memory_space<hbm>>
      tpu.enqueue_indirect_dma source(%dma_start3A_482 : memref<20000x128xf32, #tpu.memory_space<hbm>>) target(%dma_start3A_476 : memref<128x128xf32, #tpu.memory_space<vmem>>) offsets(%dma_start3A_479 : memref<128xi32, #tpu.memory_space<vmem>>) semaphore(%arg17 : memref<!tpu.dma_semaphore, #tpu.memory_space<semaphore_mem>>)
      %lt3A = arith.constant 9 : i32
      %lt3A_483 = arith.cmpi slt, %scan3A_193, %lt3A : i32
      %convert_element_type3A = arith.extui %lt3A_483 : i1 to i32
      %cond3A = arith.constant 0 : i32
      %cond3A_484 = arith.cmpi ne, %convert_element_type3A, %cond3A : i32
      scf.if %cond3A_484 {
        %mul3A_723 = arith.constant 2 : i32
        %mul3A_724 = arith.muli %mul3A_723, %scan3A_193 : i32
        %add3A_725 = arith.constant 0 : i32
        %add3A_726 = arith.addi %mul3A_724, %add3A_725 : i32
        %add3A_727 = arith.constant 2 : i32
        %add3A_728 = arith.addi %add3A_726, %add3A_727 : i32
        %mul3A_729 = arith.constant 8 : i32
        %mul3A_730 = arith.muli %mul3A_729, %add3A_728 : i32
        %add3A_731 = arith.addi %mul3A_0, %mul3A_730 : i32
        %dma_start3A_732 = arith.constant 0 : i32
        %dma_start3A_733 = arith.constant 0 : i32
        %dma_start3A_734 = arith.constant 0 : i32
        %dma_start3A_735 = tpu.memref_slice %arg7[%dma_start3A_732, %dma_start3A_733, %dma_start3A_734] : memref<2x8x128xi32, #tpu.memory_space<vmem>> -> memref<1x8x128xi32, #tpu.memory_space<vmem>>
        %dma_start3A_736 = tpu.memref_squeeze %dma_start3A_735 : memref<1x8x128xi32, #tpu.memory_space<vmem>> -> memref<8x128xi32, #tpu.memory_space<vmem>>
        %dma_start3A_737 = arith.constant 0 : i32
        %dma_start3A_738 = tpu.memref_slice %arg2[%arg0, %add3A_731, %dma_start3A_737] : memref<2x2560x128xi32, #tpu.memory_space<hbm>> -> memref<1x8x128xi32, #tpu.memory_space<hbm>>
        %dma_start3A_739 = tpu.memref_squeeze %dma_start3A_738 : memref<1x8x128xi32, #tpu.memory_space<hbm>> -> memref<8x128xi32, #tpu.memory_space<hbm>>
        %dma_start3A_740 = arith.constant 0 : i32
        %dma_start3A_741 = arith.constant 0 : i32
        %dma_start3A_742 = tpu.memref_slice %arg7[%dma_start3A_732, %dma_start3A_740, %dma_start3A_741] : memref<2x8x128xi32, #tpu.memory_space<vmem>> -> memref<1x8x128xi32, #tpu.memory_space<vmem>>
        %dma_start3A_743 = tpu.memref_squeeze %dma_start3A_742 : memref<1x8x128xi32, #tpu.memory_space<vmem>> -> memref<8x128xi32, #tpu.memory_space<vmem>>
        %dma_start3A_744 = arith.constant 0 : i32
        %dma_start3A_745 = tpu.memref_slice %arg2[%arg0, %add3A_731, %dma_start3A_744] : memref<2x2560x128xi32, #tpu.memory_space<hbm>> -> memref<1x8x128xi32, #tpu.memory_space<hbm>>
        %dma_start3A_746 = tpu.memref_squeeze %dma_start3A_745 : memref<1x8x128xi32, #tpu.memory_space<hbm>> -> memref<8x128xi32, #tpu.memory_space<hbm>>
        tpu.enqueue_dma source(%dma_start3A_746 : memref<8x128xi32, #tpu.memory_space<hbm>>) target(%dma_start3A_743 : memref<8x128xi32, #tpu.memory_space<vmem>>) target_semaphore(%arg14 : memref<!tpu.dma_semaphore, #tpu.memory_space<semaphore_mem>>)
        %mul3A_747 = arith.constant 8 : i32
        %mul3A_748 = arith.muli %mul3A_747, %add3A_728 : i32
        %add3A_749 = arith.addi %mul3A_0, %mul3A_748 : i32
        %dma_start3A_750 = arith.constant 0 : i32
        %dma_start3A_751 = arith.constant 0 : i32
        %dma_start3A_752 = arith.constant 0 : i32
        %dma_start3A_753 = tpu.memref_slice %arg8[%dma_start3A_750, %dma_start3A_751, %dma_start3A_752] : memref<2x8x128xi32, #tpu.memory_space<vmem>> -> memref<1x8x128xi32, #tpu.memory_space<vmem>>
        %dma_start3A_754 = tpu.memref_squeeze %dma_start3A_753 : memref<1x8x128xi32, #tpu.memory_space<vmem>> -> memref<8x128xi32, #tpu.memory_space<vmem>>
        %dma_start3A_755 = arith.constant 0 : i32
        %dma_start3A_756 = tpu.memref_slice %arg3[%arg0, %add3A_749, %dma_start3A_755] : memref<2x2560x128xi32, #tpu.memory_space<hbm>> -> memref<1x8x128xi32, #tpu.memory_space<hbm>>
        %dma_start3A_757 = tpu.memref_squeeze %dma_start3A_756 : memref<1x8x128xi32, #tpu.memory_space<hbm>> -> memref<8x128xi32, #tpu.memory_space<hbm>>
        %dma_start3A_758 = arith.constant 0 : i32
        %dma_start3A_759 = arith.constant 0 : i32
        %dma_start3A_760 = tpu.memref_slice %arg8[%dma_start3A_750, %dma_start3A_758, %dma_start3A_759] : memref<2x8x128xi32, #tpu.memory_space<vmem>> -> memref<1x8x128xi32, #tpu.memory_space<vmem>>
        %dma_start3A_761 = tpu.memref_squeeze %dma_start3A_760 : memref<1x8x128xi32, #tpu.memory_space<vmem>> -> memref<8x128xi32, #tpu.memory_space<vmem>>
        %dma_start3A_762 = arith.constant 0 : i32
        %dma_start3A_763 = tpu.memref_slice %arg3[%arg0, %add3A_749, %dma_start3A_762] : memref<2x2560x128xi32, #tpu.memory_space<hbm>> -> memref<1x8x128xi32, #tpu.memory_space<hbm>>
        %dma_start3A_764 = tpu.memref_squeeze %dma_start3A_763 : memref<1x8x128xi32, #tpu.memory_space<hbm>> -> memref<8x128xi32, #tpu.memory_space<hbm>>
        tpu.enqueue_dma source(%dma_start3A_764 : memref<8x128xi32, #tpu.memory_space<hbm>>) target(%dma_start3A_761 : memref<8x128xi32, #tpu.memory_space<vmem>>) target_semaphore(%arg14 : memref<!tpu.dma_semaphore, #tpu.memory_space<semaphore_mem>>)
      } else {
      }
      %dma_wait3A_485 = arith.constant 1 : i32
      %dma_wait3A_486 = arith.constant 0 : i32
      %dma_wait3A_487 = arith.constant 0 : i32
      %dma_wait3A_488 = arith.constant 0 : i32
      %dma_wait3A_489 = arith.constant 0 : i32
      %dma_wait3A_490 = tpu.memref_slice %arg9[%dma_wait3A_487, %dma_wait3A_488, %dma_wait3A_489] : memref<2x128x128xf32, #tpu.memory_space<vmem>> -> memref<1x128x128xf32, #tpu.memory_space<vmem>>
      %dma_wait3A_491 = tpu.memref_squeeze %dma_wait3A_490 : memref<1x128x128xf32, #tpu.memory_space<vmem>> -> memref<128x128xf32, #tpu.memory_space<vmem>>
      %dma_wait3A_492 = arith.constant 0 : i32
      %dma_wait3A_493 = tpu.memref_slice %arg7[%dma_wait3A_485, %dma_wait3A_486, %dma_wait3A_492] : memref<2x8x128xi32, #tpu.memory_space<vmem>> -> memref<1x1x128xi32, #tpu.memory_space<vmem>>
      %dma_wait3A_494 = tpu.memref_squeeze %dma_wait3A_493 : memref<1x1x128xi32, #tpu.memory_space<vmem>> -> memref<128xi32, #tpu.memory_space<vmem>>
      %dma_wait3A_495 = arith.constant 0 : i32
      %dma_wait3A_496 = arith.constant 0 : i32
      %dma_wait3A_497 = tpu.memref_slice %arg4[%dma_wait3A_495, %dma_wait3A_496] : memref<20000x128xf32, #tpu.memory_space<hbm>> -> memref<20000x128xf32, #tpu.memory_space<hbm>>
      tpu.wait_indirect_dma semaphore(%arg16 : memref<!tpu.dma_semaphore, #tpu.memory_space<semaphore_mem>>) src(%dma_wait3A_497 : memref<20000x128xf32, #tpu.memory_space<hbm>>) dst(%dma_wait3A_491 : memref<128x128xf32, #tpu.memory_space<vmem>>)
      %run_scoped3A_498 = arith.constant 0 : i32
      %run_scoped3A_499 = arith.constant 1 : i32
      %run_scoped3A_500 = arith.constant 0 : i32
      "tpu.region"() ({
        %run_scoped3A_723 = tpu.sem_alloc : memref<!tpu.dma_semaphore, #tpu.memory_space<semaphore_mem>>
        %dma_start3A_724 = arith.constant 0 : i32
        %dma_start3A_725 = arith.constant 0 : i32
        %dma_start3A_726 = tpu.memref_slice %arg9[%run_scoped3A_498, %dma_start3A_724, %dma_start3A_725] : memref<2x128x128xf32, #tpu.memory_space<vmem>> -> memref<1x128x128xf32, #tpu.memory_space<vmem>>
        %dma_start3A_727 = tpu.memref_squeeze %dma_start3A_726 : memref<1x128x128xf32, #tpu.memory_space<vmem>> -> memref<128x128xf32, #tpu.memory_space<vmem>>
        %dma_start3A_728 = arith.constant 0 : i32
        %dma_start3A_729 = tpu.memref_slice %arg8[%run_scoped3A_499, %run_scoped3A_500, %dma_start3A_728] : memref<2x8x128xi32, #tpu.memory_space<vmem>> -> memref<1x1x128xi32, #tpu.memory_space<vmem>>
        %dma_start3A_730 = tpu.memref_squeeze %dma_start3A_729 : memref<1x1x128xi32, #tpu.memory_space<vmem>> -> memref<128xi32, #tpu.memory_space<vmem>>
        %dma_start3A_731 = arith.constant 0 : i32
        %dma_start3A_732 = arith.constant 0 : i32
        %dma_start3A_733 = tpu.memref_slice %arg12[%dma_start3A_731, %dma_start3A_732] : memref<10240x128xf32, #tpu.memory_space<vmem_shared>> -> memref<10240x128xf32, #tpu.memory_space<vmem_shared>>
        tpu.enqueue_indirect_dma source(%dma_start3A_727 : memref<128x128xf32, #tpu.memory_space<vmem>>) target(%dma_start3A_733 : memref<10240x128xf32, #tpu.memory_space<vmem_shared>>) offsets(%dma_start3A_730 : memref<128xi32, #tpu.memory_space<vmem>>) semaphore(%run_scoped3A_723 : memref<!tpu.dma_semaphore, #tpu.memory_space<semaphore_mem>>) {add = true}
        %dma_wait3A_734 = arith.constant 0 : i32
        %dma_wait3A_735 = arith.constant 0 : i32
        %dma_wait3A_736 = tpu.memref_slice %arg9[%run_scoped3A_498, %dma_wait3A_734, %dma_wait3A_735] : memref<2x128x128xf32, #tpu.memory_space<vmem>> -> memref<1x128x128xf32, #tpu.memory_space<vmem>>
        %dma_wait3A_737 = tpu.memref_squeeze %dma_wait3A_736 : memref<1x128x128xf32, #tpu.memory_space<vmem>> -> memref<128x128xf32, #tpu.memory_space<vmem>>
        %dma_wait3A_738 = arith.constant 0 : i32
        %dma_wait3A_739 = tpu.memref_slice %arg8[%run_scoped3A_499, %run_scoped3A_500, %dma_wait3A_738] : memref<2x8x128xi32, #tpu.memory_space<vmem>> -> memref<1x1x128xi32, #tpu.memory_space<vmem>>
        %dma_wait3A_740 = tpu.memref_squeeze %dma_wait3A_739 : memref<1x1x128xi32, #tpu.memory_space<vmem>> -> memref<128xi32, #tpu.memory_space<vmem>>
        %dma_wait3A_741 = arith.constant 0 : i32
        %dma_wait3A_742 = arith.constant 0 : i32
        %dma_wait3A_743 = tpu.memref_slice %arg12[%dma_wait3A_741, %dma_wait3A_742] : memref<10240x128xf32, #tpu.memory_space<vmem_shared>> -> memref<10240x128xf32, #tpu.memory_space<vmem_shared>>
        tpu.wait_indirect_dma semaphore(%run_scoped3A_723 : memref<!tpu.dma_semaphore, #tpu.memory_space<semaphore_mem>>) src(%dma_wait3A_737 : memref<128x128xf32, #tpu.memory_space<vmem>>) dst(%dma_wait3A_743 : memref<10240x128xf32, #tpu.memory_space<vmem_shared>>)
        tpu.yield
      }) : () -> ()
      %run_scoped3A_501 = arith.constant 1 : i32
      %run_scoped3A_502 = arith.constant 0 : i32
      "tpu.region"() ({
        %run_scoped3A_723 = tpu.sem_alloc : memref<!tpu.dma_semaphore, #tpu.memory_space<semaphore_mem>>
        %dma_start3A_724 = arith.constant 0 : i32
        %dma_start3A_725 = tpu.memref_slice %arg8[%run_scoped3A_501, %run_scoped3A_502, %dma_start3A_724] : memref<2x8x128xi32, #tpu.memory_space<vmem>> -> memref<1x1x128xi32, #tpu.memory_space<vmem>>
        %dma_start3A_726 = tpu.memref_squeeze %dma_start3A_725 : memref<1x1x128xi32, #tpu.memory_space<vmem>> -> memref<128xi32, #tpu.memory_space<vmem>>
        %dma_start3A_727 = arith.constant 0 : i32
        %dma_start3A_728 = tpu.memref_slice %arg13[%dma_start3A_727] : memref<10240xf32, #tpu.memory_space<vmem_shared>> -> memref<10240xf32, #tpu.memory_space<vmem_shared>>
        tpu.enqueue_indirect_dma source(%arg10 : memref<128xf32, #tpu.memory_space<vmem>>) target(%dma_start3A_728 : memref<10240xf32, #tpu.memory_space<vmem_shared>>) offsets(%dma_start3A_726 : memref<128xi32, #tpu.memory_space<vmem>>) semaphore(%run_scoped3A_723 : memref<!tpu.dma_semaphore, #tpu.memory_space<semaphore_mem>>) {add = true}
        %dma_wait3A_729 = arith.constant 0 : i32
        %dma_wait3A_730 = tpu.memref_slice %arg8[%run_scoped3A_501, %run_scoped3A_502, %dma_wait3A_729] : memref<2x8x128xi32, #tpu.memory_space<vmem>> -> memref<1x1x128xi32, #tpu.memory_space<vmem>>
        %dma_wait3A_731 = tpu.memref_squeeze %dma_wait3A_730 : memref<1x1x128xi32, #tpu.memory_space<vmem>> -> memref<128xi32, #tpu.memory_space<vmem>>
        %dma_wait3A_732 = arith.constant 0 : i32
        %dma_wait3A_733 = tpu.memref_slice %arg13[%dma_wait3A_732] : memref<10240xf32, #tpu.memory_space<vmem_shared>> -> memref<10240xf32, #tpu.memory_space<vmem_shared>>
        tpu.wait_indirect_dma semaphore(%run_scoped3A_723 : memref<!tpu.dma_semaphore, #tpu.memory_space<semaphore_mem>>) src(%arg10 : memref<128xf32, #tpu.memory_space<vmem>>) dst(%dma_wait3A_733 : memref<10240xf32, #tpu.memory_space<vmem_shared>>)
        tpu.yield
      }) : () -> ()
      %dma_start3A_503 = arith.constant 1 : i32
      %dma_start3A_504 = arith.constant 2 : i32
      %dma_start3A_505 = arith.constant 0 : i32
      %dma_start3A_506 = arith.constant 0 : i32
      %dma_start3A_507 = arith.constant 0 : i32
      %dma_start3A_508 = tpu.memref_slice %arg9[%dma_start3A_505, %dma_start3A_506, %dma_start3A_507] : memref<2x128x128xf32, #tpu.memory_space<vmem>> -> memref<1x128x128xf32, #tpu.memory_space<vmem>>
      %dma_start3A_509 = tpu.memref_squeeze %dma_start3A_508 : memref<1x128x128xf32, #tpu.memory_space<vmem>> -> memref<128x128xf32, #tpu.memory_space<vmem>>
      %dma_start3A_510 = arith.constant 0 : i32
      %dma_start3A_511 = tpu.memref_slice %arg7[%dma_start3A_503, %dma_start3A_504, %dma_start3A_510] : memref<2x8x128xi32, #tpu.memory_space<vmem>> -> memref<1x1x128xi32, #tpu.memory_space<vmem>>
      %dma_start3A_512 = tpu.memref_squeeze %dma_start3A_511 : memref<1x1x128xi32, #tpu.memory_space<vmem>> -> memref<128xi32, #tpu.memory_space<vmem>>
      %dma_start3A_513 = arith.constant 0 : i32
      %dma_start3A_514 = arith.constant 0 : i32
      %dma_start3A_515 = tpu.memref_slice %arg4[%dma_start3A_513, %dma_start3A_514] : memref<20000x128xf32, #tpu.memory_space<hbm>> -> memref<20000x128xf32, #tpu.memory_space<hbm>>
      tpu.enqueue_indirect_dma source(%dma_start3A_515 : memref<20000x128xf32, #tpu.memory_space<hbm>>) target(%dma_start3A_509 : memref<128x128xf32, #tpu.memory_space<vmem>>) offsets(%dma_start3A_512 : memref<128xi32, #tpu.memory_space<vmem>>) semaphore(%arg16 : memref<!tpu.dma_semaphore, #tpu.memory_space<semaphore_mem>>)
      %dma_wait3A_516 = arith.constant 1 : i32
      %dma_wait3A_517 = arith.constant 1 : i32
      %dma_wait3A_518 = arith.constant 1 : i32
      %dma_wait3A_519 = arith.constant 0 : i32
      %dma_wait3A_520 = arith.constant 0 : i32
      %dma_wait3A_521 = tpu.memref_slice %arg9[%dma_wait3A_518, %dma_wait3A_519, %dma_wait3A_520] : memref<2x128x128xf32, #tpu.memory_space<vmem>> -> memref<1x128x128xf32, #tpu.memory_space<vmem>>
      %dma_wait3A_522 = tpu.memref_squeeze %dma_wait3A_521 : memref<1x128x128xf32, #tpu.memory_space<vmem>> -> memref<128x128xf32, #tpu.memory_space<vmem>>
      %dma_wait3A_523 = arith.constant 0 : i32
      %dma_wait3A_524 = tpu.memref_slice %arg7[%dma_wait3A_516, %dma_wait3A_517, %dma_wait3A_523] : memref<2x8x128xi32, #tpu.memory_space<vmem>> -> memref<1x1x128xi32, #tpu.memory_space<vmem>>
      %dma_wait3A_525 = tpu.memref_squeeze %dma_wait3A_524 : memref<1x1x128xi32, #tpu.memory_space<vmem>> -> memref<128xi32, #tpu.memory_space<vmem>>
      %dma_wait3A_526 = arith.constant 0 : i32
      %dma_wait3A_527 = arith.constant 0 : i32
      %dma_wait3A_528 = tpu.memref_slice %arg4[%dma_wait3A_526, %dma_wait3A_527] : memref<20000x128xf32, #tpu.memory_space<hbm>> -> memref<20000x128xf32, #tpu.memory_space<hbm>>
      tpu.wait_indirect_dma semaphore(%arg17 : memref<!tpu.dma_semaphore, #tpu.memory_space<semaphore_mem>>) src(%dma_wait3A_528 : memref<20000x128xf32, #tpu.memory_space<hbm>>) dst(%dma_wait3A_522 : memref<128x128xf32, #tpu.memory_space<vmem>>)
      %run_scoped3A_529 = arith.constant 1 : i32
      %run_scoped3A_530 = arith.constant 1 : i32
      %run_scoped3A_531 = arith.constant 1 : i32
      "tpu.region"() ({
        %run_scoped3A_723 = tpu.sem_alloc : memref<!tpu.dma_semaphore, #tpu.memory_space<semaphore_mem>>
        %dma_start3A_724 = arith.constant 0 : i32
        %dma_start3A_725 = arith.constant 0 : i32
        %dma_start3A_726 = tpu.memref_slice %arg9[%run_scoped3A_529, %dma_start3A_724, %dma_start3A_725] : memref<2x128x128xf32, #tpu.memory_space<vmem>> -> memref<1x128x128xf32, #tpu.memory_space<vmem>>
        %dma_start3A_727 = tpu.memref_squeeze %dma_start3A_726 : memref<1x128x128xf32, #tpu.memory_space<vmem>> -> memref<128x128xf32, #tpu.memory_space<vmem>>
        %dma_start3A_728 = arith.constant 0 : i32
        %dma_start3A_729 = tpu.memref_slice %arg8[%run_scoped3A_530, %run_scoped3A_531, %dma_start3A_728] : memref<2x8x128xi32, #tpu.memory_space<vmem>> -> memref<1x1x128xi32, #tpu.memory_space<vmem>>
        %dma_start3A_730 = tpu.memref_squeeze %dma_start3A_729 : memref<1x1x128xi32, #tpu.memory_space<vmem>> -> memref<128xi32, #tpu.memory_space<vmem>>
        %dma_start3A_731 = arith.constant 0 : i32
        %dma_start3A_732 = arith.constant 0 : i32
        %dma_start3A_733 = tpu.memref_slice %arg12[%dma_start3A_731, %dma_start3A_732] : memref<10240x128xf32, #tpu.memory_space<vmem_shared>> -> memref<10240x128xf32, #tpu.memory_space<vmem_shared>>
        tpu.enqueue_indirect_dma source(%dma_start3A_727 : memref<128x128xf32, #tpu.memory_space<vmem>>) target(%dma_start3A_733 : memref<10240x128xf32, #tpu.memory_space<vmem_shared>>) offsets(%dma_start3A_730 : memref<128xi32, #tpu.memory_space<vmem>>) semaphore(%run_scoped3A_723 : memref<!tpu.dma_semaphore, #tpu.memory_space<semaphore_mem>>) {add = true}
        %dma_wait3A_734 = arith.constant 0 : i32
        %dma_wait3A_735 = arith.constant 0 : i32
        %dma_wait3A_736 = tpu.memref_slice %arg9[%run_scoped3A_529, %dma_wait3A_734, %dma_wait3A_735] : memref<2x128x128xf32, #tpu.memory_space<vmem>> -> memref<1x128x128xf32, #tpu.memory_space<vmem>>
        %dma_wait3A_737 = tpu.memref_squeeze %dma_wait3A_736 : memref<1x128x128xf32, #tpu.memory_space<vmem>> -> memref<128x128xf32, #tpu.memory_space<vmem>>
        %dma_wait3A_738 = arith.constant 0 : i32
        %dma_wait3A_739 = tpu.memref_slice %arg8[%run_scoped3A_530, %run_scoped3A_531, %dma_wait3A_738] : memref<2x8x128xi32, #tpu.memory_space<vmem>> -> memref<1x1x128xi32, #tpu.memory_space<vmem>>
        %dma_wait3A_740 = tpu.memref_squeeze %dma_wait3A_739 : memref<1x1x128xi32, #tpu.memory_space<vmem>> -> memref<128xi32, #tpu.memory_space<vmem>>
        %dma_wait3A_741 = arith.constant 0 : i32
        %dma_wait3A_742 = arith.constant 0 : i32
        %dma_wait3A_743 = tpu.memref_slice %arg12[%dma_wait3A_741, %dma_wait3A_742] : memref<10240x128xf32, #tpu.memory_space<vmem_shared>> -> memref<10240x128xf32, #tpu.memory_space<vmem_shared>>
        tpu.wait_indirect_dma semaphore(%run_scoped3A_723 : memref<!tpu.dma_semaphore, #tpu.memory_space<semaphore_mem>>) src(%dma_wait3A_737 : memref<128x128xf32, #tpu.memory_space<vmem>>) dst(%dma_wait3A_743 : memref<10240x128xf32, #tpu.memory_space<vmem_shared>>)
        tpu.yield
      }) : () -> ()
      %run_scoped3A_532 = arith.constant 1 : i32
      %run_scoped3A_533 = arith.constant 1 : i32
      "tpu.region"() ({
        %run_scoped3A_723 = tpu.sem_alloc : memref<!tpu.dma_semaphore, #tpu.memory_space<semaphore_mem>>
        %dma_start3A_724 = arith.constant 0 : i32
        %dma_start3A_725 = tpu.memref_slice %arg8[%run_scoped3A_532, %run_scoped3A_533, %dma_start3A_724] : memref<2x8x128xi32, #tpu.memory_space<vmem>> -> memref<1x1x128xi32, #tpu.memory_space<vmem>>
        %dma_start3A_726 = tpu.memref_squeeze %dma_start3A_725 : memref<1x1x128xi32, #tpu.memory_space<vmem>> -> memref<128xi32, #tpu.memory_space<vmem>>
        %dma_start3A_727 = arith.constant 0 : i32
        %dma_start3A_728 = tpu.memref_slice %arg13[%dma_start3A_727] : memref<10240xf32, #tpu.memory_space<vmem_shared>> -> memref<10240xf32, #tpu.memory_space<vmem_shared>>
        tpu.enqueue_indirect_dma source(%arg10 : memref<128xf32, #tpu.memory_space<vmem>>) target(%dma_start3A_728 : memref<10240xf32, #tpu.memory_space<vmem_shared>>) offsets(%dma_start3A_726 : memref<128xi32, #tpu.memory_space<vmem>>) semaphore(%run_scoped3A_723 : memref<!tpu.dma_semaphore, #tpu.memory_space<semaphore_mem>>) {add = true}
        %dma_wait3A_729 = arith.constant 0 : i32
        %dma_wait3A_730 = tpu.memref_slice %arg8[%run_scoped3A_532, %run_scoped3A_533, %dma_wait3A_729] : memref<2x8x128xi32, #tpu.memory_space<vmem>> -> memref<1x1x128xi32, #tpu.memory_space<vmem>>
        %dma_wait3A_731 = tpu.memref_squeeze %dma_wait3A_730 : memref<1x1x128xi32, #tpu.memory_space<vmem>> -> memref<128xi32, #tpu.memory_space<vmem>>
        %dma_wait3A_732 = arith.constant 0 : i32
        %dma_wait3A_733 = tpu.memref_slice %arg13[%dma_wait3A_732] : memref<10240xf32, #tpu.memory_space<vmem_shared>> -> memref<10240xf32, #tpu.memory_space<vmem_shared>>
        tpu.wait_indirect_dma semaphore(%run_scoped3A_723 : memref<!tpu.dma_semaphore, #tpu.memory_space<semaphore_mem>>) src(%arg10 : memref<128xf32, #tpu.memory_space<vmem>>) dst(%dma_wait3A_733 : memref<10240xf32, #tpu.memory_space<vmem_shared>>)
        tpu.yield
      }) : () -> ()
      %dma_start3A_534 = arith.constant 1 : i32
      %dma_start3A_535 = arith.constant 3 : i32
      %dma_start3A_536 = arith.constant 1 : i32
      %dma_start3A_537 = arith.constant 0 : i32
      %dma_start3A_538 = arith.constant 0 : i32
      %dma_start3A_539 = tpu.memref_slice %arg9[%dma_start3A_536, %dma_start3A_537, %dma_start3A_538] : memref<2x128x128xf32, #tpu.memory_space<vmem>> -> memref<1x128x128xf32, #tpu.memory_space<vmem>>
      %dma_start3A_540 = tpu.memref_squeeze %dma_start3A_539 : memref<1x128x128xf32, #tpu.memory_space<vmem>> -> memref<128x128xf32, #tpu.memory_space<vmem>>
      %dma_start3A_541 = arith.constant 0 : i32
      %dma_start3A_542 = tpu.memref_slice %arg7[%dma_start3A_534, %dma_start3A_535, %dma_start3A_541] : memref<2x8x128xi32, #tpu.memory_space<vmem>> -> memref<1x1x128xi32, #tpu.memory_space<vmem>>
      %dma_start3A_543 = tpu.memref_squeeze %dma_start3A_542 : memref<1x1x128xi32, #tpu.memory_space<vmem>> -> memref<128xi32, #tpu.memory_space<vmem>>
      %dma_start3A_544 = arith.constant 0 : i32
      %dma_start3A_545 = arith.constant 0 : i32
      %dma_start3A_546 = tpu.memref_slice %arg4[%dma_start3A_544, %dma_start3A_545] : memref<20000x128xf32, #tpu.memory_space<hbm>> -> memref<20000x128xf32, #tpu.memory_space<hbm>>
      tpu.enqueue_indirect_dma source(%dma_start3A_546 : memref<20000x128xf32, #tpu.memory_space<hbm>>) target(%dma_start3A_540 : memref<128x128xf32, #tpu.memory_space<vmem>>) offsets(%dma_start3A_543 : memref<128xi32, #tpu.memory_space<vmem>>) semaphore(%arg17 : memref<!tpu.dma_semaphore, #tpu.memory_space<semaphore_mem>>)
      %dma_wait3A_547 = arith.constant 1 : i32
      %dma_wait3A_548 = arith.constant 2 : i32
      %dma_wait3A_549 = arith.constant 0 : i32
      %dma_wait3A_550 = arith.constant 0 : i32
      %dma_wait3A_551 = arith.constant 0 : i32
      %dma_wait3A_552 = tpu.memref_slice %arg9[%dma_wait3A_549, %dma_wait3A_550, %dma_wait3A_551] : memref<2x128x128xf32, #tpu.memory_space<vmem>> -> memref<1x128x128xf32, #tpu.memory_space<vmem>>
      %dma_wait3A_553 = tpu.memref_squeeze %dma_wait3A_552 : memref<1x128x128xf32, #tpu.memory_space<vmem>> -> memref<128x128xf32, #tpu.memory_space<vmem>>
      %dma_wait3A_554 = arith.constant 0 : i32
      %dma_wait3A_555 = tpu.memref_slice %arg7[%dma_wait3A_547, %dma_wait3A_548, %dma_wait3A_554] : memref<2x8x128xi32, #tpu.memory_space<vmem>> -> memref<1x1x128xi32, #tpu.memory_space<vmem>>
      %dma_wait3A_556 = tpu.memref_squeeze %dma_wait3A_555 : memref<1x1x128xi32, #tpu.memory_space<vmem>> -> memref<128xi32, #tpu.memory_space<vmem>>
      %dma_wait3A_557 = arith.constant 0 : i32
      %dma_wait3A_558 = arith.constant 0 : i32
      %dma_wait3A_559 = tpu.memref_slice %arg4[%dma_wait3A_557, %dma_wait3A_558] : memref<20000x128xf32, #tpu.memory_space<hbm>> -> memref<20000x128xf32, #tpu.memory_space<hbm>>
      tpu.wait_indirect_dma semaphore(%arg16 : memref<!tpu.dma_semaphore, #tpu.memory_space<semaphore_mem>>) src(%dma_wait3A_559 : memref<20000x128xf32, #tpu.memory_space<hbm>>) dst(%dma_wait3A_553 : memref<128x128xf32, #tpu.memory_space<vmem>>)
      %run_scoped3A_560 = arith.constant 0 : i32
      %run_scoped3A_561 = arith.constant 1 : i32
      %run_scoped3A_562 = arith.constant 2 : i32
      "tpu.region"() ({
        %run_scoped3A_723 = tpu.sem_alloc : memref<!tpu.dma_semaphore, #tpu.memory_space<semaphore_mem>>
        %dma_start3A_724 = arith.constant 0 : i32
        %dma_start3A_725 = arith.constant 0 : i32
        %dma_start3A_726 = tpu.memref_slice %arg9[%run_scoped3A_560, %dma_start3A_724, %dma_start3A_725] : memref<2x128x128xf32, #tpu.memory_space<vmem>> -> memref<1x128x128xf32, #tpu.memory_space<vmem>>
        %dma_start3A_727 = tpu.memref_squeeze %dma_start3A_726 : memref<1x128x128xf32, #tpu.memory_space<vmem>> -> memref<128x128xf32, #tpu.memory_space<vmem>>
        %dma_start3A_728 = arith.constant 0 : i32
        %dma_start3A_729 = tpu.memref_slice %arg8[%run_scoped3A_561, %run_scoped3A_562, %dma_start3A_728] : memref<2x8x128xi32, #tpu.memory_space<vmem>> -> memref<1x1x128xi32, #tpu.memory_space<vmem>>
        %dma_start3A_730 = tpu.memref_squeeze %dma_start3A_729 : memref<1x1x128xi32, #tpu.memory_space<vmem>> -> memref<128xi32, #tpu.memory_space<vmem>>
        %dma_start3A_731 = arith.constant 0 : i32
        %dma_start3A_732 = arith.constant 0 : i32
        %dma_start3A_733 = tpu.memref_slice %arg12[%dma_start3A_731, %dma_start3A_732] : memref<10240x128xf32, #tpu.memory_space<vmem_shared>> -> memref<10240x128xf32, #tpu.memory_space<vmem_shared>>
        tpu.enqueue_indirect_dma source(%dma_start3A_727 : memref<128x128xf32, #tpu.memory_space<vmem>>) target(%dma_start3A_733 : memref<10240x128xf32, #tpu.memory_space<vmem_shared>>) offsets(%dma_start3A_730 : memref<128xi32, #tpu.memory_space<vmem>>) semaphore(%run_scoped3A_723 : memref<!tpu.dma_semaphore, #tpu.memory_space<semaphore_mem>>) {add = true}
        %dma_wait3A_734 = arith.constant 0 : i32
        %dma_wait3A_735 = arith.constant 0 : i32
        %dma_wait3A_736 = tpu.memref_slice %arg9[%run_scoped3A_560, %dma_wait3A_734, %dma_wait3A_735] : memref<2x128x128xf32, #tpu.memory_space<vmem>> -> memref<1x128x128xf32, #tpu.memory_space<vmem>>
        %dma_wait3A_737 = tpu.memref_squeeze %dma_wait3A_736 : memref<1x128x128xf32, #tpu.memory_space<vmem>> -> memref<128x128xf32, #tpu.memory_space<vmem>>
        %dma_wait3A_738 = arith.constant 0 : i32
        %dma_wait3A_739 = tpu.memref_slice %arg8[%run_scoped3A_561, %run_scoped3A_562, %dma_wait3A_738] : memref<2x8x128xi32, #tpu.memory_space<vmem>> -> memref<1x1x128xi32, #tpu.memory_space<vmem>>
        %dma_wait3A_740 = tpu.memref_squeeze %dma_wait3A_739 : memref<1x1x128xi32, #tpu.memory_space<vmem>> -> memref<128xi32, #tpu.memory_space<vmem>>
        %dma_wait3A_741 = arith.constant 0 : i32
        %dma_wait3A_742 = arith.constant 0 : i32
        %dma_wait3A_743 = tpu.memref_slice %arg12[%dma_wait3A_741, %dma_wait3A_742] : memref<10240x128xf32, #tpu.memory_space<vmem_shared>> -> memref<10240x128xf32, #tpu.memory_space<vmem_shared>>
        tpu.wait_indirect_dma semaphore(%run_scoped3A_723 : memref<!tpu.dma_semaphore, #tpu.memory_space<semaphore_mem>>) src(%dma_wait3A_737 : memref<128x128xf32, #tpu.memory_space<vmem>>) dst(%dma_wait3A_743 : memref<10240x128xf32, #tpu.memory_space<vmem_shared>>)
        tpu.yield
      }) : () -> ()
      %run_scoped3A_563 = arith.constant 1 : i32
      %run_scoped3A_564 = arith.constant 2 : i32
      "tpu.region"() ({
        %run_scoped3A_723 = tpu.sem_alloc : memref<!tpu.dma_semaphore, #tpu.memory_space<semaphore_mem>>
        %dma_start3A_724 = arith.constant 0 : i32
        %dma_start3A_725 = tpu.memref_slice %arg8[%run_scoped3A_563, %run_scoped3A_564, %dma_start3A_724] : memref<2x8x128xi32, #tpu.memory_space<vmem>> -> memref<1x1x128xi32, #tpu.memory_space<vmem>>
        %dma_start3A_726 = tpu.memref_squeeze %dma_start3A_725 : memref<1x1x128xi32, #tpu.memory_space<vmem>> -> memref<128xi32, #tpu.memory_space<vmem>>
        %dma_start3A_727 = arith.constant 0 : i32
        %dma_start3A_728 = tpu.memref_slice %arg13[%dma_start3A_727] : memref<10240xf32, #tpu.memory_space<vmem_shared>> -> memref<10240xf32, #tpu.memory_space<vmem_shared>>
        tpu.enqueue_indirect_dma source(%arg10 : memref<128xf32, #tpu.memory_space<vmem>>) target(%dma_start3A_728 : memref<10240xf32, #tpu.memory_space<vmem_shared>>) offsets(%dma_start3A_726 : memref<128xi32, #tpu.memory_space<vmem>>) semaphore(%run_scoped3A_723 : memref<!tpu.dma_semaphore, #tpu.memory_space<semaphore_mem>>) {add = true}
        %dma_wait3A_729 = arith.constant 0 : i32
        %dma_wait3A_730 = tpu.memref_slice %arg8[%run_scoped3A_563, %run_scoped3A_564, %dma_wait3A_729] : memref<2x8x128xi32, #tpu.memory_space<vmem>> -> memref<1x1x128xi32, #tpu.memory_space<vmem>>
        %dma_wait3A_731 = tpu.memref_squeeze %dma_wait3A_730 : memref<1x1x128xi32, #tpu.memory_space<vmem>> -> memref<128xi32, #tpu.memory_space<vmem>>
        %dma_wait3A_732 = arith.constant 0 : i32
        %dma_wait3A_733 = tpu.memref_slice %arg13[%dma_wait3A_732] : memref<10240xf32, #tpu.memory_space<vmem_shared>> -> memref<10240xf32, #tpu.memory_space<vmem_shared>>
        tpu.wait_indirect_dma semaphore(%run_scoped3A_723 : memref<!tpu.dma_semaphore, #tpu.memory_space<semaphore_mem>>) src(%arg10 : memref<128xf32, #tpu.memory_space<vmem>>) dst(%dma_wait3A_733 : memref<10240xf32, #tpu.memory_space<vmem_shared>>)
        tpu.yield
      }) : () -> ()
      %dma_start3A_565 = arith.constant 1 : i32
      %dma_start3A_566 = arith.constant 4 : i32
      %dma_start3A_567 = arith.constant 0 : i32
      %dma_start3A_568 = arith.constant 0 : i32
      %dma_start3A_569 = arith.constant 0 : i32
      %dma_start3A_570 = tpu.memref_slice %arg9[%dma_start3A_567, %dma_start3A_568, %dma_start3A_569] : memref<2x128x128xf32, #tpu.memory_space<vmem>> -> memref<1x128x128xf32, #tpu.memory_space<vmem>>
      %dma_start3A_571 = tpu.memref_squeeze %dma_start3A_570 : memref<1x128x128xf32, #tpu.memory_space<vmem>> -> memref<128x128xf32, #tpu.memory_space<vmem>>
      %dma_start3A_572 = arith.constant 0 : i32
      %dma_start3A_573 = tpu.memref_slice %arg7[%dma_start3A_565, %dma_start3A_566, %dma_start3A_572] : memref<2x8x128xi32, #tpu.memory_space<vmem>> -> memref<1x1x128xi32, #tpu.memory_space<vmem>>
      %dma_start3A_574 = tpu.memref_squeeze %dma_start3A_573 : memref<1x1x128xi32, #tpu.memory_space<vmem>> -> memref<128xi32, #tpu.memory_space<vmem>>
      %dma_start3A_575 = arith.constant 0 : i32
      %dma_start3A_576 = arith.constant 0 : i32
      %dma_start3A_577 = tpu.memref_slice %arg4[%dma_start3A_575, %dma_start3A_576] : memref<20000x128xf32, #tpu.memory_space<hbm>> -> memref<20000x128xf32, #tpu.memory_space<hbm>>
      tpu.enqueue_indirect_dma source(%dma_start3A_577 : memref<20000x128xf32, #tpu.memory_space<hbm>>) target(%dma_start3A_571 : memref<128x128xf32, #tpu.memory_space<vmem>>) offsets(%dma_start3A_574 : memref<128xi32, #tpu.memory_space<vmem>>) semaphore(%arg16 : memref<!tpu.dma_semaphore, #tpu.memory_space<semaphore_mem>>)
      %dma_wait3A_578 = arith.constant 1 : i32
      %dma_wait3A_579 = arith.constant 3 : i32
      %dma_wait3A_580 = arith.constant 1 : i32
      %dma_wait3A_581 = arith.constant 0 : i32
      %dma_wait3A_582 = arith.constant 0 : i32
      %dma_wait3A_583 = tpu.memref_slice %arg9[%dma_wait3A_580, %dma_wait3A_581, %dma_wait3A_582] : memref<2x128x128xf32, #tpu.memory_space<vmem>> -> memref<1x128x128xf32, #tpu.memory_space<vmem>>
      %dma_wait3A_584 = tpu.memref_squeeze %dma_wait3A_583 : memref<1x128x128xf32, #tpu.memory_space<vmem>> -> memref<128x128xf32, #tpu.memory_space<vmem>>
      %dma_wait3A_585 = arith.constant 0 : i32
      %dma_wait3A_586 = tpu.memref_slice %arg7[%dma_wait3A_578, %dma_wait3A_579, %dma_wait3A_585] : memref<2x8x128xi32, #tpu.memory_space<vmem>> -> memref<1x1x128xi32, #tpu.memory_space<vmem>>
      %dma_wait3A_587 = tpu.memref_squeeze %dma_wait3A_586 : memref<1x1x128xi32, #tpu.memory_space<vmem>> -> memref<128xi32, #tpu.memory_space<vmem>>
      %dma_wait3A_588 = arith.constant 0 : i32
      %dma_wait3A_589 = arith.constant 0 : i32
      %dma_wait3A_590 = tpu.memref_slice %arg4[%dma_wait3A_588, %dma_wait3A_589] : memref<20000x128xf32, #tpu.memory_space<hbm>> -> memref<20000x128xf32, #tpu.memory_space<hbm>>
      tpu.wait_indirect_dma semaphore(%arg17 : memref<!tpu.dma_semaphore, #tpu.memory_space<semaphore_mem>>) src(%dma_wait3A_590 : memref<20000x128xf32, #tpu.memory_space<hbm>>) dst(%dma_wait3A_584 : memref<128x128xf32, #tpu.memory_space<vmem>>)
      %run_scoped3A_591 = arith.constant 1 : i32
      %run_scoped3A_592 = arith.constant 1 : i32
      %run_scoped3A_593 = arith.constant 3 : i32
      "tpu.region"() ({
        %run_scoped3A_723 = tpu.sem_alloc : memref<!tpu.dma_semaphore, #tpu.memory_space<semaphore_mem>>
        %dma_start3A_724 = arith.constant 0 : i32
        %dma_start3A_725 = arith.constant 0 : i32
        %dma_start3A_726 = tpu.memref_slice %arg9[%run_scoped3A_591, %dma_start3A_724, %dma_start3A_725] : memref<2x128x128xf32, #tpu.memory_space<vmem>> -> memref<1x128x128xf32, #tpu.memory_space<vmem>>
        %dma_start3A_727 = tpu.memref_squeeze %dma_start3A_726 : memref<1x128x128xf32, #tpu.memory_space<vmem>> -> memref<128x128xf32, #tpu.memory_space<vmem>>
        %dma_start3A_728 = arith.constant 0 : i32
        %dma_start3A_729 = tpu.memref_slice %arg8[%run_scoped3A_592, %run_scoped3A_593, %dma_start3A_728] : memref<2x8x128xi32, #tpu.memory_space<vmem>> -> memref<1x1x128xi32, #tpu.memory_space<vmem>>
        %dma_start3A_730 = tpu.memref_squeeze %dma_start3A_729 : memref<1x1x128xi32, #tpu.memory_space<vmem>> -> memref<128xi32, #tpu.memory_space<vmem>>
        %dma_start3A_731 = arith.constant 0 : i32
        %dma_start3A_732 = arith.constant 0 : i32
        %dma_start3A_733 = tpu.memref_slice %arg12[%dma_start3A_731, %dma_start3A_732] : memref<10240x128xf32, #tpu.memory_space<vmem_shared>> -> memref<10240x128xf32, #tpu.memory_space<vmem_shared>>
        tpu.enqueue_indirect_dma source(%dma_start3A_727 : memref<128x128xf32, #tpu.memory_space<vmem>>) target(%dma_start3A_733 : memref<10240x128xf32, #tpu.memory_space<vmem_shared>>) offsets(%dma_start3A_730 : memref<128xi32, #tpu.memory_space<vmem>>) semaphore(%run_scoped3A_723 : memref<!tpu.dma_semaphore, #tpu.memory_space<semaphore_mem>>) {add = true}
        %dma_wait3A_734 = arith.constant 0 : i32
        %dma_wait3A_735 = arith.constant 0 : i32
        %dma_wait3A_736 = tpu.memref_slice %arg9[%run_scoped3A_591, %dma_wait3A_734, %dma_wait3A_735] : memref<2x128x128xf32, #tpu.memory_space<vmem>> -> memref<1x128x128xf32, #tpu.memory_space<vmem>>
        %dma_wait3A_737 = tpu.memref_squeeze %dma_wait3A_736 : memref<1x128x128xf32, #tpu.memory_space<vmem>> -> memref<128x128xf32, #tpu.memory_space<vmem>>
        %dma_wait3A_738 = arith.constant 0 : i32
        %dma_wait3A_739 = tpu.memref_slice %arg8[%run_scoped3A_592, %run_scoped3A_593, %dma_wait3A_738] : memref<2x8x128xi32, #tpu.memory_space<vmem>> -> memref<1x1x128xi32, #tpu.memory_space<vmem>>
        %dma_wait3A_740 = tpu.memref_squeeze %dma_wait3A_739 : memref<1x1x128xi32, #tpu.memory_space<vmem>> -> memref<128xi32, #tpu.memory_space<vmem>>
        %dma_wait3A_741 = arith.constant 0 : i32
        %dma_wait3A_742 = arith.constant 0 : i32
        %dma_wait3A_743 = tpu.memref_slice %arg12[%dma_wait3A_741, %dma_wait3A_742] : memref<10240x128xf32, #tpu.memory_space<vmem_shared>> -> memref<10240x128xf32, #tpu.memory_space<vmem_shared>>
        tpu.wait_indirect_dma semaphore(%run_scoped3A_723 : memref<!tpu.dma_semaphore, #tpu.memory_space<semaphore_mem>>) src(%dma_wait3A_737 : memref<128x128xf32, #tpu.memory_space<vmem>>) dst(%dma_wait3A_743 : memref<10240x128xf32, #tpu.memory_space<vmem_shared>>)
        tpu.yield
      }) : () -> ()
      %run_scoped3A_594 = arith.constant 1 : i32
      %run_scoped3A_595 = arith.constant 3 : i32
      "tpu.region"() ({
        %run_scoped3A_723 = tpu.sem_alloc : memref<!tpu.dma_semaphore, #tpu.memory_space<semaphore_mem>>
        %dma_start3A_724 = arith.constant 0 : i32
        %dma_start3A_725 = tpu.memref_slice %arg8[%run_scoped3A_594, %run_scoped3A_595, %dma_start3A_724] : memref<2x8x128xi32, #tpu.memory_space<vmem>> -> memref<1x1x128xi32, #tpu.memory_space<vmem>>
        %dma_start3A_726 = tpu.memref_squeeze %dma_start3A_725 : memref<1x1x128xi32, #tpu.memory_space<vmem>> -> memref<128xi32, #tpu.memory_space<vmem>>
        %dma_start3A_727 = arith.constant 0 : i32
        %dma_start3A_728 = tpu.memref_slice %arg13[%dma_start3A_727] : memref<10240xf32, #tpu.memory_space<vmem_shared>> -> memref<10240xf32, #tpu.memory_space<vmem_shared>>
        tpu.enqueue_indirect_dma source(%arg10 : memref<128xf32, #tpu.memory_space<vmem>>) target(%dma_start3A_728 : memref<10240xf32, #tpu.memory_space<vmem_shared>>) offsets(%dma_start3A_726 : memref<128xi32, #tpu.memory_space<vmem>>) semaphore(%run_scoped3A_723 : memref<!tpu.dma_semaphore, #tpu.memory_space<semaphore_mem>>) {add = true}
        %dma_wait3A_729 = arith.constant 0 : i32
        %dma_wait3A_730 = tpu.memref_slice %arg8[%run_scoped3A_594, %run_scoped3A_595, %dma_wait3A_729] : memref<2x8x128xi32, #tpu.memory_space<vmem>> -> memref<1x1x128xi32, #tpu.memory_space<vmem>>
        %dma_wait3A_731 = tpu.memref_squeeze %dma_wait3A_730 : memref<1x1x128xi32, #tpu.memory_space<vmem>> -> memref<128xi32, #tpu.memory_space<vmem>>
        %dma_wait3A_732 = arith.constant 0 : i32
        %dma_wait3A_733 = tpu.memref_slice %arg13[%dma_wait3A_732] : memref<10240xf32, #tpu.memory_space<vmem_shared>> -> memref<10240xf32, #tpu.memory_space<vmem_shared>>
        tpu.wait_indirect_dma semaphore(%run_scoped3A_723 : memref<!tpu.dma_semaphore, #tpu.memory_space<semaphore_mem>>) src(%arg10 : memref<128xf32, #tpu.memory_space<vmem>>) dst(%dma_wait3A_733 : memref<10240xf32, #tpu.memory_space<vmem_shared>>)
        tpu.yield
      }) : () -> ()
      %dma_start3A_596 = arith.constant 1 : i32
      %dma_start3A_597 = arith.constant 5 : i32
      %dma_start3A_598 = arith.constant 1 : i32
      %dma_start3A_599 = arith.constant 0 : i32
      %dma_start3A_600 = arith.constant 0 : i32
      %dma_start3A_601 = tpu.memref_slice %arg9[%dma_start3A_598, %dma_start3A_599, %dma_start3A_600] : memref<2x128x128xf32, #tpu.memory_space<vmem>> -> memref<1x128x128xf32, #tpu.memory_space<vmem>>
      %dma_start3A_602 = tpu.memref_squeeze %dma_start3A_601 : memref<1x128x128xf32, #tpu.memory_space<vmem>> -> memref<128x128xf32, #tpu.memory_space<vmem>>
      %dma_start3A_603 = arith.constant 0 : i32
      %dma_start3A_604 = tpu.memref_slice %arg7[%dma_start3A_596, %dma_start3A_597, %dma_start3A_603] : memref<2x8x128xi32, #tpu.memory_space<vmem>> -> memref<1x1x128xi32, #tpu.memory_space<vmem>>
      %dma_start3A_605 = tpu.memref_squeeze %dma_start3A_604 : memref<1x1x128xi32, #tpu.memory_space<vmem>> -> memref<128xi32, #tpu.memory_space<vmem>>
      %dma_start3A_606 = arith.constant 0 : i32
      %dma_start3A_607 = arith.constant 0 : i32
      %dma_start3A_608 = tpu.memref_slice %arg4[%dma_start3A_606, %dma_start3A_607] : memref<20000x128xf32, #tpu.memory_space<hbm>> -> memref<20000x128xf32, #tpu.memory_space<hbm>>
      tpu.enqueue_indirect_dma source(%dma_start3A_608 : memref<20000x128xf32, #tpu.memory_space<hbm>>) target(%dma_start3A_602 : memref<128x128xf32, #tpu.memory_space<vmem>>) offsets(%dma_start3A_605 : memref<128xi32, #tpu.memory_space<vmem>>) semaphore(%arg17 : memref<!tpu.dma_semaphore, #tpu.memory_space<semaphore_mem>>)
      %dma_wait3A_609 = arith.constant 1 : i32
      %dma_wait3A_610 = arith.constant 4 : i32
      %dma_wait3A_611 = arith.constant 0 : i32
      %dma_wait3A_612 = arith.constant 0 : i32
      %dma_wait3A_613 = arith.constant 0 : i32
      %dma_wait3A_614 = tpu.memref_slice %arg9[%dma_wait3A_611, %dma_wait3A_612, %dma_wait3A_613] : memref<2x128x128xf32, #tpu.memory_space<vmem>> -> memref<1x128x128xf32, #tpu.memory_space<vmem>>
      %dma_wait3A_615 = tpu.memref_squeeze %dma_wait3A_614 : memref<1x128x128xf32, #tpu.memory_space<vmem>> -> memref<128x128xf32, #tpu.memory_space<vmem>>
      %dma_wait3A_616 = arith.constant 0 : i32
      %dma_wait3A_617 = tpu.memref_slice %arg7[%dma_wait3A_609, %dma_wait3A_610, %dma_wait3A_616] : memref<2x8x128xi32, #tpu.memory_space<vmem>> -> memref<1x1x128xi32, #tpu.memory_space<vmem>>
      %dma_wait3A_618 = tpu.memref_squeeze %dma_wait3A_617 : memref<1x1x128xi32, #tpu.memory_space<vmem>> -> memref<128xi32, #tpu.memory_space<vmem>>
      %dma_wait3A_619 = arith.constant 0 : i32
      %dma_wait3A_620 = arith.constant 0 : i32
      %dma_wait3A_621 = tpu.memref_slice %arg4[%dma_wait3A_619, %dma_wait3A_620] : memref<20000x128xf32, #tpu.memory_space<hbm>> -> memref<20000x128xf32, #tpu.memory_space<hbm>>
      tpu.wait_indirect_dma semaphore(%arg16 : memref<!tpu.dma_semaphore, #tpu.memory_space<semaphore_mem>>) src(%dma_wait3A_621 : memref<20000x128xf32, #tpu.memory_space<hbm>>) dst(%dma_wait3A_615 : memref<128x128xf32, #tpu.memory_space<vmem>>)
      %run_scoped3A_622 = arith.constant 0 : i32
      %run_scoped3A_623 = arith.constant 1 : i32
      %run_scoped3A_624 = arith.constant 4 : i32
      "tpu.region"() ({
        %run_scoped3A_723 = tpu.sem_alloc : memref<!tpu.dma_semaphore, #tpu.memory_space<semaphore_mem>>
        %dma_start3A_724 = arith.constant 0 : i32
        %dma_start3A_725 = arith.constant 0 : i32
        %dma_start3A_726 = tpu.memref_slice %arg9[%run_scoped3A_622, %dma_start3A_724, %dma_start3A_725] : memref<2x128x128xf32, #tpu.memory_space<vmem>> -> memref<1x128x128xf32, #tpu.memory_space<vmem>>
        %dma_start3A_727 = tpu.memref_squeeze %dma_start3A_726 : memref<1x128x128xf32, #tpu.memory_space<vmem>> -> memref<128x128xf32, #tpu.memory_space<vmem>>
        %dma_start3A_728 = arith.constant 0 : i32
        %dma_start3A_729 = tpu.memref_slice %arg8[%run_scoped3A_623, %run_scoped3A_624, %dma_start3A_728] : memref<2x8x128xi32, #tpu.memory_space<vmem>> -> memref<1x1x128xi32, #tpu.memory_space<vmem>>
        %dma_start3A_730 = tpu.memref_squeeze %dma_start3A_729 : memref<1x1x128xi32, #tpu.memory_space<vmem>> -> memref<128xi32, #tpu.memory_space<vmem>>
        %dma_start3A_731 = arith.constant 0 : i32
        %dma_start3A_732 = arith.constant 0 : i32
        %dma_start3A_733 = tpu.memref_slice %arg12[%dma_start3A_731, %dma_start3A_732] : memref<10240x128xf32, #tpu.memory_space<vmem_shared>> -> memref<10240x128xf32, #tpu.memory_space<vmem_shared>>
        tpu.enqueue_indirect_dma source(%dma_start3A_727 : memref<128x128xf32, #tpu.memory_space<vmem>>) target(%dma_start3A_733 : memref<10240x128xf32, #tpu.memory_space<vmem_shared>>) offsets(%dma_start3A_730 : memref<128xi32, #tpu.memory_space<vmem>>) semaphore(%run_scoped3A_723 : memref<!tpu.dma_semaphore, #tpu.memory_space<semaphore_mem>>) {add = true}
        %dma_wait3A_734 = arith.constant 0 : i32
        %dma_wait3A_735 = arith.constant 0 : i32
        %dma_wait3A_736 = tpu.memref_slice %arg9[%run_scoped3A_622, %dma_wait3A_734, %dma_wait3A_735] : memref<2x128x128xf32, #tpu.memory_space<vmem>> -> memref<1x128x128xf32, #tpu.memory_space<vmem>>
        %dma_wait3A_737 = tpu.memref_squeeze %dma_wait3A_736 : memref<1x128x128xf32, #tpu.memory_space<vmem>> -> memref<128x128xf32, #tpu.memory_space<vmem>>
        %dma_wait3A_738 = arith.constant 0 : i32
        %dma_wait3A_739 = tpu.memref_slice %arg8[%run_scoped3A_623, %run_scoped3A_624, %dma_wait3A_738] : memref<2x8x128xi32, #tpu.memory_space<vmem>> -> memref<1x1x128xi32, #tpu.memory_space<vmem>>
        %dma_wait3A_740 = tpu.memref_squeeze %dma_wait3A_739 : memref<1x1x128xi32, #tpu.memory_space<vmem>> -> memref<128xi32, #tpu.memory_space<vmem>>
        %dma_wait3A_741 = arith.constant 0 : i32
        %dma_wait3A_742 = arith.constant 0 : i32
        %dma_wait3A_743 = tpu.memref_slice %arg12[%dma_wait3A_741, %dma_wait3A_742] : memref<10240x128xf32, #tpu.memory_space<vmem_shared>> -> memref<10240x128xf32, #tpu.memory_space<vmem_shared>>
        tpu.wait_indirect_dma semaphore(%run_scoped3A_723 : memref<!tpu.dma_semaphore, #tpu.memory_space<semaphore_mem>>) src(%dma_wait3A_737 : memref<128x128xf32, #tpu.memory_space<vmem>>) dst(%dma_wait3A_743 : memref<10240x128xf32, #tpu.memory_space<vmem_shared>>)
        tpu.yield
      }) : () -> ()
      %run_scoped3A_625 = arith.constant 1 : i32
      %run_scoped3A_626 = arith.constant 4 : i32
      "tpu.region"() ({
        %run_scoped3A_723 = tpu.sem_alloc : memref<!tpu.dma_semaphore, #tpu.memory_space<semaphore_mem>>
        %dma_start3A_724 = arith.constant 0 : i32
        %dma_start3A_725 = tpu.memref_slice %arg8[%run_scoped3A_625, %run_scoped3A_626, %dma_start3A_724] : memref<2x8x128xi32, #tpu.memory_space<vmem>> -> memref<1x1x128xi32, #tpu.memory_space<vmem>>
        %dma_start3A_726 = tpu.memref_squeeze %dma_start3A_725 : memref<1x1x128xi32, #tpu.memory_space<vmem>> -> memref<128xi32, #tpu.memory_space<vmem>>
        %dma_start3A_727 = arith.constant 0 : i32
        %dma_start3A_728 = tpu.memref_slice %arg13[%dma_start3A_727] : memref<10240xf32, #tpu.memory_space<vmem_shared>> -> memref<10240xf32, #tpu.memory_space<vmem_shared>>
        tpu.enqueue_indirect_dma source(%arg10 : memref<128xf32, #tpu.memory_space<vmem>>) target(%dma_start3A_728 : memref<10240xf32, #tpu.memory_space<vmem_shared>>) offsets(%dma_start3A_726 : memref<128xi32, #tpu.memory_space<vmem>>) semaphore(%run_scoped3A_723 : memref<!tpu.dma_semaphore, #tpu.memory_space<semaphore_mem>>) {add = true}
        %dma_wait3A_729 = arith.constant 0 : i32
        %dma_wait3A_730 = tpu.memref_slice %arg8[%run_scoped3A_625, %run_scoped3A_626, %dma_wait3A_729] : memref<2x8x128xi32, #tpu.memory_space<vmem>> -> memref<1x1x128xi32, #tpu.memory_space<vmem>>
        %dma_wait3A_731 = tpu.memref_squeeze %dma_wait3A_730 : memref<1x1x128xi32, #tpu.memory_space<vmem>> -> memref<128xi32, #tpu.memory_space<vmem>>
        %dma_wait3A_732 = arith.constant 0 : i32
        %dma_wait3A_733 = tpu.memref_slice %arg13[%dma_wait3A_732] : memref<10240xf32, #tpu.memory_space<vmem_shared>> -> memref<10240xf32, #tpu.memory_space<vmem_shared>>
        tpu.wait_indirect_dma semaphore(%run_scoped3A_723 : memref<!tpu.dma_semaphore, #tpu.memory_space<semaphore_mem>>) src(%arg10 : memref<128xf32, #tpu.memory_space<vmem>>) dst(%dma_wait3A_733 : memref<10240xf32, #tpu.memory_space<vmem_shared>>)
        tpu.yield
      }) : () -> ()
      %dma_start3A_627 = arith.constant 1 : i32
      %dma_start3A_628 = arith.constant 6 : i32
      %dma_start3A_629 = arith.constant 0 : i32
      %dma_start3A_630 = arith.constant 0 : i32
      %dma_start3A_631 = arith.constant 0 : i32
      %dma_start3A_632 = tpu.memref_slice %arg9[%dma_start3A_629, %dma_start3A_630, %dma_start3A_631] : memref<2x128x128xf32, #tpu.memory_space<vmem>> -> memref<1x128x128xf32, #tpu.memory_space<vmem>>
      %dma_start3A_633 = tpu.memref_squeeze %dma_start3A_632 : memref<1x128x128xf32, #tpu.memory_space<vmem>> -> memref<128x128xf32, #tpu.memory_space<vmem>>
      %dma_start3A_634 = arith.constant 0 : i32
      %dma_start3A_635 = tpu.memref_slice %arg7[%dma_start3A_627, %dma_start3A_628, %dma_start3A_634] : memref<2x8x128xi32, #tpu.memory_space<vmem>> -> memref<1x1x128xi32, #tpu.memory_space<vmem>>
      %dma_start3A_636 = tpu.memref_squeeze %dma_start3A_635 : memref<1x1x128xi32, #tpu.memory_space<vmem>> -> memref<128xi32, #tpu.memory_space<vmem>>
      %dma_start3A_637 = arith.constant 0 : i32
      %dma_start3A_638 = arith.constant 0 : i32
      %dma_start3A_639 = tpu.memref_slice %arg4[%dma_start3A_637, %dma_start3A_638] : memref<20000x128xf32, #tpu.memory_space<hbm>> -> memref<20000x128xf32, #tpu.memory_space<hbm>>
      tpu.enqueue_indirect_dma source(%dma_start3A_639 : memref<20000x128xf32, #tpu.memory_space<hbm>>) target(%dma_start3A_633 : memref<128x128xf32, #tpu.memory_space<vmem>>) offsets(%dma_start3A_636 : memref<128xi32, #tpu.memory_space<vmem>>) semaphore(%arg16 : memref<!tpu.dma_semaphore, #tpu.memory_space<semaphore_mem>>)
      %dma_wait3A_640 = arith.constant 1 : i32
      %dma_wait3A_641 = arith.constant 5 : i32
      %dma_wait3A_642 = arith.constant 1 : i32
      %dma_wait3A_643 = arith.constant 0 : i32
      %dma_wait3A_644 = arith.constant 0 : i32
      %dma_wait3A_645 = tpu.memref_slice %arg9[%dma_wait3A_642, %dma_wait3A_643, %dma_wait3A_644] : memref<2x128x128xf32, #tpu.memory_space<vmem>> -> memref<1x128x128xf32, #tpu.memory_space<vmem>>
      %dma_wait3A_646 = tpu.memref_squeeze %dma_wait3A_645 : memref<1x128x128xf32, #tpu.memory_space<vmem>> -> memref<128x128xf32, #tpu.memory_space<vmem>>
      %dma_wait3A_647 = arith.constant 0 : i32
      %dma_wait3A_648 = tpu.memref_slice %arg7[%dma_wait3A_640, %dma_wait3A_641, %dma_wait3A_647] : memref<2x8x128xi32, #tpu.memory_space<vmem>> -> memref<1x1x128xi32, #tpu.memory_space<vmem>>
      %dma_wait3A_649 = tpu.memref_squeeze %dma_wait3A_648 : memref<1x1x128xi32, #tpu.memory_space<vmem>> -> memref<128xi32, #tpu.memory_space<vmem>>
      %dma_wait3A_650 = arith.constant 0 : i32
      %dma_wait3A_651 = arith.constant 0 : i32
      %dma_wait3A_652 = tpu.memref_slice %arg4[%dma_wait3A_650, %dma_wait3A_651] : memref<20000x128xf32, #tpu.memory_space<hbm>> -> memref<20000x128xf32, #tpu.memory_space<hbm>>
      tpu.wait_indirect_dma semaphore(%arg17 : memref<!tpu.dma_semaphore, #tpu.memory_space<semaphore_mem>>) src(%dma_wait3A_652 : memref<20000x128xf32, #tpu.memory_space<hbm>>) dst(%dma_wait3A_646 : memref<128x128xf32, #tpu.memory_space<vmem>>)
      %run_scoped3A_653 = arith.constant 1 : i32
      %run_scoped3A_654 = arith.constant 1 : i32
      %run_scoped3A_655 = arith.constant 5 : i32
      "tpu.region"() ({
        %run_scoped3A_723 = tpu.sem_alloc : memref<!tpu.dma_semaphore, #tpu.memory_space<semaphore_mem>>
        %dma_start3A_724 = arith.constant 0 : i32
        %dma_start3A_725 = arith.constant 0 : i32
        %dma_start3A_726 = tpu.memref_slice %arg9[%run_scoped3A_653, %dma_start3A_724, %dma_start3A_725] : memref<2x128x128xf32, #tpu.memory_space<vmem>> -> memref<1x128x128xf32, #tpu.memory_space<vmem>>
        %dma_start3A_727 = tpu.memref_squeeze %dma_start3A_726 : memref<1x128x128xf32, #tpu.memory_space<vmem>> -> memref<128x128xf32, #tpu.memory_space<vmem>>
        %dma_start3A_728 = arith.constant 0 : i32
        %dma_start3A_729 = tpu.memref_slice %arg8[%run_scoped3A_654, %run_scoped3A_655, %dma_start3A_728] : memref<2x8x128xi32, #tpu.memory_space<vmem>> -> memref<1x1x128xi32, #tpu.memory_space<vmem>>
        %dma_start3A_730 = tpu.memref_squeeze %dma_start3A_729 : memref<1x1x128xi32, #tpu.memory_space<vmem>> -> memref<128xi32, #tpu.memory_space<vmem>>
        %dma_start3A_731 = arith.constant 0 : i32
        %dma_start3A_732 = arith.constant 0 : i32
        %dma_start3A_733 = tpu.memref_slice %arg12[%dma_start3A_731, %dma_start3A_732] : memref<10240x128xf32, #tpu.memory_space<vmem_shared>> -> memref<10240x128xf32, #tpu.memory_space<vmem_shared>>
        tpu.enqueue_indirect_dma source(%dma_start3A_727 : memref<128x128xf32, #tpu.memory_space<vmem>>) target(%dma_start3A_733 : memref<10240x128xf32, #tpu.memory_space<vmem_shared>>) offsets(%dma_start3A_730 : memref<128xi32, #tpu.memory_space<vmem>>) semaphore(%run_scoped3A_723 : memref<!tpu.dma_semaphore, #tpu.memory_space<semaphore_mem>>) {add = true}
        %dma_wait3A_734 = arith.constant 0 : i32
        %dma_wait3A_735 = arith.constant 0 : i32
        %dma_wait3A_736 = tpu.memref_slice %arg9[%run_scoped3A_653, %dma_wait3A_734, %dma_wait3A_735] : memref<2x128x128xf32, #tpu.memory_space<vmem>> -> memref<1x128x128xf32, #tpu.memory_space<vmem>>
        %dma_wait3A_737 = tpu.memref_squeeze %dma_wait3A_736 : memref<1x128x128xf32, #tpu.memory_space<vmem>> -> memref<128x128xf32, #tpu.memory_space<vmem>>
        %dma_wait3A_738 = arith.constant 0 : i32
        %dma_wait3A_739 = tpu.memref_slice %arg8[%run_scoped3A_654, %run_scoped3A_655, %dma_wait3A_738] : memref<2x8x128xi32, #tpu.memory_space<vmem>> -> memref<1x1x128xi32, #tpu.memory_space<vmem>>
        %dma_wait3A_740 = tpu.memref_squeeze %dma_wait3A_739 : memref<1x1x128xi32, #tpu.memory_space<vmem>> -> memref<128xi32, #tpu.memory_space<vmem>>
        %dma_wait3A_741 = arith.constant 0 : i32
        %dma_wait3A_742 = arith.constant 0 : i32
        %dma_wait3A_743 = tpu.memref_slice %arg12[%dma_wait3A_741, %dma_wait3A_742] : memref<10240x128xf32, #tpu.memory_space<vmem_shared>> -> memref<10240x128xf32, #tpu.memory_space<vmem_shared>>
        tpu.wait_indirect_dma semaphore(%run_scoped3A_723 : memref<!tpu.dma_semaphore, #tpu.memory_space<semaphore_mem>>) src(%dma_wait3A_737 : memref<128x128xf32, #tpu.memory_space<vmem>>) dst(%dma_wait3A_743 : memref<10240x128xf32, #tpu.memory_space<vmem_shared>>)
        tpu.yield
      }) : () -> ()
      %run_scoped3A_656 = arith.constant 1 : i32
      %run_scoped3A_657 = arith.constant 5 : i32
      "tpu.region"() ({
        %run_scoped3A_723 = tpu.sem_alloc : memref<!tpu.dma_semaphore, #tpu.memory_space<semaphore_mem>>
        %dma_start3A_724 = arith.constant 0 : i32
        %dma_start3A_725 = tpu.memref_slice %arg8[%run_scoped3A_656, %run_scoped3A_657, %dma_start3A_724] : memref<2x8x128xi32, #tpu.memory_space<vmem>> -> memref<1x1x128xi32, #tpu.memory_space<vmem>>
        %dma_start3A_726 = tpu.memref_squeeze %dma_start3A_725 : memref<1x1x128xi32, #tpu.memory_space<vmem>> -> memref<128xi32, #tpu.memory_space<vmem>>
        %dma_start3A_727 = arith.constant 0 : i32
        %dma_start3A_728 = tpu.memref_slice %arg13[%dma_start3A_727] : memref<10240xf32, #tpu.memory_space<vmem_shared>> -> memref<10240xf32, #tpu.memory_space<vmem_shared>>
        tpu.enqueue_indirect_dma source(%arg10 : memref<128xf32, #tpu.memory_space<vmem>>) target(%dma_start3A_728 : memref<10240xf32, #tpu.memory_space<vmem_shared>>) offsets(%dma_start3A_726 : memref<128xi32, #tpu.memory_space<vmem>>) semaphore(%run_scoped3A_723 : memref<!tpu.dma_semaphore, #tpu.memory_space<semaphore_mem>>) {add = true}
        %dma_wait3A_729 = arith.constant 0 : i32
        %dma_wait3A_730 = tpu.memref_slice %arg8[%run_scoped3A_656, %run_scoped3A_657, %dma_wait3A_729] : memref<2x8x128xi32, #tpu.memory_space<vmem>> -> memref<1x1x128xi32, #tpu.memory_space<vmem>>
        %dma_wait3A_731 = tpu.memref_squeeze %dma_wait3A_730 : memref<1x1x128xi32, #tpu.memory_space<vmem>> -> memref<128xi32, #tpu.memory_space<vmem>>
        %dma_wait3A_732 = arith.constant 0 : i32
        %dma_wait3A_733 = tpu.memref_slice %arg13[%dma_wait3A_732] : memref<10240xf32, #tpu.memory_space<vmem_shared>> -> memref<10240xf32, #tpu.memory_space<vmem_shared>>
        tpu.wait_indirect_dma semaphore(%run_scoped3A_723 : memref<!tpu.dma_semaphore, #tpu.memory_space<semaphore_mem>>) src(%arg10 : memref<128xf32, #tpu.memory_space<vmem>>) dst(%dma_wait3A_733 : memref<10240xf32, #tpu.memory_space<vmem_shared>>)
        tpu.yield
      }) : () -> ()
      %dma_start3A_658 = arith.constant 1 : i32
      %dma_start3A_659 = arith.constant 7 : i32
      %dma_start3A_660 = arith.constant 1 : i32
      %dma_start3A_661 = arith.constant 0 : i32
      %dma_start3A_662 = arith.constant 0 : i32
      %dma_start3A_663 = tpu.memref_slice %arg9[%dma_start3A_660, %dma_start3A_661, %dma_start3A_662] : memref<2x128x128xf32, #tpu.memory_space<vmem>> -> memref<1x128x128xf32, #tpu.memory_space<vmem>>
      %dma_start3A_664 = tpu.memref_squeeze %dma_start3A_663 : memref<1x128x128xf32, #tpu.memory_space<vmem>> -> memref<128x128xf32, #tpu.memory_space<vmem>>
      %dma_start3A_665 = arith.constant 0 : i32
      %dma_start3A_666 = tpu.memref_slice %arg7[%dma_start3A_658, %dma_start3A_659, %dma_start3A_665] : memref<2x8x128xi32, #tpu.memory_space<vmem>> -> memref<1x1x128xi32, #tpu.memory_space<vmem>>
      %dma_start3A_667 = tpu.memref_squeeze %dma_start3A_666 : memref<1x1x128xi32, #tpu.memory_space<vmem>> -> memref<128xi32, #tpu.memory_space<vmem>>
      %dma_start3A_668 = arith.constant 0 : i32
      %dma_start3A_669 = arith.constant 0 : i32
      %dma_start3A_670 = tpu.memref_slice %arg4[%dma_start3A_668, %dma_start3A_669] : memref<20000x128xf32, #tpu.memory_space<hbm>> -> memref<20000x128xf32, #tpu.memory_space<hbm>>
      tpu.enqueue_indirect_dma source(%dma_start3A_670 : memref<20000x128xf32, #tpu.memory_space<hbm>>) target(%dma_start3A_664 : memref<128x128xf32, #tpu.memory_space<vmem>>) offsets(%dma_start3A_667 : memref<128xi32, #tpu.memory_space<vmem>>) semaphore(%arg17 : memref<!tpu.dma_semaphore, #tpu.memory_space<semaphore_mem>>)
      %dma_wait3A_671 = arith.constant 1 : i32
      %dma_wait3A_672 = arith.constant 6 : i32
      %dma_wait3A_673 = arith.constant 0 : i32
      %dma_wait3A_674 = arith.constant 0 : i32
      %dma_wait3A_675 = arith.constant 0 : i32
      %dma_wait3A_676 = tpu.memref_slice %arg9[%dma_wait3A_673, %dma_wait3A_674, %dma_wait3A_675] : memref<2x128x128xf32, #tpu.memory_space<vmem>> -> memref<1x128x128xf32, #tpu.memory_space<vmem>>
      %dma_wait3A_677 = tpu.memref_squeeze %dma_wait3A_676 : memref<1x128x128xf32, #tpu.memory_space<vmem>> -> memref<128x128xf32, #tpu.memory_space<vmem>>
      %dma_wait3A_678 = arith.constant 0 : i32
      %dma_wait3A_679 = tpu.memref_slice %arg7[%dma_wait3A_671, %dma_wait3A_672, %dma_wait3A_678] : memref<2x8x128xi32, #tpu.memory_space<vmem>> -> memref<1x1x128xi32, #tpu.memory_space<vmem>>
      %dma_wait3A_680 = tpu.memref_squeeze %dma_wait3A_679 : memref<1x1x128xi32, #tpu.memory_space<vmem>> -> memref<128xi32, #tpu.memory_space<vmem>>
      %dma_wait3A_681 = arith.constant 0 : i32
      %dma_wait3A_682 = arith.constant 0 : i32
      %dma_wait3A_683 = tpu.memref_slice %arg4[%dma_wait3A_681, %dma_wait3A_682] : memref<20000x128xf32, #tpu.memory_space<hbm>> -> memref<20000x128xf32, #tpu.memory_space<hbm>>
      tpu.wait_indirect_dma semaphore(%arg16 : memref<!tpu.dma_semaphore, #tpu.memory_space<semaphore_mem>>) src(%dma_wait3A_683 : memref<20000x128xf32, #tpu.memory_space<hbm>>) dst(%dma_wait3A_677 : memref<128x128xf32, #tpu.memory_space<vmem>>)
      %run_scoped3A_684 = arith.constant 0 : i32
      %run_scoped3A_685 = arith.constant 1 : i32
      %run_scoped3A_686 = arith.constant 6 : i32
      "tpu.region"() ({
        %run_scoped3A_723 = tpu.sem_alloc : memref<!tpu.dma_semaphore, #tpu.memory_space<semaphore_mem>>
        %dma_start3A_724 = arith.constant 0 : i32
        %dma_start3A_725 = arith.constant 0 : i32
        %dma_start3A_726 = tpu.memref_slice %arg9[%run_scoped3A_684, %dma_start3A_724, %dma_start3A_725] : memref<2x128x128xf32, #tpu.memory_space<vmem>> -> memref<1x128x128xf32, #tpu.memory_space<vmem>>
        %dma_start3A_727 = tpu.memref_squeeze %dma_start3A_726 : memref<1x128x128xf32, #tpu.memory_space<vmem>> -> memref<128x128xf32, #tpu.memory_space<vmem>>
        %dma_start3A_728 = arith.constant 0 : i32
        %dma_start3A_729 = tpu.memref_slice %arg8[%run_scoped3A_685, %run_scoped3A_686, %dma_start3A_728] : memref<2x8x128xi32, #tpu.memory_space<vmem>> -> memref<1x1x128xi32, #tpu.memory_space<vmem>>
        %dma_start3A_730 = tpu.memref_squeeze %dma_start3A_729 : memref<1x1x128xi32, #tpu.memory_space<vmem>> -> memref<128xi32, #tpu.memory_space<vmem>>
        %dma_start3A_731 = arith.constant 0 : i32
        %dma_start3A_732 = arith.constant 0 : i32
        %dma_start3A_733 = tpu.memref_slice %arg12[%dma_start3A_731, %dma_start3A_732] : memref<10240x128xf32, #tpu.memory_space<vmem_shared>> -> memref<10240x128xf32, #tpu.memory_space<vmem_shared>>
        tpu.enqueue_indirect_dma source(%dma_start3A_727 : memref<128x128xf32, #tpu.memory_space<vmem>>) target(%dma_start3A_733 : memref<10240x128xf32, #tpu.memory_space<vmem_shared>>) offsets(%dma_start3A_730 : memref<128xi32, #tpu.memory_space<vmem>>) semaphore(%run_scoped3A_723 : memref<!tpu.dma_semaphore, #tpu.memory_space<semaphore_mem>>) {add = true}
        %dma_wait3A_734 = arith.constant 0 : i32
        %dma_wait3A_735 = arith.constant 0 : i32
        %dma_wait3A_736 = tpu.memref_slice %arg9[%run_scoped3A_684, %dma_wait3A_734, %dma_wait3A_735] : memref<2x128x128xf32, #tpu.memory_space<vmem>> -> memref<1x128x128xf32, #tpu.memory_space<vmem>>
        %dma_wait3A_737 = tpu.memref_squeeze %dma_wait3A_736 : memref<1x128x128xf32, #tpu.memory_space<vmem>> -> memref<128x128xf32, #tpu.memory_space<vmem>>
        %dma_wait3A_738 = arith.constant 0 : i32
        %dma_wait3A_739 = tpu.memref_slice %arg8[%run_scoped3A_685, %run_scoped3A_686, %dma_wait3A_738] : memref<2x8x128xi32, #tpu.memory_space<vmem>> -> memref<1x1x128xi32, #tpu.memory_space<vmem>>
        %dma_wait3A_740 = tpu.memref_squeeze %dma_wait3A_739 : memref<1x1x128xi32, #tpu.memory_space<vmem>> -> memref<128xi32, #tpu.memory_space<vmem>>
        %dma_wait3A_741 = arith.constant 0 : i32
        %dma_wait3A_742 = arith.constant 0 : i32
        %dma_wait3A_743 = tpu.memref_slice %arg12[%dma_wait3A_741, %dma_wait3A_742] : memref<10240x128xf32, #tpu.memory_space<vmem_shared>> -> memref<10240x128xf32, #tpu.memory_space<vmem_shared>>
        tpu.wait_indirect_dma semaphore(%run_scoped3A_723 : memref<!tpu.dma_semaphore, #tpu.memory_space<semaphore_mem>>) src(%dma_wait3A_737 : memref<128x128xf32, #tpu.memory_space<vmem>>) dst(%dma_wait3A_743 : memref<10240x128xf32, #tpu.memory_space<vmem_shared>>)
        tpu.yield
      }) : () -> ()
      %run_scoped3A_687 = arith.constant 1 : i32
      %run_scoped3A_688 = arith.constant 6 : i32
      "tpu.region"() ({
        %run_scoped3A_723 = tpu.sem_alloc : memref<!tpu.dma_semaphore, #tpu.memory_space<semaphore_mem>>
        %dma_start3A_724 = arith.constant 0 : i32
        %dma_start3A_725 = tpu.memref_slice %arg8[%run_scoped3A_687, %run_scoped3A_688, %dma_start3A_724] : memref<2x8x128xi32, #tpu.memory_space<vmem>> -> memref<1x1x128xi32, #tpu.memory_space<vmem>>
        %dma_start3A_726 = tpu.memref_squeeze %dma_start3A_725 : memref<1x1x128xi32, #tpu.memory_space<vmem>> -> memref<128xi32, #tpu.memory_space<vmem>>
        %dma_start3A_727 = arith.constant 0 : i32
        %dma_start3A_728 = tpu.memref_slice %arg13[%dma_start3A_727] : memref<10240xf32, #tpu.memory_space<vmem_shared>> -> memref<10240xf32, #tpu.memory_space<vmem_shared>>
        tpu.enqueue_indirect_dma source(%arg10 : memref<128xf32, #tpu.memory_space<vmem>>) target(%dma_start3A_728 : memref<10240xf32, #tpu.memory_space<vmem_shared>>) offsets(%dma_start3A_726 : memref<128xi32, #tpu.memory_space<vmem>>) semaphore(%run_scoped3A_723 : memref<!tpu.dma_semaphore, #tpu.memory_space<semaphore_mem>>) {add = true}
        %dma_wait3A_729 = arith.constant 0 : i32
        %dma_wait3A_730 = tpu.memref_slice %arg8[%run_scoped3A_687, %run_scoped3A_688, %dma_wait3A_729] : memref<2x8x128xi32, #tpu.memory_space<vmem>> -> memref<1x1x128xi32, #tpu.memory_space<vmem>>
        %dma_wait3A_731 = tpu.memref_squeeze %dma_wait3A_730 : memref<1x1x128xi32, #tpu.memory_space<vmem>> -> memref<128xi32, #tpu.memory_space<vmem>>
        %dma_wait3A_732 = arith.constant 0 : i32
        %dma_wait3A_733 = tpu.memref_slice %arg13[%dma_wait3A_732] : memref<10240xf32, #tpu.memory_space<vmem_shared>> -> memref<10240xf32, #tpu.memory_space<vmem_shared>>
        tpu.wait_indirect_dma semaphore(%run_scoped3A_723 : memref<!tpu.dma_semaphore, #tpu.memory_space<semaphore_mem>>) src(%arg10 : memref<128xf32, #tpu.memory_space<vmem>>) dst(%dma_wait3A_733 : memref<10240xf32, #tpu.memory_space<vmem_shared>>)
        tpu.yield
      }) : () -> ()
      %lt3A_689 = arith.constant 9 : i32
      %lt3A_690 = arith.cmpi slt, %scan3A_193, %lt3A_689 : i32
      %convert_element_type3A_691 = arith.extui %lt3A_690 : i1 to i32
      %cond3A_692 = arith.constant 0 : i32
      %cond3A_693 = arith.cmpi ne, %convert_element_type3A_691, %cond3A_692 : i32
      scf.if %cond3A_693 {
        %mul3A_723 = arith.constant 2 : i32
        %mul3A_724 = arith.muli %mul3A_723, %scan3A_193 : i32
        %add3A_725 = arith.constant 2 : i32
        %add3A_726 = arith.addi %mul3A_724, %add3A_725 : i32
        %mul3A_727 = arith.constant 8 : i32
        %mul3A_728 = arith.muli %mul3A_727, %add3A_726 : i32
        %add3A_729 = arith.addi %mul3A_0, %mul3A_728 : i32
        %dma_wait3A_730 = arith.constant 0 : i32
        %dma_wait3A_731 = arith.constant 0 : i32
        %dma_wait3A_732 = arith.constant 0 : i32
        %dma_wait3A_733 = tpu.memref_slice %arg7[%dma_wait3A_730, %dma_wait3A_731, %dma_wait3A_732] : memref<2x8x128xi32, #tpu.memory_space<vmem>> -> memref<1x8x128xi32, #tpu.memory_space<vmem>>
        %dma_wait3A_734 = tpu.memref_squeeze %dma_wait3A_733 : memref<1x8x128xi32, #tpu.memory_space<vmem>> -> memref<8x128xi32, #tpu.memory_space<vmem>>
        %dma_wait3A_735 = arith.constant 0 : i32
        %dma_wait3A_736 = tpu.memref_slice %arg2[%arg0, %add3A_729, %dma_wait3A_735] : memref<2x2560x128xi32, #tpu.memory_space<hbm>> -> memref<1x8x128xi32, #tpu.memory_space<hbm>>
        %dma_wait3A_737 = tpu.memref_squeeze %dma_wait3A_736 : memref<1x8x128xi32, #tpu.memory_space<hbm>> -> memref<8x128xi32, #tpu.memory_space<hbm>>
        %dma_wait3A_738 = arith.constant 0 : i32
        %dma_wait3A_739 = arith.constant 0 : i32
        %dma_wait3A_740 = tpu.memref_slice %arg7[%dma_wait3A_730, %dma_wait3A_738, %dma_wait3A_739] : memref<2x8x128xi32, #tpu.memory_space<vmem>> -> memref<1x8x128xi32, #tpu.memory_space<vmem>>
        %dma_wait3A_741 = tpu.memref_squeeze %dma_wait3A_740 : memref<1x8x128xi32, #tpu.memory_space<vmem>> -> memref<8x128xi32, #tpu.memory_space<vmem>>
        %dma_wait3A_742 = arith.constant 0 : i32
        %dma_wait3A_743 = tpu.memref_slice %arg2[%arg0, %add3A_729, %dma_wait3A_742] : memref<2x2560x128xi32, #tpu.memory_space<hbm>> -> memref<1x8x128xi32, #tpu.memory_space<hbm>>
        %dma_wait3A_744 = tpu.memref_squeeze %dma_wait3A_743 : memref<1x8x128xi32, #tpu.memory_space<hbm>> -> memref<8x128xi32, #tpu.memory_space<hbm>>
        tpu.wait_dma2 semaphore(%arg14 : memref<!tpu.dma_semaphore, #tpu.memory_space<semaphore_mem>>) src(%dma_wait3A_744 : memref<8x128xi32, #tpu.memory_space<hbm>>) dst(%dma_wait3A_741 : memref<8x128xi32, #tpu.memory_space<vmem>>)
        %mul3A_745 = arith.constant 8 : i32
        %mul3A_746 = arith.muli %mul3A_745, %add3A_726 : i32
        %add3A_747 = arith.addi %mul3A_0, %mul3A_746 : i32
        %dma_wait3A_748 = arith.constant 0 : i32
        %dma_wait3A_749 = arith.constant 0 : i32
        %dma_wait3A_750 = arith.constant 0 : i32
        %dma_wait3A_751 = tpu.memref_slice %arg8[%dma_wait3A_748, %dma_wait3A_749, %dma_wait3A_750] : memref<2x8x128xi32, #tpu.memory_space<vmem>> -> memref<1x8x128xi32, #tpu.memory_space<vmem>>
        %dma_wait3A_752 = tpu.memref_squeeze %dma_wait3A_751 : memref<1x8x128xi32, #tpu.memory_space<vmem>> -> memref<8x128xi32, #tpu.memory_space<vmem>>
        %dma_wait3A_753 = arith.constant 0 : i32
        %dma_wait3A_754 = tpu.memref_slice %arg3[%arg0, %add3A_747, %dma_wait3A_753] : memref<2x2560x128xi32, #tpu.memory_space<hbm>> -> memref<1x8x128xi32, #tpu.memory_space<hbm>>
        %dma_wait3A_755 = tpu.memref_squeeze %dma_wait3A_754 : memref<1x8x128xi32, #tpu.memory_space<hbm>> -> memref<8x128xi32, #tpu.memory_space<hbm>>
        %dma_wait3A_756 = arith.constant 0 : i32
        %dma_wait3A_757 = arith.constant 0 : i32
        %dma_wait3A_758 = tpu.memref_slice %arg8[%dma_wait3A_748, %dma_wait3A_756, %dma_wait3A_757] : memref<2x8x128xi32, #tpu.memory_space<vmem>> -> memref<1x8x128xi32, #tpu.memory_space<vmem>>
        %dma_wait3A_759 = tpu.memref_squeeze %dma_wait3A_758 : memref<1x8x128xi32, #tpu.memory_space<vmem>> -> memref<8x128xi32, #tpu.memory_space<vmem>>
        %dma_wait3A_760 = arith.constant 0 : i32
        %dma_wait3A_761 = tpu.memref_slice %arg3[%arg0, %add3A_747, %dma_wait3A_760] : memref<2x2560x128xi32, #tpu.memory_space<hbm>> -> memref<1x8x128xi32, #tpu.memory_space<hbm>>
        %dma_wait3A_762 = tpu.memref_squeeze %dma_wait3A_761 : memref<1x8x128xi32, #tpu.memory_space<hbm>> -> memref<8x128xi32, #tpu.memory_space<hbm>>
        tpu.wait_dma2 semaphore(%arg14 : memref<!tpu.dma_semaphore, #tpu.memory_space<semaphore_mem>>) src(%dma_wait3A_762 : memref<8x128xi32, #tpu.memory_space<hbm>>) dst(%dma_wait3A_759 : memref<8x128xi32, #tpu.memory_space<vmem>>)
        %dma_start3A_763 = arith.constant 0 : i32
        %dma_start3A_764 = arith.constant 0 : i32
        %dma_start3A_765 = arith.constant 0 : i32
        %dma_start3A_766 = arith.constant 0 : i32
        %dma_start3A_767 = arith.constant 0 : i32
        %dma_start3A_768 = tpu.memref_slice %arg9[%dma_start3A_765, %dma_start3A_766, %dma_start3A_767] : memref<2x128x128xf32, #tpu.memory_space<vmem>> -> memref<1x128x128xf32, #tpu.memory_space<vmem>>
        %dma_start3A_769 = tpu.memref_squeeze %dma_start3A_768 : memref<1x128x128xf32, #tpu.memory_space<vmem>> -> memref<128x128xf32, #tpu.memory_space<vmem>>
        %dma_start3A_770 = arith.constant 0 : i32
        %dma_start3A_771 = tpu.memref_slice %arg7[%dma_start3A_763, %dma_start3A_764, %dma_start3A_770] : memref<2x8x128xi32, #tpu.memory_space<vmem>> -> memref<1x1x128xi32, #tpu.memory_space<vmem>>
        %dma_start3A_772 = tpu.memref_squeeze %dma_start3A_771 : memref<1x1x128xi32, #tpu.memory_space<vmem>> -> memref<128xi32, #tpu.memory_space<vmem>>
        %dma_start3A_773 = arith.constant 0 : i32
        %dma_start3A_774 = arith.constant 0 : i32
        %dma_start3A_775 = tpu.memref_slice %arg4[%dma_start3A_773, %dma_start3A_774] : memref<20000x128xf32, #tpu.memory_space<hbm>> -> memref<20000x128xf32, #tpu.memory_space<hbm>>
        tpu.enqueue_indirect_dma source(%dma_start3A_775 : memref<20000x128xf32, #tpu.memory_space<hbm>>) target(%dma_start3A_769 : memref<128x128xf32, #tpu.memory_space<vmem>>) offsets(%dma_start3A_772 : memref<128xi32, #tpu.memory_space<vmem>>) semaphore(%arg16 : memref<!tpu.dma_semaphore, #tpu.memory_space<semaphore_mem>>)
      } else {
      }
      %dma_wait3A_694 = arith.constant 1 : i32
      %dma_wait3A_695 = arith.constant 7 : i32
      %dma_wait3A_696 = arith.constant 1 : i32
      %dma_wait3A_697 = arith.constant 0 : i32
      %dma_wait3A_698 = arith.constant 0 : i32
      %dma_wait3A_699 = tpu.memref_slice %arg9[%dma_wait3A_696, %dma_wait3A_697, %dma_wait3A_698] : memref<2x128x128xf32, #tpu.memory_space<vmem>> -> memref<1x128x128xf32, #tpu.memory_space<vmem>>
      %dma_wait3A_700 = tpu.memref_squeeze %dma_wait3A_699 : memref<1x128x128xf32, #tpu.memory_space<vmem>> -> memref<128x128xf32, #tpu.memory_space<vmem>>
      %dma_wait3A_701 = arith.constant 0 : i32
      %dma_wait3A_702 = tpu.memref_slice %arg7[%dma_wait3A_694, %dma_wait3A_695, %dma_wait3A_701] : memref<2x8x128xi32, #tpu.memory_space<vmem>> -> memref<1x1x128xi32, #tpu.memory_space<vmem>>
      %dma_wait3A_703 = tpu.memref_squeeze %dma_wait3A_702 : memref<1x1x128xi32, #tpu.memory_space<vmem>> -> memref<128xi32, #tpu.memory_space<vmem>>
      %dma_wait3A_704 = arith.constant 0 : i32
      %dma_wait3A_705 = arith.constant 0 : i32
      %dma_wait3A_706 = tpu.memref_slice %arg4[%dma_wait3A_704, %dma_wait3A_705] : memref<20000x128xf32, #tpu.memory_space<hbm>> -> memref<20000x128xf32, #tpu.memory_space<hbm>>
      tpu.wait_indirect_dma semaphore(%arg17 : memref<!tpu.dma_semaphore, #tpu.memory_space<semaphore_mem>>) src(%dma_wait3A_706 : memref<20000x128xf32, #tpu.memory_space<hbm>>) dst(%dma_wait3A_700 : memref<128x128xf32, #tpu.memory_space<vmem>>)
      %run_scoped3A_707 = arith.constant 1 : i32
      %run_scoped3A_708 = arith.constant 1 : i32
      %run_scoped3A_709 = arith.constant 7 : i32
      "tpu.region"() ({
        %run_scoped3A_723 = tpu.sem_alloc : memref<!tpu.dma_semaphore, #tpu.memory_space<semaphore_mem>>
        %dma_start3A_724 = arith.constant 0 : i32
        %dma_start3A_725 = arith.constant 0 : i32
        %dma_start3A_726 = tpu.memref_slice %arg9[%run_scoped3A_707, %dma_start3A_724, %dma_start3A_725] : memref<2x128x128xf32, #tpu.memory_space<vmem>> -> memref<1x128x128xf32, #tpu.memory_space<vmem>>
        %dma_start3A_727 = tpu.memref_squeeze %dma_start3A_726 : memref<1x128x128xf32, #tpu.memory_space<vmem>> -> memref<128x128xf32, #tpu.memory_space<vmem>>
        %dma_start3A_728 = arith.constant 0 : i32
        %dma_start3A_729 = tpu.memref_slice %arg8[%run_scoped3A_708, %run_scoped3A_709, %dma_start3A_728] : memref<2x8x128xi32, #tpu.memory_space<vmem>> -> memref<1x1x128xi32, #tpu.memory_space<vmem>>
        %dma_start3A_730 = tpu.memref_squeeze %dma_start3A_729 : memref<1x1x128xi32, #tpu.memory_space<vmem>> -> memref<128xi32, #tpu.memory_space<vmem>>
        %dma_start3A_731 = arith.constant 0 : i32
        %dma_start3A_732 = arith.constant 0 : i32
        %dma_start3A_733 = tpu.memref_slice %arg12[%dma_start3A_731, %dma_start3A_732] : memref<10240x128xf32, #tpu.memory_space<vmem_shared>> -> memref<10240x128xf32, #tpu.memory_space<vmem_shared>>
        tpu.enqueue_indirect_dma source(%dma_start3A_727 : memref<128x128xf32, #tpu.memory_space<vmem>>) target(%dma_start3A_733 : memref<10240x128xf32, #tpu.memory_space<vmem_shared>>) offsets(%dma_start3A_730 : memref<128xi32, #tpu.memory_space<vmem>>) semaphore(%run_scoped3A_723 : memref<!tpu.dma_semaphore, #tpu.memory_space<semaphore_mem>>) {add = true}
        %dma_wait3A_734 = arith.constant 0 : i32
        %dma_wait3A_735 = arith.constant 0 : i32
        %dma_wait3A_736 = tpu.memref_slice %arg9[%run_scoped3A_707, %dma_wait3A_734, %dma_wait3A_735] : memref<2x128x128xf32, #tpu.memory_space<vmem>> -> memref<1x128x128xf32, #tpu.memory_space<vmem>>
        %dma_wait3A_737 = tpu.memref_squeeze %dma_wait3A_736 : memref<1x128x128xf32, #tpu.memory_space<vmem>> -> memref<128x128xf32, #tpu.memory_space<vmem>>
        %dma_wait3A_738 = arith.constant 0 : i32
        %dma_wait3A_739 = tpu.memref_slice %arg8[%run_scoped3A_708, %run_scoped3A_709, %dma_wait3A_738] : memref<2x8x128xi32, #tpu.memory_space<vmem>> -> memref<1x1x128xi32, #tpu.memory_space<vmem>>
        %dma_wait3A_740 = tpu.memref_squeeze %dma_wait3A_739 : memref<1x1x128xi32, #tpu.memory_space<vmem>> -> memref<128xi32, #tpu.memory_space<vmem>>
        %dma_wait3A_741 = arith.constant 0 : i32
        %dma_wait3A_742 = arith.constant 0 : i32
        %dma_wait3A_743 = tpu.memref_slice %arg12[%dma_wait3A_741, %dma_wait3A_742] : memref<10240x128xf32, #tpu.memory_space<vmem_shared>> -> memref<10240x128xf32, #tpu.memory_space<vmem_shared>>
        tpu.wait_indirect_dma semaphore(%run_scoped3A_723 : memref<!tpu.dma_semaphore, #tpu.memory_space<semaphore_mem>>) src(%dma_wait3A_737 : memref<128x128xf32, #tpu.memory_space<vmem>>) dst(%dma_wait3A_743 : memref<10240x128xf32, #tpu.memory_space<vmem_shared>>)
        tpu.yield
      }) : () -> ()
      %run_scoped3A_710 = arith.constant 1 : i32
      %run_scoped3A_711 = arith.constant 7 : i32
      "tpu.region"() ({
        %run_scoped3A_723 = tpu.sem_alloc : memref<!tpu.dma_semaphore, #tpu.memory_space<semaphore_mem>>
        %dma_start3A_724 = arith.constant 0 : i32
        %dma_start3A_725 = tpu.memref_slice %arg8[%run_scoped3A_710, %run_scoped3A_711, %dma_start3A_724] : memref<2x8x128xi32, #tpu.memory_space<vmem>> -> memref<1x1x128xi32, #tpu.memory_space<vmem>>
        %dma_start3A_726 = tpu.memref_squeeze %dma_start3A_725 : memref<1x1x128xi32, #tpu.memory_space<vmem>> -> memref<128xi32, #tpu.memory_space<vmem>>
        %dma_start3A_727 = arith.constant 0 : i32
        %dma_start3A_728 = tpu.memref_slice %arg13[%dma_start3A_727] : memref<10240xf32, #tpu.memory_space<vmem_shared>> -> memref<10240xf32, #tpu.memory_space<vmem_shared>>
        tpu.enqueue_indirect_dma source(%arg10 : memref<128xf32, #tpu.memory_space<vmem>>) target(%dma_start3A_728 : memref<10240xf32, #tpu.memory_space<vmem_shared>>) offsets(%dma_start3A_726 : memref<128xi32, #tpu.memory_space<vmem>>) semaphore(%run_scoped3A_723 : memref<!tpu.dma_semaphore, #tpu.memory_space<semaphore_mem>>) {add = true}
        %dma_wait3A_729 = arith.constant 0 : i32
        %dma_wait3A_730 = tpu.memref_slice %arg8[%run_scoped3A_710, %run_scoped3A_711, %dma_wait3A_729] : memref<2x8x128xi32, #tpu.memory_space<vmem>> -> memref<1x1x128xi32, #tpu.memory_space<vmem>>
        %dma_wait3A_731 = tpu.memref_squeeze %dma_wait3A_730 : memref<1x1x128xi32, #tpu.memory_space<vmem>> -> memref<128xi32, #tpu.memory_space<vmem>>
        %dma_wait3A_732 = arith.constant 0 : i32
        %dma_wait3A_733 = tpu.memref_slice %arg13[%dma_wait3A_732] : memref<10240xf32, #tpu.memory_space<vmem_shared>> -> memref<10240xf32, #tpu.memory_space<vmem_shared>>
        tpu.wait_indirect_dma semaphore(%run_scoped3A_723 : memref<!tpu.dma_semaphore, #tpu.memory_space<semaphore_mem>>) src(%arg10 : memref<128xf32, #tpu.memory_space<vmem>>) dst(%dma_wait3A_733 : memref<10240xf32, #tpu.memory_space<vmem_shared>>)
        tpu.yield
      }) : () -> ()
      %lt3A_712 = arith.constant 9 : i32
      %lt3A_713 = arith.cmpi slt, %scan3A_193, %lt3A_712 : i32
      %convert_element_type3A_714 = arith.extui %lt3A_713 : i1 to i32
      %cond3A_715 = arith.constant 0 : i32
      %cond3A_716 = arith.cmpi ne, %convert_element_type3A_714, %cond3A_715 : i32
      scf.if %cond3A_716 {
        %dma_start3A_723 = arith.constant 0 : i32
        %dma_start3A_724 = arith.constant 1 : i32
        %dma_start3A_725 = arith.constant 1 : i32
        %dma_start3A_726 = arith.constant 0 : i32
        %dma_start3A_727 = arith.constant 0 : i32
        %dma_start3A_728 = tpu.memref_slice %arg9[%dma_start3A_725, %dma_start3A_726, %dma_start3A_727] : memref<2x128x128xf32, #tpu.memory_space<vmem>> -> memref<1x128x128xf32, #tpu.memory_space<vmem>>
        %dma_start3A_729 = tpu.memref_squeeze %dma_start3A_728 : memref<1x128x128xf32, #tpu.memory_space<vmem>> -> memref<128x128xf32, #tpu.memory_space<vmem>>
        %dma_start3A_730 = arith.constant 0 : i32
        %dma_start3A_731 = tpu.memref_slice %arg7[%dma_start3A_723, %dma_start3A_724, %dma_start3A_730] : memref<2x8x128xi32, #tpu.memory_space<vmem>> -> memref<1x1x128xi32, #tpu.memory_space<vmem>>
        %dma_start3A_732 = tpu.memref_squeeze %dma_start3A_731 : memref<1x1x128xi32, #tpu.memory_space<vmem>> -> memref<128xi32, #tpu.memory_space<vmem>>
        %dma_start3A_733 = arith.constant 0 : i32
        %dma_start3A_734 = arith.constant 0 : i32
        %dma_start3A_735 = tpu.memref_slice %arg4[%dma_start3A_733, %dma_start3A_734] : memref<20000x128xf32, #tpu.memory_space<hbm>> -> memref<20000x128xf32, #tpu.memory_space<hbm>>
        tpu.enqueue_indirect_dma source(%dma_start3A_735 : memref<20000x128xf32, #tpu.memory_space<hbm>>) target(%dma_start3A_729 : memref<128x128xf32, #tpu.memory_space<vmem>>) offsets(%dma_start3A_732 : memref<128xi32, #tpu.memory_space<vmem>>) semaphore(%arg17 : memref<!tpu.dma_semaphore, #tpu.memory_space<semaphore_mem>>)
      } else {
      }
      %lt3A_717 = arith.constant 9 : i32
      %lt3A_718 = arith.cmpi slt, %scan3A_193, %lt3A_717 : i32
      %convert_element_type3A_719 = arith.extui %lt3A_718 : i1 to i32
      %cond3A_720 = arith.constant 0 : i32
      %cond3A_721 = arith.cmpi ne, %convert_element_type3A_719, %cond3A_720 : i32
      scf.if %cond3A_721 {
        %mul3A_723 = arith.constant 2 : i32
        %mul3A_724 = arith.muli %mul3A_723, %scan3A_193 : i32
        %add3A_725 = arith.constant 1 : i32
        %add3A_726 = arith.addi %mul3A_724, %add3A_725 : i32
        %add3A_727 = arith.constant 2 : i32
        %add3A_728 = arith.addi %add3A_726, %add3A_727 : i32
        %mul3A_729 = arith.constant 8 : i32
        %mul3A_730 = arith.muli %mul3A_729, %add3A_728 : i32
        %add3A_731 = arith.addi %mul3A_0, %mul3A_730 : i32
        %dma_start3A_732 = arith.constant 1 : i32
        %dma_start3A_733 = arith.constant 0 : i32
        %dma_start3A_734 = arith.constant 0 : i32
        %dma_start3A_735 = tpu.memref_slice %arg7[%dma_start3A_732, %dma_start3A_733, %dma_start3A_734] : memref<2x8x128xi32, #tpu.memory_space<vmem>> -> memref<1x8x128xi32, #tpu.memory_space<vmem>>
        %dma_start3A_736 = tpu.memref_squeeze %dma_start3A_735 : memref<1x8x128xi32, #tpu.memory_space<vmem>> -> memref<8x128xi32, #tpu.memory_space<vmem>>
        %dma_start3A_737 = arith.constant 0 : i32
        %dma_start3A_738 = tpu.memref_slice %arg2[%arg0, %add3A_731, %dma_start3A_737] : memref<2x2560x128xi32, #tpu.memory_space<hbm>> -> memref<1x8x128xi32, #tpu.memory_space<hbm>>
        %dma_start3A_739 = tpu.memref_squeeze %dma_start3A_738 : memref<1x8x128xi32, #tpu.memory_space<hbm>> -> memref<8x128xi32, #tpu.memory_space<hbm>>
        %dma_start3A_740 = arith.constant 0 : i32
        %dma_start3A_741 = arith.constant 0 : i32
        %dma_start3A_742 = tpu.memref_slice %arg7[%dma_start3A_732, %dma_start3A_740, %dma_start3A_741] : memref<2x8x128xi32, #tpu.memory_space<vmem>> -> memref<1x8x128xi32, #tpu.memory_space<vmem>>
        %dma_start3A_743 = tpu.memref_squeeze %dma_start3A_742 : memref<1x8x128xi32, #tpu.memory_space<vmem>> -> memref<8x128xi32, #tpu.memory_space<vmem>>
        %dma_start3A_744 = arith.constant 0 : i32
        %dma_start3A_745 = tpu.memref_slice %arg2[%arg0, %add3A_731, %dma_start3A_744] : memref<2x2560x128xi32, #tpu.memory_space<hbm>> -> memref<1x8x128xi32, #tpu.memory_space<hbm>>
        %dma_start3A_746 = tpu.memref_squeeze %dma_start3A_745 : memref<1x8x128xi32, #tpu.memory_space<hbm>> -> memref<8x128xi32, #tpu.memory_space<hbm>>
        tpu.enqueue_dma source(%dma_start3A_746 : memref<8x128xi32, #tpu.memory_space<hbm>>) target(%dma_start3A_743 : memref<8x128xi32, #tpu.memory_space<vmem>>) target_semaphore(%arg15 : memref<!tpu.dma_semaphore, #tpu.memory_space<semaphore_mem>>)
        %mul3A_747 = arith.constant 8 : i32
        %mul3A_748 = arith.muli %mul3A_747, %add3A_728 : i32
        %add3A_749 = arith.addi %mul3A_0, %mul3A_748 : i32
        %dma_start3A_750 = arith.constant 1 : i32
        %dma_start3A_751 = arith.constant 0 : i32
        %dma_start3A_752 = arith.constant 0 : i32
        %dma_start3A_753 = tpu.memref_slice %arg8[%dma_start3A_750, %dma_start3A_751, %dma_start3A_752] : memref<2x8x128xi32, #tpu.memory_space<vmem>> -> memref<1x8x128xi32, #tpu.memory_space<vmem>>
        %dma_start3A_754 = tpu.memref_squeeze %dma_start3A_753 : memref<1x8x128xi32, #tpu.memory_space<vmem>> -> memref<8x128xi32, #tpu.memory_space<vmem>>
        %dma_start3A_755 = arith.constant 0 : i32
        %dma_start3A_756 = tpu.memref_slice %arg3[%arg0, %add3A_749, %dma_start3A_755] : memref<2x2560x128xi32, #tpu.memory_space<hbm>> -> memref<1x8x128xi32, #tpu.memory_space<hbm>>
        %dma_start3A_757 = tpu.memref_squeeze %dma_start3A_756 : memref<1x8x128xi32, #tpu.memory_space<hbm>> -> memref<8x128xi32, #tpu.memory_space<hbm>>
        %dma_start3A_758 = arith.constant 0 : i32
        %dma_start3A_759 = arith.constant 0 : i32
        %dma_start3A_760 = tpu.memref_slice %arg8[%dma_start3A_750, %dma_start3A_758, %dma_start3A_759] : memref<2x8x128xi32, #tpu.memory_space<vmem>> -> memref<1x8x128xi32, #tpu.memory_space<vmem>>
        %dma_start3A_761 = tpu.memref_squeeze %dma_start3A_760 : memref<1x8x128xi32, #tpu.memory_space<vmem>> -> memref<8x128xi32, #tpu.memory_space<vmem>>
        %dma_start3A_762 = arith.constant 0 : i32
        %dma_start3A_763 = tpu.memref_slice %arg3[%arg0, %add3A_749, %dma_start3A_762] : memref<2x2560x128xi32, #tpu.memory_space<hbm>> -> memref<1x8x128xi32, #tpu.memory_space<hbm>>
        %dma_start3A_764 = tpu.memref_squeeze %dma_start3A_763 : memref<1x8x128xi32, #tpu.memory_space<hbm>> -> memref<8x128xi32, #tpu.memory_space<hbm>>
        tpu.enqueue_dma source(%dma_start3A_764 : memref<8x128xi32, #tpu.memory_space<hbm>>) target(%dma_start3A_761 : memref<8x128xi32, #tpu.memory_space<vmem>>) target_semaphore(%arg15 : memref<!tpu.dma_semaphore, #tpu.memory_space<semaphore_mem>>)
      } else {
      }
      %scan3A_722 = arith.constant 0 : i32
      scf.yield %scan3A_722 : i32
    }
    %scan3A_183 = arith.constant 10 : i32
    %barrier3A_184 = arith.constant 0 : index
    tpu.barrier barrier_id(%barrier3A_184)
    %mul3A_185 = arith.constant 640 : i32
    %mul3A_186 = arith.muli %arg1, %mul3A_185 : i32
    %mul3A_187 = arith.constant 640 : i32
    %mul3A_188 = arith.muli %arg1, %mul3A_187 : i32
    "tpu.region"() ({
      %run_scoped3A_193 = tpu.sem_alloc : memref<!tpu.dma_semaphore, #tpu.memory_space<semaphore_mem>>
      %dma_start3A_194 = arith.constant 0 : i32
      %dma_start3A_195 = tpu.memref_slice %arg5[%arg0, %mul3A_188, %dma_start3A_194] : memref<2x10240x128xf32, #tpu.memory_space<hbm>> -> memref<1x640x128xf32, #tpu.memory_space<hbm>>
      %dma_start3A_196 = tpu.memref_squeeze %dma_start3A_195 : memref<1x640x128xf32, #tpu.memory_space<hbm>> -> memref<640x128xf32, #tpu.memory_space<hbm>>
      %dma_start3A_197 = arith.constant 0 : i32
      %dma_start3A_198 = tpu.memref_slice %arg12[%mul3A_186, %dma_start3A_197] : memref<10240x128xf32, #tpu.memory_space<vmem_shared>> -> memref<640x128xf32, #tpu.memory_space<vmem_shared>>
      tpu.enqueue_dma source(%dma_start3A_198 : memref<640x128xf32, #tpu.memory_space<vmem_shared>>) target(%dma_start3A_196 : memref<640x128xf32, #tpu.memory_space<hbm>>) target_semaphore(%run_scoped3A_193 : memref<!tpu.dma_semaphore, #tpu.memory_space<semaphore_mem>>)
      %dma_wait3A_199 = arith.constant 0 : i32
      %dma_wait3A_200 = tpu.memref_slice %arg5[%arg0, %mul3A_188, %dma_wait3A_199] : memref<2x10240x128xf32, #tpu.memory_space<hbm>> -> memref<1x640x128xf32, #tpu.memory_space<hbm>>
      %dma_wait3A_201 = tpu.memref_squeeze %dma_wait3A_200 : memref<1x640x128xf32, #tpu.memory_space<hbm>> -> memref<640x128xf32, #tpu.memory_space<hbm>>
      %dma_wait3A_202 = arith.constant 0 : i32
      %dma_wait3A_203 = tpu.memref_slice %arg12[%mul3A_186, %dma_wait3A_202] : memref<10240x128xf32, #tpu.memory_space<vmem_shared>> -> memref<640x128xf32, #tpu.memory_space<vmem_shared>>
      tpu.wait_dma2 semaphore(%run_scoped3A_193 : memref<!tpu.dma_semaphore, #tpu.memory_space<semaphore_mem>>) src(%dma_wait3A_203 : memref<640x128xf32, #tpu.memory_space<vmem_shared>>) dst(%dma_wait3A_201 : memref<640x128xf32, #tpu.memory_space<hbm>>)
      tpu.yield
    }) : () -> ()
    %mul3A_189 = arith.constant 640 : i32
    %mul3A_190 = arith.muli %arg1, %mul3A_189 : i32
    %mul3A_191 = arith.constant 640 : i32
    %mul3A_192 = arith.muli %arg1, %mul3A_191 : i32
    "tpu.region"() ({
      %run_scoped3A_193 = tpu.sem_alloc : memref<!tpu.dma_semaphore, #tpu.memory_space<semaphore_mem>>
      %dma_start3A_194 = tpu.memref_slice %arg6[%arg0, %mul3A_192] : memref<2x10240xf32, #tpu.memory_space<hbm>> -> memref<1x640xf32, #tpu.memory_space<hbm>>
      %dma_start3A_195 = tpu.memref_squeeze %dma_start3A_194 : memref<1x640xf32, #tpu.memory_space<hbm>> -> memref<640xf32, #tpu.memory_space<hbm>>
      %dma_start3A_196 = tpu.memref_slice %arg13[%mul3A_190] : memref<10240xf32, #tpu.memory_space<vmem_shared>> -> memref<640xf32, #tpu.memory_space<vmem_shared>>
      tpu.enqueue_dma source(%dma_start3A_196 : memref<640xf32, #tpu.memory_space<vmem_shared>>) target(%dma_start3A_195 : memref<640xf32, #tpu.memory_space<hbm>>) target_semaphore(%run_scoped3A_193 : memref<!tpu.dma_semaphore, #tpu.memory_space<semaphore_mem>>)
      %dma_wait3A_197 = tpu.memref_slice %arg6[%arg0, %mul3A_192] : memref<2x10240xf32, #tpu.memory_space<hbm>> -> memref<1x640xf32, #tpu.memory_space<hbm>>
      %dma_wait3A_198 = tpu.memref_squeeze %dma_wait3A_197 : memref<1x640xf32, #tpu.memory_space<hbm>> -> memref<640xf32, #tpu.memory_space<hbm>>
      %dma_wait3A_199 = tpu.memref_slice %arg13[%mul3A_190] : memref<10240xf32, #tpu.memory_space<vmem_shared>> -> memref<640xf32, #tpu.memory_space<vmem_shared>>
      tpu.wait_dma2 semaphore(%run_scoped3A_193 : memref<!tpu.dma_semaphore, #tpu.memory_space<semaphore_mem>>) src(%dma_wait3A_199 : memref<640xf32, #tpu.memory_space<vmem_shared>>) dst(%dma_wait3A_198 : memref<640xf32, #tpu.memory_space<hbm>>)
      tpu.yield
    }) : () -> ()
    return
  }
}

#map = affine_map<(d0, d1) -> (0, 0, 0)>
#map1 = affine_map<(d0, d1) -> (0, 0)>
module attributes {stable_mosaic.version = 14 : i64} {
  func.func @_sc_agg_body(%arg0: i32, %arg1: i32, %arg2: memref<2x2560x128xi32, #tpu.memory_space<hbm>>, %arg3: memref<2x2560x128xi32, #tpu.memory_space<hbm>>, %arg4: memref<20000x128xf32, #tpu.memory_space<hbm>>, %arg5: memref<2x10240x128xf32, #tpu.memory_space<hbm>>, %arg6: memref<2x10240xf32, #tpu.memory_space<hbm>>, %arg7: memref<2x8x128xi32, #tpu.memory_space<vmem>>, %arg8: memref<2x8x128xi32, #tpu.memory_space<vmem>>, %arg9: memref<2x128x128xf32, #tpu.memory_space<vmem>>, %arg10: memref<128xf32, #tpu.memory_space<vmem>>, %arg11: memref<640xf32, #tpu.memory_space<vmem>>, %arg12: memref<10240x128xf32, #tpu.memory_space<vmem_shared>>, %arg13: memref<10240xf32, #tpu.memory_space<vmem_shared>>, %arg14: memref<!tpu.dma_semaphore, #tpu.memory_space<semaphore_mem>>, %arg15: memref<!tpu.dma_semaphore, #tpu.memory_space<semaphore_mem>>, %arg16: memref<!tpu.dma_semaphore, #tpu.memory_space<semaphore_mem>>, %arg17: memref<!tpu.dma_semaphore, #tpu.memory_space<semaphore_mem>>) attributes {dimension_semantics = [#tpu.dimension_semantics<core_parallel>, #tpu.dimension_semantics<subcore_parallel>], iteration_bounds = array<i64: 2, 16>, scalar_prefetch = 0 : i64, scratch_operands = 11 : i64, tpu.core_type = #tpu.core_type<sc_vector_subcore>, window_params = [{transform_indices = #map}, {transform_indices = #map}, {transform_indices = #map1}, {transform_indices = #map}, {transform_indices = #map1}]} {
    %mul3A = arith.constant 160 : i32
    %mul3A_0 = arith.muli %arg1, %mul3A : i32
    %add3A = arith.constant 0 : i32
    %add3A_1 = arith.addi %mul3A_0, %add3A : i32
    %dma_start3A = arith.constant 0 : i32
    %dma_start3A_2 = arith.constant 0 : i32
    %dma_start3A_3 = arith.constant 0 : i32
    %dma_start3A_4 = tpu.memref_slice %arg7[%dma_start3A, %dma_start3A_2, %dma_start3A_3] : memref<2x8x128xi32, #tpu.memory_space<vmem>> -> memref<1x8x128xi32, #tpu.memory_space<vmem>>
    %dma_start3A_5 = tpu.memref_squeeze %dma_start3A_4 : memref<1x8x128xi32, #tpu.memory_space<vmem>> -> memref<8x128xi32, #tpu.memory_space<vmem>>
    %dma_start3A_6 = arith.constant 0 : i32
    %dma_start3A_7 = tpu.memref_slice %arg2[%arg0, %add3A_1, %dma_start3A_6] : memref<2x2560x128xi32, #tpu.memory_space<hbm>> -> memref<1x8x128xi32, #tpu.memory_space<hbm>>
    %dma_start3A_8 = tpu.memref_squeeze %dma_start3A_7 : memref<1x8x128xi32, #tpu.memory_space<hbm>> -> memref<8x128xi32, #tpu.memory_space<hbm>>
    %dma_start3A_9 = arith.constant 0 : i32
    %dma_start3A_10 = arith.constant 0 : i32
    %dma_start3A_11 = tpu.memref_slice %arg7[%dma_start3A, %dma_start3A_9, %dma_start3A_10] : memref<2x8x128xi32, #tpu.memory_space<vmem>> -> memref<1x8x128xi32, #tpu.memory_space<vmem>>
    %dma_start3A_12 = tpu.memref_squeeze %dma_start3A_11 : memref<1x8x128xi32, #tpu.memory_space<vmem>> -> memref<8x128xi32, #tpu.memory_space<vmem>>
    %dma_start3A_13 = arith.constant 0 : i32
    %dma_start3A_14 = tpu.memref_slice %arg2[%arg0, %add3A_1, %dma_start3A_13] : memref<2x2560x128xi32, #tpu.memory_space<hbm>> -> memref<1x8x128xi32, #tpu.memory_space<hbm>>
    %dma_start3A_15 = tpu.memref_squeeze %dma_start3A_14 : memref<1x8x128xi32, #tpu.memory_space<hbm>> -> memref<8x128xi32, #tpu.memory_space<hbm>>
    tpu.enqueue_dma source(%dma_start3A_15 : memref<8x128xi32, #tpu.memory_space<hbm>>) target(%dma_start3A_12 : memref<8x128xi32, #tpu.memory_space<vmem>>) target_semaphore(%arg14 : memref<!tpu.dma_semaphore, #tpu.memory_space<semaphore_mem>>)
    %add3A_16 = arith.constant 0 : i32
    %add3A_17 = arith.addi %mul3A_0, %add3A_16 : i32
    %dma_start3A_18 = arith.constant 0 : i32
    %dma_start3A_19 = arith.constant 0 : i32
    %dma_start3A_20 = arith.constant 0 : i32
    %dma_start3A_21 = tpu.memref_slice %arg8[%dma_start3A_18, %dma_start3A_19, %dma_start3A_20] : memref<2x8x128xi32, #tpu.memory_space<vmem>> -> memref<1x8x128xi32, #tpu.memory_space<vmem>>
    %dma_start3A_22 = tpu.memref_squeeze %dma_start3A_21 : memref<1x8x128xi32, #tpu.memory_space<vmem>> -> memref<8x128xi32, #tpu.memory_space<vmem>>
    %dma_start3A_23 = arith.constant 0 : i32
    %dma_start3A_24 = tpu.memref_slice %arg3[%arg0, %add3A_17, %dma_start3A_23] : memref<2x2560x128xi32, #tpu.memory_space<hbm>> -> memref<1x8x128xi32, #tpu.memory_space<hbm>>
    %dma_start3A_25 = tpu.memref_squeeze %dma_start3A_24 : memref<1x8x128xi32, #tpu.memory_space<hbm>> -> memref<8x128xi32, #tpu.memory_space<hbm>>
    %dma_start3A_26 = arith.constant 0 : i32
    %dma_start3A_27 = arith.constant 0 : i32
    %dma_start3A_28 = tpu.memref_slice %arg8[%dma_start3A_18, %dma_start3A_26, %dma_start3A_27] : memref<2x8x128xi32, #tpu.memory_space<vmem>> -> memref<1x8x128xi32, #tpu.memory_space<vmem>>
    %dma_start3A_29 = tpu.memref_squeeze %dma_start3A_28 : memref<1x8x128xi32, #tpu.memory_space<vmem>> -> memref<8x128xi32, #tpu.memory_space<vmem>>
    %dma_start3A_30 = arith.constant 0 : i32
    %dma_start3A_31 = tpu.memref_slice %arg3[%arg0, %add3A_17, %dma_start3A_30] : memref<2x2560x128xi32, #tpu.memory_space<hbm>> -> memref<1x8x128xi32, #tpu.memory_space<hbm>>
    %dma_start3A_32 = tpu.memref_squeeze %dma_start3A_31 : memref<1x8x128xi32, #tpu.memory_space<hbm>> -> memref<8x128xi32, #tpu.memory_space<hbm>>
    tpu.enqueue_dma source(%dma_start3A_32 : memref<8x128xi32, #tpu.memory_space<hbm>>) target(%dma_start3A_29 : memref<8x128xi32, #tpu.memory_space<vmem>>) target_semaphore(%arg14 : memref<!tpu.dma_semaphore, #tpu.memory_space<semaphore_mem>>)
    %add3A_33 = arith.constant 8 : i32
    %add3A_34 = arith.addi %mul3A_0, %add3A_33 : i32
    %dma_start3A_35 = arith.constant 1 : i32
    %dma_start3A_36 = arith.constant 0 : i32
    %dma_start3A_37 = arith.constant 0 : i32
    %dma_start3A_38 = tpu.memref_slice %arg7[%dma_start3A_35, %dma_start3A_36, %dma_start3A_37] : memref<2x8x128xi32, #tpu.memory_space<vmem>> -> memref<1x8x128xi32, #tpu.memory_space<vmem>>
    %dma_start3A_39 = tpu.memref_squeeze %dma_start3A_38 : memref<1x8x128xi32, #tpu.memory_space<vmem>> -> memref<8x128xi32, #tpu.memory_space<vmem>>
    %dma_start3A_40 = arith.constant 0 : i32
    %dma_start3A_41 = tpu.memref_slice %arg2[%arg0, %add3A_34, %dma_start3A_40] : memref<2x2560x128xi32, #tpu.memory_space<hbm>> -> memref<1x8x128xi32, #tpu.memory_space<hbm>>
    %dma_start3A_42 = tpu.memref_squeeze %dma_start3A_41 : memref<1x8x128xi32, #tpu.memory_space<hbm>> -> memref<8x128xi32, #tpu.memory_space<hbm>>
    %dma_start3A_43 = arith.constant 0 : i32
    %dma_start3A_44 = arith.constant 0 : i32
    %dma_start3A_45 = tpu.memref_slice %arg7[%dma_start3A_35, %dma_start3A_43, %dma_start3A_44] : memref<2x8x128xi32, #tpu.memory_space<vmem>> -> memref<1x8x128xi32, #tpu.memory_space<vmem>>
    %dma_start3A_46 = tpu.memref_squeeze %dma_start3A_45 : memref<1x8x128xi32, #tpu.memory_space<vmem>> -> memref<8x128xi32, #tpu.memory_space<vmem>>
    %dma_start3A_47 = arith.constant 0 : i32
    %dma_start3A_48 = tpu.memref_slice %arg2[%arg0, %add3A_34, %dma_start3A_47] : memref<2x2560x128xi32, #tpu.memory_space<hbm>> -> memref<1x8x128xi32, #tpu.memory_space<hbm>>
    %dma_start3A_49 = tpu.memref_squeeze %dma_start3A_48 : memref<1x8x128xi32, #tpu.memory_space<hbm>> -> memref<8x128xi32, #tpu.memory_space<hbm>>
    tpu.enqueue_dma source(%dma_start3A_49 : memref<8x128xi32, #tpu.memory_space<hbm>>) target(%dma_start3A_46 : memref<8x128xi32, #tpu.memory_space<vmem>>) target_semaphore(%arg15 : memref<!tpu.dma_semaphore, #tpu.memory_space<semaphore_mem>>)
    %add3A_50 = arith.constant 8 : i32
    %add3A_51 = arith.addi %mul3A_0, %add3A_50 : i32
    %dma_start3A_52 = arith.constant 1 : i32
    %dma_start3A_53 = arith.constant 0 : i32
    %dma_start3A_54 = arith.constant 0 : i32
    %dma_start3A_55 = tpu.memref_slice %arg8[%dma_start3A_52, %dma_start3A_53, %dma_start3A_54] : memref<2x8x128xi32, #tpu.memory_space<vmem>> -> memref<1x8x128xi32, #tpu.memory_space<vmem>>
    %dma_start3A_56 = tpu.memref_squeeze %dma_start3A_55 : memref<1x8x128xi32, #tpu.memory_space<vmem>> -> memref<8x128xi32, #tpu.memory_space<vmem>>
    %dma_start3A_57 = arith.constant 0 : i32
    %dma_start3A_58 = tpu.memref_slice %arg3[%arg0, %add3A_51, %dma_start3A_57] : memref<2x2560x128xi32, #tpu.memory_space<hbm>> -> memref<1x8x128xi32, #tpu.memory_space<hbm>>
    %dma_start3A_59 = tpu.memref_squeeze %dma_start3A_58 : memref<1x8x128xi32, #tpu.memory_space<hbm>> -> memref<8x128xi32, #tpu.memory_space<hbm>>
    %dma_start3A_60 = arith.constant 0 : i32
    %dma_start3A_61 = arith.constant 0 : i32
    %dma_start3A_62 = tpu.memref_slice %arg8[%dma_start3A_52, %dma_start3A_60, %dma_start3A_61] : memref<2x8x128xi32, #tpu.memory_space<vmem>> -> memref<1x8x128xi32, #tpu.memory_space<vmem>>
    %dma_start3A_63 = tpu.memref_squeeze %dma_start3A_62 : memref<1x8x128xi32, #tpu.memory_space<vmem>> -> memref<8x128xi32, #tpu.memory_space<vmem>>
    %dma_start3A_64 = arith.constant 0 : i32
    %dma_start3A_65 = tpu.memref_slice %arg3[%arg0, %add3A_51, %dma_start3A_64] : memref<2x2560x128xi32, #tpu.memory_space<hbm>> -> memref<1x8x128xi32, #tpu.memory_space<hbm>>
    %dma_start3A_66 = tpu.memref_squeeze %dma_start3A_65 : memref<1x8x128xi32, #tpu.memory_space<hbm>> -> memref<8x128xi32, #tpu.memory_space<hbm>>
    tpu.enqueue_dma source(%dma_start3A_66 : memref<8x128xi32, #tpu.memory_space<hbm>>) target(%dma_start3A_63 : memref<8x128xi32, #tpu.memory_space<vmem>>) target_semaphore(%arg15 : memref<!tpu.dma_semaphore, #tpu.memory_space<semaphore_mem>>)
    %broadcast_in_dim3A = arith.constant 0.000000e+00 : f32
    %broadcast_in_dim3A_67 = vector.broadcast %broadcast_in_dim3A : f32 to vector<16xf32>
    %scan3A = arith.constant 0 : i32
    %scan3A_68 = arith.constant 0 : i32
    %scan3A_69 = arith.constant 128 : i32
    %scan3A_70 = arith.addi %scan3A_68, %scan3A_69 : i32
    %scan3A_71 = arith.constant 1 : i32
    %scan3A_72 = scf.for %scan3A_187 = %scan3A_68 to %scan3A_70 step %scan3A_71 iter_args(%scan3A_188 = %scan3A) -> (i32)  : i32 {
      %swap3A = arith.constant 0 : i32
      %swap3A_189 = arith.index_cast %swap3A : i32 to index
      %swap3A_190 = arith.index_cast %scan3A_187 : i32 to index
      %swap3A_191 = arith.constant 0 : index
      %swap3A_192 = tpu.vector_load %arg9[%swap3A_189, %swap3A_190, %swap3A_191] {strides = array<i32>} : memref<2x128x128xf32, #tpu.memory_space<vmem>>, vector<1x1x16xf32>,
      %swap3A_193 = vector.shape_cast %swap3A_192 : vector<1x1x16xf32> to vector<16xf32>
      %swap3A_194 = vector.shape_cast %broadcast_in_dim3A_67 : vector<16xf32> to vector<1x1x16xf32>
      tpu.vector_store %arg9[%swap3A_189, %swap3A_190, %swap3A_191], %swap3A_194 {strides = array<i32>} : memref<2x128x128xf32, #tpu.memory_space<vmem>>, vector<1x1x16xf32>,
      %swap3A_195 = arith.constant 0 : i32
      %swap3A_196 = arith.index_cast %swap3A_195 : i32 to index
      %swap3A_197 = arith.index_cast %scan3A_187 : i32 to index
      %swap3A_198 = arith.constant 16 : index
      %swap3A_199 = tpu.vector_load %arg9[%swap3A_196, %swap3A_197, %swap3A_198] {strides = array<i32>} : memref<2x128x128xf32, #tpu.memory_space<vmem>>, vector<1x1x16xf32>,
      %swap3A_200 = vector.shape_cast %swap3A_199 : vector<1x1x16xf32> to vector<16xf32>
      %swap3A_201 = vector.shape_cast %broadcast_in_dim3A_67 : vector<16xf32> to vector<1x1x16xf32>
      tpu.vector_store %arg9[%swap3A_196, %swap3A_197, %swap3A_198], %swap3A_201 {strides = array<i32>} : memref<2x128x128xf32, #tpu.memory_space<vmem>>, vector<1x1x16xf32>,
      %swap3A_202 = arith.constant 0 : i32
      %swap3A_203 = arith.index_cast %swap3A_202 : i32 to index
      %swap3A_204 = arith.index_cast %scan3A_187 : i32 to index
      %swap3A_205 = arith.constant 32 : index
      %swap3A_206 = tpu.vector_load %arg9[%swap3A_203, %swap3A_204, %swap3A_205] {strides = array<i32>} : memref<2x128x128xf32, #tpu.memory_space<vmem>>, vector<1x1x16xf32>,
      %swap3A_207 = vector.shape_cast %swap3A_206 : vector<1x1x16xf32> to vector<16xf32>
      %swap3A_208 = vector.shape_cast %broadcast_in_dim3A_67 : vector<16xf32> to vector<1x1x16xf32>
      tpu.vector_store %arg9[%swap3A_203, %swap3A_204, %swap3A_205], %swap3A_208 {strides = array<i32>} : memref<2x128x128xf32, #tpu.memory_space<vmem>>, vector<1x1x16xf32>,
      %swap3A_209 = arith.constant 0 : i32
      %swap3A_210 = arith.index_cast %swap3A_209 : i32 to index
      %swap3A_211 = arith.index_cast %scan3A_187 : i32 to index
      %swap3A_212 = arith.constant 48 : index
      %swap3A_213 = tpu.vector_load %arg9[%swap3A_210, %swap3A_211, %swap3A_212] {strides = array<i32>} : memref<2x128x128xf32, #tpu.memory_space<vmem>>, vector<1x1x16xf32>,
      %swap3A_214 = vector.shape_cast %swap3A_213 : vector<1x1x16xf32> to vector<16xf32>
      %swap3A_215 = vector.shape_cast %broadcast_in_dim3A_67 : vector<16xf32> to vector<1x1x16xf32>
      tpu.vector_store %arg9[%swap3A_210, %swap3A_211, %swap3A_212], %swap3A_215 {strides = array<i32>} : memref<2x128x128xf32, #tpu.memory_space<vmem>>, vector<1x1x16xf32>,
      %swap3A_216 = arith.constant 0 : i32
      %swap3A_217 = arith.index_cast %swap3A_216 : i32 to index
      %swap3A_218 = arith.index_cast %scan3A_187 : i32 to index
      %swap3A_219 = arith.constant 64 : index
      %swap3A_220 = tpu.vector_load %arg9[%swap3A_217, %swap3A_218, %swap3A_219] {strides = array<i32>} : memref<2x128x128xf32, #tpu.memory_space<vmem>>, vector<1x1x16xf32>,
      %swap3A_221 = vector.shape_cast %swap3A_220 : vector<1x1x16xf32> to vector<16xf32>
      %swap3A_222 = vector.shape_cast %broadcast_in_dim3A_67 : vector<16xf32> to vector<1x1x16xf32>
      tpu.vector_store %arg9[%swap3A_217, %swap3A_218, %swap3A_219], %swap3A_222 {strides = array<i32>} : memref<2x128x128xf32, #tpu.memory_space<vmem>>, vector<1x1x16xf32>,
      %swap3A_223 = arith.constant 0 : i32
      %swap3A_224 = arith.index_cast %swap3A_223 : i32 to index
      %swap3A_225 = arith.index_cast %scan3A_187 : i32 to index
      %swap3A_226 = arith.constant 80 : index
      %swap3A_227 = tpu.vector_load %arg9[%swap3A_224, %swap3A_225, %swap3A_226] {strides = array<i32>} : memref<2x128x128xf32, #tpu.memory_space<vmem>>, vector<1x1x16xf32>,
      %swap3A_228 = vector.shape_cast %swap3A_227 : vector<1x1x16xf32> to vector<16xf32>
      %swap3A_229 = vector.shape_cast %broadcast_in_dim3A_67 : vector<16xf32> to vector<1x1x16xf32>
      tpu.vector_store %arg9[%swap3A_224, %swap3A_225, %swap3A_226], %swap3A_229 {strides = array<i32>} : memref<2x128x128xf32, #tpu.memory_space<vmem>>, vector<1x1x16xf32>,
      %swap3A_230 = arith.constant 0 : i32
      %swap3A_231 = arith.index_cast %swap3A_230 : i32 to index
      %swap3A_232 = arith.index_cast %scan3A_187 : i32 to index
      %swap3A_233 = arith.constant 96 : index
      %swap3A_234 = tpu.vector_load %arg9[%swap3A_231, %swap3A_232, %swap3A_233] {strides = array<i32>} : memref<2x128x128xf32, #tpu.memory_space<vmem>>, vector<1x1x16xf32>,
      %swap3A_235 = vector.shape_cast %swap3A_234 : vector<1x1x16xf32> to vector<16xf32>
      %swap3A_236 = vector.shape_cast %broadcast_in_dim3A_67 : vector<16xf32> to vector<1x1x16xf32>
      tpu.vector_store %arg9[%swap3A_231, %swap3A_232, %swap3A_233], %swap3A_236 {strides = array<i32>} : memref<2x128x128xf32, #tpu.memory_space<vmem>>, vector<1x1x16xf32>,
      %swap3A_237 = arith.constant 0 : i32
      %swap3A_238 = arith.index_cast %swap3A_237 : i32 to index
      %swap3A_239 = arith.index_cast %scan3A_187 : i32 to index
      %swap3A_240 = arith.constant 112 : index
      %swap3A_241 = tpu.vector_load %arg9[%swap3A_238, %swap3A_239, %swap3A_240] {strides = array<i32>} : memref<2x128x128xf32, #tpu.memory_space<vmem>>, vector<1x1x16xf32>,
      %swap3A_242 = vector.shape_cast %swap3A_241 : vector<1x1x16xf32> to vector<16xf32>
      %swap3A_243 = vector.shape_cast %broadcast_in_dim3A_67 : vector<16xf32> to vector<1x1x16xf32>
      tpu.vector_store %arg9[%swap3A_238, %swap3A_239, %swap3A_240], %swap3A_243 {strides = array<i32>} : memref<2x128x128xf32, #tpu.memory_space<vmem>>, vector<1x1x16xf32>,
      %scan3A_244 = arith.constant 0 : i32
      scf.yield %scan3A_244 : i32
    }
    %scan3A_73 = arith.constant 128 : i32
    %broadcast_in_dim3A_74 = arith.constant 1.000000e+00 : f32
    %broadcast_in_dim3A_75 = vector.broadcast %broadcast_in_dim3A_74 : f32 to vector<16xf32>
    %scan3A_76 = arith.constant 0 : i32
    %scan3A_77 = arith.constant 0 : i32
    %scan3A_78 = arith.constant 8 : i32
    %scan3A_79 = arith.addi %scan3A_77, %scan3A_78 : i32
    %scan3A_80 = arith.constant 1 : i32
    %scan3A_81 = scf.for %scan3A_187 = %scan3A_77 to %scan3A_79 step %scan3A_80 iter_args(%scan3A_188 = %scan3A_76) -> (i32)  : i32 {
      %mul3A_189 = arith.constant 16 : i32
      %mul3A_190 = arith.muli %scan3A_187, %mul3A_189 : i32
      %swap3A = arith.index_cast %mul3A_190 : i32 to index
      %swap3A_191 = tpu.vector_load %arg10[%swap3A] {strides = array<i32>} : memref<128xf32, #tpu.memory_space<vmem>>, vector<16xf32>,
      %swap3A_192 = vector.shape_cast %swap3A_191 : vector<16xf32> to vector<16xf32>
      %swap3A_193 = vector.shape_cast %broadcast_in_dim3A_75 : vector<16xf32> to vector<16xf32>
      tpu.vector_store %arg10[%swap3A], %swap3A_193 {strides = array<i32>} : memref<128xf32, #tpu.memory_space<vmem>>, vector<16xf32>,
      %scan3A_194 = arith.constant 0 : i32
      scf.yield %scan3A_194 : i32
    }
    %scan3A_82 = arith.constant 8 : i32
    %broadcast_in_dim3A_83 = arith.constant 0.000000e+00 : f32
    %broadcast_in_dim3A_84 = vector.broadcast %broadcast_in_dim3A_83 : f32 to vector<16xf32>
    %scan3A_85 = arith.constant 0 : i32
    %scan3A_86 = arith.constant 0 : i32
    %scan3A_87 = arith.constant 40 : i32
    %scan3A_88 = arith.addi %scan3A_86, %scan3A_87 : i32
    %scan3A_89 = arith.constant 1 : i32
    %scan3A_90 = scf.for %scan3A_187 = %scan3A_86 to %scan3A_88 step %scan3A_89 iter_args(%scan3A_188 = %scan3A_85) -> (i32)  : i32 {
      %mul3A_189 = arith.constant 16 : i32
      %mul3A_190 = arith.muli %scan3A_187, %mul3A_189 : i32
      %swap3A = arith.index_cast %mul3A_190 : i32 to index
      %swap3A_191 = tpu.vector_load %arg11[%swap3A] {strides = array<i32>} : memref<640xf32, #tpu.memory_space<vmem>>, vector<16xf32>,
      %swap3A_192 = vector.shape_cast %swap3A_191 : vector<16xf32> to vector<16xf32>
      %swap3A_193 = vector.shape_cast %broadcast_in_dim3A_84 : vector<16xf32> to vector<16xf32>
      tpu.vector_store %arg11[%swap3A], %swap3A_193 {strides = array<i32>} : memref<640xf32, #tpu.memory_space<vmem>>, vector<16xf32>,
      %scan3A_194 = arith.constant 0 : i32
      scf.yield %scan3A_194 : i32
    }
    %scan3A_91 = arith.constant 40 : i32
    %mul3A_92 = arith.constant 640 : i32
    %mul3A_93 = arith.muli %arg1, %mul3A_92 : i32
    %add3A_94 = arith.constant 0 : i32
    %add3A_95 = arith.addi %mul3A_93, %add3A_94 : i32
    %run_scoped3A = arith.constant 0 : i32
    "tpu.region"() ({
      %run_scoped3A_187 = tpu.sem_alloc : memref<!tpu.dma_semaphore, #tpu.memory_space<semaphore_mem>>
      %dma_start3A_188 = arith.constant 0 : i32
      %dma_start3A_189 = arith.constant 0 : i32
      %dma_start3A_190 = tpu.memref_slice %arg9[%run_scoped3A, %dma_start3A_188, %dma_start3A_189] : memref<2x128x128xf32, #tpu.memory_space<vmem>> -> memref<1x128x128xf32, #tpu.memory_space<vmem>>
      %dma_start3A_191 = tpu.memref_squeeze %dma_start3A_190 : memref<1x128x128xf32, #tpu.memory_space<vmem>> -> memref<128x128xf32, #tpu.memory_space<vmem>>
      %dma_start3A_192 = arith.constant 0 : i32
      %dma_start3A_193 = tpu.memref_slice %arg12[%add3A_95, %dma_start3A_192] : memref<10240x128xf32, #tpu.memory_space<vmem_shared>> -> memref<128x128xf32, #tpu.memory_space<vmem_shared>>
      %dma_start3A_194 = arith.constant 0 : i32
      %dma_start3A_195 = tpu.memref_slice %arg12[%add3A_95, %dma_start3A_194] : memref<10240x128xf32, #tpu.memory_space<vmem_shared>> -> memref<128x128xf32, #tpu.memory_space<vmem_shared>>
      %dma_start3A_196 = arith.constant 0 : i32
      %dma_start3A_197 = arith.constant 0 : i32
      %dma_start3A_198 = tpu.memref_slice %arg9[%run_scoped3A, %dma_start3A_196, %dma_start3A_197] : memref<2x128x128xf32, #tpu.memory_space<vmem>> -> memref<1x128x128xf32, #tpu.memory_space<vmem>>
      %dma_start3A_199 = tpu.memref_squeeze %dma_start3A_198 : memref<1x128x128xf32, #tpu.memory_space<vmem>> -> memref<128x128xf32, #tpu.memory_space<vmem>>
      tpu.enqueue_dma source(%dma_start3A_199 : memref<128x128xf32, #tpu.memory_space<vmem>>) target(%dma_start3A_195 : memref<128x128xf32, #tpu.memory_space<vmem_shared>>) target_semaphore(%run_scoped3A_187 : memref<!tpu.dma_semaphore, #tpu.memory_space<semaphore_mem>>)
      %dma_wait3A_200 = arith.constant 0 : i32
      %dma_wait3A_201 = arith.constant 0 : i32
      %dma_wait3A_202 = tpu.memref_slice %arg9[%run_scoped3A, %dma_wait3A_200, %dma_wait3A_201] : memref<2x128x128xf32, #tpu.memory_space<vmem>> -> memref<1x128x128xf32, #tpu.memory_space<vmem>>
      %dma_wait3A_203 = tpu.memref_squeeze %dma_wait3A_202 : memref<1x128x128xf32, #tpu.memory_space<vmem>> -> memref<128x128xf32, #tpu.memory_space<vmem>>
      %dma_wait3A_204 = arith.constant 0 : i32
      %dma_wait3A_205 = tpu.memref_slice %arg12[%add3A_95, %dma_wait3A_204] : memref<10240x128xf32, #tpu.memory_space<vmem_shared>> -> memref<128x128xf32, #tpu.memory_space<vmem_shared>>
      %dma_wait3A_206 = arith.constant 0 : i32
      %dma_wait3A_207 = tpu.memref_slice %arg12[%add3A_95, %dma_wait3A_206] : memref<10240x128xf32, #tpu.memory_space<vmem_shared>> -> memref<128x128xf32, #tpu.memory_space<vmem_shared>>
      %dma_wait3A_208 = arith.constant 0 : i32
      %dma_wait3A_209 = arith.constant 0 : i32
      %dma_wait3A_210 = tpu.memref_slice %arg9[%run_scoped3A, %dma_wait3A_208, %dma_wait3A_209] : memref<2x128x128xf32, #tpu.memory_space<vmem>> -> memref<1x128x128xf32, #tpu.memory_space<vmem>>
      %dma_wait3A_211 = tpu.memref_squeeze %dma_wait3A_210 : memref<1x128x128xf32, #tpu.memory_space<vmem>> -> memref<128x128xf32, #tpu.memory_space<vmem>>
      tpu.wait_dma2 semaphore(%run_scoped3A_187 : memref<!tpu.dma_semaphore, #tpu.memory_space<semaphore_mem>>) src(%dma_wait3A_211 : memref<128x128xf32, #tpu.memory_space<vmem>>) dst(%dma_wait3A_207 : memref<128x128xf32, #tpu.memory_space<vmem_shared>>)
      tpu.yield
    }) : () -> ()
    %mul3A_96 = arith.constant 640 : i32
    %mul3A_97 = arith.muli %arg1, %mul3A_96 : i32
    %add3A_98 = arith.constant 128 : i32
    %add3A_99 = arith.addi %mul3A_97, %add3A_98 : i32
    %run_scoped3A_100 = arith.constant 0 : i32
    "tpu.region"() ({
      %run_scoped3A_187 = tpu.sem_alloc : memref<!tpu.dma_semaphore, #tpu.memory_space<semaphore_mem>>
      %dma_start3A_188 = arith.constant 0 : i32
      %dma_start3A_189 = arith.constant 0 : i32
      %dma_start3A_190 = tpu.memref_slice %arg9[%run_scoped3A_100, %dma_start3A_188, %dma_start3A_189] : memref<2x128x128xf32, #tpu.memory_space<vmem>> -> memref<1x128x128xf32, #tpu.memory_space<vmem>>
      %dma_start3A_191 = tpu.memref_squeeze %dma_start3A_190 : memref<1x128x128xf32, #tpu.memory_space<vmem>> -> memref<128x128xf32, #tpu.memory_space<vmem>>
      %dma_start3A_192 = arith.constant 0 : i32
      %dma_start3A_193 = tpu.memref_slice %arg12[%add3A_99, %dma_start3A_192] : memref<10240x128xf32, #tpu.memory_space<vmem_shared>> -> memref<128x128xf32, #tpu.memory_space<vmem_shared>>
      %dma_start3A_194 = arith.constant 0 : i32
      %dma_start3A_195 = tpu.memref_slice %arg12[%add3A_99, %dma_start3A_194] : memref<10240x128xf32, #tpu.memory_space<vmem_shared>> -> memref<128x128xf32, #tpu.memory_space<vmem_shared>>
      %dma_start3A_196 = arith.constant 0 : i32
      %dma_start3A_197 = arith.constant 0 : i32
      %dma_start3A_198 = tpu.memref_slice %arg9[%run_scoped3A_100, %dma_start3A_196, %dma_start3A_197] : memref<2x128x128xf32, #tpu.memory_space<vmem>> -> memref<1x128x128xf32, #tpu.memory_space<vmem>>
      %dma_start3A_199 = tpu.memref_squeeze %dma_start3A_198 : memref<1x128x128xf32, #tpu.memory_space<vmem>> -> memref<128x128xf32, #tpu.memory_space<vmem>>
      tpu.enqueue_dma source(%dma_start3A_199 : memref<128x128xf32, #tpu.memory_space<vmem>>) target(%dma_start3A_195 : memref<128x128xf32, #tpu.memory_space<vmem_shared>>) target_semaphore(%run_scoped3A_187 : memref<!tpu.dma_semaphore, #tpu.memory_space<semaphore_mem>>)
      %dma_wait3A_200 = arith.constant 0 : i32
      %dma_wait3A_201 = arith.constant 0 : i32
      %dma_wait3A_202 = tpu.memref_slice %arg9[%run_scoped3A_100, %dma_wait3A_200, %dma_wait3A_201] : memref<2x128x128xf32, #tpu.memory_space<vmem>> -> memref<1x128x128xf32, #tpu.memory_space<vmem>>
      %dma_wait3A_203 = tpu.memref_squeeze %dma_wait3A_202 : memref<1x128x128xf32, #tpu.memory_space<vmem>> -> memref<128x128xf32, #tpu.memory_space<vmem>>
      %dma_wait3A_204 = arith.constant 0 : i32
      %dma_wait3A_205 = tpu.memref_slice %arg12[%add3A_99, %dma_wait3A_204] : memref<10240x128xf32, #tpu.memory_space<vmem_shared>> -> memref<128x128xf32, #tpu.memory_space<vmem_shared>>
      %dma_wait3A_206 = arith.constant 0 : i32
      %dma_wait3A_207 = tpu.memref_slice %arg12[%add3A_99, %dma_wait3A_206] : memref<10240x128xf32, #tpu.memory_space<vmem_shared>> -> memref<128x128xf32, #tpu.memory_space<vmem_shared>>
      %dma_wait3A_208 = arith.constant 0 : i32
      %dma_wait3A_209 = arith.constant 0 : i32
      %dma_wait3A_210 = tpu.memref_slice %arg9[%run_scoped3A_100, %dma_wait3A_208, %dma_wait3A_209] : memref<2x128x128xf32, #tpu.memory_space<vmem>> -> memref<1x128x128xf32, #tpu.memory_space<vmem>>
      %dma_wait3A_211 = tpu.memref_squeeze %dma_wait3A_210 : memref<1x128x128xf32, #tpu.memory_space<vmem>> -> memref<128x128xf32, #tpu.memory_space<vmem>>
      tpu.wait_dma2 semaphore(%run_scoped3A_187 : memref<!tpu.dma_semaphore, #tpu.memory_space<semaphore_mem>>) src(%dma_wait3A_211 : memref<128x128xf32, #tpu.memory_space<vmem>>) dst(%dma_wait3A_207 : memref<128x128xf32, #tpu.memory_space<vmem_shared>>)
      tpu.yield
    }) : () -> ()
    %mul3A_101 = arith.constant 640 : i32
    %mul3A_102 = arith.muli %arg1, %mul3A_101 : i32
    %add3A_103 = arith.constant 256 : i32
    %add3A_104 = arith.addi %mul3A_102, %add3A_103 : i32
    %run_scoped3A_105 = arith.constant 0 : i32
    "tpu.region"() ({
      %run_scoped3A_187 = tpu.sem_alloc : memref<!tpu.dma_semaphore, #tpu.memory_space<semaphore_mem>>
      %dma_start3A_188 = arith.constant 0 : i32
      %dma_start3A_189 = arith.constant 0 : i32
      %dma_start3A_190 = tpu.memref_slice %arg9[%run_scoped3A_105, %dma_start3A_188, %dma_start3A_189] : memref<2x128x128xf32, #tpu.memory_space<vmem>> -> memref<1x128x128xf32, #tpu.memory_space<vmem>>
      %dma_start3A_191 = tpu.memref_squeeze %dma_start3A_190 : memref<1x128x128xf32, #tpu.memory_space<vmem>> -> memref<128x128xf32, #tpu.memory_space<vmem>>
      %dma_start3A_192 = arith.constant 0 : i32
      %dma_start3A_193 = tpu.memref_slice %arg12[%add3A_104, %dma_start3A_192] : memref<10240x128xf32, #tpu.memory_space<vmem_shared>> -> memref<128x128xf32, #tpu.memory_space<vmem_shared>>
      %dma_start3A_194 = arith.constant 0 : i32
      %dma_start3A_195 = tpu.memref_slice %arg12[%add3A_104, %dma_start3A_194] : memref<10240x128xf32, #tpu.memory_space<vmem_shared>> -> memref<128x128xf32, #tpu.memory_space<vmem_shared>>
      %dma_start3A_196 = arith.constant 0 : i32
      %dma_start3A_197 = arith.constant 0 : i32
      %dma_start3A_198 = tpu.memref_slice %arg9[%run_scoped3A_105, %dma_start3A_196, %dma_start3A_197] : memref<2x128x128xf32, #tpu.memory_space<vmem>> -> memref<1x128x128xf32, #tpu.memory_space<vmem>>
      %dma_start3A_199 = tpu.memref_squeeze %dma_start3A_198 : memref<1x128x128xf32, #tpu.memory_space<vmem>> -> memref<128x128xf32, #tpu.memory_space<vmem>>
      tpu.enqueue_dma source(%dma_start3A_199 : memref<128x128xf32, #tpu.memory_space<vmem>>) target(%dma_start3A_195 : memref<128x128xf32, #tpu.memory_space<vmem_shared>>) target_semaphore(%run_scoped3A_187 : memref<!tpu.dma_semaphore, #tpu.memory_space<semaphore_mem>>)
      %dma_wait3A_200 = arith.constant 0 : i32
      %dma_wait3A_201 = arith.constant 0 : i32
      %dma_wait3A_202 = tpu.memref_slice %arg9[%run_scoped3A_105, %dma_wait3A_200, %dma_wait3A_201] : memref<2x128x128xf32, #tpu.memory_space<vmem>> -> memref<1x128x128xf32, #tpu.memory_space<vmem>>
      %dma_wait3A_203 = tpu.memref_squeeze %dma_wait3A_202 : memref<1x128x128xf32, #tpu.memory_space<vmem>> -> memref<128x128xf32, #tpu.memory_space<vmem>>
      %dma_wait3A_204 = arith.constant 0 : i32
      %dma_wait3A_205 = tpu.memref_slice %arg12[%add3A_104, %dma_wait3A_204] : memref<10240x128xf32, #tpu.memory_space<vmem_shared>> -> memref<128x128xf32, #tpu.memory_space<vmem_shared>>
      %dma_wait3A_206 = arith.constant 0 : i32
      %dma_wait3A_207 = tpu.memref_slice %arg12[%add3A_104, %dma_wait3A_206] : memref<10240x128xf32, #tpu.memory_space<vmem_shared>> -> memref<128x128xf32, #tpu.memory_space<vmem_shared>>
      %dma_wait3A_208 = arith.constant 0 : i32
      %dma_wait3A_209 = arith.constant 0 : i32
      %dma_wait3A_210 = tpu.memref_slice %arg9[%run_scoped3A_105, %dma_wait3A_208, %dma_wait3A_209] : memref<2x128x128xf32, #tpu.memory_space<vmem>> -> memref<1x128x128xf32, #tpu.memory_space<vmem>>
      %dma_wait3A_211 = tpu.memref_squeeze %dma_wait3A_210 : memref<1x128x128xf32, #tpu.memory_space<vmem>> -> memref<128x128xf32, #tpu.memory_space<vmem>>
      tpu.wait_dma2 semaphore(%run_scoped3A_187 : memref<!tpu.dma_semaphore, #tpu.memory_space<semaphore_mem>>) src(%dma_wait3A_211 : memref<128x128xf32, #tpu.memory_space<vmem>>) dst(%dma_wait3A_207 : memref<128x128xf32, #tpu.memory_space<vmem_shared>>)
      tpu.yield
    }) : () -> ()
    %mul3A_106 = arith.constant 640 : i32
    %mul3A_107 = arith.muli %arg1, %mul3A_106 : i32
    %add3A_108 = arith.constant 384 : i32
    %add3A_109 = arith.addi %mul3A_107, %add3A_108 : i32
    %run_scoped3A_110 = arith.constant 0 : i32
    "tpu.region"() ({
      %run_scoped3A_187 = tpu.sem_alloc : memref<!tpu.dma_semaphore, #tpu.memory_space<semaphore_mem>>
      %dma_start3A_188 = arith.constant 0 : i32
      %dma_start3A_189 = arith.constant 0 : i32
      %dma_start3A_190 = tpu.memref_slice %arg9[%run_scoped3A_110, %dma_start3A_188, %dma_start3A_189] : memref<2x128x128xf32, #tpu.memory_space<vmem>> -> memref<1x128x128xf32, #tpu.memory_space<vmem>>
      %dma_start3A_191 = tpu.memref_squeeze %dma_start3A_190 : memref<1x128x128xf32, #tpu.memory_space<vmem>> -> memref<128x128xf32, #tpu.memory_space<vmem>>
      %dma_start3A_192 = arith.constant 0 : i32
      %dma_start3A_193 = tpu.memref_slice %arg12[%add3A_109, %dma_start3A_192] : memref<10240x128xf32, #tpu.memory_space<vmem_shared>> -> memref<128x128xf32, #tpu.memory_space<vmem_shared>>
      %dma_start3A_194 = arith.constant 0 : i32
      %dma_start3A_195 = tpu.memref_slice %arg12[%add3A_109, %dma_start3A_194] : memref<10240x128xf32, #tpu.memory_space<vmem_shared>> -> memref<128x128xf32, #tpu.memory_space<vmem_shared>>
      %dma_start3A_196 = arith.constant 0 : i32
      %dma_start3A_197 = arith.constant 0 : i32
      %dma_start3A_198 = tpu.memref_slice %arg9[%run_scoped3A_110, %dma_start3A_196, %dma_start3A_197] : memref<2x128x128xf32, #tpu.memory_space<vmem>> -> memref<1x128x128xf32, #tpu.memory_space<vmem>>
      %dma_start3A_199 = tpu.memref_squeeze %dma_start3A_198 : memref<1x128x128xf32, #tpu.memory_space<vmem>> -> memref<128x128xf32, #tpu.memory_space<vmem>>
      tpu.enqueue_dma source(%dma_start3A_199 : memref<128x128xf32, #tpu.memory_space<vmem>>) target(%dma_start3A_195 : memref<128x128xf32, #tpu.memory_space<vmem_shared>>) target_semaphore(%run_scoped3A_187 : memref<!tpu.dma_semaphore, #tpu.memory_space<semaphore_mem>>)
      %dma_wait3A_200 = arith.constant 0 : i32
      %dma_wait3A_201 = arith.constant 0 : i32
      %dma_wait3A_202 = tpu.memref_slice %arg9[%run_scoped3A_110, %dma_wait3A_200, %dma_wait3A_201] : memref<2x128x128xf32, #tpu.memory_space<vmem>> -> memref<1x128x128xf32, #tpu.memory_space<vmem>>
      %dma_wait3A_203 = tpu.memref_squeeze %dma_wait3A_202 : memref<1x128x128xf32, #tpu.memory_space<vmem>> -> memref<128x128xf32, #tpu.memory_space<vmem>>
      %dma_wait3A_204 = arith.constant 0 : i32
      %dma_wait3A_205 = tpu.memref_slice %arg12[%add3A_109, %dma_wait3A_204] : memref<10240x128xf32, #tpu.memory_space<vmem_shared>> -> memref<128x128xf32, #tpu.memory_space<vmem_shared>>
      %dma_wait3A_206 = arith.constant 0 : i32
      %dma_wait3A_207 = tpu.memref_slice %arg12[%add3A_109, %dma_wait3A_206] : memref<10240x128xf32, #tpu.memory_space<vmem_shared>> -> memref<128x128xf32, #tpu.memory_space<vmem_shared>>
      %dma_wait3A_208 = arith.constant 0 : i32
      %dma_wait3A_209 = arith.constant 0 : i32
      %dma_wait3A_210 = tpu.memref_slice %arg9[%run_scoped3A_110, %dma_wait3A_208, %dma_wait3A_209] : memref<2x128x128xf32, #tpu.memory_space<vmem>> -> memref<1x128x128xf32, #tpu.memory_space<vmem>>
      %dma_wait3A_211 = tpu.memref_squeeze %dma_wait3A_210 : memref<1x128x128xf32, #tpu.memory_space<vmem>> -> memref<128x128xf32, #tpu.memory_space<vmem>>
      tpu.wait_dma2 semaphore(%run_scoped3A_187 : memref<!tpu.dma_semaphore, #tpu.memory_space<semaphore_mem>>) src(%dma_wait3A_211 : memref<128x128xf32, #tpu.memory_space<vmem>>) dst(%dma_wait3A_207 : memref<128x128xf32, #tpu.memory_space<vmem_shared>>)
      tpu.yield
    }) : () -> ()
    %mul3A_111 = arith.constant 640 : i32
    %mul3A_112 = arith.muli %arg1, %mul3A_111 : i32
    %add3A_113 = arith.constant 512 : i32
    %add3A_114 = arith.addi %mul3A_112, %add3A_113 : i32
    %run_scoped3A_115 = arith.constant 0 : i32
    "tpu.region"() ({
      %run_scoped3A_187 = tpu.sem_alloc : memref<!tpu.dma_semaphore, #tpu.memory_space<semaphore_mem>>
      %dma_start3A_188 = arith.constant 0 : i32
      %dma_start3A_189 = arith.constant 0 : i32
      %dma_start3A_190 = tpu.memref_slice %arg9[%run_scoped3A_115, %dma_start3A_188, %dma_start3A_189] : memref<2x128x128xf32, #tpu.memory_space<vmem>> -> memref<1x128x128xf32, #tpu.memory_space<vmem>>
      %dma_start3A_191 = tpu.memref_squeeze %dma_start3A_190 : memref<1x128x128xf32, #tpu.memory_space<vmem>> -> memref<128x128xf32, #tpu.memory_space<vmem>>
      %dma_start3A_192 = arith.constant 0 : i32
      %dma_start3A_193 = tpu.memref_slice %arg12[%add3A_114, %dma_start3A_192] : memref<10240x128xf32, #tpu.memory_space<vmem_shared>> -> memref<128x128xf32, #tpu.memory_space<vmem_shared>>
      %dma_start3A_194 = arith.constant 0 : i32
      %dma_start3A_195 = tpu.memref_slice %arg12[%add3A_114, %dma_start3A_194] : memref<10240x128xf32, #tpu.memory_space<vmem_shared>> -> memref<128x128xf32, #tpu.memory_space<vmem_shared>>
      %dma_start3A_196 = arith.constant 0 : i32
      %dma_start3A_197 = arith.constant 0 : i32
      %dma_start3A_198 = tpu.memref_slice %arg9[%run_scoped3A_115, %dma_start3A_196, %dma_start3A_197] : memref<2x128x128xf32, #tpu.memory_space<vmem>> -> memref<1x128x128xf32, #tpu.memory_space<vmem>>
      %dma_start3A_199 = tpu.memref_squeeze %dma_start3A_198 : memref<1x128x128xf32, #tpu.memory_space<vmem>> -> memref<128x128xf32, #tpu.memory_space<vmem>>
      tpu.enqueue_dma source(%dma_start3A_199 : memref<128x128xf32, #tpu.memory_space<vmem>>) target(%dma_start3A_195 : memref<128x128xf32, #tpu.memory_space<vmem_shared>>) target_semaphore(%run_scoped3A_187 : memref<!tpu.dma_semaphore, #tpu.memory_space<semaphore_mem>>)
      %dma_wait3A_200 = arith.constant 0 : i32
      %dma_wait3A_201 = arith.constant 0 : i32
      %dma_wait3A_202 = tpu.memref_slice %arg9[%run_scoped3A_115, %dma_wait3A_200, %dma_wait3A_201] : memref<2x128x128xf32, #tpu.memory_space<vmem>> -> memref<1x128x128xf32, #tpu.memory_space<vmem>>
      %dma_wait3A_203 = tpu.memref_squeeze %dma_wait3A_202 : memref<1x128x128xf32, #tpu.memory_space<vmem>> -> memref<128x128xf32, #tpu.memory_space<vmem>>
      %dma_wait3A_204 = arith.constant 0 : i32
      %dma_wait3A_205 = tpu.memref_slice %arg12[%add3A_114, %dma_wait3A_204] : memref<10240x128xf32, #tpu.memory_space<vmem_shared>> -> memref<128x128xf32, #tpu.memory_space<vmem_shared>>
      %dma_wait3A_206 = arith.constant 0 : i32
      %dma_wait3A_207 = tpu.memref_slice %arg12[%add3A_114, %dma_wait3A_206] : memref<10240x128xf32, #tpu.memory_space<vmem_shared>> -> memref<128x128xf32, #tpu.memory_space<vmem_shared>>
      %dma_wait3A_208 = arith.constant 0 : i32
      %dma_wait3A_209 = arith.constant 0 : i32
      %dma_wait3A_210 = tpu.memref_slice %arg9[%run_scoped3A_115, %dma_wait3A_208, %dma_wait3A_209] : memref<2x128x128xf32, #tpu.memory_space<vmem>> -> memref<1x128x128xf32, #tpu.memory_space<vmem>>
      %dma_wait3A_211 = tpu.memref_squeeze %dma_wait3A_210 : memref<1x128x128xf32, #tpu.memory_space<vmem>> -> memref<128x128xf32, #tpu.memory_space<vmem>>
      tpu.wait_dma2 semaphore(%run_scoped3A_187 : memref<!tpu.dma_semaphore, #tpu.memory_space<semaphore_mem>>) src(%dma_wait3A_211 : memref<128x128xf32, #tpu.memory_space<vmem>>) dst(%dma_wait3A_207 : memref<128x128xf32, #tpu.memory_space<vmem_shared>>)
      tpu.yield
    }) : () -> ()
    %barrier3A = arith.constant 0 : index
    tpu.barrier barrier_id(%barrier3A)
    %add3A_116 = arith.constant 0 : i32
    %add3A_117 = arith.addi %mul3A_0, %add3A_116 : i32
    %dma_wait3A = arith.constant 0 : i32
    %dma_wait3A_118 = arith.constant 0 : i32
    %dma_wait3A_119 = arith.constant 0 : i32
    %dma_wait3A_120 = tpu.memref_slice %arg7[%dma_wait3A, %dma_wait3A_118, %dma_wait3A_119] : memref<2x8x128xi32, #tpu.memory_space<vmem>> -> memref<1x8x128xi32, #tpu.memory_space<vmem>>
    %dma_wait3A_121 = tpu.memref_squeeze %dma_wait3A_120 : memref<1x8x128xi32, #tpu.memory_space<vmem>> -> memref<8x128xi32, #tpu.memory_space<vmem>>
    %dma_wait3A_122 = arith.constant 0 : i32
    %dma_wait3A_123 = tpu.memref_slice %arg2[%arg0, %add3A_117, %dma_wait3A_122] : memref<2x2560x128xi32, #tpu.memory_space<hbm>> -> memref<1x8x128xi32, #tpu.memory_space<hbm>>
    %dma_wait3A_124 = tpu.memref_squeeze %dma_wait3A_123 : memref<1x8x128xi32, #tpu.memory_space<hbm>> -> memref<8x128xi32, #tpu.memory_space<hbm>>
    %dma_wait3A_125 = arith.constant 0 : i32
    %dma_wait3A_126 = arith.constant 0 : i32
    %dma_wait3A_127 = tpu.memref_slice %arg7[%dma_wait3A, %dma_wait3A_125, %dma_wait3A_126] : memref<2x8x128xi32, #tpu.memory_space<vmem>> -> memref<1x8x128xi32, #tpu.memory_space<vmem>>
    %dma_wait3A_128 = tpu.memref_squeeze %dma_wait3A_127 : memref<1x8x128xi32, #tpu.memory_space<vmem>> -> memref<8x128xi32, #tpu.memory_space<vmem>>
    %dma_wait3A_129 = arith.constant 0 : i32
    %dma_wait3A_130 = tpu.memref_slice %arg2[%arg0, %add3A_117, %dma_wait3A_129] : memref<2x2560x128xi32, #tpu.memory_space<hbm>> -> memref<1x8x128xi32, #tpu.memory_space<hbm>>
    %dma_wait3A_131 = tpu.memref_squeeze %dma_wait3A_130 : memref<1x8x128xi32, #tpu.memory_space<hbm>> -> memref<8x128xi32, #tpu.memory_space<hbm>>
    tpu.wait_dma2 semaphore(%arg14 : memref<!tpu.dma_semaphore, #tpu.memory_space<semaphore_mem>>) src(%dma_wait3A_131 : memref<8x128xi32, #tpu.memory_space<hbm>>) dst(%dma_wait3A_128 : memref<8x128xi32, #tpu.memory_space<vmem>>)
    %add3A_132 = arith.constant 0 : i32
    %add3A_133 = arith.addi %mul3A_0, %add3A_132 : i32
    %dma_wait3A_134 = arith.constant 0 : i32
    %dma_wait3A_135 = arith.constant 0 : i32
    %dma_wait3A_136 = arith.constant 0 : i32
    %dma_wait3A_137 = tpu.memref_slice %arg8[%dma_wait3A_134, %dma_wait3A_135, %dma_wait3A_136] : memref<2x8x128xi32, #tpu.memory_space<vmem>> -> memref<1x8x128xi32, #tpu.memory_space<vmem>>
    %dma_wait3A_138 = tpu.memref_squeeze %dma_wait3A_137 : memref<1x8x128xi32, #tpu.memory_space<vmem>> -> memref<8x128xi32, #tpu.memory_space<vmem>>
    %dma_wait3A_139 = arith.constant 0 : i32
    %dma_wait3A_140 = tpu.memref_slice %arg3[%arg0, %add3A_133, %dma_wait3A_139] : memref<2x2560x128xi32, #tpu.memory_space<hbm>> -> memref<1x8x128xi32, #tpu.memory_space<hbm>>
    %dma_wait3A_141 = tpu.memref_squeeze %dma_wait3A_140 : memref<1x8x128xi32, #tpu.memory_space<hbm>> -> memref<8x128xi32, #tpu.memory_space<hbm>>
    %dma_wait3A_142 = arith.constant 0 : i32
    %dma_wait3A_143 = arith.constant 0 : i32
    %dma_wait3A_144 = tpu.memref_slice %arg8[%dma_wait3A_134, %dma_wait3A_142, %dma_wait3A_143] : memref<2x8x128xi32, #tpu.memory_space<vmem>> -> memref<1x8x128xi32, #tpu.memory_space<vmem>>
    %dma_wait3A_145 = tpu.memref_squeeze %dma_wait3A_144 : memref<1x8x128xi32, #tpu.memory_space<vmem>> -> memref<8x128xi32, #tpu.memory_space<vmem>>
    %dma_wait3A_146 = arith.constant 0 : i32
    %dma_wait3A_147 = tpu.memref_slice %arg3[%arg0, %add3A_133, %dma_wait3A_146] : memref<2x2560x128xi32, #tpu.memory_space<hbm>> -> memref<1x8x128xi32, #tpu.memory_space<hbm>>
    %dma_wait3A_148 = tpu.memref_squeeze %dma_wait3A_147 : memref<1x8x128xi32, #tpu.memory_space<hbm>> -> memref<8x128xi32, #tpu.memory_space<hbm>>
    tpu.wait_dma2 semaphore(%arg14 : memref<!tpu.dma_semaphore, #tpu.memory_space<semaphore_mem>>) src(%dma_wait3A_148 : memref<8x128xi32, #tpu.memory_space<hbm>>) dst(%dma_wait3A_145 : memref<8x128xi32, #tpu.memory_space<vmem>>)
    %dma_start3A_149 = arith.constant 0 : i32
    %dma_start3A_150 = arith.constant 0 : i32
    %dma_start3A_151 = arith.constant 0 : i32
    %dma_start3A_152 = arith.constant 0 : i32
    %dma_start3A_153 = arith.constant 0 : i32
    %dma_start3A_154 = tpu.memref_slice %arg9[%dma_start3A_151, %dma_start3A_152, %dma_start3A_153] : memref<2x128x128xf32, #tpu.memory_space<vmem>> -> memref<1x128x128xf32, #tpu.memory_space<vmem>>
    %dma_start3A_155 = tpu.memref_squeeze %dma_start3A_154 : memref<1x128x128xf32, #tpu.memory_space<vmem>> -> memref<128x128xf32, #tpu.memory_space<vmem>>
    %dma_start3A_156 = arith.constant 0 : i32
    %dma_start3A_157 = tpu.memref_slice %arg7[%dma_start3A_149, %dma_start3A_150, %dma_start3A_156] : memref<2x8x128xi32, #tpu.memory_space<vmem>> -> memref<1x1x128xi32, #tpu.memory_space<vmem>>
    %dma_start3A_158 = tpu.memref_squeeze %dma_start3A_157 : memref<1x1x128xi32, #tpu.memory_space<vmem>> -> memref<128xi32, #tpu.memory_space<vmem>>
    %dma_start3A_159 = arith.constant 0 : i32
    %dma_start3A_160 = arith.constant 0 : i32
    %dma_start3A_161 = tpu.memref_slice %arg4[%dma_start3A_159, %dma_start3A_160] : memref<20000x128xf32, #tpu.memory_space<hbm>> -> memref<20000x128xf32, #tpu.memory_space<hbm>>
    tpu.enqueue_indirect_dma source(%dma_start3A_161 : memref<20000x128xf32, #tpu.memory_space<hbm>>) target(%dma_start3A_155 : memref<128x128xf32, #tpu.memory_space<vmem>>) offsets(%dma_start3A_158 : memref<128xi32, #tpu.memory_space<vmem>>) semaphore(%arg16 : memref<!tpu.dma_semaphore, #tpu.memory_space<semaphore_mem>>)
    %dma_start3A_162 = arith.constant 0 : i32
    %dma_start3A_163 = arith.constant 1 : i32
    %dma_start3A_164 = arith.constant 1 : i32
    %dma_start3A_165 = arith.constant 0 : i32
    %dma_start3A_166 = arith.constant 0 : i32
    %dma_start3A_167 = tpu.memref_slice %arg9[%dma_start3A_164, %dma_start3A_165, %dma_start3A_166] : memref<2x128x128xf32, #tpu.memory_space<vmem>> -> memref<1x128x128xf32, #tpu.memory_space<vmem>>
    %dma_start3A_168 = tpu.memref_squeeze %dma_start3A_167 : memref<1x128x128xf32, #tpu.memory_space<vmem>> -> memref<128x128xf32, #tpu.memory_space<vmem>>
    %dma_start3A_169 = arith.constant 0 : i32
    %dma_start3A_170 = tpu.memref_slice %arg7[%dma_start3A_162, %dma_start3A_163, %dma_start3A_169] : memref<2x8x128xi32, #tpu.memory_space<vmem>> -> memref<1x1x128xi32, #tpu.memory_space<vmem>>
    %dma_start3A_171 = tpu.memref_squeeze %dma_start3A_170 : memref<1x1x128xi32, #tpu.memory_space<vmem>> -> memref<128xi32, #tpu.memory_space<vmem>>
    %dma_start3A_172 = arith.constant 0 : i32
    %dma_start3A_173 = arith.constant 0 : i32
    %dma_start3A_174 = tpu.memref_slice %arg4[%dma_start3A_172, %dma_start3A_173] : memref<20000x128xf32, #tpu.memory_space<hbm>> -> memref<20000x128xf32, #tpu.memory_space<hbm>>
    tpu.enqueue_indirect_dma source(%dma_start3A_174 : memref<20000x128xf32, #tpu.memory_space<hbm>>) target(%dma_start3A_168 : memref<128x128xf32, #tpu.memory_space<vmem>>) offsets(%dma_start3A_171 : memref<128xi32, #tpu.memory_space<vmem>>) semaphore(%arg17 : memref<!tpu.dma_semaphore, #tpu.memory_space<semaphore_mem>>)
    %scan3A_175 = arith.constant 0 : i32
    %scan3A_176 = arith.constant 0 : i32
    %scan3A_177 = arith.constant 10 : i32
    %scan3A_178 = arith.addi %scan3A_176, %scan3A_177 : i32
    %scan3A_179 = arith.constant 1 : i32
    %scan3A_180 = scf.for %scan3A_187 = %scan3A_176 to %scan3A_178 step %scan3A_179 iter_args(%scan3A_188 = %scan3A_175) -> (i32)  : i32 {
      %dma_wait3A_189 = arith.constant 0 : i32
      %dma_wait3A_190 = arith.constant 0 : i32
      %dma_wait3A_191 = arith.constant 0 : i32
      %dma_wait3A_192 = arith.constant 0 : i32
      %dma_wait3A_193 = arith.constant 0 : i32
      %dma_wait3A_194 = tpu.memref_slice %arg9[%dma_wait3A_191, %dma_wait3A_192, %dma_wait3A_193] : memref<2x128x128xf32, #tpu.memory_space<vmem>> -> memref<1x128x128xf32, #tpu.memory_space<vmem>>
      %dma_wait3A_195 = tpu.memref_squeeze %dma_wait3A_194 : memref<1x128x128xf32, #tpu.memory_space<vmem>> -> memref<128x128xf32, #tpu.memory_space<vmem>>
      %dma_wait3A_196 = arith.constant 0 : i32
      %dma_wait3A_197 = tpu.memref_slice %arg7[%dma_wait3A_189, %dma_wait3A_190, %dma_wait3A_196] : memref<2x8x128xi32, #tpu.memory_space<vmem>> -> memref<1x1x128xi32, #tpu.memory_space<vmem>>
      %dma_wait3A_198 = tpu.memref_squeeze %dma_wait3A_197 : memref<1x1x128xi32, #tpu.memory_space<vmem>> -> memref<128xi32, #tpu.memory_space<vmem>>
      %dma_wait3A_199 = arith.constant 0 : i32
      %dma_wait3A_200 = arith.constant 0 : i32
      %dma_wait3A_201 = tpu.memref_slice %arg4[%dma_wait3A_199, %dma_wait3A_200] : memref<20000x128xf32, #tpu.memory_space<hbm>> -> memref<20000x128xf32, #tpu.memory_space<hbm>>
      tpu.wait_indirect_dma semaphore(%arg16 : memref<!tpu.dma_semaphore, #tpu.memory_space<semaphore_mem>>) src(%dma_wait3A_201 : memref<20000x128xf32, #tpu.memory_space<hbm>>) dst(%dma_wait3A_195 : memref<128x128xf32, #tpu.memory_space<vmem>>)
      %run_scoped3A_202 = arith.constant 0 : i32
      %run_scoped3A_203 = arith.constant 0 : i32
      %run_scoped3A_204 = arith.constant 0 : i32
      "tpu.region"() ({
        %run_scoped3A_685 = tpu.sem_alloc : memref<!tpu.dma_semaphore, #tpu.memory_space<semaphore_mem>>
        %dma_start3A_686 = arith.constant 0 : i32
        %dma_start3A_687 = arith.constant 0 : i32
        %dma_start3A_688 = tpu.memref_slice %arg9[%run_scoped3A_202, %dma_start3A_686, %dma_start3A_687] : memref<2x128x128xf32, #tpu.memory_space<vmem>> -> memref<1x128x128xf32, #tpu.memory_space<vmem>>
        %dma_start3A_689 = tpu.memref_squeeze %dma_start3A_688 : memref<1x128x128xf32, #tpu.memory_space<vmem>> -> memref<128x128xf32, #tpu.memory_space<vmem>>
        %dma_start3A_690 = arith.constant 0 : i32
        %dma_start3A_691 = tpu.memref_slice %arg8[%run_scoped3A_203, %run_scoped3A_204, %dma_start3A_690] : memref<2x8x128xi32, #tpu.memory_space<vmem>> -> memref<1x1x128xi32, #tpu.memory_space<vmem>>
        %dma_start3A_692 = tpu.memref_squeeze %dma_start3A_691 : memref<1x1x128xi32, #tpu.memory_space<vmem>> -> memref<128xi32, #tpu.memory_space<vmem>>
        %dma_start3A_693 = arith.constant 0 : i32
        %dma_start3A_694 = arith.constant 0 : i32
        %dma_start3A_695 = tpu.memref_slice %arg12[%dma_start3A_693, %dma_start3A_694] : memref<10240x128xf32, #tpu.memory_space<vmem_shared>> -> memref<10240x128xf32, #tpu.memory_space<vmem_shared>>
        tpu.enqueue_indirect_dma source(%dma_start3A_689 : memref<128x128xf32, #tpu.memory_space<vmem>>) target(%dma_start3A_695 : memref<10240x128xf32, #tpu.memory_space<vmem_shared>>) offsets(%dma_start3A_692 : memref<128xi32, #tpu.memory_space<vmem>>) semaphore(%run_scoped3A_685 : memref<!tpu.dma_semaphore, #tpu.memory_space<semaphore_mem>>) {add = true}
        %dma_wait3A_696 = arith.constant 0 : i32
        %dma_wait3A_697 = arith.constant 0 : i32
        %dma_wait3A_698 = tpu.memref_slice %arg9[%run_scoped3A_202, %dma_wait3A_696, %dma_wait3A_697] : memref<2x128x128xf32, #tpu.memory_space<vmem>> -> memref<1x128x128xf32, #tpu.memory_space<vmem>>
        %dma_wait3A_699 = tpu.memref_squeeze %dma_wait3A_698 : memref<1x128x128xf32, #tpu.memory_space<vmem>> -> memref<128x128xf32, #tpu.memory_space<vmem>>
        %dma_wait3A_700 = arith.constant 0 : i32
        %dma_wait3A_701 = tpu.memref_slice %arg8[%run_scoped3A_203, %run_scoped3A_204, %dma_wait3A_700] : memref<2x8x128xi32, #tpu.memory_space<vmem>> -> memref<1x1x128xi32, #tpu.memory_space<vmem>>
        %dma_wait3A_702 = tpu.memref_squeeze %dma_wait3A_701 : memref<1x1x128xi32, #tpu.memory_space<vmem>> -> memref<128xi32, #tpu.memory_space<vmem>>
        %dma_wait3A_703 = arith.constant 0 : i32
        %dma_wait3A_704 = arith.constant 0 : i32
        %dma_wait3A_705 = tpu.memref_slice %arg12[%dma_wait3A_703, %dma_wait3A_704] : memref<10240x128xf32, #tpu.memory_space<vmem_shared>> -> memref<10240x128xf32, #tpu.memory_space<vmem_shared>>
        tpu.wait_indirect_dma semaphore(%run_scoped3A_685 : memref<!tpu.dma_semaphore, #tpu.memory_space<semaphore_mem>>) src(%dma_wait3A_699 : memref<128x128xf32, #tpu.memory_space<vmem>>) dst(%dma_wait3A_705 : memref<10240x128xf32, #tpu.memory_space<vmem_shared>>)
        tpu.yield
      }) : () -> ()
      %dma_start3A_205 = arith.constant 0 : i32
      %dma_start3A_206 = arith.constant 2 : i32
      %dma_start3A_207 = arith.constant 0 : i32
      %dma_start3A_208 = arith.constant 0 : i32
      %dma_start3A_209 = arith.constant 0 : i32
      %dma_start3A_210 = tpu.memref_slice %arg9[%dma_start3A_207, %dma_start3A_208, %dma_start3A_209] : memref<2x128x128xf32, #tpu.memory_space<vmem>> -> memref<1x128x128xf32, #tpu.memory_space<vmem>>
      %dma_start3A_211 = tpu.memref_squeeze %dma_start3A_210 : memref<1x128x128xf32, #tpu.memory_space<vmem>> -> memref<128x128xf32, #tpu.memory_space<vmem>>
      %dma_start3A_212 = arith.constant 0 : i32
      %dma_start3A_213 = tpu.memref_slice %arg7[%dma_start3A_205, %dma_start3A_206, %dma_start3A_212] : memref<2x8x128xi32, #tpu.memory_space<vmem>> -> memref<1x1x128xi32, #tpu.memory_space<vmem>>
      %dma_start3A_214 = tpu.memref_squeeze %dma_start3A_213 : memref<1x1x128xi32, #tpu.memory_space<vmem>> -> memref<128xi32, #tpu.memory_space<vmem>>
      %dma_start3A_215 = arith.constant 0 : i32
      %dma_start3A_216 = arith.constant 0 : i32
      %dma_start3A_217 = tpu.memref_slice %arg4[%dma_start3A_215, %dma_start3A_216] : memref<20000x128xf32, #tpu.memory_space<hbm>> -> memref<20000x128xf32, #tpu.memory_space<hbm>>
      tpu.enqueue_indirect_dma source(%dma_start3A_217 : memref<20000x128xf32, #tpu.memory_space<hbm>>) target(%dma_start3A_211 : memref<128x128xf32, #tpu.memory_space<vmem>>) offsets(%dma_start3A_214 : memref<128xi32, #tpu.memory_space<vmem>>) semaphore(%arg16 : memref<!tpu.dma_semaphore, #tpu.memory_space<semaphore_mem>>)
      %dma_wait3A_218 = arith.constant 0 : i32
      %dma_wait3A_219 = arith.constant 1 : i32
      %dma_wait3A_220 = arith.constant 1 : i32
      %dma_wait3A_221 = arith.constant 0 : i32
      %dma_wait3A_222 = arith.constant 0 : i32
      %dma_wait3A_223 = tpu.memref_slice %arg9[%dma_wait3A_220, %dma_wait3A_221, %dma_wait3A_222] : memref<2x128x128xf32, #tpu.memory_space<vmem>> -> memref<1x128x128xf32, #tpu.memory_space<vmem>>
      %dma_wait3A_224 = tpu.memref_squeeze %dma_wait3A_223 : memref<1x128x128xf32, #tpu.memory_space<vmem>> -> memref<128x128xf32, #tpu.memory_space<vmem>>
      %dma_wait3A_225 = arith.constant 0 : i32
      %dma_wait3A_226 = tpu.memref_slice %arg7[%dma_wait3A_218, %dma_wait3A_219, %dma_wait3A_225] : memref<2x8x128xi32, #tpu.memory_space<vmem>> -> memref<1x1x128xi32, #tpu.memory_space<vmem>>
      %dma_wait3A_227 = tpu.memref_squeeze %dma_wait3A_226 : memref<1x1x128xi32, #tpu.memory_space<vmem>> -> memref<128xi32, #tpu.memory_space<vmem>>
      %dma_wait3A_228 = arith.constant 0 : i32
      %dma_wait3A_229 = arith.constant 0 : i32
      %dma_wait3A_230 = tpu.memref_slice %arg4[%dma_wait3A_228, %dma_wait3A_229] : memref<20000x128xf32, #tpu.memory_space<hbm>> -> memref<20000x128xf32, #tpu.memory_space<hbm>>
      tpu.wait_indirect_dma semaphore(%arg17 : memref<!tpu.dma_semaphore, #tpu.memory_space<semaphore_mem>>) src(%dma_wait3A_230 : memref<20000x128xf32, #tpu.memory_space<hbm>>) dst(%dma_wait3A_224 : memref<128x128xf32, #tpu.memory_space<vmem>>)
      %run_scoped3A_231 = arith.constant 1 : i32
      %run_scoped3A_232 = arith.constant 0 : i32
      %run_scoped3A_233 = arith.constant 1 : i32
      "tpu.region"() ({
        %run_scoped3A_685 = tpu.sem_alloc : memref<!tpu.dma_semaphore, #tpu.memory_space<semaphore_mem>>
        %dma_start3A_686 = arith.constant 0 : i32
        %dma_start3A_687 = arith.constant 0 : i32
        %dma_start3A_688 = tpu.memref_slice %arg9[%run_scoped3A_231, %dma_start3A_686, %dma_start3A_687] : memref<2x128x128xf32, #tpu.memory_space<vmem>> -> memref<1x128x128xf32, #tpu.memory_space<vmem>>
        %dma_start3A_689 = tpu.memref_squeeze %dma_start3A_688 : memref<1x128x128xf32, #tpu.memory_space<vmem>> -> memref<128x128xf32, #tpu.memory_space<vmem>>
        %dma_start3A_690 = arith.constant 0 : i32
        %dma_start3A_691 = tpu.memref_slice %arg8[%run_scoped3A_232, %run_scoped3A_233, %dma_start3A_690] : memref<2x8x128xi32, #tpu.memory_space<vmem>> -> memref<1x1x128xi32, #tpu.memory_space<vmem>>
        %dma_start3A_692 = tpu.memref_squeeze %dma_start3A_691 : memref<1x1x128xi32, #tpu.memory_space<vmem>> -> memref<128xi32, #tpu.memory_space<vmem>>
        %dma_start3A_693 = arith.constant 0 : i32
        %dma_start3A_694 = arith.constant 0 : i32
        %dma_start3A_695 = tpu.memref_slice %arg12[%dma_start3A_693, %dma_start3A_694] : memref<10240x128xf32, #tpu.memory_space<vmem_shared>> -> memref<10240x128xf32, #tpu.memory_space<vmem_shared>>
        tpu.enqueue_indirect_dma source(%dma_start3A_689 : memref<128x128xf32, #tpu.memory_space<vmem>>) target(%dma_start3A_695 : memref<10240x128xf32, #tpu.memory_space<vmem_shared>>) offsets(%dma_start3A_692 : memref<128xi32, #tpu.memory_space<vmem>>) semaphore(%run_scoped3A_685 : memref<!tpu.dma_semaphore, #tpu.memory_space<semaphore_mem>>) {add = true}
        %dma_wait3A_696 = arith.constant 0 : i32
        %dma_wait3A_697 = arith.constant 0 : i32
        %dma_wait3A_698 = tpu.memref_slice %arg9[%run_scoped3A_231, %dma_wait3A_696, %dma_wait3A_697] : memref<2x128x128xf32, #tpu.memory_space<vmem>> -> memref<1x128x128xf32, #tpu.memory_space<vmem>>
        %dma_wait3A_699 = tpu.memref_squeeze %dma_wait3A_698 : memref<1x128x128xf32, #tpu.memory_space<vmem>> -> memref<128x128xf32, #tpu.memory_space<vmem>>
        %dma_wait3A_700 = arith.constant 0 : i32
        %dma_wait3A_701 = tpu.memref_slice %arg8[%run_scoped3A_232, %run_scoped3A_233, %dma_wait3A_700] : memref<2x8x128xi32, #tpu.memory_space<vmem>> -> memref<1x1x128xi32, #tpu.memory_space<vmem>>
        %dma_wait3A_702 = tpu.memref_squeeze %dma_wait3A_701 : memref<1x1x128xi32, #tpu.memory_space<vmem>> -> memref<128xi32, #tpu.memory_space<vmem>>
        %dma_wait3A_703 = arith.constant 0 : i32
        %dma_wait3A_704 = arith.constant 0 : i32
        %dma_wait3A_705 = tpu.memref_slice %arg12[%dma_wait3A_703, %dma_wait3A_704] : memref<10240x128xf32, #tpu.memory_space<vmem_shared>> -> memref<10240x128xf32, #tpu.memory_space<vmem_shared>>
        tpu.wait_indirect_dma semaphore(%run_scoped3A_685 : memref<!tpu.dma_semaphore, #tpu.memory_space<semaphore_mem>>) src(%dma_wait3A_699 : memref<128x128xf32, #tpu.memory_space<vmem>>) dst(%dma_wait3A_705 : memref<10240x128xf32, #tpu.memory_space<vmem_shared>>)
        tpu.yield
      }) : () -> ()
      %dma_start3A_234 = arith.constant 0 : i32
      %dma_start3A_235 = arith.constant 3 : i32
      %dma_start3A_236 = arith.constant 1 : i32
      %dma_start3A_237 = arith.constant 0 : i32
      %dma_start3A_238 = arith.constant 0 : i32
      %dma_start3A_239 = tpu.memref_slice %arg9[%dma_start3A_236, %dma_start3A_237, %dma_start3A_238] : memref<2x128x128xf32, #tpu.memory_space<vmem>> -> memref<1x128x128xf32, #tpu.memory_space<vmem>>
      %dma_start3A_240 = tpu.memref_squeeze %dma_start3A_239 : memref<1x128x128xf32, #tpu.memory_space<vmem>> -> memref<128x128xf32, #tpu.memory_space<vmem>>
      %dma_start3A_241 = arith.constant 0 : i32
      %dma_start3A_242 = tpu.memref_slice %arg7[%dma_start3A_234, %dma_start3A_235, %dma_start3A_241] : memref<2x8x128xi32, #tpu.memory_space<vmem>> -> memref<1x1x128xi32, #tpu.memory_space<vmem>>
      %dma_start3A_243 = tpu.memref_squeeze %dma_start3A_242 : memref<1x1x128xi32, #tpu.memory_space<vmem>> -> memref<128xi32, #tpu.memory_space<vmem>>
      %dma_start3A_244 = arith.constant 0 : i32
      %dma_start3A_245 = arith.constant 0 : i32
      %dma_start3A_246 = tpu.memref_slice %arg4[%dma_start3A_244, %dma_start3A_245] : memref<20000x128xf32, #tpu.memory_space<hbm>> -> memref<20000x128xf32, #tpu.memory_space<hbm>>
      tpu.enqueue_indirect_dma source(%dma_start3A_246 : memref<20000x128xf32, #tpu.memory_space<hbm>>) target(%dma_start3A_240 : memref<128x128xf32, #tpu.memory_space<vmem>>) offsets(%dma_start3A_243 : memref<128xi32, #tpu.memory_space<vmem>>) semaphore(%arg17 : memref<!tpu.dma_semaphore, #tpu.memory_space<semaphore_mem>>)
      %dma_wait3A_247 = arith.constant 0 : i32
      %dma_wait3A_248 = arith.constant 2 : i32
      %dma_wait3A_249 = arith.constant 0 : i32
      %dma_wait3A_250 = arith.constant 0 : i32
      %dma_wait3A_251 = arith.constant 0 : i32
      %dma_wait3A_252 = tpu.memref_slice %arg9[%dma_wait3A_249, %dma_wait3A_250, %dma_wait3A_251] : memref<2x128x128xf32, #tpu.memory_space<vmem>> -> memref<1x128x128xf32, #tpu.memory_space<vmem>>
      %dma_wait3A_253 = tpu.memref_squeeze %dma_wait3A_252 : memref<1x128x128xf32, #tpu.memory_space<vmem>> -> memref<128x128xf32, #tpu.memory_space<vmem>>
      %dma_wait3A_254 = arith.constant 0 : i32
      %dma_wait3A_255 = tpu.memref_slice %arg7[%dma_wait3A_247, %dma_wait3A_248, %dma_wait3A_254] : memref<2x8x128xi32, #tpu.memory_space<vmem>> -> memref<1x1x128xi32, #tpu.memory_space<vmem>>
      %dma_wait3A_256 = tpu.memref_squeeze %dma_wait3A_255 : memref<1x1x128xi32, #tpu.memory_space<vmem>> -> memref<128xi32, #tpu.memory_space<vmem>>
      %dma_wait3A_257 = arith.constant 0 : i32
      %dma_wait3A_258 = arith.constant 0 : i32
      %dma_wait3A_259 = tpu.memref_slice %arg4[%dma_wait3A_257, %dma_wait3A_258] : memref<20000x128xf32, #tpu.memory_space<hbm>> -> memref<20000x128xf32, #tpu.memory_space<hbm>>
      tpu.wait_indirect_dma semaphore(%arg16 : memref<!tpu.dma_semaphore, #tpu.memory_space<semaphore_mem>>) src(%dma_wait3A_259 : memref<20000x128xf32, #tpu.memory_space<hbm>>) dst(%dma_wait3A_253 : memref<128x128xf32, #tpu.memory_space<vmem>>)
      %run_scoped3A_260 = arith.constant 0 : i32
      %run_scoped3A_261 = arith.constant 0 : i32
      %run_scoped3A_262 = arith.constant 2 : i32
      "tpu.region"() ({
        %run_scoped3A_685 = tpu.sem_alloc : memref<!tpu.dma_semaphore, #tpu.memory_space<semaphore_mem>>
        %dma_start3A_686 = arith.constant 0 : i32
        %dma_start3A_687 = arith.constant 0 : i32
        %dma_start3A_688 = tpu.memref_slice %arg9[%run_scoped3A_260, %dma_start3A_686, %dma_start3A_687] : memref<2x128x128xf32, #tpu.memory_space<vmem>> -> memref<1x128x128xf32, #tpu.memory_space<vmem>>
        %dma_start3A_689 = tpu.memref_squeeze %dma_start3A_688 : memref<1x128x128xf32, #tpu.memory_space<vmem>> -> memref<128x128xf32, #tpu.memory_space<vmem>>
        %dma_start3A_690 = arith.constant 0 : i32
        %dma_start3A_691 = tpu.memref_slice %arg8[%run_scoped3A_261, %run_scoped3A_262, %dma_start3A_690] : memref<2x8x128xi32, #tpu.memory_space<vmem>> -> memref<1x1x128xi32, #tpu.memory_space<vmem>>
        %dma_start3A_692 = tpu.memref_squeeze %dma_start3A_691 : memref<1x1x128xi32, #tpu.memory_space<vmem>> -> memref<128xi32, #tpu.memory_space<vmem>>
        %dma_start3A_693 = arith.constant 0 : i32
        %dma_start3A_694 = arith.constant 0 : i32
        %dma_start3A_695 = tpu.memref_slice %arg12[%dma_start3A_693, %dma_start3A_694] : memref<10240x128xf32, #tpu.memory_space<vmem_shared>> -> memref<10240x128xf32, #tpu.memory_space<vmem_shared>>
        tpu.enqueue_indirect_dma source(%dma_start3A_689 : memref<128x128xf32, #tpu.memory_space<vmem>>) target(%dma_start3A_695 : memref<10240x128xf32, #tpu.memory_space<vmem_shared>>) offsets(%dma_start3A_692 : memref<128xi32, #tpu.memory_space<vmem>>) semaphore(%run_scoped3A_685 : memref<!tpu.dma_semaphore, #tpu.memory_space<semaphore_mem>>) {add = true}
        %dma_wait3A_696 = arith.constant 0 : i32
        %dma_wait3A_697 = arith.constant 0 : i32
        %dma_wait3A_698 = tpu.memref_slice %arg9[%run_scoped3A_260, %dma_wait3A_696, %dma_wait3A_697] : memref<2x128x128xf32, #tpu.memory_space<vmem>> -> memref<1x128x128xf32, #tpu.memory_space<vmem>>
        %dma_wait3A_699 = tpu.memref_squeeze %dma_wait3A_698 : memref<1x128x128xf32, #tpu.memory_space<vmem>> -> memref<128x128xf32, #tpu.memory_space<vmem>>
        %dma_wait3A_700 = arith.constant 0 : i32
        %dma_wait3A_701 = tpu.memref_slice %arg8[%run_scoped3A_261, %run_scoped3A_262, %dma_wait3A_700] : memref<2x8x128xi32, #tpu.memory_space<vmem>> -> memref<1x1x128xi32, #tpu.memory_space<vmem>>
        %dma_wait3A_702 = tpu.memref_squeeze %dma_wait3A_701 : memref<1x1x128xi32, #tpu.memory_space<vmem>> -> memref<128xi32, #tpu.memory_space<vmem>>
        %dma_wait3A_703 = arith.constant 0 : i32
        %dma_wait3A_704 = arith.constant 0 : i32
        %dma_wait3A_705 = tpu.memref_slice %arg12[%dma_wait3A_703, %dma_wait3A_704] : memref<10240x128xf32, #tpu.memory_space<vmem_shared>> -> memref<10240x128xf32, #tpu.memory_space<vmem_shared>>
        tpu.wait_indirect_dma semaphore(%run_scoped3A_685 : memref<!tpu.dma_semaphore, #tpu.memory_space<semaphore_mem>>) src(%dma_wait3A_699 : memref<128x128xf32, #tpu.memory_space<vmem>>) dst(%dma_wait3A_705 : memref<10240x128xf32, #tpu.memory_space<vmem_shared>>)
        tpu.yield
      }) : () -> ()
      %dma_start3A_263 = arith.constant 0 : i32
      %dma_start3A_264 = arith.constant 4 : i32
      %dma_start3A_265 = arith.constant 0 : i32
      %dma_start3A_266 = arith.constant 0 : i32
      %dma_start3A_267 = arith.constant 0 : i32
      %dma_start3A_268 = tpu.memref_slice %arg9[%dma_start3A_265, %dma_start3A_266, %dma_start3A_267] : memref<2x128x128xf32, #tpu.memory_space<vmem>> -> memref<1x128x128xf32, #tpu.memory_space<vmem>>
      %dma_start3A_269 = tpu.memref_squeeze %dma_start3A_268 : memref<1x128x128xf32, #tpu.memory_space<vmem>> -> memref<128x128xf32, #tpu.memory_space<vmem>>
      %dma_start3A_270 = arith.constant 0 : i32
      %dma_start3A_271 = tpu.memref_slice %arg7[%dma_start3A_263, %dma_start3A_264, %dma_start3A_270] : memref<2x8x128xi32, #tpu.memory_space<vmem>> -> memref<1x1x128xi32, #tpu.memory_space<vmem>>
      %dma_start3A_272 = tpu.memref_squeeze %dma_start3A_271 : memref<1x1x128xi32, #tpu.memory_space<vmem>> -> memref<128xi32, #tpu.memory_space<vmem>>
      %dma_start3A_273 = arith.constant 0 : i32
      %dma_start3A_274 = arith.constant 0 : i32
      %dma_start3A_275 = tpu.memref_slice %arg4[%dma_start3A_273, %dma_start3A_274] : memref<20000x128xf32, #tpu.memory_space<hbm>> -> memref<20000x128xf32, #tpu.memory_space<hbm>>
      tpu.enqueue_indirect_dma source(%dma_start3A_275 : memref<20000x128xf32, #tpu.memory_space<hbm>>) target(%dma_start3A_269 : memref<128x128xf32, #tpu.memory_space<vmem>>) offsets(%dma_start3A_272 : memref<128xi32, #tpu.memory_space<vmem>>) semaphore(%arg16 : memref<!tpu.dma_semaphore, #tpu.memory_space<semaphore_mem>>)
      %dma_wait3A_276 = arith.constant 0 : i32
      %dma_wait3A_277 = arith.constant 3 : i32
      %dma_wait3A_278 = arith.constant 1 : i32
      %dma_wait3A_279 = arith.constant 0 : i32
      %dma_wait3A_280 = arith.constant 0 : i32
      %dma_wait3A_281 = tpu.memref_slice %arg9[%dma_wait3A_278, %dma_wait3A_279, %dma_wait3A_280] : memref<2x128x128xf32, #tpu.memory_space<vmem>> -> memref<1x128x128xf32, #tpu.memory_space<vmem>>
      %dma_wait3A_282 = tpu.memref_squeeze %dma_wait3A_281 : memref<1x128x128xf32, #tpu.memory_space<vmem>> -> memref<128x128xf32, #tpu.memory_space<vmem>>
      %dma_wait3A_283 = arith.constant 0 : i32
      %dma_wait3A_284 = tpu.memref_slice %arg7[%dma_wait3A_276, %dma_wait3A_277, %dma_wait3A_283] : memref<2x8x128xi32, #tpu.memory_space<vmem>> -> memref<1x1x128xi32, #tpu.memory_space<vmem>>
      %dma_wait3A_285 = tpu.memref_squeeze %dma_wait3A_284 : memref<1x1x128xi32, #tpu.memory_space<vmem>> -> memref<128xi32, #tpu.memory_space<vmem>>
      %dma_wait3A_286 = arith.constant 0 : i32
      %dma_wait3A_287 = arith.constant 0 : i32
      %dma_wait3A_288 = tpu.memref_slice %arg4[%dma_wait3A_286, %dma_wait3A_287] : memref<20000x128xf32, #tpu.memory_space<hbm>> -> memref<20000x128xf32, #tpu.memory_space<hbm>>
      tpu.wait_indirect_dma semaphore(%arg17 : memref<!tpu.dma_semaphore, #tpu.memory_space<semaphore_mem>>) src(%dma_wait3A_288 : memref<20000x128xf32, #tpu.memory_space<hbm>>) dst(%dma_wait3A_282 : memref<128x128xf32, #tpu.memory_space<vmem>>)
      %run_scoped3A_289 = arith.constant 1 : i32
      %run_scoped3A_290 = arith.constant 0 : i32
      %run_scoped3A_291 = arith.constant 3 : i32
      "tpu.region"() ({
        %run_scoped3A_685 = tpu.sem_alloc : memref<!tpu.dma_semaphore, #tpu.memory_space<semaphore_mem>>
        %dma_start3A_686 = arith.constant 0 : i32
        %dma_start3A_687 = arith.constant 0 : i32
        %dma_start3A_688 = tpu.memref_slice %arg9[%run_scoped3A_289, %dma_start3A_686, %dma_start3A_687] : memref<2x128x128xf32, #tpu.memory_space<vmem>> -> memref<1x128x128xf32, #tpu.memory_space<vmem>>
        %dma_start3A_689 = tpu.memref_squeeze %dma_start3A_688 : memref<1x128x128xf32, #tpu.memory_space<vmem>> -> memref<128x128xf32, #tpu.memory_space<vmem>>
        %dma_start3A_690 = arith.constant 0 : i32
        %dma_start3A_691 = tpu.memref_slice %arg8[%run_scoped3A_290, %run_scoped3A_291, %dma_start3A_690] : memref<2x8x128xi32, #tpu.memory_space<vmem>> -> memref<1x1x128xi32, #tpu.memory_space<vmem>>
        %dma_start3A_692 = tpu.memref_squeeze %dma_start3A_691 : memref<1x1x128xi32, #tpu.memory_space<vmem>> -> memref<128xi32, #tpu.memory_space<vmem>>
        %dma_start3A_693 = arith.constant 0 : i32
        %dma_start3A_694 = arith.constant 0 : i32
        %dma_start3A_695 = tpu.memref_slice %arg12[%dma_start3A_693, %dma_start3A_694] : memref<10240x128xf32, #tpu.memory_space<vmem_shared>> -> memref<10240x128xf32, #tpu.memory_space<vmem_shared>>
        tpu.enqueue_indirect_dma source(%dma_start3A_689 : memref<128x128xf32, #tpu.memory_space<vmem>>) target(%dma_start3A_695 : memref<10240x128xf32, #tpu.memory_space<vmem_shared>>) offsets(%dma_start3A_692 : memref<128xi32, #tpu.memory_space<vmem>>) semaphore(%run_scoped3A_685 : memref<!tpu.dma_semaphore, #tpu.memory_space<semaphore_mem>>) {add = true}
        %dma_wait3A_696 = arith.constant 0 : i32
        %dma_wait3A_697 = arith.constant 0 : i32
        %dma_wait3A_698 = tpu.memref_slice %arg9[%run_scoped3A_289, %dma_wait3A_696, %dma_wait3A_697] : memref<2x128x128xf32, #tpu.memory_space<vmem>> -> memref<1x128x128xf32, #tpu.memory_space<vmem>>
        %dma_wait3A_699 = tpu.memref_squeeze %dma_wait3A_698 : memref<1x128x128xf32, #tpu.memory_space<vmem>> -> memref<128x128xf32, #tpu.memory_space<vmem>>
        %dma_wait3A_700 = arith.constant 0 : i32
        %dma_wait3A_701 = tpu.memref_slice %arg8[%run_scoped3A_290, %run_scoped3A_291, %dma_wait3A_700] : memref<2x8x128xi32, #tpu.memory_space<vmem>> -> memref<1x1x128xi32, #tpu.memory_space<vmem>>
        %dma_wait3A_702 = tpu.memref_squeeze %dma_wait3A_701 : memref<1x1x128xi32, #tpu.memory_space<vmem>> -> memref<128xi32, #tpu.memory_space<vmem>>
        %dma_wait3A_703 = arith.constant 0 : i32
        %dma_wait3A_704 = arith.constant 0 : i32
        %dma_wait3A_705 = tpu.memref_slice %arg12[%dma_wait3A_703, %dma_wait3A_704] : memref<10240x128xf32, #tpu.memory_space<vmem_shared>> -> memref<10240x128xf32, #tpu.memory_space<vmem_shared>>
        tpu.wait_indirect_dma semaphore(%run_scoped3A_685 : memref<!tpu.dma_semaphore, #tpu.memory_space<semaphore_mem>>) src(%dma_wait3A_699 : memref<128x128xf32, #tpu.memory_space<vmem>>) dst(%dma_wait3A_705 : memref<10240x128xf32, #tpu.memory_space<vmem_shared>>)
        tpu.yield
      }) : () -> ()
      %dma_start3A_292 = arith.constant 0 : i32
      %dma_start3A_293 = arith.constant 5 : i32
      %dma_start3A_294 = arith.constant 1 : i32
      %dma_start3A_295 = arith.constant 0 : i32
      %dma_start3A_296 = arith.constant 0 : i32
      %dma_start3A_297 = tpu.memref_slice %arg9[%dma_start3A_294, %dma_start3A_295, %dma_start3A_296] : memref<2x128x128xf32, #tpu.memory_space<vmem>> -> memref<1x128x128xf32, #tpu.memory_space<vmem>>
      %dma_start3A_298 = tpu.memref_squeeze %dma_start3A_297 : memref<1x128x128xf32, #tpu.memory_space<vmem>> -> memref<128x128xf32, #tpu.memory_space<vmem>>
      %dma_start3A_299 = arith.constant 0 : i32
      %dma_start3A_300 = tpu.memref_slice %arg7[%dma_start3A_292, %dma_start3A_293, %dma_start3A_299] : memref<2x8x128xi32, #tpu.memory_space<vmem>> -> memref<1x1x128xi32, #tpu.memory_space<vmem>>
      %dma_start3A_301 = tpu.memref_squeeze %dma_start3A_300 : memref<1x1x128xi32, #tpu.memory_space<vmem>> -> memref<128xi32, #tpu.memory_space<vmem>>
      %dma_start3A_302 = arith.constant 0 : i32
      %dma_start3A_303 = arith.constant 0 : i32
      %dma_start3A_304 = tpu.memref_slice %arg4[%dma_start3A_302, %dma_start3A_303] : memref<20000x128xf32, #tpu.memory_space<hbm>> -> memref<20000x128xf32, #tpu.memory_space<hbm>>
      tpu.enqueue_indirect_dma source(%dma_start3A_304 : memref<20000x128xf32, #tpu.memory_space<hbm>>) target(%dma_start3A_298 : memref<128x128xf32, #tpu.memory_space<vmem>>) offsets(%dma_start3A_301 : memref<128xi32, #tpu.memory_space<vmem>>) semaphore(%arg17 : memref<!tpu.dma_semaphore, #tpu.memory_space<semaphore_mem>>)
      %dma_wait3A_305 = arith.constant 0 : i32
      %dma_wait3A_306 = arith.constant 4 : i32
      %dma_wait3A_307 = arith.constant 0 : i32
      %dma_wait3A_308 = arith.constant 0 : i32
      %dma_wait3A_309 = arith.constant 0 : i32
      %dma_wait3A_310 = tpu.memref_slice %arg9[%dma_wait3A_307, %dma_wait3A_308, %dma_wait3A_309] : memref<2x128x128xf32, #tpu.memory_space<vmem>> -> memref<1x128x128xf32, #tpu.memory_space<vmem>>
      %dma_wait3A_311 = tpu.memref_squeeze %dma_wait3A_310 : memref<1x128x128xf32, #tpu.memory_space<vmem>> -> memref<128x128xf32, #tpu.memory_space<vmem>>
      %dma_wait3A_312 = arith.constant 0 : i32
      %dma_wait3A_313 = tpu.memref_slice %arg7[%dma_wait3A_305, %dma_wait3A_306, %dma_wait3A_312] : memref<2x8x128xi32, #tpu.memory_space<vmem>> -> memref<1x1x128xi32, #tpu.memory_space<vmem>>
      %dma_wait3A_314 = tpu.memref_squeeze %dma_wait3A_313 : memref<1x1x128xi32, #tpu.memory_space<vmem>> -> memref<128xi32, #tpu.memory_space<vmem>>
      %dma_wait3A_315 = arith.constant 0 : i32
      %dma_wait3A_316 = arith.constant 0 : i32
      %dma_wait3A_317 = tpu.memref_slice %arg4[%dma_wait3A_315, %dma_wait3A_316] : memref<20000x128xf32, #tpu.memory_space<hbm>> -> memref<20000x128xf32, #tpu.memory_space<hbm>>
      tpu.wait_indirect_dma semaphore(%arg16 : memref<!tpu.dma_semaphore, #tpu.memory_space<semaphore_mem>>) src(%dma_wait3A_317 : memref<20000x128xf32, #tpu.memory_space<hbm>>) dst(%dma_wait3A_311 : memref<128x128xf32, #tpu.memory_space<vmem>>)
      %run_scoped3A_318 = arith.constant 0 : i32
      %run_scoped3A_319 = arith.constant 0 : i32
      %run_scoped3A_320 = arith.constant 4 : i32
      "tpu.region"() ({
        %run_scoped3A_685 = tpu.sem_alloc : memref<!tpu.dma_semaphore, #tpu.memory_space<semaphore_mem>>
        %dma_start3A_686 = arith.constant 0 : i32
        %dma_start3A_687 = arith.constant 0 : i32
        %dma_start3A_688 = tpu.memref_slice %arg9[%run_scoped3A_318, %dma_start3A_686, %dma_start3A_687] : memref<2x128x128xf32, #tpu.memory_space<vmem>> -> memref<1x128x128xf32, #tpu.memory_space<vmem>>
        %dma_start3A_689 = tpu.memref_squeeze %dma_start3A_688 : memref<1x128x128xf32, #tpu.memory_space<vmem>> -> memref<128x128xf32, #tpu.memory_space<vmem>>
        %dma_start3A_690 = arith.constant 0 : i32
        %dma_start3A_691 = tpu.memref_slice %arg8[%run_scoped3A_319, %run_scoped3A_320, %dma_start3A_690] : memref<2x8x128xi32, #tpu.memory_space<vmem>> -> memref<1x1x128xi32, #tpu.memory_space<vmem>>
        %dma_start3A_692 = tpu.memref_squeeze %dma_start3A_691 : memref<1x1x128xi32, #tpu.memory_space<vmem>> -> memref<128xi32, #tpu.memory_space<vmem>>
        %dma_start3A_693 = arith.constant 0 : i32
        %dma_start3A_694 = arith.constant 0 : i32
        %dma_start3A_695 = tpu.memref_slice %arg12[%dma_start3A_693, %dma_start3A_694] : memref<10240x128xf32, #tpu.memory_space<vmem_shared>> -> memref<10240x128xf32, #tpu.memory_space<vmem_shared>>
        tpu.enqueue_indirect_dma source(%dma_start3A_689 : memref<128x128xf32, #tpu.memory_space<vmem>>) target(%dma_start3A_695 : memref<10240x128xf32, #tpu.memory_space<vmem_shared>>) offsets(%dma_start3A_692 : memref<128xi32, #tpu.memory_space<vmem>>) semaphore(%run_scoped3A_685 : memref<!tpu.dma_semaphore, #tpu.memory_space<semaphore_mem>>) {add = true}
        %dma_wait3A_696 = arith.constant 0 : i32
        %dma_wait3A_697 = arith.constant 0 : i32
        %dma_wait3A_698 = tpu.memref_slice %arg9[%run_scoped3A_318, %dma_wait3A_696, %dma_wait3A_697] : memref<2x128x128xf32, #tpu.memory_space<vmem>> -> memref<1x128x128xf32, #tpu.memory_space<vmem>>
        %dma_wait3A_699 = tpu.memref_squeeze %dma_wait3A_698 : memref<1x128x128xf32, #tpu.memory_space<vmem>> -> memref<128x128xf32, #tpu.memory_space<vmem>>
        %dma_wait3A_700 = arith.constant 0 : i32
        %dma_wait3A_701 = tpu.memref_slice %arg8[%run_scoped3A_319, %run_scoped3A_320, %dma_wait3A_700] : memref<2x8x128xi32, #tpu.memory_space<vmem>> -> memref<1x1x128xi32, #tpu.memory_space<vmem>>
        %dma_wait3A_702 = tpu.memref_squeeze %dma_wait3A_701 : memref<1x1x128xi32, #tpu.memory_space<vmem>> -> memref<128xi32, #tpu.memory_space<vmem>>
        %dma_wait3A_703 = arith.constant 0 : i32
        %dma_wait3A_704 = arith.constant 0 : i32
        %dma_wait3A_705 = tpu.memref_slice %arg12[%dma_wait3A_703, %dma_wait3A_704] : memref<10240x128xf32, #tpu.memory_space<vmem_shared>> -> memref<10240x128xf32, #tpu.memory_space<vmem_shared>>
        tpu.wait_indirect_dma semaphore(%run_scoped3A_685 : memref<!tpu.dma_semaphore, #tpu.memory_space<semaphore_mem>>) src(%dma_wait3A_699 : memref<128x128xf32, #tpu.memory_space<vmem>>) dst(%dma_wait3A_705 : memref<10240x128xf32, #tpu.memory_space<vmem_shared>>)
        tpu.yield
      }) : () -> ()
      %dma_start3A_321 = arith.constant 0 : i32
      %dma_start3A_322 = arith.constant 6 : i32
      %dma_start3A_323 = arith.constant 0 : i32
      %dma_start3A_324 = arith.constant 0 : i32
      %dma_start3A_325 = arith.constant 0 : i32
      %dma_start3A_326 = tpu.memref_slice %arg9[%dma_start3A_323, %dma_start3A_324, %dma_start3A_325] : memref<2x128x128xf32, #tpu.memory_space<vmem>> -> memref<1x128x128xf32, #tpu.memory_space<vmem>>
      %dma_start3A_327 = tpu.memref_squeeze %dma_start3A_326 : memref<1x128x128xf32, #tpu.memory_space<vmem>> -> memref<128x128xf32, #tpu.memory_space<vmem>>
      %dma_start3A_328 = arith.constant 0 : i32
      %dma_start3A_329 = tpu.memref_slice %arg7[%dma_start3A_321, %dma_start3A_322, %dma_start3A_328] : memref<2x8x128xi32, #tpu.memory_space<vmem>> -> memref<1x1x128xi32, #tpu.memory_space<vmem>>
      %dma_start3A_330 = tpu.memref_squeeze %dma_start3A_329 : memref<1x1x128xi32, #tpu.memory_space<vmem>> -> memref<128xi32, #tpu.memory_space<vmem>>
      %dma_start3A_331 = arith.constant 0 : i32
      %dma_start3A_332 = arith.constant 0 : i32
      %dma_start3A_333 = tpu.memref_slice %arg4[%dma_start3A_331, %dma_start3A_332] : memref<20000x128xf32, #tpu.memory_space<hbm>> -> memref<20000x128xf32, #tpu.memory_space<hbm>>
      tpu.enqueue_indirect_dma source(%dma_start3A_333 : memref<20000x128xf32, #tpu.memory_space<hbm>>) target(%dma_start3A_327 : memref<128x128xf32, #tpu.memory_space<vmem>>) offsets(%dma_start3A_330 : memref<128xi32, #tpu.memory_space<vmem>>) semaphore(%arg16 : memref<!tpu.dma_semaphore, #tpu.memory_space<semaphore_mem>>)
      %dma_wait3A_334 = arith.constant 0 : i32
      %dma_wait3A_335 = arith.constant 5 : i32
      %dma_wait3A_336 = arith.constant 1 : i32
      %dma_wait3A_337 = arith.constant 0 : i32
      %dma_wait3A_338 = arith.constant 0 : i32
      %dma_wait3A_339 = tpu.memref_slice %arg9[%dma_wait3A_336, %dma_wait3A_337, %dma_wait3A_338] : memref<2x128x128xf32, #tpu.memory_space<vmem>> -> memref<1x128x128xf32, #tpu.memory_space<vmem>>
      %dma_wait3A_340 = tpu.memref_squeeze %dma_wait3A_339 : memref<1x128x128xf32, #tpu.memory_space<vmem>> -> memref<128x128xf32, #tpu.memory_space<vmem>>
      %dma_wait3A_341 = arith.constant 0 : i32
      %dma_wait3A_342 = tpu.memref_slice %arg7[%dma_wait3A_334, %dma_wait3A_335, %dma_wait3A_341] : memref<2x8x128xi32, #tpu.memory_space<vmem>> -> memref<1x1x128xi32, #tpu.memory_space<vmem>>
      %dma_wait3A_343 = tpu.memref_squeeze %dma_wait3A_342 : memref<1x1x128xi32, #tpu.memory_space<vmem>> -> memref<128xi32, #tpu.memory_space<vmem>>
      %dma_wait3A_344 = arith.constant 0 : i32
      %dma_wait3A_345 = arith.constant 0 : i32
      %dma_wait3A_346 = tpu.memref_slice %arg4[%dma_wait3A_344, %dma_wait3A_345] : memref<20000x128xf32, #tpu.memory_space<hbm>> -> memref<20000x128xf32, #tpu.memory_space<hbm>>
      tpu.wait_indirect_dma semaphore(%arg17 : memref<!tpu.dma_semaphore, #tpu.memory_space<semaphore_mem>>) src(%dma_wait3A_346 : memref<20000x128xf32, #tpu.memory_space<hbm>>) dst(%dma_wait3A_340 : memref<128x128xf32, #tpu.memory_space<vmem>>)
      %run_scoped3A_347 = arith.constant 1 : i32
      %run_scoped3A_348 = arith.constant 0 : i32
      %run_scoped3A_349 = arith.constant 5 : i32
      "tpu.region"() ({
        %run_scoped3A_685 = tpu.sem_alloc : memref<!tpu.dma_semaphore, #tpu.memory_space<semaphore_mem>>
        %dma_start3A_686 = arith.constant 0 : i32
        %dma_start3A_687 = arith.constant 0 : i32
        %dma_start3A_688 = tpu.memref_slice %arg9[%run_scoped3A_347, %dma_start3A_686, %dma_start3A_687] : memref<2x128x128xf32, #tpu.memory_space<vmem>> -> memref<1x128x128xf32, #tpu.memory_space<vmem>>
        %dma_start3A_689 = tpu.memref_squeeze %dma_start3A_688 : memref<1x128x128xf32, #tpu.memory_space<vmem>> -> memref<128x128xf32, #tpu.memory_space<vmem>>
        %dma_start3A_690 = arith.constant 0 : i32
        %dma_start3A_691 = tpu.memref_slice %arg8[%run_scoped3A_348, %run_scoped3A_349, %dma_start3A_690] : memref<2x8x128xi32, #tpu.memory_space<vmem>> -> memref<1x1x128xi32, #tpu.memory_space<vmem>>
        %dma_start3A_692 = tpu.memref_squeeze %dma_start3A_691 : memref<1x1x128xi32, #tpu.memory_space<vmem>> -> memref<128xi32, #tpu.memory_space<vmem>>
        %dma_start3A_693 = arith.constant 0 : i32
        %dma_start3A_694 = arith.constant 0 : i32
        %dma_start3A_695 = tpu.memref_slice %arg12[%dma_start3A_693, %dma_start3A_694] : memref<10240x128xf32, #tpu.memory_space<vmem_shared>> -> memref<10240x128xf32, #tpu.memory_space<vmem_shared>>
        tpu.enqueue_indirect_dma source(%dma_start3A_689 : memref<128x128xf32, #tpu.memory_space<vmem>>) target(%dma_start3A_695 : memref<10240x128xf32, #tpu.memory_space<vmem_shared>>) offsets(%dma_start3A_692 : memref<128xi32, #tpu.memory_space<vmem>>) semaphore(%run_scoped3A_685 : memref<!tpu.dma_semaphore, #tpu.memory_space<semaphore_mem>>) {add = true}
        %dma_wait3A_696 = arith.constant 0 : i32
        %dma_wait3A_697 = arith.constant 0 : i32
        %dma_wait3A_698 = tpu.memref_slice %arg9[%run_scoped3A_347, %dma_wait3A_696, %dma_wait3A_697] : memref<2x128x128xf32, #tpu.memory_space<vmem>> -> memref<1x128x128xf32, #tpu.memory_space<vmem>>
        %dma_wait3A_699 = tpu.memref_squeeze %dma_wait3A_698 : memref<1x128x128xf32, #tpu.memory_space<vmem>> -> memref<128x128xf32, #tpu.memory_space<vmem>>
        %dma_wait3A_700 = arith.constant 0 : i32
        %dma_wait3A_701 = tpu.memref_slice %arg8[%run_scoped3A_348, %run_scoped3A_349, %dma_wait3A_700] : memref<2x8x128xi32, #tpu.memory_space<vmem>> -> memref<1x1x128xi32, #tpu.memory_space<vmem>>
        %dma_wait3A_702 = tpu.memref_squeeze %dma_wait3A_701 : memref<1x1x128xi32, #tpu.memory_space<vmem>> -> memref<128xi32, #tpu.memory_space<vmem>>
        %dma_wait3A_703 = arith.constant 0 : i32
        %dma_wait3A_704 = arith.constant 0 : i32
        %dma_wait3A_705 = tpu.memref_slice %arg12[%dma_wait3A_703, %dma_wait3A_704] : memref<10240x128xf32, #tpu.memory_space<vmem_shared>> -> memref<10240x128xf32, #tpu.memory_space<vmem_shared>>
        tpu.wait_indirect_dma semaphore(%run_scoped3A_685 : memref<!tpu.dma_semaphore, #tpu.memory_space<semaphore_mem>>) src(%dma_wait3A_699 : memref<128x128xf32, #tpu.memory_space<vmem>>) dst(%dma_wait3A_705 : memref<10240x128xf32, #tpu.memory_space<vmem_shared>>)
        tpu.yield
      }) : () -> ()
      %dma_start3A_350 = arith.constant 0 : i32
      %dma_start3A_351 = arith.constant 7 : i32
      %dma_start3A_352 = arith.constant 1 : i32
      %dma_start3A_353 = arith.constant 0 : i32
      %dma_start3A_354 = arith.constant 0 : i32
      %dma_start3A_355 = tpu.memref_slice %arg9[%dma_start3A_352, %dma_start3A_353, %dma_start3A_354] : memref<2x128x128xf32, #tpu.memory_space<vmem>> -> memref<1x128x128xf32, #tpu.memory_space<vmem>>
      %dma_start3A_356 = tpu.memref_squeeze %dma_start3A_355 : memref<1x128x128xf32, #tpu.memory_space<vmem>> -> memref<128x128xf32, #tpu.memory_space<vmem>>
      %dma_start3A_357 = arith.constant 0 : i32
      %dma_start3A_358 = tpu.memref_slice %arg7[%dma_start3A_350, %dma_start3A_351, %dma_start3A_357] : memref<2x8x128xi32, #tpu.memory_space<vmem>> -> memref<1x1x128xi32, #tpu.memory_space<vmem>>
      %dma_start3A_359 = tpu.memref_squeeze %dma_start3A_358 : memref<1x1x128xi32, #tpu.memory_space<vmem>> -> memref<128xi32, #tpu.memory_space<vmem>>
      %dma_start3A_360 = arith.constant 0 : i32
      %dma_start3A_361 = arith.constant 0 : i32
      %dma_start3A_362 = tpu.memref_slice %arg4[%dma_start3A_360, %dma_start3A_361] : memref<20000x128xf32, #tpu.memory_space<hbm>> -> memref<20000x128xf32, #tpu.memory_space<hbm>>
      tpu.enqueue_indirect_dma source(%dma_start3A_362 : memref<20000x128xf32, #tpu.memory_space<hbm>>) target(%dma_start3A_356 : memref<128x128xf32, #tpu.memory_space<vmem>>) offsets(%dma_start3A_359 : memref<128xi32, #tpu.memory_space<vmem>>) semaphore(%arg17 : memref<!tpu.dma_semaphore, #tpu.memory_space<semaphore_mem>>)
      %dma_wait3A_363 = arith.constant 0 : i32
      %dma_wait3A_364 = arith.constant 6 : i32
      %dma_wait3A_365 = arith.constant 0 : i32
      %dma_wait3A_366 = arith.constant 0 : i32
      %dma_wait3A_367 = arith.constant 0 : i32
      %dma_wait3A_368 = tpu.memref_slice %arg9[%dma_wait3A_365, %dma_wait3A_366, %dma_wait3A_367] : memref<2x128x128xf32, #tpu.memory_space<vmem>> -> memref<1x128x128xf32, #tpu.memory_space<vmem>>
      %dma_wait3A_369 = tpu.memref_squeeze %dma_wait3A_368 : memref<1x128x128xf32, #tpu.memory_space<vmem>> -> memref<128x128xf32, #tpu.memory_space<vmem>>
      %dma_wait3A_370 = arith.constant 0 : i32
      %dma_wait3A_371 = tpu.memref_slice %arg7[%dma_wait3A_363, %dma_wait3A_364, %dma_wait3A_370] : memref<2x8x128xi32, #tpu.memory_space<vmem>> -> memref<1x1x128xi32, #tpu.memory_space<vmem>>
      %dma_wait3A_372 = tpu.memref_squeeze %dma_wait3A_371 : memref<1x1x128xi32, #tpu.memory_space<vmem>> -> memref<128xi32, #tpu.memory_space<vmem>>
      %dma_wait3A_373 = arith.constant 0 : i32
      %dma_wait3A_374 = arith.constant 0 : i32
      %dma_wait3A_375 = tpu.memref_slice %arg4[%dma_wait3A_373, %dma_wait3A_374] : memref<20000x128xf32, #tpu.memory_space<hbm>> -> memref<20000x128xf32, #tpu.memory_space<hbm>>
      tpu.wait_indirect_dma semaphore(%arg16 : memref<!tpu.dma_semaphore, #tpu.memory_space<semaphore_mem>>) src(%dma_wait3A_375 : memref<20000x128xf32, #tpu.memory_space<hbm>>) dst(%dma_wait3A_369 : memref<128x128xf32, #tpu.memory_space<vmem>>)
      %run_scoped3A_376 = arith.constant 0 : i32
      %run_scoped3A_377 = arith.constant 0 : i32
      %run_scoped3A_378 = arith.constant 6 : i32
      "tpu.region"() ({
        %run_scoped3A_685 = tpu.sem_alloc : memref<!tpu.dma_semaphore, #tpu.memory_space<semaphore_mem>>
        %dma_start3A_686 = arith.constant 0 : i32
        %dma_start3A_687 = arith.constant 0 : i32
        %dma_start3A_688 = tpu.memref_slice %arg9[%run_scoped3A_376, %dma_start3A_686, %dma_start3A_687] : memref<2x128x128xf32, #tpu.memory_space<vmem>> -> memref<1x128x128xf32, #tpu.memory_space<vmem>>
        %dma_start3A_689 = tpu.memref_squeeze %dma_start3A_688 : memref<1x128x128xf32, #tpu.memory_space<vmem>> -> memref<128x128xf32, #tpu.memory_space<vmem>>
        %dma_start3A_690 = arith.constant 0 : i32
        %dma_start3A_691 = tpu.memref_slice %arg8[%run_scoped3A_377, %run_scoped3A_378, %dma_start3A_690] : memref<2x8x128xi32, #tpu.memory_space<vmem>> -> memref<1x1x128xi32, #tpu.memory_space<vmem>>
        %dma_start3A_692 = tpu.memref_squeeze %dma_start3A_691 : memref<1x1x128xi32, #tpu.memory_space<vmem>> -> memref<128xi32, #tpu.memory_space<vmem>>
        %dma_start3A_693 = arith.constant 0 : i32
        %dma_start3A_694 = arith.constant 0 : i32
        %dma_start3A_695 = tpu.memref_slice %arg12[%dma_start3A_693, %dma_start3A_694] : memref<10240x128xf32, #tpu.memory_space<vmem_shared>> -> memref<10240x128xf32, #tpu.memory_space<vmem_shared>>
        tpu.enqueue_indirect_dma source(%dma_start3A_689 : memref<128x128xf32, #tpu.memory_space<vmem>>) target(%dma_start3A_695 : memref<10240x128xf32, #tpu.memory_space<vmem_shared>>) offsets(%dma_start3A_692 : memref<128xi32, #tpu.memory_space<vmem>>) semaphore(%run_scoped3A_685 : memref<!tpu.dma_semaphore, #tpu.memory_space<semaphore_mem>>) {add = true}
        %dma_wait3A_696 = arith.constant 0 : i32
        %dma_wait3A_697 = arith.constant 0 : i32
        %dma_wait3A_698 = tpu.memref_slice %arg9[%run_scoped3A_376, %dma_wait3A_696, %dma_wait3A_697] : memref<2x128x128xf32, #tpu.memory_space<vmem>> -> memref<1x128x128xf32, #tpu.memory_space<vmem>>
        %dma_wait3A_699 = tpu.memref_squeeze %dma_wait3A_698 : memref<1x128x128xf32, #tpu.memory_space<vmem>> -> memref<128x128xf32, #tpu.memory_space<vmem>>
        %dma_wait3A_700 = arith.constant 0 : i32
        %dma_wait3A_701 = tpu.memref_slice %arg8[%run_scoped3A_377, %run_scoped3A_378, %dma_wait3A_700] : memref<2x8x128xi32, #tpu.memory_space<vmem>> -> memref<1x1x128xi32, #tpu.memory_space<vmem>>
        %dma_wait3A_702 = tpu.memref_squeeze %dma_wait3A_701 : memref<1x1x128xi32, #tpu.memory_space<vmem>> -> memref<128xi32, #tpu.memory_space<vmem>>
        %dma_wait3A_703 = arith.constant 0 : i32
        %dma_wait3A_704 = arith.constant 0 : i32
        %dma_wait3A_705 = tpu.memref_slice %arg12[%dma_wait3A_703, %dma_wait3A_704] : memref<10240x128xf32, #tpu.memory_space<vmem_shared>> -> memref<10240x128xf32, #tpu.memory_space<vmem_shared>>
        tpu.wait_indirect_dma semaphore(%run_scoped3A_685 : memref<!tpu.dma_semaphore, #tpu.memory_space<semaphore_mem>>) src(%dma_wait3A_699 : memref<128x128xf32, #tpu.memory_space<vmem>>) dst(%dma_wait3A_705 : memref<10240x128xf32, #tpu.memory_space<vmem_shared>>)
        tpu.yield
      }) : () -> ()
      %mul3A_379 = arith.constant 2 : i32
      %mul3A_380 = arith.muli %mul3A_379, %scan3A_187 : i32
      %add3A_381 = arith.constant 1 : i32
      %add3A_382 = arith.addi %mul3A_380, %add3A_381 : i32
      %mul3A_383 = arith.constant 8 : i32
      %mul3A_384 = arith.muli %mul3A_383, %add3A_382 : i32
      %add3A_385 = arith.addi %mul3A_0, %mul3A_384 : i32
      %dma_wait3A_386 = arith.constant 1 : i32
      %dma_wait3A_387 = arith.constant 0 : i32
      %dma_wait3A_388 = arith.constant 0 : i32
      %dma_wait3A_389 = tpu.memref_slice %arg7[%dma_wait3A_386, %dma_wait3A_387, %dma_wait3A_388] : memref<2x8x128xi32, #tpu.memory_space<vmem>> -> memref<1x8x128xi32, #tpu.memory_space<vmem>>
      %dma_wait3A_390 = tpu.memref_squeeze %dma_wait3A_389 : memref<1x8x128xi32, #tpu.memory_space<vmem>> -> memref<8x128xi32, #tpu.memory_space<vmem>>
      %dma_wait3A_391 = arith.constant 0 : i32
      %dma_wait3A_392 = tpu.memref_slice %arg2[%arg0, %add3A_385, %dma_wait3A_391] : memref<2x2560x128xi32, #tpu.memory_space<hbm>> -> memref<1x8x128xi32, #tpu.memory_space<hbm>>
      %dma_wait3A_393 = tpu.memref_squeeze %dma_wait3A_392 : memref<1x8x128xi32, #tpu.memory_space<hbm>> -> memref<8x128xi32, #tpu.memory_space<hbm>>
      %dma_wait3A_394 = arith.constant 0 : i32
      %dma_wait3A_395 = arith.constant 0 : i32
      %dma_wait3A_396 = tpu.memref_slice %arg7[%dma_wait3A_386, %dma_wait3A_394, %dma_wait3A_395] : memref<2x8x128xi32, #tpu.memory_space<vmem>> -> memref<1x8x128xi32, #tpu.memory_space<vmem>>
      %dma_wait3A_397 = tpu.memref_squeeze %dma_wait3A_396 : memref<1x8x128xi32, #tpu.memory_space<vmem>> -> memref<8x128xi32, #tpu.memory_space<vmem>>
      %dma_wait3A_398 = arith.constant 0 : i32
      %dma_wait3A_399 = tpu.memref_slice %arg2[%arg0, %add3A_385, %dma_wait3A_398] : memref<2x2560x128xi32, #tpu.memory_space<hbm>> -> memref<1x8x128xi32, #tpu.memory_space<hbm>>
      %dma_wait3A_400 = tpu.memref_squeeze %dma_wait3A_399 : memref<1x8x128xi32, #tpu.memory_space<hbm>> -> memref<8x128xi32, #tpu.memory_space<hbm>>
      tpu.wait_dma2 semaphore(%arg15 : memref<!tpu.dma_semaphore, #tpu.memory_space<semaphore_mem>>) src(%dma_wait3A_400 : memref<8x128xi32, #tpu.memory_space<hbm>>) dst(%dma_wait3A_397 : memref<8x128xi32, #tpu.memory_space<vmem>>)
      %mul3A_401 = arith.constant 8 : i32
      %mul3A_402 = arith.muli %mul3A_401, %add3A_382 : i32
      %add3A_403 = arith.addi %mul3A_0, %mul3A_402 : i32
      %dma_wait3A_404 = arith.constant 1 : i32
      %dma_wait3A_405 = arith.constant 0 : i32
      %dma_wait3A_406 = arith.constant 0 : i32
      %dma_wait3A_407 = tpu.memref_slice %arg8[%dma_wait3A_404, %dma_wait3A_405, %dma_wait3A_406] : memref<2x8x128xi32, #tpu.memory_space<vmem>> -> memref<1x8x128xi32, #tpu.memory_space<vmem>>
      %dma_wait3A_408 = tpu.memref_squeeze %dma_wait3A_407 : memref<1x8x128xi32, #tpu.memory_space<vmem>> -> memref<8x128xi32, #tpu.memory_space<vmem>>
      %dma_wait3A_409 = arith.constant 0 : i32
      %dma_wait3A_410 = tpu.memref_slice %arg3[%arg0, %add3A_403, %dma_wait3A_409] : memref<2x2560x128xi32, #tpu.memory_space<hbm>> -> memref<1x8x128xi32, #tpu.memory_space<hbm>>
      %dma_wait3A_411 = tpu.memref_squeeze %dma_wait3A_410 : memref<1x8x128xi32, #tpu.memory_space<hbm>> -> memref<8x128xi32, #tpu.memory_space<hbm>>
      %dma_wait3A_412 = arith.constant 0 : i32
      %dma_wait3A_413 = arith.constant 0 : i32
      %dma_wait3A_414 = tpu.memref_slice %arg8[%dma_wait3A_404, %dma_wait3A_412, %dma_wait3A_413] : memref<2x8x128xi32, #tpu.memory_space<vmem>> -> memref<1x8x128xi32, #tpu.memory_space<vmem>>
      %dma_wait3A_415 = tpu.memref_squeeze %dma_wait3A_414 : memref<1x8x128xi32, #tpu.memory_space<vmem>> -> memref<8x128xi32, #tpu.memory_space<vmem>>
      %dma_wait3A_416 = arith.constant 0 : i32
      %dma_wait3A_417 = tpu.memref_slice %arg3[%arg0, %add3A_403, %dma_wait3A_416] : memref<2x2560x128xi32, #tpu.memory_space<hbm>> -> memref<1x8x128xi32, #tpu.memory_space<hbm>>
      %dma_wait3A_418 = tpu.memref_squeeze %dma_wait3A_417 : memref<1x8x128xi32, #tpu.memory_space<hbm>> -> memref<8x128xi32, #tpu.memory_space<hbm>>
      tpu.wait_dma2 semaphore(%arg15 : memref<!tpu.dma_semaphore, #tpu.memory_space<semaphore_mem>>) src(%dma_wait3A_418 : memref<8x128xi32, #tpu.memory_space<hbm>>) dst(%dma_wait3A_415 : memref<8x128xi32, #tpu.memory_space<vmem>>)
      %dma_start3A_419 = arith.constant 1 : i32
      %dma_start3A_420 = arith.constant 0 : i32
      %dma_start3A_421 = arith.constant 0 : i32
      %dma_start3A_422 = arith.constant 0 : i32
      %dma_start3A_423 = arith.constant 0 : i32
      %dma_start3A_424 = tpu.memref_slice %arg9[%dma_start3A_421, %dma_start3A_422, %dma_start3A_423] : memref<2x128x128xf32, #tpu.memory_space<vmem>> -> memref<1x128x128xf32, #tpu.memory_space<vmem>>
      %dma_start3A_425 = tpu.memref_squeeze %dma_start3A_424 : memref<1x128x128xf32, #tpu.memory_space<vmem>> -> memref<128x128xf32, #tpu.memory_space<vmem>>
      %dma_start3A_426 = arith.constant 0 : i32
      %dma_start3A_427 = tpu.memref_slice %arg7[%dma_start3A_419, %dma_start3A_420, %dma_start3A_426] : memref<2x8x128xi32, #tpu.memory_space<vmem>> -> memref<1x1x128xi32, #tpu.memory_space<vmem>>
      %dma_start3A_428 = tpu.memref_squeeze %dma_start3A_427 : memref<1x1x128xi32, #tpu.memory_space<vmem>> -> memref<128xi32, #tpu.memory_space<vmem>>
      %dma_start3A_429 = arith.constant 0 : i32
      %dma_start3A_430 = arith.constant 0 : i32
      %dma_start3A_431 = tpu.memref_slice %arg4[%dma_start3A_429, %dma_start3A_430] : memref<20000x128xf32, #tpu.memory_space<hbm>> -> memref<20000x128xf32, #tpu.memory_space<hbm>>
      tpu.enqueue_indirect_dma source(%dma_start3A_431 : memref<20000x128xf32, #tpu.memory_space<hbm>>) target(%dma_start3A_425 : memref<128x128xf32, #tpu.memory_space<vmem>>) offsets(%dma_start3A_428 : memref<128xi32, #tpu.memory_space<vmem>>) semaphore(%arg16 : memref<!tpu.dma_semaphore, #tpu.memory_space<semaphore_mem>>)
      %dma_wait3A_432 = arith.constant 0 : i32
      %dma_wait3A_433 = arith.constant 7 : i32
      %dma_wait3A_434 = arith.constant 1 : i32
      %dma_wait3A_435 = arith.constant 0 : i32
      %dma_wait3A_436 = arith.constant 0 : i32
      %dma_wait3A_437 = tpu.memref_slice %arg9[%dma_wait3A_434, %dma_wait3A_435, %dma_wait3A_436] : memref<2x128x128xf32, #tpu.memory_space<vmem>> -> memref<1x128x128xf32, #tpu.memory_space<vmem>>
      %dma_wait3A_438 = tpu.memref_squeeze %dma_wait3A_437 : memref<1x128x128xf32, #tpu.memory_space<vmem>> -> memref<128x128xf32, #tpu.memory_space<vmem>>
      %dma_wait3A_439 = arith.constant 0 : i32
      %dma_wait3A_440 = tpu.memref_slice %arg7[%dma_wait3A_432, %dma_wait3A_433, %dma_wait3A_439] : memref<2x8x128xi32, #tpu.memory_space<vmem>> -> memref<1x1x128xi32, #tpu.memory_space<vmem>>
      %dma_wait3A_441 = tpu.memref_squeeze %dma_wait3A_440 : memref<1x1x128xi32, #tpu.memory_space<vmem>> -> memref<128xi32, #tpu.memory_space<vmem>>
      %dma_wait3A_442 = arith.constant 0 : i32
      %dma_wait3A_443 = arith.constant 0 : i32
      %dma_wait3A_444 = tpu.memref_slice %arg4[%dma_wait3A_442, %dma_wait3A_443] : memref<20000x128xf32, #tpu.memory_space<hbm>> -> memref<20000x128xf32, #tpu.memory_space<hbm>>
      tpu.wait_indirect_dma semaphore(%arg17 : memref<!tpu.dma_semaphore, #tpu.memory_space<semaphore_mem>>) src(%dma_wait3A_444 : memref<20000x128xf32, #tpu.memory_space<hbm>>) dst(%dma_wait3A_438 : memref<128x128xf32, #tpu.memory_space<vmem>>)
      %run_scoped3A_445 = arith.constant 1 : i32
      %run_scoped3A_446 = arith.constant 0 : i32
      %run_scoped3A_447 = arith.constant 7 : i32
      "tpu.region"() ({
        %run_scoped3A_685 = tpu.sem_alloc : memref<!tpu.dma_semaphore, #tpu.memory_space<semaphore_mem>>
        %dma_start3A_686 = arith.constant 0 : i32
        %dma_start3A_687 = arith.constant 0 : i32
        %dma_start3A_688 = tpu.memref_slice %arg9[%run_scoped3A_445, %dma_start3A_686, %dma_start3A_687] : memref<2x128x128xf32, #tpu.memory_space<vmem>> -> memref<1x128x128xf32, #tpu.memory_space<vmem>>
        %dma_start3A_689 = tpu.memref_squeeze %dma_start3A_688 : memref<1x128x128xf32, #tpu.memory_space<vmem>> -> memref<128x128xf32, #tpu.memory_space<vmem>>
        %dma_start3A_690 = arith.constant 0 : i32
        %dma_start3A_691 = tpu.memref_slice %arg8[%run_scoped3A_446, %run_scoped3A_447, %dma_start3A_690] : memref<2x8x128xi32, #tpu.memory_space<vmem>> -> memref<1x1x128xi32, #tpu.memory_space<vmem>>
        %dma_start3A_692 = tpu.memref_squeeze %dma_start3A_691 : memref<1x1x128xi32, #tpu.memory_space<vmem>> -> memref<128xi32, #tpu.memory_space<vmem>>
        %dma_start3A_693 = arith.constant 0 : i32
        %dma_start3A_694 = arith.constant 0 : i32
        %dma_start3A_695 = tpu.memref_slice %arg12[%dma_start3A_693, %dma_start3A_694] : memref<10240x128xf32, #tpu.memory_space<vmem_shared>> -> memref<10240x128xf32, #tpu.memory_space<vmem_shared>>
        tpu.enqueue_indirect_dma source(%dma_start3A_689 : memref<128x128xf32, #tpu.memory_space<vmem>>) target(%dma_start3A_695 : memref<10240x128xf32, #tpu.memory_space<vmem_shared>>) offsets(%dma_start3A_692 : memref<128xi32, #tpu.memory_space<vmem>>) semaphore(%run_scoped3A_685 : memref<!tpu.dma_semaphore, #tpu.memory_space<semaphore_mem>>) {add = true}
        %dma_wait3A_696 = arith.constant 0 : i32
        %dma_wait3A_697 = arith.constant 0 : i32
        %dma_wait3A_698 = tpu.memref_slice %arg9[%run_scoped3A_445, %dma_wait3A_696, %dma_wait3A_697] : memref<2x128x128xf32, #tpu.memory_space<vmem>> -> memref<1x128x128xf32, #tpu.memory_space<vmem>>
        %dma_wait3A_699 = tpu.memref_squeeze %dma_wait3A_698 : memref<1x128x128xf32, #tpu.memory_space<vmem>> -> memref<128x128xf32, #tpu.memory_space<vmem>>
        %dma_wait3A_700 = arith.constant 0 : i32
        %dma_wait3A_701 = tpu.memref_slice %arg8[%run_scoped3A_446, %run_scoped3A_447, %dma_wait3A_700] : memref<2x8x128xi32, #tpu.memory_space<vmem>> -> memref<1x1x128xi32, #tpu.memory_space<vmem>>
        %dma_wait3A_702 = tpu.memref_squeeze %dma_wait3A_701 : memref<1x1x128xi32, #tpu.memory_space<vmem>> -> memref<128xi32, #tpu.memory_space<vmem>>
        %dma_wait3A_703 = arith.constant 0 : i32
        %dma_wait3A_704 = arith.constant 0 : i32
        %dma_wait3A_705 = tpu.memref_slice %arg12[%dma_wait3A_703, %dma_wait3A_704] : memref<10240x128xf32, #tpu.memory_space<vmem_shared>> -> memref<10240x128xf32, #tpu.memory_space<vmem_shared>>
        tpu.wait_indirect_dma semaphore(%run_scoped3A_685 : memref<!tpu.dma_semaphore, #tpu.memory_space<semaphore_mem>>) src(%dma_wait3A_699 : memref<128x128xf32, #tpu.memory_space<vmem>>) dst(%dma_wait3A_705 : memref<10240x128xf32, #tpu.memory_space<vmem_shared>>)
        tpu.yield
      }) : () -> ()
      %dma_start3A_448 = arith.constant 1 : i32
      %dma_start3A_449 = arith.constant 1 : i32
      %dma_start3A_450 = arith.constant 1 : i32
      %dma_start3A_451 = arith.constant 0 : i32
      %dma_start3A_452 = arith.constant 0 : i32
      %dma_start3A_453 = tpu.memref_slice %arg9[%dma_start3A_450, %dma_start3A_451, %dma_start3A_452] : memref<2x128x128xf32, #tpu.memory_space<vmem>> -> memref<1x128x128xf32, #tpu.memory_space<vmem>>
      %dma_start3A_454 = tpu.memref_squeeze %dma_start3A_453 : memref<1x128x128xf32, #tpu.memory_space<vmem>> -> memref<128x128xf32, #tpu.memory_space<vmem>>
      %dma_start3A_455 = arith.constant 0 : i32
      %dma_start3A_456 = tpu.memref_slice %arg7[%dma_start3A_448, %dma_start3A_449, %dma_start3A_455] : memref<2x8x128xi32, #tpu.memory_space<vmem>> -> memref<1x1x128xi32, #tpu.memory_space<vmem>>
      %dma_start3A_457 = tpu.memref_squeeze %dma_start3A_456 : memref<1x1x128xi32, #tpu.memory_space<vmem>> -> memref<128xi32, #tpu.memory_space<vmem>>
      %dma_start3A_458 = arith.constant 0 : i32
      %dma_start3A_459 = arith.constant 0 : i32
      %dma_start3A_460 = tpu.memref_slice %arg4[%dma_start3A_458, %dma_start3A_459] : memref<20000x128xf32, #tpu.memory_space<hbm>> -> memref<20000x128xf32, #tpu.memory_space<hbm>>
      tpu.enqueue_indirect_dma source(%dma_start3A_460 : memref<20000x128xf32, #tpu.memory_space<hbm>>) target(%dma_start3A_454 : memref<128x128xf32, #tpu.memory_space<vmem>>) offsets(%dma_start3A_457 : memref<128xi32, #tpu.memory_space<vmem>>) semaphore(%arg17 : memref<!tpu.dma_semaphore, #tpu.memory_space<semaphore_mem>>)
      %lt3A = arith.constant 9 : i32
      %lt3A_461 = arith.cmpi slt, %scan3A_187, %lt3A : i32
      %convert_element_type3A = arith.extui %lt3A_461 : i1 to i32
      %cond3A = arith.constant 0 : i32
      %cond3A_462 = arith.cmpi ne, %convert_element_type3A, %cond3A : i32
      scf.if %cond3A_462 {
        %mul3A_685 = arith.constant 2 : i32
        %mul3A_686 = arith.muli %mul3A_685, %scan3A_187 : i32
        %add3A_687 = arith.constant 0 : i32
        %add3A_688 = arith.addi %mul3A_686, %add3A_687 : i32
        %add3A_689 = arith.constant 2 : i32
        %add3A_690 = arith.addi %add3A_688, %add3A_689 : i32
        %mul3A_691 = arith.constant 8 : i32
        %mul3A_692 = arith.muli %mul3A_691, %add3A_690 : i32
        %add3A_693 = arith.addi %mul3A_0, %mul3A_692 : i32
        %dma_start3A_694 = arith.constant 0 : i32
        %dma_start3A_695 = arith.constant 0 : i32
        %dma_start3A_696 = arith.constant 0 : i32
        %dma_start3A_697 = tpu.memref_slice %arg7[%dma_start3A_694, %dma_start3A_695, %dma_start3A_696] : memref<2x8x128xi32, #tpu.memory_space<vmem>> -> memref<1x8x128xi32, #tpu.memory_space<vmem>>
        %dma_start3A_698 = tpu.memref_squeeze %dma_start3A_697 : memref<1x8x128xi32, #tpu.memory_space<vmem>> -> memref<8x128xi32, #tpu.memory_space<vmem>>
        %dma_start3A_699 = arith.constant 0 : i32
        %dma_start3A_700 = tpu.memref_slice %arg2[%arg0, %add3A_693, %dma_start3A_699] : memref<2x2560x128xi32, #tpu.memory_space<hbm>> -> memref<1x8x128xi32, #tpu.memory_space<hbm>>
        %dma_start3A_701 = tpu.memref_squeeze %dma_start3A_700 : memref<1x8x128xi32, #tpu.memory_space<hbm>> -> memref<8x128xi32, #tpu.memory_space<hbm>>
        %dma_start3A_702 = arith.constant 0 : i32
        %dma_start3A_703 = arith.constant 0 : i32
        %dma_start3A_704 = tpu.memref_slice %arg7[%dma_start3A_694, %dma_start3A_702, %dma_start3A_703] : memref<2x8x128xi32, #tpu.memory_space<vmem>> -> memref<1x8x128xi32, #tpu.memory_space<vmem>>
        %dma_start3A_705 = tpu.memref_squeeze %dma_start3A_704 : memref<1x8x128xi32, #tpu.memory_space<vmem>> -> memref<8x128xi32, #tpu.memory_space<vmem>>
        %dma_start3A_706 = arith.constant 0 : i32
        %dma_start3A_707 = tpu.memref_slice %arg2[%arg0, %add3A_693, %dma_start3A_706] : memref<2x2560x128xi32, #tpu.memory_space<hbm>> -> memref<1x8x128xi32, #tpu.memory_space<hbm>>
        %dma_start3A_708 = tpu.memref_squeeze %dma_start3A_707 : memref<1x8x128xi32, #tpu.memory_space<hbm>> -> memref<8x128xi32, #tpu.memory_space<hbm>>
        tpu.enqueue_dma source(%dma_start3A_708 : memref<8x128xi32, #tpu.memory_space<hbm>>) target(%dma_start3A_705 : memref<8x128xi32, #tpu.memory_space<vmem>>) target_semaphore(%arg14 : memref<!tpu.dma_semaphore, #tpu.memory_space<semaphore_mem>>)
        %mul3A_709 = arith.constant 8 : i32
        %mul3A_710 = arith.muli %mul3A_709, %add3A_690 : i32
        %add3A_711 = arith.addi %mul3A_0, %mul3A_710 : i32
        %dma_start3A_712 = arith.constant 0 : i32
        %dma_start3A_713 = arith.constant 0 : i32
        %dma_start3A_714 = arith.constant 0 : i32
        %dma_start3A_715 = tpu.memref_slice %arg8[%dma_start3A_712, %dma_start3A_713, %dma_start3A_714] : memref<2x8x128xi32, #tpu.memory_space<vmem>> -> memref<1x8x128xi32, #tpu.memory_space<vmem>>
        %dma_start3A_716 = tpu.memref_squeeze %dma_start3A_715 : memref<1x8x128xi32, #tpu.memory_space<vmem>> -> memref<8x128xi32, #tpu.memory_space<vmem>>
        %dma_start3A_717 = arith.constant 0 : i32
        %dma_start3A_718 = tpu.memref_slice %arg3[%arg0, %add3A_711, %dma_start3A_717] : memref<2x2560x128xi32, #tpu.memory_space<hbm>> -> memref<1x8x128xi32, #tpu.memory_space<hbm>>
        %dma_start3A_719 = tpu.memref_squeeze %dma_start3A_718 : memref<1x8x128xi32, #tpu.memory_space<hbm>> -> memref<8x128xi32, #tpu.memory_space<hbm>>
        %dma_start3A_720 = arith.constant 0 : i32
        %dma_start3A_721 = arith.constant 0 : i32
        %dma_start3A_722 = tpu.memref_slice %arg8[%dma_start3A_712, %dma_start3A_720, %dma_start3A_721] : memref<2x8x128xi32, #tpu.memory_space<vmem>> -> memref<1x8x128xi32, #tpu.memory_space<vmem>>
        %dma_start3A_723 = tpu.memref_squeeze %dma_start3A_722 : memref<1x8x128xi32, #tpu.memory_space<vmem>> -> memref<8x128xi32, #tpu.memory_space<vmem>>
        %dma_start3A_724 = arith.constant 0 : i32
        %dma_start3A_725 = tpu.memref_slice %arg3[%arg0, %add3A_711, %dma_start3A_724] : memref<2x2560x128xi32, #tpu.memory_space<hbm>> -> memref<1x8x128xi32, #tpu.memory_space<hbm>>
        %dma_start3A_726 = tpu.memref_squeeze %dma_start3A_725 : memref<1x8x128xi32, #tpu.memory_space<hbm>> -> memref<8x128xi32, #tpu.memory_space<hbm>>
        tpu.enqueue_dma source(%dma_start3A_726 : memref<8x128xi32, #tpu.memory_space<hbm>>) target(%dma_start3A_723 : memref<8x128xi32, #tpu.memory_space<vmem>>) target_semaphore(%arg14 : memref<!tpu.dma_semaphore, #tpu.memory_space<semaphore_mem>>)
      } else {
      }
      %dma_wait3A_463 = arith.constant 1 : i32
      %dma_wait3A_464 = arith.constant 0 : i32
      %dma_wait3A_465 = arith.constant 0 : i32
      %dma_wait3A_466 = arith.constant 0 : i32
      %dma_wait3A_467 = arith.constant 0 : i32
      %dma_wait3A_468 = tpu.memref_slice %arg9[%dma_wait3A_465, %dma_wait3A_466, %dma_wait3A_467] : memref<2x128x128xf32, #tpu.memory_space<vmem>> -> memref<1x128x128xf32, #tpu.memory_space<vmem>>
      %dma_wait3A_469 = tpu.memref_squeeze %dma_wait3A_468 : memref<1x128x128xf32, #tpu.memory_space<vmem>> -> memref<128x128xf32, #tpu.memory_space<vmem>>
      %dma_wait3A_470 = arith.constant 0 : i32
      %dma_wait3A_471 = tpu.memref_slice %arg7[%dma_wait3A_463, %dma_wait3A_464, %dma_wait3A_470] : memref<2x8x128xi32, #tpu.memory_space<vmem>> -> memref<1x1x128xi32, #tpu.memory_space<vmem>>
      %dma_wait3A_472 = tpu.memref_squeeze %dma_wait3A_471 : memref<1x1x128xi32, #tpu.memory_space<vmem>> -> memref<128xi32, #tpu.memory_space<vmem>>
      %dma_wait3A_473 = arith.constant 0 : i32
      %dma_wait3A_474 = arith.constant 0 : i32
      %dma_wait3A_475 = tpu.memref_slice %arg4[%dma_wait3A_473, %dma_wait3A_474] : memref<20000x128xf32, #tpu.memory_space<hbm>> -> memref<20000x128xf32, #tpu.memory_space<hbm>>
      tpu.wait_indirect_dma semaphore(%arg16 : memref<!tpu.dma_semaphore, #tpu.memory_space<semaphore_mem>>) src(%dma_wait3A_475 : memref<20000x128xf32, #tpu.memory_space<hbm>>) dst(%dma_wait3A_469 : memref<128x128xf32, #tpu.memory_space<vmem>>)
      %run_scoped3A_476 = arith.constant 0 : i32
      %run_scoped3A_477 = arith.constant 1 : i32
      %run_scoped3A_478 = arith.constant 0 : i32
      "tpu.region"() ({
        %run_scoped3A_685 = tpu.sem_alloc : memref<!tpu.dma_semaphore, #tpu.memory_space<semaphore_mem>>
        %dma_start3A_686 = arith.constant 0 : i32
        %dma_start3A_687 = arith.constant 0 : i32
        %dma_start3A_688 = tpu.memref_slice %arg9[%run_scoped3A_476, %dma_start3A_686, %dma_start3A_687] : memref<2x128x128xf32, #tpu.memory_space<vmem>> -> memref<1x128x128xf32, #tpu.memory_space<vmem>>
        %dma_start3A_689 = tpu.memref_squeeze %dma_start3A_688 : memref<1x128x128xf32, #tpu.memory_space<vmem>> -> memref<128x128xf32, #tpu.memory_space<vmem>>
        %dma_start3A_690 = arith.constant 0 : i32
        %dma_start3A_691 = tpu.memref_slice %arg8[%run_scoped3A_477, %run_scoped3A_478, %dma_start3A_690] : memref<2x8x128xi32, #tpu.memory_space<vmem>> -> memref<1x1x128xi32, #tpu.memory_space<vmem>>
        %dma_start3A_692 = tpu.memref_squeeze %dma_start3A_691 : memref<1x1x128xi32, #tpu.memory_space<vmem>> -> memref<128xi32, #tpu.memory_space<vmem>>
        %dma_start3A_693 = arith.constant 0 : i32
        %dma_start3A_694 = arith.constant 0 : i32
        %dma_start3A_695 = tpu.memref_slice %arg12[%dma_start3A_693, %dma_start3A_694] : memref<10240x128xf32, #tpu.memory_space<vmem_shared>> -> memref<10240x128xf32, #tpu.memory_space<vmem_shared>>
        tpu.enqueue_indirect_dma source(%dma_start3A_689 : memref<128x128xf32, #tpu.memory_space<vmem>>) target(%dma_start3A_695 : memref<10240x128xf32, #tpu.memory_space<vmem_shared>>) offsets(%dma_start3A_692 : memref<128xi32, #tpu.memory_space<vmem>>) semaphore(%run_scoped3A_685 : memref<!tpu.dma_semaphore, #tpu.memory_space<semaphore_mem>>) {add = true}
        %dma_wait3A_696 = arith.constant 0 : i32
        %dma_wait3A_697 = arith.constant 0 : i32
        %dma_wait3A_698 = tpu.memref_slice %arg9[%run_scoped3A_476, %dma_wait3A_696, %dma_wait3A_697] : memref<2x128x128xf32, #tpu.memory_space<vmem>> -> memref<1x128x128xf32, #tpu.memory_space<vmem>>
        %dma_wait3A_699 = tpu.memref_squeeze %dma_wait3A_698 : memref<1x128x128xf32, #tpu.memory_space<vmem>> -> memref<128x128xf32, #tpu.memory_space<vmem>>
        %dma_wait3A_700 = arith.constant 0 : i32
        %dma_wait3A_701 = tpu.memref_slice %arg8[%run_scoped3A_477, %run_scoped3A_478, %dma_wait3A_700] : memref<2x8x128xi32, #tpu.memory_space<vmem>> -> memref<1x1x128xi32, #tpu.memory_space<vmem>>
        %dma_wait3A_702 = tpu.memref_squeeze %dma_wait3A_701 : memref<1x1x128xi32, #tpu.memory_space<vmem>> -> memref<128xi32, #tpu.memory_space<vmem>>
        %dma_wait3A_703 = arith.constant 0 : i32
        %dma_wait3A_704 = arith.constant 0 : i32
        %dma_wait3A_705 = tpu.memref_slice %arg12[%dma_wait3A_703, %dma_wait3A_704] : memref<10240x128xf32, #tpu.memory_space<vmem_shared>> -> memref<10240x128xf32, #tpu.memory_space<vmem_shared>>
        tpu.wait_indirect_dma semaphore(%run_scoped3A_685 : memref<!tpu.dma_semaphore, #tpu.memory_space<semaphore_mem>>) src(%dma_wait3A_699 : memref<128x128xf32, #tpu.memory_space<vmem>>) dst(%dma_wait3A_705 : memref<10240x128xf32, #tpu.memory_space<vmem_shared>>)
        tpu.yield
      }) : () -> ()
      %dma_start3A_479 = arith.constant 1 : i32
      %dma_start3A_480 = arith.constant 2 : i32
      %dma_start3A_481 = arith.constant 0 : i32
      %dma_start3A_482 = arith.constant 0 : i32
      %dma_start3A_483 = arith.constant 0 : i32
      %dma_start3A_484 = tpu.memref_slice %arg9[%dma_start3A_481, %dma_start3A_482, %dma_start3A_483] : memref<2x128x128xf32, #tpu.memory_space<vmem>> -> memref<1x128x128xf32, #tpu.memory_space<vmem>>
      %dma_start3A_485 = tpu.memref_squeeze %dma_start3A_484 : memref<1x128x128xf32, #tpu.memory_space<vmem>> -> memref<128x128xf32, #tpu.memory_space<vmem>>
      %dma_start3A_486 = arith.constant 0 : i32
      %dma_start3A_487 = tpu.memref_slice %arg7[%dma_start3A_479, %dma_start3A_480, %dma_start3A_486] : memref<2x8x128xi32, #tpu.memory_space<vmem>> -> memref<1x1x128xi32, #tpu.memory_space<vmem>>
      %dma_start3A_488 = tpu.memref_squeeze %dma_start3A_487 : memref<1x1x128xi32, #tpu.memory_space<vmem>> -> memref<128xi32, #tpu.memory_space<vmem>>
      %dma_start3A_489 = arith.constant 0 : i32
      %dma_start3A_490 = arith.constant 0 : i32
      %dma_start3A_491 = tpu.memref_slice %arg4[%dma_start3A_489, %dma_start3A_490] : memref<20000x128xf32, #tpu.memory_space<hbm>> -> memref<20000x128xf32, #tpu.memory_space<hbm>>
      tpu.enqueue_indirect_dma source(%dma_start3A_491 : memref<20000x128xf32, #tpu.memory_space<hbm>>) target(%dma_start3A_485 : memref<128x128xf32, #tpu.memory_space<vmem>>) offsets(%dma_start3A_488 : memref<128xi32, #tpu.memory_space<vmem>>) semaphore(%arg16 : memref<!tpu.dma_semaphore, #tpu.memory_space<semaphore_mem>>)
      %dma_wait3A_492 = arith.constant 1 : i32
      %dma_wait3A_493 = arith.constant 1 : i32
      %dma_wait3A_494 = arith.constant 1 : i32
      %dma_wait3A_495 = arith.constant 0 : i32
      %dma_wait3A_496 = arith.constant 0 : i32
      %dma_wait3A_497 = tpu.memref_slice %arg9[%dma_wait3A_494, %dma_wait3A_495, %dma_wait3A_496] : memref<2x128x128xf32, #tpu.memory_space<vmem>> -> memref<1x128x128xf32, #tpu.memory_space<vmem>>
      %dma_wait3A_498 = tpu.memref_squeeze %dma_wait3A_497 : memref<1x128x128xf32, #tpu.memory_space<vmem>> -> memref<128x128xf32, #tpu.memory_space<vmem>>
      %dma_wait3A_499 = arith.constant 0 : i32
      %dma_wait3A_500 = tpu.memref_slice %arg7[%dma_wait3A_492, %dma_wait3A_493, %dma_wait3A_499] : memref<2x8x128xi32, #tpu.memory_space<vmem>> -> memref<1x1x128xi32, #tpu.memory_space<vmem>>
      %dma_wait3A_501 = tpu.memref_squeeze %dma_wait3A_500 : memref<1x1x128xi32, #tpu.memory_space<vmem>> -> memref<128xi32, #tpu.memory_space<vmem>>
      %dma_wait3A_502 = arith.constant 0 : i32
      %dma_wait3A_503 = arith.constant 0 : i32
      %dma_wait3A_504 = tpu.memref_slice %arg4[%dma_wait3A_502, %dma_wait3A_503] : memref<20000x128xf32, #tpu.memory_space<hbm>> -> memref<20000x128xf32, #tpu.memory_space<hbm>>
      tpu.wait_indirect_dma semaphore(%arg17 : memref<!tpu.dma_semaphore, #tpu.memory_space<semaphore_mem>>) src(%dma_wait3A_504 : memref<20000x128xf32, #tpu.memory_space<hbm>>) dst(%dma_wait3A_498 : memref<128x128xf32, #tpu.memory_space<vmem>>)
      %run_scoped3A_505 = arith.constant 1 : i32
      %run_scoped3A_506 = arith.constant 1 : i32
      %run_scoped3A_507 = arith.constant 1 : i32
      "tpu.region"() ({
        %run_scoped3A_685 = tpu.sem_alloc : memref<!tpu.dma_semaphore, #tpu.memory_space<semaphore_mem>>
        %dma_start3A_686 = arith.constant 0 : i32
        %dma_start3A_687 = arith.constant 0 : i32
        %dma_start3A_688 = tpu.memref_slice %arg9[%run_scoped3A_505, %dma_start3A_686, %dma_start3A_687] : memref<2x128x128xf32, #tpu.memory_space<vmem>> -> memref<1x128x128xf32, #tpu.memory_space<vmem>>
        %dma_start3A_689 = tpu.memref_squeeze %dma_start3A_688 : memref<1x128x128xf32, #tpu.memory_space<vmem>> -> memref<128x128xf32, #tpu.memory_space<vmem>>
        %dma_start3A_690 = arith.constant 0 : i32
        %dma_start3A_691 = tpu.memref_slice %arg8[%run_scoped3A_506, %run_scoped3A_507, %dma_start3A_690] : memref<2x8x128xi32, #tpu.memory_space<vmem>> -> memref<1x1x128xi32, #tpu.memory_space<vmem>>
        %dma_start3A_692 = tpu.memref_squeeze %dma_start3A_691 : memref<1x1x128xi32, #tpu.memory_space<vmem>> -> memref<128xi32, #tpu.memory_space<vmem>>
        %dma_start3A_693 = arith.constant 0 : i32
        %dma_start3A_694 = arith.constant 0 : i32
        %dma_start3A_695 = tpu.memref_slice %arg12[%dma_start3A_693, %dma_start3A_694] : memref<10240x128xf32, #tpu.memory_space<vmem_shared>> -> memref<10240x128xf32, #tpu.memory_space<vmem_shared>>
        tpu.enqueue_indirect_dma source(%dma_start3A_689 : memref<128x128xf32, #tpu.memory_space<vmem>>) target(%dma_start3A_695 : memref<10240x128xf32, #tpu.memory_space<vmem_shared>>) offsets(%dma_start3A_692 : memref<128xi32, #tpu.memory_space<vmem>>) semaphore(%run_scoped3A_685 : memref<!tpu.dma_semaphore, #tpu.memory_space<semaphore_mem>>) {add = true}
        %dma_wait3A_696 = arith.constant 0 : i32
        %dma_wait3A_697 = arith.constant 0 : i32
        %dma_wait3A_698 = tpu.memref_slice %arg9[%run_scoped3A_505, %dma_wait3A_696, %dma_wait3A_697] : memref<2x128x128xf32, #tpu.memory_space<vmem>> -> memref<1x128x128xf32, #tpu.memory_space<vmem>>
        %dma_wait3A_699 = tpu.memref_squeeze %dma_wait3A_698 : memref<1x128x128xf32, #tpu.memory_space<vmem>> -> memref<128x128xf32, #tpu.memory_space<vmem>>
        %dma_wait3A_700 = arith.constant 0 : i32
        %dma_wait3A_701 = tpu.memref_slice %arg8[%run_scoped3A_506, %run_scoped3A_507, %dma_wait3A_700] : memref<2x8x128xi32, #tpu.memory_space<vmem>> -> memref<1x1x128xi32, #tpu.memory_space<vmem>>
        %dma_wait3A_702 = tpu.memref_squeeze %dma_wait3A_701 : memref<1x1x128xi32, #tpu.memory_space<vmem>> -> memref<128xi32, #tpu.memory_space<vmem>>
        %dma_wait3A_703 = arith.constant 0 : i32
        %dma_wait3A_704 = arith.constant 0 : i32
        %dma_wait3A_705 = tpu.memref_slice %arg12[%dma_wait3A_703, %dma_wait3A_704] : memref<10240x128xf32, #tpu.memory_space<vmem_shared>> -> memref<10240x128xf32, #tpu.memory_space<vmem_shared>>
        tpu.wait_indirect_dma semaphore(%run_scoped3A_685 : memref<!tpu.dma_semaphore, #tpu.memory_space<semaphore_mem>>) src(%dma_wait3A_699 : memref<128x128xf32, #tpu.memory_space<vmem>>) dst(%dma_wait3A_705 : memref<10240x128xf32, #tpu.memory_space<vmem_shared>>)
        tpu.yield
      }) : () -> ()
      %dma_start3A_508 = arith.constant 1 : i32
      %dma_start3A_509 = arith.constant 3 : i32
      %dma_start3A_510 = arith.constant 1 : i32
      %dma_start3A_511 = arith.constant 0 : i32
      %dma_start3A_512 = arith.constant 0 : i32
      %dma_start3A_513 = tpu.memref_slice %arg9[%dma_start3A_510, %dma_start3A_511, %dma_start3A_512] : memref<2x128x128xf32, #tpu.memory_space<vmem>> -> memref<1x128x128xf32, #tpu.memory_space<vmem>>
      %dma_start3A_514 = tpu.memref_squeeze %dma_start3A_513 : memref<1x128x128xf32, #tpu.memory_space<vmem>> -> memref<128x128xf32, #tpu.memory_space<vmem>>
      %dma_start3A_515 = arith.constant 0 : i32
      %dma_start3A_516 = tpu.memref_slice %arg7[%dma_start3A_508, %dma_start3A_509, %dma_start3A_515] : memref<2x8x128xi32, #tpu.memory_space<vmem>> -> memref<1x1x128xi32, #tpu.memory_space<vmem>>
      %dma_start3A_517 = tpu.memref_squeeze %dma_start3A_516 : memref<1x1x128xi32, #tpu.memory_space<vmem>> -> memref<128xi32, #tpu.memory_space<vmem>>
      %dma_start3A_518 = arith.constant 0 : i32
      %dma_start3A_519 = arith.constant 0 : i32
      %dma_start3A_520 = tpu.memref_slice %arg4[%dma_start3A_518, %dma_start3A_519] : memref<20000x128xf32, #tpu.memory_space<hbm>> -> memref<20000x128xf32, #tpu.memory_space<hbm>>
      tpu.enqueue_indirect_dma source(%dma_start3A_520 : memref<20000x128xf32, #tpu.memory_space<hbm>>) target(%dma_start3A_514 : memref<128x128xf32, #tpu.memory_space<vmem>>) offsets(%dma_start3A_517 : memref<128xi32, #tpu.memory_space<vmem>>) semaphore(%arg17 : memref<!tpu.dma_semaphore, #tpu.memory_space<semaphore_mem>>)
      %dma_wait3A_521 = arith.constant 1 : i32
      %dma_wait3A_522 = arith.constant 2 : i32
      %dma_wait3A_523 = arith.constant 0 : i32
      %dma_wait3A_524 = arith.constant 0 : i32
      %dma_wait3A_525 = arith.constant 0 : i32
      %dma_wait3A_526 = tpu.memref_slice %arg9[%dma_wait3A_523, %dma_wait3A_524, %dma_wait3A_525] : memref<2x128x128xf32, #tpu.memory_space<vmem>> -> memref<1x128x128xf32, #tpu.memory_space<vmem>>
      %dma_wait3A_527 = tpu.memref_squeeze %dma_wait3A_526 : memref<1x128x128xf32, #tpu.memory_space<vmem>> -> memref<128x128xf32, #tpu.memory_space<vmem>>
      %dma_wait3A_528 = arith.constant 0 : i32
      %dma_wait3A_529 = tpu.memref_slice %arg7[%dma_wait3A_521, %dma_wait3A_522, %dma_wait3A_528] : memref<2x8x128xi32, #tpu.memory_space<vmem>> -> memref<1x1x128xi32, #tpu.memory_space<vmem>>
      %dma_wait3A_530 = tpu.memref_squeeze %dma_wait3A_529 : memref<1x1x128xi32, #tpu.memory_space<vmem>> -> memref<128xi32, #tpu.memory_space<vmem>>
      %dma_wait3A_531 = arith.constant 0 : i32
      %dma_wait3A_532 = arith.constant 0 : i32
      %dma_wait3A_533 = tpu.memref_slice %arg4[%dma_wait3A_531, %dma_wait3A_532] : memref<20000x128xf32, #tpu.memory_space<hbm>> -> memref<20000x128xf32, #tpu.memory_space<hbm>>
      tpu.wait_indirect_dma semaphore(%arg16 : memref<!tpu.dma_semaphore, #tpu.memory_space<semaphore_mem>>) src(%dma_wait3A_533 : memref<20000x128xf32, #tpu.memory_space<hbm>>) dst(%dma_wait3A_527 : memref<128x128xf32, #tpu.memory_space<vmem>>)
      %run_scoped3A_534 = arith.constant 0 : i32
      %run_scoped3A_535 = arith.constant 1 : i32
      %run_scoped3A_536 = arith.constant 2 : i32
      "tpu.region"() ({
        %run_scoped3A_685 = tpu.sem_alloc : memref<!tpu.dma_semaphore, #tpu.memory_space<semaphore_mem>>
        %dma_start3A_686 = arith.constant 0 : i32
        %dma_start3A_687 = arith.constant 0 : i32
        %dma_start3A_688 = tpu.memref_slice %arg9[%run_scoped3A_534, %dma_start3A_686, %dma_start3A_687] : memref<2x128x128xf32, #tpu.memory_space<vmem>> -> memref<1x128x128xf32, #tpu.memory_space<vmem>>
        %dma_start3A_689 = tpu.memref_squeeze %dma_start3A_688 : memref<1x128x128xf32, #tpu.memory_space<vmem>> -> memref<128x128xf32, #tpu.memory_space<vmem>>
        %dma_start3A_690 = arith.constant 0 : i32
        %dma_start3A_691 = tpu.memref_slice %arg8[%run_scoped3A_535, %run_scoped3A_536, %dma_start3A_690] : memref<2x8x128xi32, #tpu.memory_space<vmem>> -> memref<1x1x128xi32, #tpu.memory_space<vmem>>
        %dma_start3A_692 = tpu.memref_squeeze %dma_start3A_691 : memref<1x1x128xi32, #tpu.memory_space<vmem>> -> memref<128xi32, #tpu.memory_space<vmem>>
        %dma_start3A_693 = arith.constant 0 : i32
        %dma_start3A_694 = arith.constant 0 : i32
        %dma_start3A_695 = tpu.memref_slice %arg12[%dma_start3A_693, %dma_start3A_694] : memref<10240x128xf32, #tpu.memory_space<vmem_shared>> -> memref<10240x128xf32, #tpu.memory_space<vmem_shared>>
        tpu.enqueue_indirect_dma source(%dma_start3A_689 : memref<128x128xf32, #tpu.memory_space<vmem>>) target(%dma_start3A_695 : memref<10240x128xf32, #tpu.memory_space<vmem_shared>>) offsets(%dma_start3A_692 : memref<128xi32, #tpu.memory_space<vmem>>) semaphore(%run_scoped3A_685 : memref<!tpu.dma_semaphore, #tpu.memory_space<semaphore_mem>>) {add = true}
        %dma_wait3A_696 = arith.constant 0 : i32
        %dma_wait3A_697 = arith.constant 0 : i32
        %dma_wait3A_698 = tpu.memref_slice %arg9[%run_scoped3A_534, %dma_wait3A_696, %dma_wait3A_697] : memref<2x128x128xf32, #tpu.memory_space<vmem>> -> memref<1x128x128xf32, #tpu.memory_space<vmem>>
        %dma_wait3A_699 = tpu.memref_squeeze %dma_wait3A_698 : memref<1x128x128xf32, #tpu.memory_space<vmem>> -> memref<128x128xf32, #tpu.memory_space<vmem>>
        %dma_wait3A_700 = arith.constant 0 : i32
        %dma_wait3A_701 = tpu.memref_slice %arg8[%run_scoped3A_535, %run_scoped3A_536, %dma_wait3A_700] : memref<2x8x128xi32, #tpu.memory_space<vmem>> -> memref<1x1x128xi32, #tpu.memory_space<vmem>>
        %dma_wait3A_702 = tpu.memref_squeeze %dma_wait3A_701 : memref<1x1x128xi32, #tpu.memory_space<vmem>> -> memref<128xi32, #tpu.memory_space<vmem>>
        %dma_wait3A_703 = arith.constant 0 : i32
        %dma_wait3A_704 = arith.constant 0 : i32
        %dma_wait3A_705 = tpu.memref_slice %arg12[%dma_wait3A_703, %dma_wait3A_704] : memref<10240x128xf32, #tpu.memory_space<vmem_shared>> -> memref<10240x128xf32, #tpu.memory_space<vmem_shared>>
        tpu.wait_indirect_dma semaphore(%run_scoped3A_685 : memref<!tpu.dma_semaphore, #tpu.memory_space<semaphore_mem>>) src(%dma_wait3A_699 : memref<128x128xf32, #tpu.memory_space<vmem>>) dst(%dma_wait3A_705 : memref<10240x128xf32, #tpu.memory_space<vmem_shared>>)
        tpu.yield
      }) : () -> ()
      %dma_start3A_537 = arith.constant 1 : i32
      %dma_start3A_538 = arith.constant 4 : i32
      %dma_start3A_539 = arith.constant 0 : i32
      %dma_start3A_540 = arith.constant 0 : i32
      %dma_start3A_541 = arith.constant 0 : i32
      %dma_start3A_542 = tpu.memref_slice %arg9[%dma_start3A_539, %dma_start3A_540, %dma_start3A_541] : memref<2x128x128xf32, #tpu.memory_space<vmem>> -> memref<1x128x128xf32, #tpu.memory_space<vmem>>
      %dma_start3A_543 = tpu.memref_squeeze %dma_start3A_542 : memref<1x128x128xf32, #tpu.memory_space<vmem>> -> memref<128x128xf32, #tpu.memory_space<vmem>>
      %dma_start3A_544 = arith.constant 0 : i32
      %dma_start3A_545 = tpu.memref_slice %arg7[%dma_start3A_537, %dma_start3A_538, %dma_start3A_544] : memref<2x8x128xi32, #tpu.memory_space<vmem>> -> memref<1x1x128xi32, #tpu.memory_space<vmem>>
      %dma_start3A_546 = tpu.memref_squeeze %dma_start3A_545 : memref<1x1x128xi32, #tpu.memory_space<vmem>> -> memref<128xi32, #tpu.memory_space<vmem>>
      %dma_start3A_547 = arith.constant 0 : i32
      %dma_start3A_548 = arith.constant 0 : i32
      %dma_start3A_549 = tpu.memref_slice %arg4[%dma_start3A_547, %dma_start3A_548] : memref<20000x128xf32, #tpu.memory_space<hbm>> -> memref<20000x128xf32, #tpu.memory_space<hbm>>
      tpu.enqueue_indirect_dma source(%dma_start3A_549 : memref<20000x128xf32, #tpu.memory_space<hbm>>) target(%dma_start3A_543 : memref<128x128xf32, #tpu.memory_space<vmem>>) offsets(%dma_start3A_546 : memref<128xi32, #tpu.memory_space<vmem>>) semaphore(%arg16 : memref<!tpu.dma_semaphore, #tpu.memory_space<semaphore_mem>>)
      %dma_wait3A_550 = arith.constant 1 : i32
      %dma_wait3A_551 = arith.constant 3 : i32
      %dma_wait3A_552 = arith.constant 1 : i32
      %dma_wait3A_553 = arith.constant 0 : i32
      %dma_wait3A_554 = arith.constant 0 : i32
      %dma_wait3A_555 = tpu.memref_slice %arg9[%dma_wait3A_552, %dma_wait3A_553, %dma_wait3A_554] : memref<2x128x128xf32, #tpu.memory_space<vmem>> -> memref<1x128x128xf32, #tpu.memory_space<vmem>>
      %dma_wait3A_556 = tpu.memref_squeeze %dma_wait3A_555 : memref<1x128x128xf32, #tpu.memory_space<vmem>> -> memref<128x128xf32, #tpu.memory_space<vmem>>
      %dma_wait3A_557 = arith.constant 0 : i32
      %dma_wait3A_558 = tpu.memref_slice %arg7[%dma_wait3A_550, %dma_wait3A_551, %dma_wait3A_557] : memref<2x8x128xi32, #tpu.memory_space<vmem>> -> memref<1x1x128xi32, #tpu.memory_space<vmem>>
      %dma_wait3A_559 = tpu.memref_squeeze %dma_wait3A_558 : memref<1x1x128xi32, #tpu.memory_space<vmem>> -> memref<128xi32, #tpu.memory_space<vmem>>
      %dma_wait3A_560 = arith.constant 0 : i32
      %dma_wait3A_561 = arith.constant 0 : i32
      %dma_wait3A_562 = tpu.memref_slice %arg4[%dma_wait3A_560, %dma_wait3A_561] : memref<20000x128xf32, #tpu.memory_space<hbm>> -> memref<20000x128xf32, #tpu.memory_space<hbm>>
      tpu.wait_indirect_dma semaphore(%arg17 : memref<!tpu.dma_semaphore, #tpu.memory_space<semaphore_mem>>) src(%dma_wait3A_562 : memref<20000x128xf32, #tpu.memory_space<hbm>>) dst(%dma_wait3A_556 : memref<128x128xf32, #tpu.memory_space<vmem>>)
      %run_scoped3A_563 = arith.constant 1 : i32
      %run_scoped3A_564 = arith.constant 1 : i32
      %run_scoped3A_565 = arith.constant 3 : i32
      "tpu.region"() ({
        %run_scoped3A_685 = tpu.sem_alloc : memref<!tpu.dma_semaphore, #tpu.memory_space<semaphore_mem>>
        %dma_start3A_686 = arith.constant 0 : i32
        %dma_start3A_687 = arith.constant 0 : i32
        %dma_start3A_688 = tpu.memref_slice %arg9[%run_scoped3A_563, %dma_start3A_686, %dma_start3A_687] : memref<2x128x128xf32, #tpu.memory_space<vmem>> -> memref<1x128x128xf32, #tpu.memory_space<vmem>>
        %dma_start3A_689 = tpu.memref_squeeze %dma_start3A_688 : memref<1x128x128xf32, #tpu.memory_space<vmem>> -> memref<128x128xf32, #tpu.memory_space<vmem>>
        %dma_start3A_690 = arith.constant 0 : i32
        %dma_start3A_691 = tpu.memref_slice %arg8[%run_scoped3A_564, %run_scoped3A_565, %dma_start3A_690] : memref<2x8x128xi32, #tpu.memory_space<vmem>> -> memref<1x1x128xi32, #tpu.memory_space<vmem>>
        %dma_start3A_692 = tpu.memref_squeeze %dma_start3A_691 : memref<1x1x128xi32, #tpu.memory_space<vmem>> -> memref<128xi32, #tpu.memory_space<vmem>>
        %dma_start3A_693 = arith.constant 0 : i32
        %dma_start3A_694 = arith.constant 0 : i32
        %dma_start3A_695 = tpu.memref_slice %arg12[%dma_start3A_693, %dma_start3A_694] : memref<10240x128xf32, #tpu.memory_space<vmem_shared>> -> memref<10240x128xf32, #tpu.memory_space<vmem_shared>>
        tpu.enqueue_indirect_dma source(%dma_start3A_689 : memref<128x128xf32, #tpu.memory_space<vmem>>) target(%dma_start3A_695 : memref<10240x128xf32, #tpu.memory_space<vmem_shared>>) offsets(%dma_start3A_692 : memref<128xi32, #tpu.memory_space<vmem>>) semaphore(%run_scoped3A_685 : memref<!tpu.dma_semaphore, #tpu.memory_space<semaphore_mem>>) {add = true}
        %dma_wait3A_696 = arith.constant 0 : i32
        %dma_wait3A_697 = arith.constant 0 : i32
        %dma_wait3A_698 = tpu.memref_slice %arg9[%run_scoped3A_563, %dma_wait3A_696, %dma_wait3A_697] : memref<2x128x128xf32, #tpu.memory_space<vmem>> -> memref<1x128x128xf32, #tpu.memory_space<vmem>>
        %dma_wait3A_699 = tpu.memref_squeeze %dma_wait3A_698 : memref<1x128x128xf32, #tpu.memory_space<vmem>> -> memref<128x128xf32, #tpu.memory_space<vmem>>
        %dma_wait3A_700 = arith.constant 0 : i32
        %dma_wait3A_701 = tpu.memref_slice %arg8[%run_scoped3A_564, %run_scoped3A_565, %dma_wait3A_700] : memref<2x8x128xi32, #tpu.memory_space<vmem>> -> memref<1x1x128xi32, #tpu.memory_space<vmem>>
        %dma_wait3A_702 = tpu.memref_squeeze %dma_wait3A_701 : memref<1x1x128xi32, #tpu.memory_space<vmem>> -> memref<128xi32, #tpu.memory_space<vmem>>
        %dma_wait3A_703 = arith.constant 0 : i32
        %dma_wait3A_704 = arith.constant 0 : i32
        %dma_wait3A_705 = tpu.memref_slice %arg12[%dma_wait3A_703, %dma_wait3A_704] : memref<10240x128xf32, #tpu.memory_space<vmem_shared>> -> memref<10240x128xf32, #tpu.memory_space<vmem_shared>>
        tpu.wait_indirect_dma semaphore(%run_scoped3A_685 : memref<!tpu.dma_semaphore, #tpu.memory_space<semaphore_mem>>) src(%dma_wait3A_699 : memref<128x128xf32, #tpu.memory_space<vmem>>) dst(%dma_wait3A_705 : memref<10240x128xf32, #tpu.memory_space<vmem_shared>>)
        tpu.yield
      }) : () -> ()
      %dma_start3A_566 = arith.constant 1 : i32
      %dma_start3A_567 = arith.constant 5 : i32
      %dma_start3A_568 = arith.constant 1 : i32
      %dma_start3A_569 = arith.constant 0 : i32
      %dma_start3A_570 = arith.constant 0 : i32
      %dma_start3A_571 = tpu.memref_slice %arg9[%dma_start3A_568, %dma_start3A_569, %dma_start3A_570] : memref<2x128x128xf32, #tpu.memory_space<vmem>> -> memref<1x128x128xf32, #tpu.memory_space<vmem>>
      %dma_start3A_572 = tpu.memref_squeeze %dma_start3A_571 : memref<1x128x128xf32, #tpu.memory_space<vmem>> -> memref<128x128xf32, #tpu.memory_space<vmem>>
      %dma_start3A_573 = arith.constant 0 : i32
      %dma_start3A_574 = tpu.memref_slice %arg7[%dma_start3A_566, %dma_start3A_567, %dma_start3A_573] : memref<2x8x128xi32, #tpu.memory_space<vmem>> -> memref<1x1x128xi32, #tpu.memory_space<vmem>>
      %dma_start3A_575 = tpu.memref_squeeze %dma_start3A_574 : memref<1x1x128xi32, #tpu.memory_space<vmem>> -> memref<128xi32, #tpu.memory_space<vmem>>
      %dma_start3A_576 = arith.constant 0 : i32
      %dma_start3A_577 = arith.constant 0 : i32
      %dma_start3A_578 = tpu.memref_slice %arg4[%dma_start3A_576, %dma_start3A_577] : memref<20000x128xf32, #tpu.memory_space<hbm>> -> memref<20000x128xf32, #tpu.memory_space<hbm>>
      tpu.enqueue_indirect_dma source(%dma_start3A_578 : memref<20000x128xf32, #tpu.memory_space<hbm>>) target(%dma_start3A_572 : memref<128x128xf32, #tpu.memory_space<vmem>>) offsets(%dma_start3A_575 : memref<128xi32, #tpu.memory_space<vmem>>) semaphore(%arg17 : memref<!tpu.dma_semaphore, #tpu.memory_space<semaphore_mem>>)
      %dma_wait3A_579 = arith.constant 1 : i32
      %dma_wait3A_580 = arith.constant 4 : i32
      %dma_wait3A_581 = arith.constant 0 : i32
      %dma_wait3A_582 = arith.constant 0 : i32
      %dma_wait3A_583 = arith.constant 0 : i32
      %dma_wait3A_584 = tpu.memref_slice %arg9[%dma_wait3A_581, %dma_wait3A_582, %dma_wait3A_583] : memref<2x128x128xf32, #tpu.memory_space<vmem>> -> memref<1x128x128xf32, #tpu.memory_space<vmem>>
      %dma_wait3A_585 = tpu.memref_squeeze %dma_wait3A_584 : memref<1x128x128xf32, #tpu.memory_space<vmem>> -> memref<128x128xf32, #tpu.memory_space<vmem>>
      %dma_wait3A_586 = arith.constant 0 : i32
      %dma_wait3A_587 = tpu.memref_slice %arg7[%dma_wait3A_579, %dma_wait3A_580, %dma_wait3A_586] : memref<2x8x128xi32, #tpu.memory_space<vmem>> -> memref<1x1x128xi32, #tpu.memory_space<vmem>>
      %dma_wait3A_588 = tpu.memref_squeeze %dma_wait3A_587 : memref<1x1x128xi32, #tpu.memory_space<vmem>> -> memref<128xi32, #tpu.memory_space<vmem>>
      %dma_wait3A_589 = arith.constant 0 : i32
      %dma_wait3A_590 = arith.constant 0 : i32
      %dma_wait3A_591 = tpu.memref_slice %arg4[%dma_wait3A_589, %dma_wait3A_590] : memref<20000x128xf32, #tpu.memory_space<hbm>> -> memref<20000x128xf32, #tpu.memory_space<hbm>>
      tpu.wait_indirect_dma semaphore(%arg16 : memref<!tpu.dma_semaphore, #tpu.memory_space<semaphore_mem>>) src(%dma_wait3A_591 : memref<20000x128xf32, #tpu.memory_space<hbm>>) dst(%dma_wait3A_585 : memref<128x128xf32, #tpu.memory_space<vmem>>)
      %run_scoped3A_592 = arith.constant 0 : i32
      %run_scoped3A_593 = arith.constant 1 : i32
      %run_scoped3A_594 = arith.constant 4 : i32
      "tpu.region"() ({
        %run_scoped3A_685 = tpu.sem_alloc : memref<!tpu.dma_semaphore, #tpu.memory_space<semaphore_mem>>
        %dma_start3A_686 = arith.constant 0 : i32
        %dma_start3A_687 = arith.constant 0 : i32
        %dma_start3A_688 = tpu.memref_slice %arg9[%run_scoped3A_592, %dma_start3A_686, %dma_start3A_687] : memref<2x128x128xf32, #tpu.memory_space<vmem>> -> memref<1x128x128xf32, #tpu.memory_space<vmem>>
        %dma_start3A_689 = tpu.memref_squeeze %dma_start3A_688 : memref<1x128x128xf32, #tpu.memory_space<vmem>> -> memref<128x128xf32, #tpu.memory_space<vmem>>
        %dma_start3A_690 = arith.constant 0 : i32
        %dma_start3A_691 = tpu.memref_slice %arg8[%run_scoped3A_593, %run_scoped3A_594, %dma_start3A_690] : memref<2x8x128xi32, #tpu.memory_space<vmem>> -> memref<1x1x128xi32, #tpu.memory_space<vmem>>
        %dma_start3A_692 = tpu.memref_squeeze %dma_start3A_691 : memref<1x1x128xi32, #tpu.memory_space<vmem>> -> memref<128xi32, #tpu.memory_space<vmem>>
        %dma_start3A_693 = arith.constant 0 : i32
        %dma_start3A_694 = arith.constant 0 : i32
        %dma_start3A_695 = tpu.memref_slice %arg12[%dma_start3A_693, %dma_start3A_694] : memref<10240x128xf32, #tpu.memory_space<vmem_shared>> -> memref<10240x128xf32, #tpu.memory_space<vmem_shared>>
        tpu.enqueue_indirect_dma source(%dma_start3A_689 : memref<128x128xf32, #tpu.memory_space<vmem>>) target(%dma_start3A_695 : memref<10240x128xf32, #tpu.memory_space<vmem_shared>>) offsets(%dma_start3A_692 : memref<128xi32, #tpu.memory_space<vmem>>) semaphore(%run_scoped3A_685 : memref<!tpu.dma_semaphore, #tpu.memory_space<semaphore_mem>>) {add = true}
        %dma_wait3A_696 = arith.constant 0 : i32
        %dma_wait3A_697 = arith.constant 0 : i32
        %dma_wait3A_698 = tpu.memref_slice %arg9[%run_scoped3A_592, %dma_wait3A_696, %dma_wait3A_697] : memref<2x128x128xf32, #tpu.memory_space<vmem>> -> memref<1x128x128xf32, #tpu.memory_space<vmem>>
        %dma_wait3A_699 = tpu.memref_squeeze %dma_wait3A_698 : memref<1x128x128xf32, #tpu.memory_space<vmem>> -> memref<128x128xf32, #tpu.memory_space<vmem>>
        %dma_wait3A_700 = arith.constant 0 : i32
        %dma_wait3A_701 = tpu.memref_slice %arg8[%run_scoped3A_593, %run_scoped3A_594, %dma_wait3A_700] : memref<2x8x128xi32, #tpu.memory_space<vmem>> -> memref<1x1x128xi32, #tpu.memory_space<vmem>>
        %dma_wait3A_702 = tpu.memref_squeeze %dma_wait3A_701 : memref<1x1x128xi32, #tpu.memory_space<vmem>> -> memref<128xi32, #tpu.memory_space<vmem>>
        %dma_wait3A_703 = arith.constant 0 : i32
        %dma_wait3A_704 = arith.constant 0 : i32
        %dma_wait3A_705 = tpu.memref_slice %arg12[%dma_wait3A_703, %dma_wait3A_704] : memref<10240x128xf32, #tpu.memory_space<vmem_shared>> -> memref<10240x128xf32, #tpu.memory_space<vmem_shared>>
        tpu.wait_indirect_dma semaphore(%run_scoped3A_685 : memref<!tpu.dma_semaphore, #tpu.memory_space<semaphore_mem>>) src(%dma_wait3A_699 : memref<128x128xf32, #tpu.memory_space<vmem>>) dst(%dma_wait3A_705 : memref<10240x128xf32, #tpu.memory_space<vmem_shared>>)
        tpu.yield
      }) : () -> ()
      %dma_start3A_595 = arith.constant 1 : i32
      %dma_start3A_596 = arith.constant 6 : i32
      %dma_start3A_597 = arith.constant 0 : i32
      %dma_start3A_598 = arith.constant 0 : i32
      %dma_start3A_599 = arith.constant 0 : i32
      %dma_start3A_600 = tpu.memref_slice %arg9[%dma_start3A_597, %dma_start3A_598, %dma_start3A_599] : memref<2x128x128xf32, #tpu.memory_space<vmem>> -> memref<1x128x128xf32, #tpu.memory_space<vmem>>
      %dma_start3A_601 = tpu.memref_squeeze %dma_start3A_600 : memref<1x128x128xf32, #tpu.memory_space<vmem>> -> memref<128x128xf32, #tpu.memory_space<vmem>>
      %dma_start3A_602 = arith.constant 0 : i32
      %dma_start3A_603 = tpu.memref_slice %arg7[%dma_start3A_595, %dma_start3A_596, %dma_start3A_602] : memref<2x8x128xi32, #tpu.memory_space<vmem>> -> memref<1x1x128xi32, #tpu.memory_space<vmem>>
      %dma_start3A_604 = tpu.memref_squeeze %dma_start3A_603 : memref<1x1x128xi32, #tpu.memory_space<vmem>> -> memref<128xi32, #tpu.memory_space<vmem>>
      %dma_start3A_605 = arith.constant 0 : i32
      %dma_start3A_606 = arith.constant 0 : i32
      %dma_start3A_607 = tpu.memref_slice %arg4[%dma_start3A_605, %dma_start3A_606] : memref<20000x128xf32, #tpu.memory_space<hbm>> -> memref<20000x128xf32, #tpu.memory_space<hbm>>
      tpu.enqueue_indirect_dma source(%dma_start3A_607 : memref<20000x128xf32, #tpu.memory_space<hbm>>) target(%dma_start3A_601 : memref<128x128xf32, #tpu.memory_space<vmem>>) offsets(%dma_start3A_604 : memref<128xi32, #tpu.memory_space<vmem>>) semaphore(%arg16 : memref<!tpu.dma_semaphore, #tpu.memory_space<semaphore_mem>>)
      %dma_wait3A_608 = arith.constant 1 : i32
      %dma_wait3A_609 = arith.constant 5 : i32
      %dma_wait3A_610 = arith.constant 1 : i32
      %dma_wait3A_611 = arith.constant 0 : i32
      %dma_wait3A_612 = arith.constant 0 : i32
      %dma_wait3A_613 = tpu.memref_slice %arg9[%dma_wait3A_610, %dma_wait3A_611, %dma_wait3A_612] : memref<2x128x128xf32, #tpu.memory_space<vmem>> -> memref<1x128x128xf32, #tpu.memory_space<vmem>>
      %dma_wait3A_614 = tpu.memref_squeeze %dma_wait3A_613 : memref<1x128x128xf32, #tpu.memory_space<vmem>> -> memref<128x128xf32, #tpu.memory_space<vmem>>
      %dma_wait3A_615 = arith.constant 0 : i32
      %dma_wait3A_616 = tpu.memref_slice %arg7[%dma_wait3A_608, %dma_wait3A_609, %dma_wait3A_615] : memref<2x8x128xi32, #tpu.memory_space<vmem>> -> memref<1x1x128xi32, #tpu.memory_space<vmem>>
      %dma_wait3A_617 = tpu.memref_squeeze %dma_wait3A_616 : memref<1x1x128xi32, #tpu.memory_space<vmem>> -> memref<128xi32, #tpu.memory_space<vmem>>
      %dma_wait3A_618 = arith.constant 0 : i32
      %dma_wait3A_619 = arith.constant 0 : i32
      %dma_wait3A_620 = tpu.memref_slice %arg4[%dma_wait3A_618, %dma_wait3A_619] : memref<20000x128xf32, #tpu.memory_space<hbm>> -> memref<20000x128xf32, #tpu.memory_space<hbm>>
      tpu.wait_indirect_dma semaphore(%arg17 : memref<!tpu.dma_semaphore, #tpu.memory_space<semaphore_mem>>) src(%dma_wait3A_620 : memref<20000x128xf32, #tpu.memory_space<hbm>>) dst(%dma_wait3A_614 : memref<128x128xf32, #tpu.memory_space<vmem>>)
      %run_scoped3A_621 = arith.constant 1 : i32
      %run_scoped3A_622 = arith.constant 1 : i32
      %run_scoped3A_623 = arith.constant 5 : i32
      "tpu.region"() ({
        %run_scoped3A_685 = tpu.sem_alloc : memref<!tpu.dma_semaphore, #tpu.memory_space<semaphore_mem>>
        %dma_start3A_686 = arith.constant 0 : i32
        %dma_start3A_687 = arith.constant 0 : i32
        %dma_start3A_688 = tpu.memref_slice %arg9[%run_scoped3A_621, %dma_start3A_686, %dma_start3A_687] : memref<2x128x128xf32, #tpu.memory_space<vmem>> -> memref<1x128x128xf32, #tpu.memory_space<vmem>>
        %dma_start3A_689 = tpu.memref_squeeze %dma_start3A_688 : memref<1x128x128xf32, #tpu.memory_space<vmem>> -> memref<128x128xf32, #tpu.memory_space<vmem>>
        %dma_start3A_690 = arith.constant 0 : i32
        %dma_start3A_691 = tpu.memref_slice %arg8[%run_scoped3A_622, %run_scoped3A_623, %dma_start3A_690] : memref<2x8x128xi32, #tpu.memory_space<vmem>> -> memref<1x1x128xi32, #tpu.memory_space<vmem>>
        %dma_start3A_692 = tpu.memref_squeeze %dma_start3A_691 : memref<1x1x128xi32, #tpu.memory_space<vmem>> -> memref<128xi32, #tpu.memory_space<vmem>>
        %dma_start3A_693 = arith.constant 0 : i32
        %dma_start3A_694 = arith.constant 0 : i32
        %dma_start3A_695 = tpu.memref_slice %arg12[%dma_start3A_693, %dma_start3A_694] : memref<10240x128xf32, #tpu.memory_space<vmem_shared>> -> memref<10240x128xf32, #tpu.memory_space<vmem_shared>>
        tpu.enqueue_indirect_dma source(%dma_start3A_689 : memref<128x128xf32, #tpu.memory_space<vmem>>) target(%dma_start3A_695 : memref<10240x128xf32, #tpu.memory_space<vmem_shared>>) offsets(%dma_start3A_692 : memref<128xi32, #tpu.memory_space<vmem>>) semaphore(%run_scoped3A_685 : memref<!tpu.dma_semaphore, #tpu.memory_space<semaphore_mem>>) {add = true}
        %dma_wait3A_696 = arith.constant 0 : i32
        %dma_wait3A_697 = arith.constant 0 : i32
        %dma_wait3A_698 = tpu.memref_slice %arg9[%run_scoped3A_621, %dma_wait3A_696, %dma_wait3A_697] : memref<2x128x128xf32, #tpu.memory_space<vmem>> -> memref<1x128x128xf32, #tpu.memory_space<vmem>>
        %dma_wait3A_699 = tpu.memref_squeeze %dma_wait3A_698 : memref<1x128x128xf32, #tpu.memory_space<vmem>> -> memref<128x128xf32, #tpu.memory_space<vmem>>
        %dma_wait3A_700 = arith.constant 0 : i32
        %dma_wait3A_701 = tpu.memref_slice %arg8[%run_scoped3A_622, %run_scoped3A_623, %dma_wait3A_700] : memref<2x8x128xi32, #tpu.memory_space<vmem>> -> memref<1x1x128xi32, #tpu.memory_space<vmem>>
        %dma_wait3A_702 = tpu.memref_squeeze %dma_wait3A_701 : memref<1x1x128xi32, #tpu.memory_space<vmem>> -> memref<128xi32, #tpu.memory_space<vmem>>
        %dma_wait3A_703 = arith.constant 0 : i32
        %dma_wait3A_704 = arith.constant 0 : i32
        %dma_wait3A_705 = tpu.memref_slice %arg12[%dma_wait3A_703, %dma_wait3A_704] : memref<10240x128xf32, #tpu.memory_space<vmem_shared>> -> memref<10240x128xf32, #tpu.memory_space<vmem_shared>>
        tpu.wait_indirect_dma semaphore(%run_scoped3A_685 : memref<!tpu.dma_semaphore, #tpu.memory_space<semaphore_mem>>) src(%dma_wait3A_699 : memref<128x128xf32, #tpu.memory_space<vmem>>) dst(%dma_wait3A_705 : memref<10240x128xf32, #tpu.memory_space<vmem_shared>>)
        tpu.yield
      }) : () -> ()
      %dma_start3A_624 = arith.constant 1 : i32
      %dma_start3A_625 = arith.constant 7 : i32
      %dma_start3A_626 = arith.constant 1 : i32
      %dma_start3A_627 = arith.constant 0 : i32
      %dma_start3A_628 = arith.constant 0 : i32
      %dma_start3A_629 = tpu.memref_slice %arg9[%dma_start3A_626, %dma_start3A_627, %dma_start3A_628] : memref<2x128x128xf32, #tpu.memory_space<vmem>> -> memref<1x128x128xf32, #tpu.memory_space<vmem>>
      %dma_start3A_630 = tpu.memref_squeeze %dma_start3A_629 : memref<1x128x128xf32, #tpu.memory_space<vmem>> -> memref<128x128xf32, #tpu.memory_space<vmem>>
      %dma_start3A_631 = arith.constant 0 : i32
      %dma_start3A_632 = tpu.memref_slice %arg7[%dma_start3A_624, %dma_start3A_625, %dma_start3A_631] : memref<2x8x128xi32, #tpu.memory_space<vmem>> -> memref<1x1x128xi32, #tpu.memory_space<vmem>>
      %dma_start3A_633 = tpu.memref_squeeze %dma_start3A_632 : memref<1x1x128xi32, #tpu.memory_space<vmem>> -> memref<128xi32, #tpu.memory_space<vmem>>
      %dma_start3A_634 = arith.constant 0 : i32
      %dma_start3A_635 = arith.constant 0 : i32
      %dma_start3A_636 = tpu.memref_slice %arg4[%dma_start3A_634, %dma_start3A_635] : memref<20000x128xf32, #tpu.memory_space<hbm>> -> memref<20000x128xf32, #tpu.memory_space<hbm>>
      tpu.enqueue_indirect_dma source(%dma_start3A_636 : memref<20000x128xf32, #tpu.memory_space<hbm>>) target(%dma_start3A_630 : memref<128x128xf32, #tpu.memory_space<vmem>>) offsets(%dma_start3A_633 : memref<128xi32, #tpu.memory_space<vmem>>) semaphore(%arg17 : memref<!tpu.dma_semaphore, #tpu.memory_space<semaphore_mem>>)
      %dma_wait3A_637 = arith.constant 1 : i32
      %dma_wait3A_638 = arith.constant 6 : i32
      %dma_wait3A_639 = arith.constant 0 : i32
      %dma_wait3A_640 = arith.constant 0 : i32
      %dma_wait3A_641 = arith.constant 0 : i32
      %dma_wait3A_642 = tpu.memref_slice %arg9[%dma_wait3A_639, %dma_wait3A_640, %dma_wait3A_641] : memref<2x128x128xf32, #tpu.memory_space<vmem>> -> memref<1x128x128xf32, #tpu.memory_space<vmem>>
      %dma_wait3A_643 = tpu.memref_squeeze %dma_wait3A_642 : memref<1x128x128xf32, #tpu.memory_space<vmem>> -> memref<128x128xf32, #tpu.memory_space<vmem>>
      %dma_wait3A_644 = arith.constant 0 : i32
      %dma_wait3A_645 = tpu.memref_slice %arg7[%dma_wait3A_637, %dma_wait3A_638, %dma_wait3A_644] : memref<2x8x128xi32, #tpu.memory_space<vmem>> -> memref<1x1x128xi32, #tpu.memory_space<vmem>>
      %dma_wait3A_646 = tpu.memref_squeeze %dma_wait3A_645 : memref<1x1x128xi32, #tpu.memory_space<vmem>> -> memref<128xi32, #tpu.memory_space<vmem>>
      %dma_wait3A_647 = arith.constant 0 : i32
      %dma_wait3A_648 = arith.constant 0 : i32
      %dma_wait3A_649 = tpu.memref_slice %arg4[%dma_wait3A_647, %dma_wait3A_648] : memref<20000x128xf32, #tpu.memory_space<hbm>> -> memref<20000x128xf32, #tpu.memory_space<hbm>>
      tpu.wait_indirect_dma semaphore(%arg16 : memref<!tpu.dma_semaphore, #tpu.memory_space<semaphore_mem>>) src(%dma_wait3A_649 : memref<20000x128xf32, #tpu.memory_space<hbm>>) dst(%dma_wait3A_643 : memref<128x128xf32, #tpu.memory_space<vmem>>)
      %run_scoped3A_650 = arith.constant 0 : i32
      %run_scoped3A_651 = arith.constant 1 : i32
      %run_scoped3A_652 = arith.constant 6 : i32
      "tpu.region"() ({
        %run_scoped3A_685 = tpu.sem_alloc : memref<!tpu.dma_semaphore, #tpu.memory_space<semaphore_mem>>
        %dma_start3A_686 = arith.constant 0 : i32
        %dma_start3A_687 = arith.constant 0 : i32
        %dma_start3A_688 = tpu.memref_slice %arg9[%run_scoped3A_650, %dma_start3A_686, %dma_start3A_687] : memref<2x128x128xf32, #tpu.memory_space<vmem>> -> memref<1x128x128xf32, #tpu.memory_space<vmem>>
        %dma_start3A_689 = tpu.memref_squeeze %dma_start3A_688 : memref<1x128x128xf32, #tpu.memory_space<vmem>> -> memref<128x128xf32, #tpu.memory_space<vmem>>
        %dma_start3A_690 = arith.constant 0 : i32
        %dma_start3A_691 = tpu.memref_slice %arg8[%run_scoped3A_651, %run_scoped3A_652, %dma_start3A_690] : memref<2x8x128xi32, #tpu.memory_space<vmem>> -> memref<1x1x128xi32, #tpu.memory_space<vmem>>
        %dma_start3A_692 = tpu.memref_squeeze %dma_start3A_691 : memref<1x1x128xi32, #tpu.memory_space<vmem>> -> memref<128xi32, #tpu.memory_space<vmem>>
        %dma_start3A_693 = arith.constant 0 : i32
        %dma_start3A_694 = arith.constant 0 : i32
        %dma_start3A_695 = tpu.memref_slice %arg12[%dma_start3A_693, %dma_start3A_694] : memref<10240x128xf32, #tpu.memory_space<vmem_shared>> -> memref<10240x128xf32, #tpu.memory_space<vmem_shared>>
        tpu.enqueue_indirect_dma source(%dma_start3A_689 : memref<128x128xf32, #tpu.memory_space<vmem>>) target(%dma_start3A_695 : memref<10240x128xf32, #tpu.memory_space<vmem_shared>>) offsets(%dma_start3A_692 : memref<128xi32, #tpu.memory_space<vmem>>) semaphore(%run_scoped3A_685 : memref<!tpu.dma_semaphore, #tpu.memory_space<semaphore_mem>>) {add = true}
        %dma_wait3A_696 = arith.constant 0 : i32
        %dma_wait3A_697 = arith.constant 0 : i32
        %dma_wait3A_698 = tpu.memref_slice %arg9[%run_scoped3A_650, %dma_wait3A_696, %dma_wait3A_697] : memref<2x128x128xf32, #tpu.memory_space<vmem>> -> memref<1x128x128xf32, #tpu.memory_space<vmem>>
        %dma_wait3A_699 = tpu.memref_squeeze %dma_wait3A_698 : memref<1x128x128xf32, #tpu.memory_space<vmem>> -> memref<128x128xf32, #tpu.memory_space<vmem>>
        %dma_wait3A_700 = arith.constant 0 : i32
        %dma_wait3A_701 = tpu.memref_slice %arg8[%run_scoped3A_651, %run_scoped3A_652, %dma_wait3A_700] : memref<2x8x128xi32, #tpu.memory_space<vmem>> -> memref<1x1x128xi32, #tpu.memory_space<vmem>>
        %dma_wait3A_702 = tpu.memref_squeeze %dma_wait3A_701 : memref<1x1x128xi32, #tpu.memory_space<vmem>> -> memref<128xi32, #tpu.memory_space<vmem>>
        %dma_wait3A_703 = arith.constant 0 : i32
        %dma_wait3A_704 = arith.constant 0 : i32
        %dma_wait3A_705 = tpu.memref_slice %arg12[%dma_wait3A_703, %dma_wait3A_704] : memref<10240x128xf32, #tpu.memory_space<vmem_shared>> -> memref<10240x128xf32, #tpu.memory_space<vmem_shared>>
        tpu.wait_indirect_dma semaphore(%run_scoped3A_685 : memref<!tpu.dma_semaphore, #tpu.memory_space<semaphore_mem>>) src(%dma_wait3A_699 : memref<128x128xf32, #tpu.memory_space<vmem>>) dst(%dma_wait3A_705 : memref<10240x128xf32, #tpu.memory_space<vmem_shared>>)
        tpu.yield
      }) : () -> ()
      %lt3A_653 = arith.constant 9 : i32
      %lt3A_654 = arith.cmpi slt, %scan3A_187, %lt3A_653 : i32
      %convert_element_type3A_655 = arith.extui %lt3A_654 : i1 to i32
      %cond3A_656 = arith.constant 0 : i32
      %cond3A_657 = arith.cmpi ne, %convert_element_type3A_655, %cond3A_656 : i32
      scf.if %cond3A_657 {
        %mul3A_685 = arith.constant 2 : i32
        %mul3A_686 = arith.muli %mul3A_685, %scan3A_187 : i32
        %add3A_687 = arith.constant 2 : i32
        %add3A_688 = arith.addi %mul3A_686, %add3A_687 : i32
        %mul3A_689 = arith.constant 8 : i32
        %mul3A_690 = arith.muli %mul3A_689, %add3A_688 : i32
        %add3A_691 = arith.addi %mul3A_0, %mul3A_690 : i32
        %dma_wait3A_692 = arith.constant 0 : i32
        %dma_wait3A_693 = arith.constant 0 : i32
        %dma_wait3A_694 = arith.constant 0 : i32
        %dma_wait3A_695 = tpu.memref_slice %arg7[%dma_wait3A_692, %dma_wait3A_693, %dma_wait3A_694] : memref<2x8x128xi32, #tpu.memory_space<vmem>> -> memref<1x8x128xi32, #tpu.memory_space<vmem>>
        %dma_wait3A_696 = tpu.memref_squeeze %dma_wait3A_695 : memref<1x8x128xi32, #tpu.memory_space<vmem>> -> memref<8x128xi32, #tpu.memory_space<vmem>>
        %dma_wait3A_697 = arith.constant 0 : i32
        %dma_wait3A_698 = tpu.memref_slice %arg2[%arg0, %add3A_691, %dma_wait3A_697] : memref<2x2560x128xi32, #tpu.memory_space<hbm>> -> memref<1x8x128xi32, #tpu.memory_space<hbm>>
        %dma_wait3A_699 = tpu.memref_squeeze %dma_wait3A_698 : memref<1x8x128xi32, #tpu.memory_space<hbm>> -> memref<8x128xi32, #tpu.memory_space<hbm>>
        %dma_wait3A_700 = arith.constant 0 : i32
        %dma_wait3A_701 = arith.constant 0 : i32
        %dma_wait3A_702 = tpu.memref_slice %arg7[%dma_wait3A_692, %dma_wait3A_700, %dma_wait3A_701] : memref<2x8x128xi32, #tpu.memory_space<vmem>> -> memref<1x8x128xi32, #tpu.memory_space<vmem>>
        %dma_wait3A_703 = tpu.memref_squeeze %dma_wait3A_702 : memref<1x8x128xi32, #tpu.memory_space<vmem>> -> memref<8x128xi32, #tpu.memory_space<vmem>>
        %dma_wait3A_704 = arith.constant 0 : i32
        %dma_wait3A_705 = tpu.memref_slice %arg2[%arg0, %add3A_691, %dma_wait3A_704] : memref<2x2560x128xi32, #tpu.memory_space<hbm>> -> memref<1x8x128xi32, #tpu.memory_space<hbm>>
        %dma_wait3A_706 = tpu.memref_squeeze %dma_wait3A_705 : memref<1x8x128xi32, #tpu.memory_space<hbm>> -> memref<8x128xi32, #tpu.memory_space<hbm>>
        tpu.wait_dma2 semaphore(%arg14 : memref<!tpu.dma_semaphore, #tpu.memory_space<semaphore_mem>>) src(%dma_wait3A_706 : memref<8x128xi32, #tpu.memory_space<hbm>>) dst(%dma_wait3A_703 : memref<8x128xi32, #tpu.memory_space<vmem>>)
        %mul3A_707 = arith.constant 8 : i32
        %mul3A_708 = arith.muli %mul3A_707, %add3A_688 : i32
        %add3A_709 = arith.addi %mul3A_0, %mul3A_708 : i32
        %dma_wait3A_710 = arith.constant 0 : i32
        %dma_wait3A_711 = arith.constant 0 : i32
        %dma_wait3A_712 = arith.constant 0 : i32
        %dma_wait3A_713 = tpu.memref_slice %arg8[%dma_wait3A_710, %dma_wait3A_711, %dma_wait3A_712] : memref<2x8x128xi32, #tpu.memory_space<vmem>> -> memref<1x8x128xi32, #tpu.memory_space<vmem>>
        %dma_wait3A_714 = tpu.memref_squeeze %dma_wait3A_713 : memref<1x8x128xi32, #tpu.memory_space<vmem>> -> memref<8x128xi32, #tpu.memory_space<vmem>>
        %dma_wait3A_715 = arith.constant 0 : i32
        %dma_wait3A_716 = tpu.memref_slice %arg3[%arg0, %add3A_709, %dma_wait3A_715] : memref<2x2560x128xi32, #tpu.memory_space<hbm>> -> memref<1x8x128xi32, #tpu.memory_space<hbm>>
        %dma_wait3A_717 = tpu.memref_squeeze %dma_wait3A_716 : memref<1x8x128xi32, #tpu.memory_space<hbm>> -> memref<8x128xi32, #tpu.memory_space<hbm>>
        %dma_wait3A_718 = arith.constant 0 : i32
        %dma_wait3A_719 = arith.constant 0 : i32
        %dma_wait3A_720 = tpu.memref_slice %arg8[%dma_wait3A_710, %dma_wait3A_718, %dma_wait3A_719] : memref<2x8x128xi32, #tpu.memory_space<vmem>> -> memref<1x8x128xi32, #tpu.memory_space<vmem>>
        %dma_wait3A_721 = tpu.memref_squeeze %dma_wait3A_720 : memref<1x8x128xi32, #tpu.memory_space<vmem>> -> memref<8x128xi32, #tpu.memory_space<vmem>>
        %dma_wait3A_722 = arith.constant 0 : i32
        %dma_wait3A_723 = tpu.memref_slice %arg3[%arg0, %add3A_709, %dma_wait3A_722] : memref<2x2560x128xi32, #tpu.memory_space<hbm>> -> memref<1x8x128xi32, #tpu.memory_space<hbm>>
        %dma_wait3A_724 = tpu.memref_squeeze %dma_wait3A_723 : memref<1x8x128xi32, #tpu.memory_space<hbm>> -> memref<8x128xi32, #tpu.memory_space<hbm>>
        tpu.wait_dma2 semaphore(%arg14 : memref<!tpu.dma_semaphore, #tpu.memory_space<semaphore_mem>>) src(%dma_wait3A_724 : memref<8x128xi32, #tpu.memory_space<hbm>>) dst(%dma_wait3A_721 : memref<8x128xi32, #tpu.memory_space<vmem>>)
        %dma_start3A_725 = arith.constant 0 : i32
        %dma_start3A_726 = arith.constant 0 : i32
        %dma_start3A_727 = arith.constant 0 : i32
        %dma_start3A_728 = arith.constant 0 : i32
        %dma_start3A_729 = arith.constant 0 : i32
        %dma_start3A_730 = tpu.memref_slice %arg9[%dma_start3A_727, %dma_start3A_728, %dma_start3A_729] : memref<2x128x128xf32, #tpu.memory_space<vmem>> -> memref<1x128x128xf32, #tpu.memory_space<vmem>>
        %dma_start3A_731 = tpu.memref_squeeze %dma_start3A_730 : memref<1x128x128xf32, #tpu.memory_space<vmem>> -> memref<128x128xf32, #tpu.memory_space<vmem>>
        %dma_start3A_732 = arith.constant 0 : i32
        %dma_start3A_733 = tpu.memref_slice %arg7[%dma_start3A_725, %dma_start3A_726, %dma_start3A_732] : memref<2x8x128xi32, #tpu.memory_space<vmem>> -> memref<1x1x128xi32, #tpu.memory_space<vmem>>
        %dma_start3A_734 = tpu.memref_squeeze %dma_start3A_733 : memref<1x1x128xi32, #tpu.memory_space<vmem>> -> memref<128xi32, #tpu.memory_space<vmem>>
        %dma_start3A_735 = arith.constant 0 : i32
        %dma_start3A_736 = arith.constant 0 : i32
        %dma_start3A_737 = tpu.memref_slice %arg4[%dma_start3A_735, %dma_start3A_736] : memref<20000x128xf32, #tpu.memory_space<hbm>> -> memref<20000x128xf32, #tpu.memory_space<hbm>>
        tpu.enqueue_indirect_dma source(%dma_start3A_737 : memref<20000x128xf32, #tpu.memory_space<hbm>>) target(%dma_start3A_731 : memref<128x128xf32, #tpu.memory_space<vmem>>) offsets(%dma_start3A_734 : memref<128xi32, #tpu.memory_space<vmem>>) semaphore(%arg16 : memref<!tpu.dma_semaphore, #tpu.memory_space<semaphore_mem>>)
      } else {
      }
      %dma_wait3A_658 = arith.constant 1 : i32
      %dma_wait3A_659 = arith.constant 7 : i32
      %dma_wait3A_660 = arith.constant 1 : i32
      %dma_wait3A_661 = arith.constant 0 : i32
      %dma_wait3A_662 = arith.constant 0 : i32
      %dma_wait3A_663 = tpu.memref_slice %arg9[%dma_wait3A_660, %dma_wait3A_661, %dma_wait3A_662] : memref<2x128x128xf32, #tpu.memory_space<vmem>> -> memref<1x128x128xf32, #tpu.memory_space<vmem>>
      %dma_wait3A_664 = tpu.memref_squeeze %dma_wait3A_663 : memref<1x128x128xf32, #tpu.memory_space<vmem>> -> memref<128x128xf32, #tpu.memory_space<vmem>>
      %dma_wait3A_665 = arith.constant 0 : i32
      %dma_wait3A_666 = tpu.memref_slice %arg7[%dma_wait3A_658, %dma_wait3A_659, %dma_wait3A_665] : memref<2x8x128xi32, #tpu.memory_space<vmem>> -> memref<1x1x128xi32, #tpu.memory_space<vmem>>
      %dma_wait3A_667 = tpu.memref_squeeze %dma_wait3A_666 : memref<1x1x128xi32, #tpu.memory_space<vmem>> -> memref<128xi32, #tpu.memory_space<vmem>>
      %dma_wait3A_668 = arith.constant 0 : i32
      %dma_wait3A_669 = arith.constant 0 : i32
      %dma_wait3A_670 = tpu.memref_slice %arg4[%dma_wait3A_668, %dma_wait3A_669] : memref<20000x128xf32, #tpu.memory_space<hbm>> -> memref<20000x128xf32, #tpu.memory_space<hbm>>
      tpu.wait_indirect_dma semaphore(%arg17 : memref<!tpu.dma_semaphore, #tpu.memory_space<semaphore_mem>>) src(%dma_wait3A_670 : memref<20000x128xf32, #tpu.memory_space<hbm>>) dst(%dma_wait3A_664 : memref<128x128xf32, #tpu.memory_space<vmem>>)
      %run_scoped3A_671 = arith.constant 1 : i32
      %run_scoped3A_672 = arith.constant 1 : i32
      %run_scoped3A_673 = arith.constant 7 : i32
      "tpu.region"() ({
        %run_scoped3A_685 = tpu.sem_alloc : memref<!tpu.dma_semaphore, #tpu.memory_space<semaphore_mem>>
        %dma_start3A_686 = arith.constant 0 : i32
        %dma_start3A_687 = arith.constant 0 : i32
        %dma_start3A_688 = tpu.memref_slice %arg9[%run_scoped3A_671, %dma_start3A_686, %dma_start3A_687] : memref<2x128x128xf32, #tpu.memory_space<vmem>> -> memref<1x128x128xf32, #tpu.memory_space<vmem>>
        %dma_start3A_689 = tpu.memref_squeeze %dma_start3A_688 : memref<1x128x128xf32, #tpu.memory_space<vmem>> -> memref<128x128xf32, #tpu.memory_space<vmem>>
        %dma_start3A_690 = arith.constant 0 : i32
        %dma_start3A_691 = tpu.memref_slice %arg8[%run_scoped3A_672, %run_scoped3A_673, %dma_start3A_690] : memref<2x8x128xi32, #tpu.memory_space<vmem>> -> memref<1x1x128xi32, #tpu.memory_space<vmem>>
        %dma_start3A_692 = tpu.memref_squeeze %dma_start3A_691 : memref<1x1x128xi32, #tpu.memory_space<vmem>> -> memref<128xi32, #tpu.memory_space<vmem>>
        %dma_start3A_693 = arith.constant 0 : i32
        %dma_start3A_694 = arith.constant 0 : i32
        %dma_start3A_695 = tpu.memref_slice %arg12[%dma_start3A_693, %dma_start3A_694] : memref<10240x128xf32, #tpu.memory_space<vmem_shared>> -> memref<10240x128xf32, #tpu.memory_space<vmem_shared>>
        tpu.enqueue_indirect_dma source(%dma_start3A_689 : memref<128x128xf32, #tpu.memory_space<vmem>>) target(%dma_start3A_695 : memref<10240x128xf32, #tpu.memory_space<vmem_shared>>) offsets(%dma_start3A_692 : memref<128xi32, #tpu.memory_space<vmem>>) semaphore(%run_scoped3A_685 : memref<!tpu.dma_semaphore, #tpu.memory_space<semaphore_mem>>) {add = true}
        %dma_wait3A_696 = arith.constant 0 : i32
        %dma_wait3A_697 = arith.constant 0 : i32
        %dma_wait3A_698 = tpu.memref_slice %arg9[%run_scoped3A_671, %dma_wait3A_696, %dma_wait3A_697] : memref<2x128x128xf32, #tpu.memory_space<vmem>> -> memref<1x128x128xf32, #tpu.memory_space<vmem>>
        %dma_wait3A_699 = tpu.memref_squeeze %dma_wait3A_698 : memref<1x128x128xf32, #tpu.memory_space<vmem>> -> memref<128x128xf32, #tpu.memory_space<vmem>>
        %dma_wait3A_700 = arith.constant 0 : i32
        %dma_wait3A_701 = tpu.memref_slice %arg8[%run_scoped3A_672, %run_scoped3A_673, %dma_wait3A_700] : memref<2x8x128xi32, #tpu.memory_space<vmem>> -> memref<1x1x128xi32, #tpu.memory_space<vmem>>
        %dma_wait3A_702 = tpu.memref_squeeze %dma_wait3A_701 : memref<1x1x128xi32, #tpu.memory_space<vmem>> -> memref<128xi32, #tpu.memory_space<vmem>>
        %dma_wait3A_703 = arith.constant 0 : i32
        %dma_wait3A_704 = arith.constant 0 : i32
        %dma_wait3A_705 = tpu.memref_slice %arg12[%dma_wait3A_703, %dma_wait3A_704] : memref<10240x128xf32, #tpu.memory_space<vmem_shared>> -> memref<10240x128xf32, #tpu.memory_space<vmem_shared>>
        tpu.wait_indirect_dma semaphore(%run_scoped3A_685 : memref<!tpu.dma_semaphore, #tpu.memory_space<semaphore_mem>>) src(%dma_wait3A_699 : memref<128x128xf32, #tpu.memory_space<vmem>>) dst(%dma_wait3A_705 : memref<10240x128xf32, #tpu.memory_space<vmem_shared>>)
        tpu.yield
      }) : () -> ()
      %lt3A_674 = arith.constant 9 : i32
      %lt3A_675 = arith.cmpi slt, %scan3A_187, %lt3A_674 : i32
      %convert_element_type3A_676 = arith.extui %lt3A_675 : i1 to i32
      %cond3A_677 = arith.constant 0 : i32
      %cond3A_678 = arith.cmpi ne, %convert_element_type3A_676, %cond3A_677 : i32
      scf.if %cond3A_678 {
        %dma_start3A_685 = arith.constant 0 : i32
        %dma_start3A_686 = arith.constant 1 : i32
        %dma_start3A_687 = arith.constant 1 : i32
        %dma_start3A_688 = arith.constant 0 : i32
        %dma_start3A_689 = arith.constant 0 : i32
        %dma_start3A_690 = tpu.memref_slice %arg9[%dma_start3A_687, %dma_start3A_688, %dma_start3A_689] : memref<2x128x128xf32, #tpu.memory_space<vmem>> -> memref<1x128x128xf32, #tpu.memory_space<vmem>>
        %dma_start3A_691 = tpu.memref_squeeze %dma_start3A_690 : memref<1x128x128xf32, #tpu.memory_space<vmem>> -> memref<128x128xf32, #tpu.memory_space<vmem>>
        %dma_start3A_692 = arith.constant 0 : i32
        %dma_start3A_693 = tpu.memref_slice %arg7[%dma_start3A_685, %dma_start3A_686, %dma_start3A_692] : memref<2x8x128xi32, #tpu.memory_space<vmem>> -> memref<1x1x128xi32, #tpu.memory_space<vmem>>
        %dma_start3A_694 = tpu.memref_squeeze %dma_start3A_693 : memref<1x1x128xi32, #tpu.memory_space<vmem>> -> memref<128xi32, #tpu.memory_space<vmem>>
        %dma_start3A_695 = arith.constant 0 : i32
        %dma_start3A_696 = arith.constant 0 : i32
        %dma_start3A_697 = tpu.memref_slice %arg4[%dma_start3A_695, %dma_start3A_696] : memref<20000x128xf32, #tpu.memory_space<hbm>> -> memref<20000x128xf32, #tpu.memory_space<hbm>>
        tpu.enqueue_indirect_dma source(%dma_start3A_697 : memref<20000x128xf32, #tpu.memory_space<hbm>>) target(%dma_start3A_691 : memref<128x128xf32, #tpu.memory_space<vmem>>) offsets(%dma_start3A_694 : memref<128xi32, #tpu.memory_space<vmem>>) semaphore(%arg17 : memref<!tpu.dma_semaphore, #tpu.memory_space<semaphore_mem>>)
      } else {
      }
      %lt3A_679 = arith.constant 9 : i32
      %lt3A_680 = arith.cmpi slt, %scan3A_187, %lt3A_679 : i32
      %convert_element_type3A_681 = arith.extui %lt3A_680 : i1 to i32
      %cond3A_682 = arith.constant 0 : i32
      %cond3A_683 = arith.cmpi ne, %convert_element_type3A_681, %cond3A_682 : i32
      scf.if %cond3A_683 {
        %mul3A_685 = arith.constant 2 : i32
        %mul3A_686 = arith.muli %mul3A_685, %scan3A_187 : i32
        %add3A_687 = arith.constant 1 : i32
        %add3A_688 = arith.addi %mul3A_686, %add3A_687 : i32
        %add3A_689 = arith.constant 2 : i32
        %add3A_690 = arith.addi %add3A_688, %add3A_689 : i32
        %mul3A_691 = arith.constant 8 : i32
        %mul3A_692 = arith.muli %mul3A_691, %add3A_690 : i32
        %add3A_693 = arith.addi %mul3A_0, %mul3A_692 : i32
        %dma_start3A_694 = arith.constant 1 : i32
        %dma_start3A_695 = arith.constant 0 : i32
        %dma_start3A_696 = arith.constant 0 : i32
        %dma_start3A_697 = tpu.memref_slice %arg7[%dma_start3A_694, %dma_start3A_695, %dma_start3A_696] : memref<2x8x128xi32, #tpu.memory_space<vmem>> -> memref<1x8x128xi32, #tpu.memory_space<vmem>>
        %dma_start3A_698 = tpu.memref_squeeze %dma_start3A_697 : memref<1x8x128xi32, #tpu.memory_space<vmem>> -> memref<8x128xi32, #tpu.memory_space<vmem>>
        %dma_start3A_699 = arith.constant 0 : i32
        %dma_start3A_700 = tpu.memref_slice %arg2[%arg0, %add3A_693, %dma_start3A_699] : memref<2x2560x128xi32, #tpu.memory_space<hbm>> -> memref<1x8x128xi32, #tpu.memory_space<hbm>>
        %dma_start3A_701 = tpu.memref_squeeze %dma_start3A_700 : memref<1x8x128xi32, #tpu.memory_space<hbm>> -> memref<8x128xi32, #tpu.memory_space<hbm>>
        %dma_start3A_702 = arith.constant 0 : i32
        %dma_start3A_703 = arith.constant 0 : i32
        %dma_start3A_704 = tpu.memref_slice %arg7[%dma_start3A_694, %dma_start3A_702, %dma_start3A_703] : memref<2x8x128xi32, #tpu.memory_space<vmem>> -> memref<1x8x128xi32, #tpu.memory_space<vmem>>
        %dma_start3A_705 = tpu.memref_squeeze %dma_start3A_704 : memref<1x8x128xi32, #tpu.memory_space<vmem>> -> memref<8x128xi32, #tpu.memory_space<vmem>>
        %dma_start3A_706 = arith.constant 0 : i32
        %dma_start3A_707 = tpu.memref_slice %arg2[%arg0, %add3A_693, %dma_start3A_706] : memref<2x2560x128xi32, #tpu.memory_space<hbm>> -> memref<1x8x128xi32, #tpu.memory_space<hbm>>
        %dma_start3A_708 = tpu.memref_squeeze %dma_start3A_707 : memref<1x8x128xi32, #tpu.memory_space<hbm>> -> memref<8x128xi32, #tpu.memory_space<hbm>>
        tpu.enqueue_dma source(%dma_start3A_708 : memref<8x128xi32, #tpu.memory_space<hbm>>) target(%dma_start3A_705 : memref<8x128xi32, #tpu.memory_space<vmem>>) target_semaphore(%arg15 : memref<!tpu.dma_semaphore, #tpu.memory_space<semaphore_mem>>)
        %mul3A_709 = arith.constant 8 : i32
        %mul3A_710 = arith.muli %mul3A_709, %add3A_690 : i32
        %add3A_711 = arith.addi %mul3A_0, %mul3A_710 : i32
        %dma_start3A_712 = arith.constant 1 : i32
        %dma_start3A_713 = arith.constant 0 : i32
        %dma_start3A_714 = arith.constant 0 : i32
        %dma_start3A_715 = tpu.memref_slice %arg8[%dma_start3A_712, %dma_start3A_713, %dma_start3A_714] : memref<2x8x128xi32, #tpu.memory_space<vmem>> -> memref<1x8x128xi32, #tpu.memory_space<vmem>>
        %dma_start3A_716 = tpu.memref_squeeze %dma_start3A_715 : memref<1x8x128xi32, #tpu.memory_space<vmem>> -> memref<8x128xi32, #tpu.memory_space<vmem>>
        %dma_start3A_717 = arith.constant 0 : i32
        %dma_start3A_718 = tpu.memref_slice %arg3[%arg0, %add3A_711, %dma_start3A_717] : memref<2x2560x128xi32, #tpu.memory_space<hbm>> -> memref<1x8x128xi32, #tpu.memory_space<hbm>>
        %dma_start3A_719 = tpu.memref_squeeze %dma_start3A_718 : memref<1x8x128xi32, #tpu.memory_space<hbm>> -> memref<8x128xi32, #tpu.memory_space<hbm>>
        %dma_start3A_720 = arith.constant 0 : i32
        %dma_start3A_721 = arith.constant 0 : i32
        %dma_start3A_722 = tpu.memref_slice %arg8[%dma_start3A_712, %dma_start3A_720, %dma_start3A_721] : memref<2x8x128xi32, #tpu.memory_space<vmem>> -> memref<1x8x128xi32, #tpu.memory_space<vmem>>
        %dma_start3A_723 = tpu.memref_squeeze %dma_start3A_722 : memref<1x8x128xi32, #tpu.memory_space<vmem>> -> memref<8x128xi32, #tpu.memory_space<vmem>>
        %dma_start3A_724 = arith.constant 0 : i32
        %dma_start3A_725 = tpu.memref_slice %arg3[%arg0, %add3A_711, %dma_start3A_724] : memref<2x2560x128xi32, #tpu.memory_space<hbm>> -> memref<1x8x128xi32, #tpu.memory_space<hbm>>
        %dma_start3A_726 = tpu.memref_squeeze %dma_start3A_725 : memref<1x8x128xi32, #tpu.memory_space<hbm>> -> memref<8x128xi32, #tpu.memory_space<hbm>>
        tpu.enqueue_dma source(%dma_start3A_726 : memref<8x128xi32, #tpu.memory_space<hbm>>) target(%dma_start3A_723 : memref<8x128xi32, #tpu.memory_space<vmem>>) target_semaphore(%arg15 : memref<!tpu.dma_semaphore, #tpu.memory_space<semaphore_mem>>)
      } else {
      }
      %scan3A_684 = arith.constant 0 : i32
      scf.yield %scan3A_684 : i32
    }
    %scan3A_181 = arith.constant 10 : i32
    %barrier3A_182 = arith.constant 0 : index
    tpu.barrier barrier_id(%barrier3A_182)
    %mul3A_183 = arith.constant 640 : i32
    %mul3A_184 = arith.muli %arg1, %mul3A_183 : i32
    %mul3A_185 = arith.constant 640 : i32
    %mul3A_186 = arith.muli %arg1, %mul3A_185 : i32
    "tpu.region"() ({
      %run_scoped3A_187 = tpu.sem_alloc : memref<!tpu.dma_semaphore, #tpu.memory_space<semaphore_mem>>
      %dma_start3A_188 = arith.constant 0 : i32
      %dma_start3A_189 = tpu.memref_slice %arg5[%arg0, %mul3A_186, %dma_start3A_188] : memref<2x10240x128xf32, #tpu.memory_space<hbm>> -> memref<1x640x128xf32, #tpu.memory_space<hbm>>
      %dma_start3A_190 = tpu.memref_squeeze %dma_start3A_189 : memref<1x640x128xf32, #tpu.memory_space<hbm>> -> memref<640x128xf32, #tpu.memory_space<hbm>>
      %dma_start3A_191 = arith.constant 0 : i32
      %dma_start3A_192 = tpu.memref_slice %arg12[%mul3A_184, %dma_start3A_191] : memref<10240x128xf32, #tpu.memory_space<vmem_shared>> -> memref<640x128xf32, #tpu.memory_space<vmem_shared>>
      tpu.enqueue_dma source(%dma_start3A_192 : memref<640x128xf32, #tpu.memory_space<vmem_shared>>) target(%dma_start3A_190 : memref<640x128xf32, #tpu.memory_space<hbm>>) target_semaphore(%run_scoped3A_187 : memref<!tpu.dma_semaphore, #tpu.memory_space<semaphore_mem>>)
      %dma_wait3A_193 = arith.constant 0 : i32
      %dma_wait3A_194 = tpu.memref_slice %arg5[%arg0, %mul3A_186, %dma_wait3A_193] : memref<2x10240x128xf32, #tpu.memory_space<hbm>> -> memref<1x640x128xf32, #tpu.memory_space<hbm>>
      %dma_wait3A_195 = tpu.memref_squeeze %dma_wait3A_194 : memref<1x640x128xf32, #tpu.memory_space<hbm>> -> memref<640x128xf32, #tpu.memory_space<hbm>>
      %dma_wait3A_196 = arith.constant 0 : i32
      %dma_wait3A_197 = tpu.memref_slice %arg12[%mul3A_184, %dma_wait3A_196] : memref<10240x128xf32, #tpu.memory_space<vmem_shared>> -> memref<640x128xf32, #tpu.memory_space<vmem_shared>>
      tpu.wait_dma2 semaphore(%run_scoped3A_187 : memref<!tpu.dma_semaphore, #tpu.memory_space<semaphore_mem>>) src(%dma_wait3A_197 : memref<640x128xf32, #tpu.memory_space<vmem_shared>>) dst(%dma_wait3A_195 : memref<640x128xf32, #tpu.memory_space<hbm>>)
      tpu.yield
    }) : () -> ()
    return
  }
}

module attributes {stable_mosaic.version = 14 : i64} {
  func.func @_encode_body(%arg0: i32, %arg1: i32, %arg2: memref<1024x128xf32, #tpu.memory_space<vmem>>, %arg3: memref<1x128x128xf32, #tpu.memory_space<vmem>>, %arg4: memref<1x1x128xf32, #tpu.memory_space<vmem>>, %arg5: memref<1x1024x128xf32, #tpu.memory_space<vmem>>) attributes {dimension_semantics = [#tpu.dimension_semantics<arbitrary>, #tpu.dimension_semantics<arbitrary>], iteration_bounds = array<i64: 2, 10>, scalar_prefetch = 0 : i64, scratch_operands = 0 : i64, tpu.core_type = #tpu.core_type<tc>, window_params = [{transform_indices = @transform_0, window_bounds = array<i64: 1024, 128>}, {transform_indices = @transform_1, window_bounds = array<i64: 1, 128, 128>}, {transform_indices = @transform_2, window_bounds = array<i64: 1, 1, 128>}, {transform_indices = @transform_3, window_bounds = array<i64: 1, 1024, 128>}]} {
    %get3A = arith.constant 0 : index
    %get3A_0 = arith.constant 0 : index
    %get3A_1 = vector.load %arg2[%get3A, %get3A_0] : memref<1024x128xf32, #tpu.memory_space<vmem>>, vector<1024x128xf32>
    %get3A_2 = arith.constant 0 : index
    %get3A_3 = arith.constant 0 : index
    %get3A_4 = arith.constant 0 : index
    %get3A_5 = vector.load %arg3[%get3A_2, %get3A_3, %get3A_4] : memref<1x128x128xf32, #tpu.memory_space<vmem>>, vector<1x128x128xf32>
    %get3A_6 = vector.shape_cast %get3A_5 : vector<1x128x128xf32> to vector<128x128xf32>
    %dot_general3A = arith.constant dense<0.000000e+00> : vector<1024x128xf32>
    %dot_general3A_7 = tpu.matmul %get3A_1, %get3A_6, %dot_general3A {dimension_numbers = #tpu.dot_dimension_numbers<[1], [0], [0], [1], [0, 0, 1, 1], [], []>, transpose_lhs_hint = false} : vector<1024x128xf32>, vector<128x128xf32>, vector<1024x128xf32> -> vector<1024x128xf32>
    %get3A_8 = arith.constant 0 : index
    %get3A_9 = arith.constant 0 : index
    %get3A_10 = arith.constant 0 : index
    %get3A_11 = vector.load %arg4[%get3A_8, %get3A_9, %get3A_10] : memref<1x1x128xf32, #tpu.memory_space<vmem>>, vector<1x1x128xf32>
    %get3A_12 = vector.shape_cast %get3A_11 : vector<1x1x128xf32> to vector<1x128xf32>
    %add3A = vector.broadcast %get3A_12 : vector<1x128xf32> to vector<1024x128xf32>
    %add3A_13 = arith.addf %dot_general3A_7, %add3A : vector<1024x128xf32>
    %swap3A = arith.constant 0 : index
    %swap3A_14 = arith.constant 0 : index
    %swap3A_15 = arith.constant 0 : index
    %swap3A_16 = vector.load %arg5[%swap3A, %swap3A_14, %swap3A_15] : memref<1x1024x128xf32, #tpu.memory_space<vmem>>, vector<1x1024x128xf32>
    %swap3A_17 = vector.shape_cast %swap3A_16 : vector<1x1024x128xf32> to vector<1024x128xf32>
    %swap3A_18 = vector.shape_cast %add3A_13 : vector<1024x128xf32> to vector<1x1024x128xf32>
    tpu.vector_store %arg5[%swap3A, %swap3A_14, %swap3A_15], %swap3A_18 {strides = array<i32>} : memref<1x1024x128xf32, #tpu.memory_space<vmem>>, vector<1x1024x128xf32>,
    return
  }
  func.func @transform_0(%arg0: i32, %arg1: i32) -> (i32, i32) {
    %c0_i32 = arith.constant 0 : i32
    %c0_i32_0 = arith.constant 0 : i32
    return %arg1, %c0_i32 : i32, i32
  }
  func.func @transform_1(%arg0: i32, %arg1: i32) -> (i32, i32, i32) {
    %c0_i32 = arith.constant 0 : i32
    %c0_i32_0 = arith.constant 0 : i32
    %c0_i32_1 = arith.constant 0 : i32
    return %arg0, %c0_i32, %c0_i32_0 : i32, i32, i32
  }
  func.func @transform_2(%arg0: i32, %arg1: i32) -> (i32, i32, i32) {
    %c0_i32 = arith.constant 0 : i32
    %c0_i32_0 = arith.constant 0 : i32
    %c0_i32_1 = arith.constant 0 : i32
    return %arg0, %c0_i32, %c0_i32_0 : i32, i32, i32
  }
  func.func @transform_3(%arg0: i32, %arg1: i32) -> (i32, i32, i32) {
    %c0_i32 = arith.constant 0 : i32
    %c0_i32_0 = arith.constant 0 : i32
    return %arg0, %arg1, %c0_i32 : i32, i32, i32
  }
}

module attributes {stable_mosaic.version = 14 : i64} {
  func.func @_combine_body(%arg0: i32, %arg1: i32, %arg2: memref<1x1024x128xf32, #tpu.memory_space<vmem>>, %arg3: memref<1x1024x1xf32, #tpu.memory_space<vmem>>, %arg4: memref<1x1024x128xf32, #tpu.memory_space<vmem>>, %arg5: memref<1x128x128xf32, #tpu.memory_space<vmem>>, %arg6: memref<1x1x128xf32, #tpu.memory_space<vmem>>, %arg7: memref<1x128x128xf32, #tpu.memory_space<vmem>>, %arg8: memref<1x1024x128xf32, #tpu.memory_space<vmem>>) attributes {dimension_semantics = [#tpu.dimension_semantics<arbitrary>, #tpu.dimension_semantics<arbitrary>], iteration_bounds = array<i64: 2, 10>, scalar_prefetch = 0 : i64, scratch_operands = 0 : i64, tpu.core_type = #tpu.core_type<tc>, window_params = [{transform_indices = @transform_0, window_bounds = array<i64: 1, 1024, 128>}, {transform_indices = @transform_1, window_bounds = array<i64: 1, 1024, 1>}, {transform_indices = @transform_2, window_bounds = array<i64: 1, 1024, 128>}, {transform_indices = @transform_3, window_bounds = array<i64: 1, 128, 128>}, {transform_indices = @transform_4, window_bounds = array<i64: 1, 1, 128>}, {transform_indices = @transform_5, window_bounds = array<i64: 1, 128, 128>}, {transform_indices = @transform_6, window_bounds = array<i64: 1, 1024, 128>}]} {
    %get3A = arith.constant 0 : index
    %get3A_0 = arith.constant 0 : index
    %get3A_1 = arith.constant 0 : index
    %get3A_2 = vector.load %arg3[%get3A, %get3A_0, %get3A_1] : memref<1x1024x1xf32, #tpu.memory_space<vmem>>, vector<1x1024x1xf32>
    %get3A_3 = vector.shape_cast %get3A_2 : vector<1x1024x1xf32> to vector<1024x1xf32>
    %max3A = arith.constant 1.000000e+00 : f32
    %max3A_4 = vector.broadcast %max3A : f32 to vector<1024x1xf32>
    %max3A_5 = arith.maximumf %get3A_3, %max3A_4 : vector<1024x1xf32>
    %get3A_6 = arith.constant 0 : index
    %get3A_7 = arith.constant 0 : index
    %get3A_8 = arith.constant 0 : index
    %get3A_9 = vector.load %arg2[%get3A_6, %get3A_7, %get3A_8] : memref<1x1024x128xf32, #tpu.memory_space<vmem>>, vector<1x1024x128xf32>
    %get3A_10 = vector.shape_cast %get3A_9 : vector<1x1024x128xf32> to vector<1024x128xf32>
    %div3A = vector.broadcast %max3A_5 : vector<1024x1xf32> to vector<1024x128xf32>
    %div3A_11 = arith.divf %get3A_10, %div3A : vector<1024x128xf32>
    %get3A_12 = arith.constant 0 : index
    %get3A_13 = arith.constant 0 : index
    %get3A_14 = arith.constant 0 : index
    %get3A_15 = vector.load %arg5[%get3A_12, %get3A_13, %get3A_14] : memref<1x128x128xf32, #tpu.memory_space<vmem>>, vector<1x128x128xf32>
    %get3A_16 = vector.shape_cast %get3A_15 : vector<1x128x128xf32> to vector<128x128xf32>
    %dot_general3A = arith.constant dense<0.000000e+00> : vector<1024x128xf32>
    %dot_general3A_17 = tpu.matmul %div3A_11, %get3A_16, %dot_general3A {dimension_numbers = #tpu.dot_dimension_numbers<[1], [0], [0], [1], [0, 0, 1, 1], [], []>, transpose_lhs_hint = false} : vector<1024x128xf32>, vector<128x128xf32>, vector<1024x128xf32> -> vector<1024x128xf32>
    %get3A_18 = arith.constant 0 : index
    %get3A_19 = arith.constant 0 : index
    %get3A_20 = arith.constant 0 : index
    %get3A_21 = vector.load %arg6[%get3A_18, %get3A_19, %get3A_20] : memref<1x1x128xf32, #tpu.memory_space<vmem>>, vector<1x1x128xf32>
    %get3A_22 = vector.shape_cast %get3A_21 : vector<1x1x128xf32> to vector<1x128xf32>
    %add3A = vector.broadcast %get3A_22 : vector<1x128xf32> to vector<1024x128xf32>
    %add3A_23 = arith.addf %dot_general3A_17, %add3A : vector<1024x128xf32>
    %get3A_24 = arith.constant 0 : index
    %get3A_25 = arith.constant 0 : index
    %get3A_26 = arith.constant 0 : index
    %get3A_27 = vector.load %arg4[%get3A_24, %get3A_25, %get3A_26] : memref<1x1024x128xf32, #tpu.memory_space<vmem>>, vector<1x1024x128xf32>
    %get3A_28 = vector.shape_cast %get3A_27 : vector<1x1024x128xf32> to vector<1024x128xf32>
    %get3A_29 = arith.constant 0 : index
    %get3A_30 = arith.constant 0 : index
    %get3A_31 = arith.constant 0 : index
    %get3A_32 = vector.load %arg7[%get3A_29, %get3A_30, %get3A_31] : memref<1x128x128xf32, #tpu.memory_space<vmem>>, vector<1x128x128xf32>
    %get3A_33 = vector.shape_cast %get3A_32 : vector<1x128x128xf32> to vector<128x128xf32>
    %dot_general3A_34 = arith.constant dense<0.000000e+00> : vector<1024x128xf32>
    %dot_general3A_35 = tpu.matmul %get3A_28, %get3A_33, %dot_general3A_34 {dimension_numbers = #tpu.dot_dimension_numbers<[1], [0], [0], [1], [0, 0, 1, 1], [], []>, transpose_lhs_hint = false} : vector<1024x128xf32>, vector<128x128xf32>, vector<1024x128xf32> -> vector<1024x128xf32>
    %add3A_36 = arith.addf %add3A_23, %dot_general3A_35 : vector<1024x128xf32>
    %swap3A = arith.constant 0 : index
    %swap3A_37 = arith.constant 0 : index
    %swap3A_38 = arith.constant 0 : index
    %swap3A_39 = vector.load %arg8[%swap3A, %swap3A_37, %swap3A_38] : memref<1x1024x128xf32, #tpu.memory_space<vmem>>, vector<1x1024x128xf32>
    %swap3A_40 = vector.shape_cast %swap3A_39 : vector<1x1024x128xf32> to vector<1024x128xf32>
    %swap3A_41 = vector.shape_cast %add3A_36 : vector<1024x128xf32> to vector<1x1024x128xf32>
    tpu.vector_store %arg8[%swap3A, %swap3A_37, %swap3A_38], %swap3A_41 {strides = array<i32>} : memref<1x1024x128xf32, #tpu.memory_space<vmem>>, vector<1x1024x128xf32>,
    return
  }
  func.func @transform_0(%arg0: i32, %arg1: i32) -> (i32, i32, i32) {
    %c0_i32 = arith.constant 0 : i32
    %c0_i32_0 = arith.constant 0 : i32
    return %arg0, %arg1, %c0_i32 : i32, i32, i32
  }
  func.func @transform_1(%arg0: i32, %arg1: i32) -> (i32, i32, i32) {
    %c0_i32 = arith.constant 0 : i32
    %c0_i32_0 = arith.constant 0 : i32
    return %arg0, %arg1, %c0_i32 : i32, i32, i32
  }
  func.func @transform_2(%arg0: i32, %arg1: i32) -> (i32, i32, i32) {
    %c0_i32 = arith.constant 0 : i32
    %c0_i32_0 = arith.constant 0 : i32
    return %arg0, %arg1, %c0_i32 : i32, i32, i32
  }
  func.func @transform_3(%arg0: i32, %arg1: i32) -> (i32, i32, i32) {
    %c0_i32 = arith.constant 0 : i32
    %c0_i32_0 = arith.constant 0 : i32
    %c0_i32_1 = arith.constant 0 : i32
    return %arg0, %c0_i32, %c0_i32_0 : i32, i32, i32
  }
  func.func @transform_4(%arg0: i32, %arg1: i32) -> (i32, i32, i32) {
    %c0_i32 = arith.constant 0 : i32
    %c0_i32_0 = arith.constant 0 : i32
    %c0_i32_1 = arith.constant 0 : i32
    return %arg0, %c0_i32, %c0_i32_0 : i32, i32, i32
  }
  func.func @transform_5(%arg0: i32, %arg1: i32) -> (i32, i32, i32) {
    %c0_i32 = arith.constant 0 : i32
    %c0_i32_0 = arith.constant 0 : i32
    %c0_i32_1 = arith.constant 0 : i32
    return %arg0, %c0_i32, %c0_i32_0 : i32, i32, i32
  }
  func.func @transform_6(%arg0: i32, %arg1: i32) -> (i32, i32, i32) {
    %c0_i32 = arith.constant 0 : i32
    %c0_i32_0 = arith.constant 0 : i32
    return %arg0, %arg1, %c0_i32 : i32, i32, i32
  }
}

module attributes {stable_mosaic.version = 14 : i64} {
  func.func @_final_body(%arg0: i32, %arg1: memref<2x1024x128xf32, #tpu.memory_space<vmem>>, %arg2: memref<2x1024x1xf32, #tpu.memory_space<vmem>>, %arg3: memref<2x1024x128xf32, #tpu.memory_space<vmem>>, %arg4: memref<2x128x128xf32, #tpu.memory_space<vmem>>, %arg5: memref<2x1x128xf32, #tpu.memory_space<vmem>>, %arg6: memref<2x128x128xf32, #tpu.memory_space<vmem>>, %arg7: memref<128x128xf32, #tpu.memory_space<vmem>>, %arg8: memref<1x128xf32, #tpu.memory_space<vmem>>, %arg9: memref<128x128xf32, #tpu.memory_space<vmem>>, %arg10: memref<1x128xf32, #tpu.memory_space<vmem>>, %arg11: memref<128x128xf32, #tpu.memory_space<vmem>>, %arg12: memref<1x128xf32, #tpu.memory_space<vmem>>, %arg13: memref<1x1xf32, #tpu.memory_space<vmem>>, %arg14: memref<256x64xf32, #tpu.memory_space<vmem>>, %arg15: memref<1x64xf32, #tpu.memory_space<vmem>>, %arg16: memref<1024x64xf32, #tpu.memory_space<vmem>>) attributes {dimension_semantics = [#tpu.dimension_semantics<arbitrary>], iteration_bounds = array<i64: 10>, scalar_prefetch = 0 : i64, scratch_operands = 0 : i64, tpu.core_type = #tpu.core_type<tc>, window_params = [{transform_indices = @transform_0, window_bounds = array<i64: 2, 1024, 128>}, {transform_indices = @transform_1, window_bounds = array<i64: 2, 1024, 1>}, {transform_indices = @transform_2, window_bounds = array<i64: 2, 1024, 128>}, {pipeline_mode = #tpu.pipeline_mode<synchronous>, transform_indices = @transform_3, window_bounds = array<i64: 2, 128, 128>}, {pipeline_mode = #tpu.pipeline_mode<synchronous>, transform_indices = @transform_4, window_bounds = array<i64: 2, 1, 128>}, {pipeline_mode = #tpu.pipeline_mode<synchronous>, transform_indices = @transform_5, window_bounds = array<i64: 2, 128, 128>}, {pipeline_mode = #tpu.pipeline_mode<synchronous>, transform_indices = @transform_6, window_bounds = array<i64: 128, 128>}, {pipeline_mode = #tpu.pipeline_mode<synchronous>, transform_indices = @transform_7, window_bounds = array<i64: 1, 128>}, {pipeline_mode = #tpu.pipeline_mode<synchronous>, transform_indices = @transform_8, window_bounds = array<i64: 128, 128>}, {pipeline_mode = #tpu.pipeline_mode<synchronous>, transform_indices = @transform_9, window_bounds = array<i64: 1, 128>}, {pipeline_mode = #tpu.pipeline_mode<synchronous>, transform_indices = @transform_10, window_bounds = array<i64: 128, 128>}, {pipeline_mode = #tpu.pipeline_mode<synchronous>, transform_indices = @transform_11, window_bounds = array<i64: 1, 128>}, {pipeline_mode = #tpu.pipeline_mode<synchronous>, transform_indices = @transform_12, window_bounds = array<i64: 1, 1>}, {pipeline_mode = #tpu.pipeline_mode<synchronous>, transform_indices = @transform_13, window_bounds = array<i64: 256, 64>}, {pipeline_mode = #tpu.pipeline_mode<synchronous>, transform_indices = @transform_14, window_bounds = array<i64: 1, 64>}, {transform_indices = @transform_15, window_bounds = array<i64: 1024, 64>}]} {
    %get3A = arith.constant 0 : index
    %get3A_0 = arith.constant 0 : index
    %get3A_1 = arith.constant 0 : index
    %get3A_2 = vector.load %arg2[%get3A, %get3A_0, %get3A_1] : memref<2x1024x1xf32, #tpu.memory_space<vmem>>, vector<1x1024x1xf32>
    %get3A_3 = vector.shape_cast %get3A_2 : vector<1x1024x1xf32> to vector<1024x1xf32>
    %max3A = arith.constant 1.000000e+00 : f32
    %max3A_4 = vector.broadcast %max3A : f32 to vector<1024x1xf32>
    %max3A_5 = arith.maximumf %get3A_3, %max3A_4 : vector<1024x1xf32>
    %get3A_6 = arith.constant 0 : index
    %get3A_7 = arith.constant 0 : index
    %get3A_8 = arith.constant 0 : index
    %get3A_9 = vector.load %arg1[%get3A_6, %get3A_7, %get3A_8] : memref<2x1024x128xf32, #tpu.memory_space<vmem>>, vector<1x1024x128xf32>
    %get3A_10 = vector.shape_cast %get3A_9 : vector<1x1024x128xf32> to vector<1024x128xf32>
    %div3A = vector.broadcast %max3A_5 : vector<1024x1xf32> to vector<1024x128xf32>
    %div3A_11 = arith.divf %get3A_10, %div3A : vector<1024x128xf32>
    %get3A_12 = arith.constant 0 : index
    %get3A_13 = arith.constant 0 : index
    %get3A_14 = arith.constant 0 : index
    %get3A_15 = vector.load %arg4[%get3A_12, %get3A_13, %get3A_14] : memref<2x128x128xf32, #tpu.memory_space<vmem>>, vector<1x128x128xf32>
    %get3A_16 = vector.shape_cast %get3A_15 : vector<1x128x128xf32> to vector<128x128xf32>
    %dot_general3A = arith.constant dense<0.000000e+00> : vector<1024x128xf32>
    %dot_general3A_17 = tpu.matmul %div3A_11, %get3A_16, %dot_general3A {dimension_numbers = #tpu.dot_dimension_numbers<[1], [0], [0], [1], [0, 0, 1, 1], [], []>, transpose_lhs_hint = false} : vector<1024x128xf32>, vector<128x128xf32>, vector<1024x128xf32> -> vector<1024x128xf32>
    %get3A_18 = arith.constant 0 : index
    %get3A_19 = arith.constant 0 : index
    %get3A_20 = arith.constant 0 : index
    %get3A_21 = vector.load %arg5[%get3A_18, %get3A_19, %get3A_20] : memref<2x1x128xf32, #tpu.memory_space<vmem>>, vector<1x1x128xf32>
    %get3A_22 = vector.shape_cast %get3A_21 : vector<1x1x128xf32> to vector<1x128xf32>
    %add3A = vector.broadcast %get3A_22 : vector<1x128xf32> to vector<1024x128xf32>
    %add3A_23 = arith.addf %dot_general3A_17, %add3A : vector<1024x128xf32>
    %get3A_24 = arith.constant 0 : index
    %get3A_25 = arith.constant 0 : index
    %get3A_26 = arith.constant 0 : index
    %get3A_27 = vector.load %arg3[%get3A_24, %get3A_25, %get3A_26] : memref<2x1024x128xf32, #tpu.memory_space<vmem>>, vector<1x1024x128xf32>
    %get3A_28 = vector.shape_cast %get3A_27 : vector<1x1024x128xf32> to vector<1024x128xf32>
    %get3A_29 = arith.constant 0 : index
    %get3A_30 = arith.constant 0 : index
    %get3A_31 = arith.constant 0 : index
    %get3A_32 = vector.load %arg6[%get3A_29, %get3A_30, %get3A_31] : memref<2x128x128xf32, #tpu.memory_space<vmem>>, vector<1x128x128xf32>
    %get3A_33 = vector.shape_cast %get3A_32 : vector<1x128x128xf32> to vector<128x128xf32>
    %dot_general3A_34 = arith.constant dense<0.000000e+00> : vector<1024x128xf32>
    %dot_general3A_35 = tpu.matmul %get3A_28, %get3A_33, %dot_general3A_34 {dimension_numbers = #tpu.dot_dimension_numbers<[1], [0], [0], [1], [0, 0, 1, 1], [], []>, transpose_lhs_hint = false} : vector<1024x128xf32>, vector<128x128xf32>, vector<1024x128xf32> -> vector<1024x128xf32>
    %add3A_36 = arith.addf %add3A_23, %dot_general3A_35 : vector<1024x128xf32>
    %get3A_37 = arith.constant 1 : index
    %get3A_38 = arith.constant 0 : index
    %get3A_39 = arith.constant 0 : index
    %get3A_40 = vector.load %arg2[%get3A_37, %get3A_38, %get3A_39] : memref<2x1024x1xf32, #tpu.memory_space<vmem>>, vector<1x1024x1xf32>
    %get3A_41 = vector.shape_cast %get3A_40 : vector<1x1024x1xf32> to vector<1024x1xf32>
    %max3A_42 = arith.constant 1.000000e+00 : f32
    %max3A_43 = vector.broadcast %max3A_42 : f32 to vector<1024x1xf32>
    %max3A_44 = arith.maximumf %get3A_41, %max3A_43 : vector<1024x1xf32>
    %get3A_45 = arith.constant 1 : index
    %get3A_46 = arith.constant 0 : index
    %get3A_47 = arith.constant 0 : index
    %get3A_48 = vector.load %arg1[%get3A_45, %get3A_46, %get3A_47] : memref<2x1024x128xf32, #tpu.memory_space<vmem>>, vector<1x1024x128xf32>
    %get3A_49 = vector.shape_cast %get3A_48 : vector<1x1024x128xf32> to vector<1024x128xf32>
    %div3A_50 = vector.broadcast %max3A_44 : vector<1024x1xf32> to vector<1024x128xf32>
    %div3A_51 = arith.divf %get3A_49, %div3A_50 : vector<1024x128xf32>
    %get3A_52 = arith.constant 1 : index
    %get3A_53 = arith.constant 0 : index
    %get3A_54 = arith.constant 0 : index
    %get3A_55 = vector.load %arg4[%get3A_52, %get3A_53, %get3A_54] : memref<2x128x128xf32, #tpu.memory_space<vmem>>, vector<1x128x128xf32>
    %get3A_56 = vector.shape_cast %get3A_55 : vector<1x128x128xf32> to vector<128x128xf32>
    %dot_general3A_57 = arith.constant dense<0.000000e+00> : vector<1024x128xf32>
    %dot_general3A_58 = tpu.matmul %div3A_51, %get3A_56, %dot_general3A_57 {dimension_numbers = #tpu.dot_dimension_numbers<[1], [0], [0], [1], [0, 0, 1, 1], [], []>, transpose_lhs_hint = false} : vector<1024x128xf32>, vector<128x128xf32>, vector<1024x128xf32> -> vector<1024x128xf32>
    %get3A_59 = arith.constant 1 : index
    %get3A_60 = arith.constant 0 : index
    %get3A_61 = arith.constant 0 : index
    %get3A_62 = vector.load %arg5[%get3A_59, %get3A_60, %get3A_61] : memref<2x1x128xf32, #tpu.memory_space<vmem>>, vector<1x1x128xf32>
    %get3A_63 = vector.shape_cast %get3A_62 : vector<1x1x128xf32> to vector<1x128xf32>
    %add3A_64 = vector.broadcast %get3A_63 : vector<1x128xf32> to vector<1024x128xf32>
    %add3A_65 = arith.addf %dot_general3A_58, %add3A_64 : vector<1024x128xf32>
    %get3A_66 = arith.constant 1 : index
    %get3A_67 = arith.constant 0 : index
    %get3A_68 = arith.constant 0 : index
    %get3A_69 = vector.load %arg3[%get3A_66, %get3A_67, %get3A_68] : memref<2x1024x128xf32, #tpu.memory_space<vmem>>, vector<1x1024x128xf32>
    %get3A_70 = vector.shape_cast %get3A_69 : vector<1x1024x128xf32> to vector<1024x128xf32>
    %get3A_71 = arith.constant 1 : index
    %get3A_72 = arith.constant 0 : index
    %get3A_73 = arith.constant 0 : index
    %get3A_74 = vector.load %arg6[%get3A_71, %get3A_72, %get3A_73] : memref<2x128x128xf32, #tpu.memory_space<vmem>>, vector<1x128x128xf32>
    %get3A_75 = vector.shape_cast %get3A_74 : vector<1x128x128xf32> to vector<128x128xf32>
    %dot_general3A_76 = arith.constant dense<0.000000e+00> : vector<1024x128xf32>
    %dot_general3A_77 = tpu.matmul %get3A_70, %get3A_75, %dot_general3A_76 {dimension_numbers = #tpu.dot_dimension_numbers<[1], [0], [0], [1], [0, 0, 1, 1], [], []>, transpose_lhs_hint = false} : vector<1024x128xf32>, vector<128x128xf32>, vector<1024x128xf32> -> vector<1024x128xf32>
    %add3A_78 = arith.addf %add3A_65, %dot_general3A_77 : vector<1024x128xf32>
    %get3A_79 = arith.constant 0 : index
    %get3A_80 = arith.constant 0 : index
    %get3A_81 = vector.load %arg7[%get3A_79, %get3A_80] : memref<128x128xf32, #tpu.memory_space<vmem>>, vector<128x128xf32>
    %dot_general3A_82 = arith.constant dense<0.000000e+00> : vector<1024x128xf32>
    %dot_general3A_83 = tpu.matmul %add3A_36, %get3A_81, %dot_general3A_82 {dimension_numbers = #tpu.dot_dimension_numbers<[1], [0], [0], [1], [0, 0, 1, 1], [], []>, transpose_lhs_hint = false} : vector<1024x128xf32>, vector<128x128xf32>, vector<1024x128xf32> -> vector<1024x128xf32>
    %get3A_84 = arith.constant 0 : index
    %get3A_85 = arith.constant 0 : index
    %get3A_86 = vector.load %arg8[%get3A_84, %get3A_85] : memref<1x128xf32, #tpu.memory_space<vmem>>, vector<1x128xf32>
    %get3A_87 = vector.shape_cast %get3A_86 : vector<1x128xf32> to vector<128xf32>
    %broadcast_in_dim3A = vector.shape_cast %get3A_87 : vector<128xf32> to vector<1x128xf32>
    %add3A_88 = vector.broadcast %broadcast_in_dim3A : vector<1x128xf32> to vector<1024x128xf32>
    %add3A_89 = arith.addf %dot_general3A_83, %add3A_88 : vector<1024x128xf32>
    %get3A_90 = arith.constant 0 : index
    %get3A_91 = arith.constant 0 : index
    %get3A_92 = vector.load %arg7[%get3A_90, %get3A_91] : memref<128x128xf32, #tpu.memory_space<vmem>>, vector<128x128xf32>
    %dot_general3A_93 = arith.constant dense<0.000000e+00> : vector<1024x128xf32>
    %dot_general3A_94 = tpu.matmul %add3A_78, %get3A_92, %dot_general3A_93 {dimension_numbers = #tpu.dot_dimension_numbers<[1], [0], [0], [1], [0, 0, 1, 1], [], []>, transpose_lhs_hint = false} : vector<1024x128xf32>, vector<128x128xf32>, vector<1024x128xf32> -> vector<1024x128xf32>
    %get3A_95 = arith.constant 0 : index
    %get3A_96 = arith.constant 0 : index
    %get3A_97 = vector.load %arg8[%get3A_95, %get3A_96] : memref<1x128xf32, #tpu.memory_space<vmem>>, vector<1x128xf32>
    %get3A_98 = vector.shape_cast %get3A_97 : vector<1x128xf32> to vector<128xf32>
    %broadcast_in_dim3A_99 = vector.shape_cast %get3A_98 : vector<128xf32> to vector<1x128xf32>
    %add3A_100 = vector.broadcast %broadcast_in_dim3A_99 : vector<1x128xf32> to vector<1024x128xf32>
    %add3A_101 = arith.addf %dot_general3A_94, %add3A_100 : vector<1024x128xf32>
    %get3A_102 = arith.constant 0 : index
    %get3A_103 = arith.constant 0 : index
    %get3A_104 = vector.load %arg9[%get3A_102, %get3A_103] : memref<128x128xf32, #tpu.memory_space<vmem>>, vector<128x128xf32>
    %dot_general3A_105 = arith.constant dense<0.000000e+00> : vector<1024x128xf32>
    %dot_general3A_106 = tpu.matmul %add3A_36, %get3A_104, %dot_general3A_105 {dimension_numbers = #tpu.dot_dimension_numbers<[1], [0], [0], [1], [0, 0, 1, 1], [], []>, transpose_lhs_hint = false} : vector<1024x128xf32>, vector<128x128xf32>, vector<1024x128xf32> -> vector<1024x128xf32>
    %get3A_107 = arith.constant 0 : index
    %get3A_108 = arith.constant 0 : index
    %get3A_109 = vector.load %arg10[%get3A_107, %get3A_108] : memref<1x128xf32, #tpu.memory_space<vmem>>, vector<1x128xf32>
    %get3A_110 = vector.shape_cast %get3A_109 : vector<1x128xf32> to vector<128xf32>
    %broadcast_in_dim3A_111 = vector.shape_cast %get3A_110 : vector<128xf32> to vector<1x128xf32>
    %add3A_112 = vector.broadcast %broadcast_in_dim3A_111 : vector<1x128xf32> to vector<1024x128xf32>
    %add3A_113 = arith.addf %dot_general3A_106, %add3A_112 : vector<1024x128xf32>
    %get3A_114 = arith.constant 0 : index
    %get3A_115 = arith.constant 0 : index
    %get3A_116 = vector.load %arg9[%get3A_114, %get3A_115] : memref<128x128xf32, #tpu.memory_space<vmem>>, vector<128x128xf32>
    %dot_general3A_117 = arith.constant dense<0.000000e+00> : vector<1024x128xf32>
    %dot_general3A_118 = tpu.matmul %add3A_78, %get3A_116, %dot_general3A_117 {dimension_numbers = #tpu.dot_dimension_numbers<[1], [0], [0], [1], [0, 0, 1, 1], [], []>, transpose_lhs_hint = false} : vector<1024x128xf32>, vector<128x128xf32>, vector<1024x128xf32> -> vector<1024x128xf32>
    %get3A_119 = arith.constant 0 : index
    %get3A_120 = arith.constant 0 : index
    %get3A_121 = vector.load %arg10[%get3A_119, %get3A_120] : memref<1x128xf32, #tpu.memory_space<vmem>>, vector<1x128xf32>
    %get3A_122 = vector.shape_cast %get3A_121 : vector<1x128xf32> to vector<128xf32>
    %broadcast_in_dim3A_123 = vector.shape_cast %get3A_122 : vector<128xf32> to vector<1x128xf32>
    %add3A_124 = vector.broadcast %broadcast_in_dim3A_123 : vector<1x128xf32> to vector<1024x128xf32>
    %add3A_125 = arith.addf %dot_general3A_118, %add3A_124 : vector<1024x128xf32>
    %get3A_126 = arith.constant 0 : index
    %get3A_127 = arith.constant 0 : index
    %get3A_128 = vector.load %arg11[%get3A_126, %get3A_127] : memref<128x128xf32, #tpu.memory_space<vmem>>, vector<128x128xf32>
    %dot_general3A_129 = arith.constant dense<0.000000e+00> : vector<1024x128xf32>
    %dot_general3A_130 = tpu.matmul %add3A_36, %get3A_128, %dot_general3A_129 {dimension_numbers = #tpu.dot_dimension_numbers<[1], [0], [0], [1], [0, 0, 1, 1], [], []>, transpose_lhs_hint = false} : vector<1024x128xf32>, vector<128x128xf32>, vector<1024x128xf32> -> vector<1024x128xf32>
    %get3A_131 = arith.constant 0 : index
    %get3A_132 = arith.constant 0 : index
    %get3A_133 = vector.load %arg12[%get3A_131, %get3A_132] : memref<1x128xf32, #tpu.memory_space<vmem>>, vector<1x128xf32>
    %get3A_134 = vector.shape_cast %get3A_133 : vector<1x128xf32> to vector<128xf32>
    %broadcast_in_dim3A_135 = vector.shape_cast %get3A_134 : vector<128xf32> to vector<1x128xf32>
    %add3A_136 = vector.broadcast %broadcast_in_dim3A_135 : vector<1x128xf32> to vector<1024x128xf32>
    %add3A_137 = arith.addf %dot_general3A_130, %add3A_136 : vector<1024x128xf32>
    %get3A_138 = arith.constant 0 : index
    %get3A_139 = arith.constant 0 : index
    %get3A_140 = vector.load %arg11[%get3A_138, %get3A_139] : memref<128x128xf32, #tpu.memory_space<vmem>>, vector<128x128xf32>
    %dot_general3A_141 = arith.constant dense<0.000000e+00> : vector<1024x128xf32>
    %dot_general3A_142 = tpu.matmul %add3A_78, %get3A_140, %dot_general3A_141 {dimension_numbers = #tpu.dot_dimension_numbers<[1], [0], [0], [1], [0, 0, 1, 1], [], []>, transpose_lhs_hint = false} : vector<1024x128xf32>, vector<128x128xf32>, vector<1024x128xf32> -> vector<1024x128xf32>
    %get3A_143 = arith.constant 0 : index
    %get3A_144 = arith.constant 0 : index
    %get3A_145 = vector.load %arg12[%get3A_143, %get3A_144] : memref<1x128xf32, #tpu.memory_space<vmem>>, vector<1x128xf32>
    %get3A_146 = vector.shape_cast %get3A_145 : vector<1x128xf32> to vector<128xf32>
    %broadcast_in_dim3A_147 = vector.shape_cast %get3A_146 : vector<128xf32> to vector<1x128xf32>
    %add3A_148 = vector.broadcast %broadcast_in_dim3A_147 : vector<1x128xf32> to vector<1024x128xf32>
    %add3A_149 = arith.addf %dot_general3A_142, %add3A_148 : vector<1024x128xf32>
    %mul3A = arith.mulf %add3A_89, %add3A_113 : vector<1024x128xf32>
    %reduce_sum3A = arith.constant dense<0.000000e+00> : vector<1024xf32>
    %reduce_sum3A_150 = vector.multi_reduction <add>, %mul3A, %reduce_sum3A [1] : vector<1024x128xf32> to vector<1024xf32>
    %broadcast_in_dim3A_151 = vector.shape_cast %reduce_sum3A_150 : vector<1024xf32> to vector<1024x1xf32>
    %mul3A_152 = arith.mulf %add3A_89, %add3A_125 : vector<1024x128xf32>
    %reduce_sum3A_153 = arith.constant dense<0.000000e+00> : vector<1024xf32>
    %reduce_sum3A_154 = vector.multi_reduction <add>, %mul3A_152, %reduce_sum3A_153 [1] : vector<1024x128xf32> to vector<1024xf32>
    %broadcast_in_dim3A_155 = vector.shape_cast %reduce_sum3A_154 : vector<1024xf32> to vector<1024x1xf32>
    %mul3A_156 = arith.mulf %add3A_101, %add3A_113 : vector<1024x128xf32>
    %reduce_sum3A_157 = arith.constant dense<0.000000e+00> : vector<1024xf32>
    %reduce_sum3A_158 = vector.multi_reduction <add>, %mul3A_156, %reduce_sum3A_157 [1] : vector<1024x128xf32> to vector<1024xf32>
    %broadcast_in_dim3A_159 = vector.shape_cast %reduce_sum3A_158 : vector<1024xf32> to vector<1024x1xf32>
    %mul3A_160 = arith.mulf %add3A_101, %add3A_125 : vector<1024x128xf32>
    %reduce_sum3A_161 = arith.constant dense<0.000000e+00> : vector<1024xf32>
    %reduce_sum3A_162 = vector.multi_reduction <add>, %mul3A_160, %reduce_sum3A_161 [1] : vector<1024x128xf32> to vector<1024xf32>
    %broadcast_in_dim3A_163 = vector.shape_cast %reduce_sum3A_162 : vector<1024xf32> to vector<1024x1xf32>
    %max3A_164 = arith.maximumf %broadcast_in_dim3A_151, %broadcast_in_dim3A_155 : vector<1024x1xf32>
    %sub3A = arith.subf %broadcast_in_dim3A_151, %max3A_164 : vector<1024x1xf32>
    %exp3A = math.exp %sub3A : vector<1024x1xf32>
    %sub3A_165 = arith.subf %broadcast_in_dim3A_155, %max3A_164 : vector<1024x1xf32>
    %exp3A_166 = math.exp %sub3A_165 : vector<1024x1xf32>
    %add3A_167 = arith.addf %exp3A, %exp3A_166 : vector<1024x1xf32>
    %div3A_168 = arith.divf %exp3A, %add3A_167 : vector<1024x1xf32>
    %div3A_169 = arith.divf %exp3A_166, %add3A_167 : vector<1024x1xf32>
    %max3A_170 = arith.maximumf %broadcast_in_dim3A_159, %broadcast_in_dim3A_163 : vector<1024x1xf32>
    %sub3A_171 = arith.subf %broadcast_in_dim3A_159, %max3A_170 : vector<1024x1xf32>
    %exp3A_172 = math.exp %sub3A_171 : vector<1024x1xf32>
    %sub3A_173 = arith.subf %broadcast_in_dim3A_163, %max3A_170 : vector<1024x1xf32>
    %exp3A_174 = math.exp %sub3A_173 : vector<1024x1xf32>
    %add3A_175 = arith.addf %exp3A_172, %exp3A_174 : vector<1024x1xf32>
    %div3A_176 = arith.divf %exp3A_172, %add3A_175 : vector<1024x1xf32>
    %div3A_177 = arith.divf %exp3A_174, %add3A_175 : vector<1024x1xf32>
    %get3A_178 = arith.constant 0 : index
    %get3A_179 = arith.constant 0 : index
    %get3A_180 = vector.load %arg13[%get3A_178, %get3A_179] : memref<1x1xf32, #tpu.memory_space<vmem>>, vector<1x1xf32>
    %get3A_181 = vector.extract %get3A_180[0, 0] : f32 from vector<1x1xf32>
    %mul3A_182 = vector.broadcast %div3A_168 : vector<1024x1xf32> to vector<1024x128xf32>
    %mul3A_183 = arith.mulf %mul3A_182, %add3A_137 : vector<1024x128xf32>
    %mul3A_184 = vector.broadcast %div3A_169 : vector<1024x1xf32> to vector<1024x128xf32>
    %mul3A_185 = arith.mulf %mul3A_184, %add3A_149 : vector<1024x128xf32>
    %add3A_186 = arith.addf %mul3A_183, %mul3A_185 : vector<1024x128xf32>
    %mul3A_187 = vector.broadcast %get3A_181 : f32 to vector<1024x128xf32>
    %mul3A_188 = arith.mulf %mul3A_187, %add3A_186 : vector<1024x128xf32>
    %add3A_189 = arith.addf %mul3A_188, %add3A_78 : vector<1024x128xf32>
    %mul3A_190 = vector.broadcast %div3A_176 : vector<1024x1xf32> to vector<1024x128xf32>
    %mul3A_191 = arith.mulf %mul3A_190, %add3A_137 : vector<1024x128xf32>
    %mul3A_192 = vector.broadcast %div3A_177 : vector<1024x1xf32> to vector<1024x128xf32>
    %mul3A_193 = arith.mulf %mul3A_192, %add3A_149 : vector<1024x128xf32>
    %add3A_194 = arith.addf %mul3A_191, %mul3A_193 : vector<1024x128xf32>
    %mul3A_195 = vector.broadcast %get3A_181 : f32 to vector<1024x128xf32>
    %mul3A_196 = arith.mulf %mul3A_195, %add3A_194 : vector<1024x128xf32>
    %add3A_197 = arith.addf %mul3A_196, %add3A_78 : vector<1024x128xf32>
    %get3A_198 = arith.constant 0 : index
    %get3A_199 = arith.constant 0 : index
    %get3A_200 = vector.load %arg14[%get3A_198, %get3A_199] : memref<256x64xf32, #tpu.memory_space<vmem>>, vector<128x64xf32>
    %dot_general3A_201 = arith.constant dense<0.000000e+00> : vector<1024x64xf32>
    %dot_general3A_202 = tpu.matmul %add3A_189, %get3A_200, %dot_general3A_201 {dimension_numbers = #tpu.dot_dimension_numbers<[1], [0], [0], [1], [0, 0, 1, 1], [], []>, transpose_lhs_hint = false} : vector<1024x128xf32>, vector<128x64xf32>, vector<1024x64xf32> -> vector<1024x64xf32>
    %get3A_203 = arith.constant 128 : index
    %get3A_204 = arith.constant 0 : index
    %get3A_205 = vector.load %arg14[%get3A_203, %get3A_204] : memref<256x64xf32, #tpu.memory_space<vmem>>, vector<128x64xf32>
    %dot_general3A_206 = arith.constant dense<0.000000e+00> : vector<1024x64xf32>
    %dot_general3A_207 = tpu.matmul %add3A_197, %get3A_205, %dot_general3A_206 {dimension_numbers = #tpu.dot_dimension_numbers<[1], [0], [0], [1], [0, 0, 1, 1], [], []>, transpose_lhs_hint = false} : vector<1024x128xf32>, vector<128x64xf32>, vector<1024x64xf32> -> vector<1024x64xf32>
    %add3A_208 = arith.addf %dot_general3A_202, %dot_general3A_207 : vector<1024x64xf32>
    %get3A_209 = arith.constant 0 : index
    %get3A_210 = arith.constant 0 : index
    %get3A_211 = vector.load %arg15[%get3A_209, %get3A_210] : memref<1x64xf32, #tpu.memory_space<vmem>>, vector<1x64xf32>
    %get3A_212 = vector.shape_cast %get3A_211 : vector<1x64xf32> to vector<64xf32>
    %broadcast_in_dim3A_213 = vector.shape_cast %get3A_212 : vector<64xf32> to vector<1x64xf32>
    %add3A_214 = vector.broadcast %broadcast_in_dim3A_213 : vector<1x64xf32> to vector<1024x64xf32>
    %add3A_215 = arith.addf %add3A_208, %add3A_214 : vector<1024x64xf32>
    %swap3A = arith.constant 0 : index
    %swap3A_216 = arith.constant 0 : index
    %swap3A_217 = vector.load %arg16[%swap3A, %swap3A_216] : memref<1024x64xf32, #tpu.memory_space<vmem>>, vector<1024x64xf32>
    tpu.vector_store %arg16[%swap3A, %swap3A_216], %add3A_215 {strides = array<i32>} : memref<1024x64xf32, #tpu.memory_space<vmem>>, vector<1024x64xf32>,
    return
  }
  func.func @transform_0(%arg0: i32) -> (i32, i32, i32) {
    %c0_i32 = arith.constant 0 : i32
    %c0_i32_0 = arith.constant 0 : i32
    %c0_i32_1 = arith.constant 0 : i32
    return %c0_i32, %arg0, %c0_i32_0 : i32, i32, i32
  }
  func.func @transform_1(%arg0: i32) -> (i32, i32, i32) {
    %c0_i32 = arith.constant 0 : i32
    %c0_i32_0 = arith.constant 0 : i32
    %c0_i32_1 = arith.constant 0 : i32
    return %c0_i32, %arg0, %c0_i32_0 : i32, i32, i32
  }
  func.func @transform_2(%arg0: i32) -> (i32, i32, i32) {
    %c0_i32 = arith.constant 0 : i32
    %c0_i32_0 = arith.constant 0 : i32
    %c0_i32_1 = arith.constant 0 : i32
    return %c0_i32, %arg0, %c0_i32_0 : i32, i32, i32
  }
  func.func @transform_3(%arg0: i32) -> (i32, i32, i32) {
    %c0_i32 = arith.constant 0 : i32
    %c0_i32_0 = arith.constant 0 : i32
    %c0_i32_1 = arith.constant 0 : i32
    %c0_i32_2 = arith.constant 0 : i32
    return %c0_i32, %c0_i32_0, %c0_i32_1 : i32, i32, i32
  }
  func.func @transform_4(%arg0: i32) -> (i32, i32, i32) {
    %c0_i32 = arith.constant 0 : i32
    %c0_i32_0 = arith.constant 0 : i32
    %c0_i32_1 = arith.constant 0 : i32
    %c0_i32_2 = arith.constant 0 : i32
    return %c0_i32, %c0_i32_0, %c0_i32_1 : i32, i32, i32
  }
  func.func @transform_5(%arg0: i32) -> (i32, i32, i32) {
    %c0_i32 = arith.constant 0 : i32
    %c0_i32_0 = arith.constant 0 : i32
    %c0_i32_1 = arith.constant 0 : i32
    %c0_i32_2 = arith.constant 0 : i32
    return %c0_i32, %c0_i32_0, %c0_i32_1 : i32, i32, i32
  }
  func.func @transform_6(%arg0: i32) -> (i32, i32) {
    %c0_i32 = arith.constant 0 : i32
    %c0_i32_0 = arith.constant 0 : i32
    %c0_i32_1 = arith.constant 0 : i32
    return %c0_i32, %c0_i32_0 : i32, i32
  }
  func.func @transform_7(%arg0: i32) -> (i32, i32) {
    %c0_i32 = arith.constant 0 : i32
    %c0_i32_0 = arith.constant 0 : i32
    %c0_i32_1 = arith.constant 0 : i32
    return %c0_i32, %c0_i32_0 : i32, i32
  }
  func.func @transform_8(%arg0: i32) -> (i32, i32) {
    %c0_i32 = arith.constant 0 : i32
    %c0_i32_0 = arith.constant 0 : i32
    %c0_i32_1 = arith.constant 0 : i32
    return %c0_i32, %c0_i32_0 : i32, i32
  }
  func.func @transform_9(%arg0: i32) -> (i32, i32) {
    %c0_i32 = arith.constant 0 : i32
    %c0_i32_0 = arith.constant 0 : i32
    %c0_i32_1 = arith.constant 0 : i32
    return %c0_i32, %c0_i32_0 : i32, i32
  }
  func.func @transform_10(%arg0: i32) -> (i32, i32) {
    %c0_i32 = arith.constant 0 : i32
    %c0_i32_0 = arith.constant 0 : i32
    %c0_i32_1 = arith.constant 0 : i32
    return %c0_i32, %c0_i32_0 : i32, i32
  }
  func.func @transform_11(%arg0: i32) -> (i32, i32) {
    %c0_i32 = arith.constant 0 : i32
    %c0_i32_0 = arith.constant 0 : i32
    %c0_i32_1 = arith.constant 0 : i32
    return %c0_i32, %c0_i32_0 : i32, i32
  }
  func.func @transform_12(%arg0: i32) -> (i32, i32) {
    %c0_i32 = arith.constant 0 : i32
    %c0_i32_0 = arith.constant 0 : i32
    %c0_i32_1 = arith.constant 0 : i32
    return %c0_i32, %c0_i32_0 : i32, i32
  }
  func.func @transform_13(%arg0: i32) -> (i32, i32) {
    %c0_i32 = arith.constant 0 : i32
    %c0_i32_0 = arith.constant 0 : i32
    %c0_i32_1 = arith.constant 0 : i32
    return %c0_i32, %c0_i32_0 : i32, i32
  }
  func.func @transform_14(%arg0: i32) -> (i32, i32) {
    %c0_i32 = arith.constant 0 : i32
    %c0_i32_0 = arith.constant 0 : i32
    %c0_i32_1 = arith.constant 0 : i32
    return %c0_i32, %c0_i32_0 : i32, i32
  }
  func.func @transform_15(%arg0: i32) -> (i32, i32) {
    %c0_i32 = arith.constant 0 : i32
    %c0_i32_0 = arith.constant 0 : i32
    return %arg0, %c0_i32 : i32, i32
  }
}

</mosaic_0001>

<sc_bundles>
// kernel: kernel.10.cloned.1.call-start
scs
__scs_entry_jumppad:
0x0: {  	(pc) =	sbr.rel $0x88, $3  }
0x1: {  	(tag) =	ssettag $0x0;
	lr =	simm.s32 $0x1  }
0x2: {  	[smem:$0x3F91] =	sst lr;
	_ =	strace $0xD0000000  }
0x3: {  	_ = 	snop  }
0x4: {  	_ = 	snop  }
0x5: {  	_ = 	snop  }
0x6: {  	_ = 	snop  }
0x7: {  	_ = 	snop  }
__scs_overlays_trampoline_lowered:
0x8: {  	[smem:$0x3FA0] =	sst s0  }
0x9: {  	[smem:$0x3FA1] =	sst s1  }
0xa: {  	[smem:$0x3FA2] =	sst s2  }
0xb: {  	[smem:$0x3FA3] =	sst s3  }
0xc: {  	[smem:$0x3FA4] =	sst s4  }
0xd: {  	[smem:$0x3FA5] =	sst s5  }
0xe: {  	[smem:$0x3FA6] =	sst s6  }
0xf: {  	[smem:$0x3FA7] =	sst s7  }
0x10: {  	[smem:$0x3FA8] =	sst s8  }
0x11: {  	[smem:$0x3FA9] =	sst s9;
	s0 =	simm.s32 @!p0 $0x0  }
0x12: {  	s1 =	sld [smem:$0x3F8F];
	s0 =	simm.s32 @p0 $0x1  }
0x13: {  	[smem:$0x3FAA] =	sst s0;
	s0 =	simm.s32 @!p1 $0x0  }
0x14: {  	s2 =	sld [smem:$0x3F8E];
	s0 =	simm.s32 @p1 $0x1  }
0x15: {  	[smem:$0x3FAB] =	sst s0;
	s0 =	simm.s32 @!p2 $0x0  }
0x16: {  	s3 =	sld [smem:$0x3FDB];
	s0 =	simm.s32 @p2 $0x1  }
0x17: {  	s4 =	simm.s32 $0x1BF5;
	[smem:$0x3FAD] =	sst s0  }
0x18: {  	s0 =	sld [smem:$0x3F90];
	_ =	swait.ge [sflag:s4], $0x0  }
0x19: {  	s7 =	sld [smem:$0x3F91]  }
0x1a: {  	s8 =	sadd.s32 $0xFFFFE003, lr  }
0x1b: {  	s9 =	sadd.s32 $0xFFFFFEF7, lr;
	s5 =	simm.s32 $0xFFFFFFFF;
	p2 =	slt.u32 s8, $0xFFFFF086  }
0x1c: {  	p1 =	slt.u32 s9, $0xF7A;
	s5 =	simm.s32 @!p2 $0x0  }
0x1d: {  	s5 =	simm.s32 @p1 $0x1;
	p0 =	seq.s32 s7, s2  }
0x1e: {  	s7 =	smul.u32 @!p0 $0xF7A, s2;
	p2 =	seq.s32 @!p0 s5, $0x0  }
0x1f: {  	s9 =	smul.u32 $0xF7A, s1;
	s8 =	simm.s32 @!p0 $0x1BF5;
	p2 =	por !p2, p0  }
0x20: {  	[sflag:s8] =	ssyncset.s32 @!p0 $0xFFFFF086;
	s6 =	sadd.s32 @!p0 s3, s7;
	s7 =	simm.s32 @!p0 $0x108  }
0x21: {  	s3 =	sadd.s32 s3, s9;
	s6 =	sadd.s32 @!p0 $0x88, s6;
	s7 =	simm.s32 @p2 $0x1082  }
0x22: {  	[simem:s7], [sflag:s8] =	dma.local @!p0 [hbm:s6], $0xF7A  }
0x23: {  	s9 =	sor.u32 $0xD0000000, s2;
	s6 =	simm.s32 $0x108;
	_ =	swait.ge @!p0 [sflag:s8], $0x0  }
0x24: {  	s3 =	sadd.s32 $0x88, s3;
	s6 =	simm.s32 @!p1 $0x1082;
	[sflag:s4] =	ssyncset.s32 $0xFFFFF086  }
0x25: {  	[simem:s6], [sflag:s4] =	dma.local [hbm:s3], $0xF7A  }
0x26: {  	[smem:$0x3F91] =	sst s1;
	(tag) =	ssettag s2;
	_ =	strace s9  }
0x27: {  	s1 =	sld [smem:$0x3FA1]  }
0x28: {  	s2 =	sld [smem:$0x3FA2]  }
0x29: {  	s4 =	sld [smem:$0x3FA4]  }
0x2a: {  	p0 =	seq.s32 s5, $0x0;
	s5 =	sld [smem:$0x3FA5]  }
0x2b: {  	s6 =	sld [smem:$0x3FA6]  }
0x2c: {  	s7 =	sld [smem:$0x3FA7]  }
0x2d: {  	s3 =	simm.s32 $0x108;
	s8 =	sld [smem:$0x3FA8]  }
0x2e: {  	s3 =	simm.s32 @!p0 $0x1082;
	s9 =	sld [smem:$0x3FA9]  }
0x2f: {  	lr =	sadd.s32 s0, s3;
	s0 =	sld [smem:$0x3FA0]  }
0x30: {  	s3 =	sld [smem:$0x3FA3]  }
0x31: {  	[smem:$0x3FAC] =	sst s10  }
0x32: {  	s10 =	sld [smem:$0x3FAA];
	_ =	sdelay $0x3  }
0x33: {  	p0 =	seq.s32 s10, $0x1;
	s10 =	sld [smem:$0x3FAC];
	_ =	sdelay $0x3  }
0x34: {  	[smem:$0x3FAC] =	sst s10  }
0x35: {  	s10 =	sld [smem:$0x3FAB];
	_ =	sdelay $0x3  }
0x36: {  	p1 =	seq.s32 s10, $0x1;
	s10 =	sld [smem:$0x3FAC];
	_ =	sdelay $0x3  }
0x37: {  	[smem:$0x3FAC] =	sst s10  }
0x38: {  	s10 =	sld [smem:$0x3FAD]  }
0x39: {  	_ = 	snop;
	(pc) =	sbr.ind lr, $3  }
0x3a: {  	_ = 	snop  }
0x3b: {  	_ = 	snop  }
0x3c: {  	p2 =	seq.s32 s10, $0x1;
	s10 =	sld [smem:$0x3FAC]  }
0x3d: {  	_ =	shalt  }
0x3e: {  	_ =	shalt  }
0x3f: {  	_ =	shalt  }
0x40: {  	_ =	shalt  }
0x41: {  	_ =	shalt  }
0x42: {  	_ =	shalt  }
0x43: {  	_ =	shalt  }
0x44: {  	_ =	shalt  }
0x45: {  	_ =	shalt  }
0x46: {  	_ =	shalt  }
0x47: {  	_ =	shalt  }
0x48: {  	_ =	shalt  }
0x49: {  	_ =	shalt  }
0x4a: {  	_ =	shalt  }
0x4b: {  	_ =	shalt  }
0x4c: {  	_ =	shalt  }
0x4d: {  	_ =	shalt  }
0x4e: {  	_ =	shalt  }
0x4f: {  	_ =	shalt  }
0x50: {  	_ =	shalt  }
0x51: {  	_ =	shalt  }
0x52: {  	_ =	shalt  }
0x53: {  	_ =	shalt  }
0x54: {  	_ =	shalt  }
0x55: {  	_ =	shalt  }
0x56: {  	_ =	shalt  }
0x57: {  	_ =	shalt  }
0x58: {  	_ =	shalt  }
0x59: {  	_ =	shalt  }
0x5a: {  	_ =	shalt  }
0x5b: {  	_ =	shalt  }
0x5c: {  	_ =	shalt  }
0x5d: {  	_ =	shalt  }
0x5e: {  	_ =	shalt  }
0x5f: {  	_ =	shalt  }
0x60: {  	_ =	shalt  }
0x61: {  	_ =	shalt  }
0x62: {  	_ =	shalt  }
0x63: {  	_ =	shalt  }
0x64: {  	_ =	shalt  }
0x65: {  	_ =	shalt  }
0x66: {  	_ =	shalt  }
0x67: {  	_ =	shalt  }
0x68: {  	_ =	shalt  }
0x69: {  	_ =	shalt  }
0x6a: {  	_ =	shalt  }
0x6b: {  	_ =	shalt  }
0x6c: {  	_ =	shalt  }
0x6d: {  	_ =	shalt  }
0x6e: {  	_ =	shalt  }
0x6f: {  	_ =	shalt  }
0x70: {  	_ =	shalt  }
0x71: {  	_ =	shalt  }
0x72: {  	_ =	shalt  }
0x73: {  	_ =	shalt  }
0x74: {  	_ =	shalt  }
0x75: {  	_ =	shalt  }
0x76: {  	_ =	shalt  }
0x77: {  	_ =	shalt  }
0x78: {  	_ =	shalt  }
0x79: {  	_ =	shalt  }
0x7a: {  	_ =	shalt  }
0x7b: {  	_ =	shalt  }
0x7c: {  	_ =	shalt  }
0x7d: {  	_ =	shalt  }
0x7e: {  	_ =	shalt  }
0x7f: {  	_ =	shalt  }
0x80: {  	_ =	shalt  }
0x81: {  	_ =	shalt  }
0x82: {  	_ =	shalt  }
0x83: {  	_ =	shalt  }
0x84: {  	_ =	shalt  }
0x85: {  	_ =	shalt  }
0x86: {  	_ =	shalt  }
0x87: {  	_ =	shalt  }
.Lfunc_end0:
.L_simem_size_0:
called_computation.1_lowered:
.L_overlay_start_0:
0x88: {  	s2 =	sld [smem:$0x3FD9]  }
0x89: {  	s3 =	sld [smem:$0x3FFE];
	_ =	sdelay $0x1  }
0x8a: {  	s1 =	srdreg.scid  }
0x8b: {  	s0 =	sand.u32 $0x1, s1  }
0x8c: {  	s16 =	sshll.u32 s0, $0xA;
	s2 =	sadd.s32 s3, s2  }
0x8d: {  	s2 =	sadd.s32 s2, s16  }
0x8e: {  	[smem:$0x3FB8] =	sst s2  }
0x8f: {  	_ = 	snop  }
0x90: {  	(tm) =	ssettm $0x1  }
0x91: {  	s17 =	sld [smem:$0x3FFB];
	_ =	sdelay $0x3  }
0x92: {  	_ =	strace s17  }
0x93: {  	s2 =	sld [smem:$0x3FFC];
	_ =	sdelay $0x3  }
0x94: {  	_ =	strace s2  }
0x95: {  	s2 =	sld [smem:$0x3FFD];
	_ =	sdelay $0x3  }
0x96: {  	_ =	strace s2  }
0x97: {  	_ =	strace $0x8FFFFFFF  }
0x98: {  	s18 =	sld [smem:$0x3FDB];
	_ =	sdelay $0x1  }
0x99: {  	s19 =	simm.s32 $_scs_section_size  }
0x9a: {  	s4 =	simm.s32 $_size__tile_overlayer_lowered;
	s5 =	simm.s32 $_tile_overlayer_lowered  }
0x9b: {  	s22 =	simm.s32 $0x1BFF;
	s21 =	sshll.u32 s5, $0x1;
	s2 =	sadd.s32 s19, s18  }
0x9c: {  	s6 =	simm.s32 $0x0;
	s20 =	sshll.u32 s4, $0x1;
	s4 =	sadd.s32 s21, s2  }
0x9d: {  	[timem:s6], [sflag:s22] =	dma.local [hbm:s4], s20  }
0x9e: {  	_ =	swait.ge [sflag:s22], s20  }
0x9f: {  	s3 =	ssub.s32 $0x0, s20;
	[sflag:s22] =	ssyncset.done $0x0  }
0xa0: {  	[sflag:s22] =	ssyncadd.s32 s3;
	_ =	sdelay $0x1  }
0xa1: {  	s23 =	simm.s32 $0x1B8B  }
0xa2: {  	_ =	swait.ge [sflag:s23], $0x1  }
0xa3: {  	[sflag:s23] =	ssyncset.done $0x0  }
0xa4: {  	s25 =	simm.s32 $0x1B8E;
	s24 =	sld [smem:$0x3FFE];
	[sflag:s23] =	ssyncadd.s32 $0xFFFFFFFF  }
0xa5: {  	s26 =	simm.s32 $execute0_lowered;
	[smem:$0x3FD2] =	sst s25  }
0xa6: {  	s4 =	sshll.u32 s26, $0x1;
	_ =	strace $0x80000049;
	[dreg:$0x1] =	wrdreg $0xFFFFFFFF  }
0xa7: {  	s28 =	simm.s32 $_size_execute0_lowered;
	s2 =	sadd.s32 s2, s4;
	[dreg:$0x0] =	wrdreg $0x0  }
0xa8: {  	s4 =	sshll.u32 s28, $0x1;
	[dreg:$0x2] =	wrdreg s2  }
0xa9: {  	[dreg:$0x3] =	wrdreg s4  }
0xaa: {  	[dreg:$0x4] =	wrdreg $0xC0  }
0xab: {  	_ =	task [dreg:s6], $0x5FFFF  }
0xac: {  	[dreg:$0x1] =	wrdreg $0xFFFFFFFF  }
0xad: {  	[dreg:$0x0] =	wrdreg $0x60  }
0xae: {  	[dreg:$0x2] =	wrdreg s24  }
0xaf: {  	[dreg:$0x3] =	wrdreg $0x93000  }
0xb0: {  	[dreg:$0x4] =	wrdreg $0x9  }
0xb1: {  	_ =	task.clear_ibuf [dreg:s6], $0x5FFFF;
	_ =	strace $0x90000049  }
0xb2: {  	s29 =	simm.s32 $0x9;
	_ =	strace $0x8000004B  }
0xb3: {  	_ =	swait.ge [sflag:s29], $0x1  }
0xb4: {  	[sflag:s29] =	ssyncadd.s32 $0xFFFFFFFF  }
0xb5: {  	_ =	strace $0x9000004B  }
0xb6: {  	_ =	sfence  }
0xb7: {  	s30 =	sld [smem:$0x0];
	_ =	sdelay $0x2  }
0xb8: {  	s31 =	sshll.u32 s1, $0xD;
	s1 =	sshrl.u32 s1, $0x2  }
0xb9: {  	s3 =	sand.u32 $0x4000, s31;
	s1 =	sadd.s32 s1, s30  }
0xba: {  	s0 =	sor.u32 s3, s0;
	s1 =	sshll.u32 s1, $0x11  }
0xbb: {  	s0 =	sor.u32 s1, s0  }
0xbc: {  	s0 =	sadd.s32 $0x8F2B, s0  }
0xbd: {  	[sflag:s0] =	ssyncadd.remote.s32 $0x1  }
0xbe: {  	_ =	sfence.sel $0xFFFF  }
0xbf: {  	[dreg:$0x0] =	wrdreg $0xFFFFFFFF;
	(pc) =	sbr.abs _section_cstart, $3  }
0xc0: {  	[dreg:$0x1] =	wrdreg $0xFFFFFFFF  }
0xc1: {  	_ =	task.clear_ibuf [dreg:s6], $0x2FFFF;
	_ =	strace $0x9FFFFFFF  }
0xc2: {  	(tm) =	ssettm $0x7FFFFFFF  }
0xc3: {  	_ =	shalt  }
tec
execute0_lowered:
.L_overlay_start_1:
0x0: {  	(tag) =	ssettag $0x1  }
0x1: {  	s0 =	rddreg [dreg:$0x0]  }
0x2: {  	s1 =	rddreg [dreg:$0x1];
	s2 =	srdreg.scid;
	s3 =	simm.s32 $0x0  }
0x3: {  	s10 =	stileid.u32;
	s28 =	simm.s32 $0x5000;
	s29 =	simm.s32 $0x3  }
0x4: {  	s31 =	simm.s32 $0x4;
	s12 =	simm.s32 $0xE80;
	s5 =	smul.u32 $0x14000, s10  }
0x5: {  	s13 =	simm.s32 $0x780;
	s2 =	sand.u32 $0x1, s2;
	s9 =	smul.u32 $0x5000, s10  }
0x6: {  	[smem:$0x7FF] =	sst s3;
	s6 =	sadd.s32 $0x18C00, s0;
	s4 =	smul.u32 $0x140000, s2  }
0x7: {  	s7 =	sadd.s32 $0x4C00, s0;
	s14 =	smul.u32 $0x50000, s2;
	s2 =	ssub.s32 $0x2, s2  }
0x8: {  	s16 =	smul.u32 $0x50000, s10;
	_ =	strace $0x8000004A;
	s15 =	sshrl.u32 s2, $0x1  }
0x9: {  	s4 =	sadd.s32 s5, s4;
	s5 =	sadd.s32 s9, s14;
	s2 =	ssub.s32 s2, s15  }
0xa: {  	s9 =	sshrl.u32 s16, $0x2;
	s15 =	simm.s32 $0x2;
	s14 =	simm.s32 $0xF00  }
0xb: {  	s8 =	sshrl.u32 s4, $0x3;
	s4 =	sadd.s32 $0x2CC00, s0;
	s17 =	sshrl.u32 s5, $0x3  }
0xc: {  	s18 =	sor.u32 $0x400, s5;
	s20 =	sadd.s32 s9, s1;
	s25 =	sor.u32 $0xC00, s5  }
0xd: {  	s5 =	sor.u32 $0x800, s5;
	s2 =	smax.u32 s2, $0x1;
	s9 =	simm.s32 $0x680  }
0xe: {  	s0 =	sadd.s32 s8, s0;
	s11 =	sadd.s32 s6, s17;
	[dreg:$0x6] =	wrdreg s20  }
0xf: {  	s10 =	sshrl.u32 s18, $0x3;
	s8 =	sadd.s32 s7, s17;
	[dreg:$0xd] =	wrdreg s2  }
0x10: {  	s22 =	sadd.s32 $0x4000, s20;
	s23 =	sadd.s32 $0x8000, s20;
	[dreg:$0x3] =	wrdreg s11  }
0x11: {  	s24 =	sadd.s32 $0xC000, s20;
	s26 =	sshrl.u32 s25, $0x3;
	[dreg:$0x4] =	wrdreg s8  }
0x12: {  	s30 =	sshrl.u32 s5, $0x3;
	s25 =	simm.s32 $0x1;
	[dreg:$0x8] =	wrdreg s22  }
0x13: {  	s5 =	simm.s32 $0xD00;
	s2 =	simm.s32 $0x0;
	[dreg:$0x9] =	wrdreg s23  }
0x14: {  	s19 =	sadd.s32 s6, s10;
	s21 =	sadd.s32 s7, s10;
	[dreg:$0xa] =	wrdreg s24  }
0x15: {  	s8 =	sadd.s32 $0x10000, s20;
	s0 =	sadd.s32 $0x7AE00, s0;
	s16 =	sadd.s32 s26, s7  }
0x16: {  	s17 =	sadd.s32 s26, s6;
	s18 =	sadd.s32 s30, s7;
	s22 =	simm.s32 $0xC00  }
.Ltmp0:
0x17: {  	s23 =	simm.s32 $0x1000;
	[dreg:$0x5] =	wrdreg s19;
	(pc) =	sbr.rel .LBB2_1-.Ltmp0, $4  }
0x18: {  	s24 =	simm.s32 $0x5;
	s26 =	simm.s32 $0x80;
	[dreg:$0x7] =	wrdreg s21  }
0x19: {  	s7 =	simm.s32 $0xD80;
	s10 =	simm.s32 $0xE00;
	[dreg:$0xb] =	wrdreg s8  }
0x1a: {  	s11 =	simm.s32 $0x700;
	[dreg:$0xc] =	wrdreg s0;
	s19 =	sadd.s32 s30, s6  }
0x1b: {  	v0 =	vimm.f32 $0.0e+00;
	v1 =	vimm.f32 $1.000000000e+00;
	s21 =	simm.s32 $0x400;
	s6 =	simm.s32 $0x600;
	s8 =	simm.s32 $0xF80  }
.LBB2_6:
0x1c: {  	_ =	swait.ge [sflag:s31], $0x4000  }
0x1d: {  	[sflag:s31] =	ssyncset.done $0x0  }
0x1e: {  	[sflag:s31] =	ssyncadd.s32 $0xFFFFC000  }
0x1f: {  	[spmem:s1] =	stream.indirect.scatter.add.f32 [tilespmem:s28], [sflag:$0x5], $0x80, s8, s26, $0xb8;
	[tilespmem:$0x1D300] =	vst v63  }
0x20: {  	_ =	swait.ge [sflag:s24], $0x4000  }
0x21: {  	[sflag:s24] =	ssyncset.done $0x0  }
0x22: {  	[sflag:s24] =	ssyncadd.s32 $0xFFFFC000  }
0x23: {  	s0 =	stileid.u32;
	[bflag:$0x0] =	sbarrier.arrive $0xFFFF  }
0x24: {  	s0 =	sshll.u32 s0, $0x6;
	s2 =	rddreg [dreg:$0x6]  }
0x25: {  	s0 =	sor.u32 $0x1C05, s0;
	s20 =	rddreg [dreg:$0xc];
	s2 =	sshrl.u32 s2, $0x3  }
0x26: {  	[hbm:s20], [sflag:s0] =	dma.local [spmem:s2], $0x2800  }
0x27: {  	_ =	swait.ge [sflag:s24], $0x2800  }
0x28: {  	s20 =	rddreg [dreg:$0xe]  }
0x29: {  	s30 =	rddreg [dreg:$0xd];
	s2 =	sadd.s32 $0x1, s20  }
0x2a: {  	p0 =	sne.s32 s2, s30  }
.Ltmp1:
0x2b: {  	_ = 	snop;
	(pc) =	sbr.rel @!p0 .LBB2_7-.Ltmp1, $3  }
0x2c: {  	_ =	sdelay $0x1  }
0x2d: {  	[sflag:s24] =	ssyncset.done $0x0  }
0x2e: {  	[sflag:s24] =	ssyncadd.s32 $0xFFFFD800  }
.LBB2_1:
0x2f: {  	[dreg:$0xe] =	wrdreg s2  }
0x30: {  	s0 =	rddreg [dreg:$0x3]  }
0x31: {  	[tilespmem:s3], [sflag:$0x1] =	stream.linear.gather [hbm4b:s0+s3], $0x400, $0x38;
	[tilespmem:$0x1D300] =	vst v63  }
0x32: {  	s2 =	rddreg [dreg:$0x4];
	s20 =	simm.s32 $0x800  }
0x33: {  	[tilespmem:s20], [sflag:$0x1] =	stream.linear.gather [hbm4b:s2+s3], $0x400, $0x38;
	[tilespmem:$0x1D300] =	vst v63  }
0x34: {  	s2 =	rddreg [dreg:$0x5]  }
0x35: {  	[tilespmem:s21], [sflag:$0x2] =	stream.linear.gather [hbm4b:s2+s3], $0x400, $0x38;
	[tilespmem:$0x1D300] =	vst v63  }
0x36: {  	s20 =	rddreg [dreg:$0x7]  }
0x37: {  	[tilespmem:s22], [sflag:$0x2] =	stream.linear.gather [hbm4b:s20+s3], $0x400, $0x38;
	[tilespmem:$0x1D300] =	vst v63  }
0x38: {  	s30 =	simm.s32 $0x0;
	s20 =	simm.s32 $0x200  }
.LBB2_2:
0x39: {  	p0 =	sne.s32 s20, $0xFE00;
	[tilespmem:s30+$0x1070] =	vst v0  }
0x3a: {  	[tilespmem:s30+$0x1000] =	vst v0  }
0x3b: {  	[tilespmem:s30+$0x1010] =	vst v0  }
.Ltmp2:
0x3c: {  	[tilespmem:s30+$0x1020] =	vst v0;
	(pc) =	sbr.rel @p0 .LBB2_2-.Ltmp2, $4  }
0x3d: {  	[tilespmem:s30+$0x1030] =	vst v0  }
0x3e: {  	[tilespmem:s30+$0x1040] =	vst v0  }
0x3f: {  	[tilespmem:s30+$0x1050] =	vst v0  }
0x40: {  	[tilespmem:s30+$0x1060] =	vst v0;
	s30 =	sshra.s32 s20, $0x2;
	s20 =	sadd.s32 $0x200, s20  }
0x41: {  	[tilespmem:s30+$0x1070] =	vst v0  }
0x42: {  	[tilespmem:s30+$0x1000] =	vst v0  }
0x43: {  	[tilespmem:s30+$0x1010] =	vst v0  }
0x44: {  	[tilespmem:s30+$0x1020] =	vst v0  }
0x45: {  	[tilespmem:s30+$0x1030] =	vst v0  }
0x46: {  	[tilespmem:s30+$0x1040] =	vst v0  }
0x47: {  	[tilespmem:s30+$0x1050] =	vst v0  }
0x48: {  	[tilespmem:s30+$0x1060] =	vst v0  }
0x49: {  	[tilespmem:$0x9000] =	vst v1  }
0x4a: {  	[tilespmem:$0x9010] =	vst v1  }
0x4b: {  	[tilespmem:$0x9020] =	vst v1  }
0x4c: {  	[tilespmem:$0x9030] =	vst v1  }
0x4d: {  	[tilespmem:$0x9040] =	vst v1  }
0x4e: {  	[tilespmem:$0x9050] =	vst v1  }
0x4f: {  	[tilespmem:$0x9060] =	vst v1  }
0x50: {  	[tilespmem:$0x9070] =	vst v1  }
0x51: {  	[tilespmem:$0x9080] =	vst v0  }
0x52: {  	[tilespmem:$0x9090] =	vst v0  }
0x53: {  	[tilespmem:$0x90A0] =	vst v0  }
0x54: {  	[tilespmem:$0x90B0] =	vst v0  }
0x55: {  	[tilespmem:$0x90C0] =	vst v0  }
0x56: {  	[tilespmem:$0x90D0] =	vst v0  }
0x57: {  	[tilespmem:$0x90E0] =	vst v0  }
0x58: {  	[tilespmem:$0x90F0] =	vst v0  }
0x59: {  	[tilespmem:$0x9100] =	vst v0  }
0x5a: {  	[tilespmem:$0x9110] =	vst v0  }
0x5b: {  	[tilespmem:$0x9120] =	vst v0  }
0x5c: {  	[tilespmem:$0x9130] =	vst v0  }
0x5d: {  	[tilespmem:$0x9140] =	vst v0  }
0x5e: {  	[tilespmem:$0x9150] =	vst v0  }
0x5f: {  	[tilespmem:$0x9160] =	vst v0  }
0x60: {  	[tilespmem:$0x9170] =	vst v0  }
0x61: {  	[tilespmem:$0x9180] =	vst v0  }
0x62: {  	[tilespmem:$0x9190] =	vst v0  }
0x63: {  	[tilespmem:$0x91A0] =	vst v0  }
0x64: {  	[tilespmem:$0x91B0] =	vst v0  }
0x65: {  	[tilespmem:$0x91C0] =	vst v0  }
0x66: {  	[tilespmem:$0x91D0] =	vst v0  }
0x67: {  	[tilespmem:$0x91E0] =	vst v0  }
0x68: {  	[tilespmem:$0x91F0] =	vst v0  }
0x69: {  	[tilespmem:$0x9200] =	vst v0  }
0x6a: {  	[tilespmem:$0x9210] =	vst v0  }
0x6b: {  	[tilespmem:$0x9220] =	vst v0  }
0x6c: {  	[tilespmem:$0x9230] =	vst v0  }
0x6d: {  	[tilespmem:$0x9240] =	vst v0  }
0x6e: {  	[tilespmem:$0x9250] =	vst v0  }
0x6f: {  	[tilespmem:$0x9260] =	vst v0  }
0x70: {  	[tilespmem:$0x9270] =	vst v0  }
0x71: {  	[tilespmem:$0x9280] =	vst v0  }
0x72: {  	[tilespmem:$0x9290] =	vst v0  }
0x73: {  	[tilespmem:$0x92A0] =	vst v0  }
0x74: {  	[tilespmem:$0x92B0] =	vst v0  }
0x75: {  	[tilespmem:$0x92C0] =	vst v0  }
0x76: {  	[tilespmem:$0x92D0] =	vst v0  }
0x77: {  	[tilespmem:$0x92E0] =	vst v0  }
0x78: {  	s0 =	rddreg [dreg:$0x6];
	[tilespmem:$0x92F0] =	vst v0  }
0x79: {  	[spmem:s0] =	stream.linear.scatter [tilespmem:s23], [sflag:$0x5], $0x4000, $0x38;
	[tilespmem:$0x1D300] =	vst v63  }
0x7a: {  	_ =	swait.ge [sflag:s24], $0x4000  }
0x7b: {  	[sflag:s24] =	ssyncset.done $0x0  }
0x7c: {  	s2 =	rddreg [dreg:$0x8];
	[sflag:s24] =	ssyncadd.s32 $0xFFFFC000  }
0x7d: {  	[spmem:s2] =	stream.linear.scatter [tilespmem:s23], [sflag:$0x5], $0x4000, $0x38;
	[tilespmem:$0x1D300] =	vst v63  }
0x7e: {  	_ =	swait.ge [sflag:s24], $0x4000  }
0x7f: {  	[sflag:s24] =	ssyncset.done $0x0  }
0x80: {  	s20 =	rddreg [dreg:$0x9];
	[sflag:s24] =	ssyncadd.s32 $0xFFFFC000  }
0x81: {  	[spmem:s20] =	stream.linear.scatter [tilespmem:s23], [sflag:$0x5], $0x4000, $0x38;
	[tilespmem:$0x1D300] =	vst v63  }
0x82: {  	_ =	swait.ge [sflag:s24], $0x4000  }
0x83: {  	[sflag:s24] =	ssyncset.done $0x0  }
0x84: {  	s2 =	rddreg [dreg:$0xa];
	[sflag:s24] =	ssyncadd.s32 $0xFFFFC000  }
0x85: {  	[spmem:s2] =	stream.linear.scatter [tilespmem:s23], [sflag:$0x5], $0x4000, $0x38;
	[tilespmem:$0x1D300] =	vst v63  }
0x86: {  	_ =	swait.ge [sflag:s24], $0x4000  }
0x87: {  	[sflag:s24] =	ssyncset.done $0x0  }
0x88: {  	s20 =	rddreg [dreg:$0xb];
	[sflag:s24] =	ssyncadd.s32 $0xFFFFC000  }
0x89: {  	[spmem:s20] =	stream.linear.scatter [tilespmem:s23], [sflag:$0x5], $0x4000, $0x38;
	[tilespmem:$0x1D300] =	vst v63  }
0x8a: {  	_ =	swait.ge [sflag:s24], $0x4000  }
0x8b: {  	[sflag:s24] =	ssyncset.done $0x0  }
0x8c: {  	[sflag:s24] =	ssyncadd.s32 $0xFFFFC000  }
0x8d: {  	[bflag:$0x0] =	sbarrier.arrive $0xFFFF  }
0x8e: {  	_ =	swait.ge [sflag:s25], $0x400  }
0x8f: {  	[sflag:s25] =	ssyncset.done $0x0  }
0x90: {  	[sflag:s25] =	ssyncadd.s32 $0xFFFFFC00  }
0x91: {  	_ =	swait.ge [sflag:s25], $0x400  }
0x92: {  	[sflag:s25] =	ssyncset.done $0x0  }
0x93: {  	s30 =	simm.s32 $0x0;
	[sflag:s25] =	ssyncadd.s32 $0xFFFFFC00  }
0x94: {  	[tilespmem:s23], [sflag:$0x3] =	stream.indirect.gather [hbm4b:s4+s26], $0x80, s30, s26, $0xb8;
	[tilespmem:$0x1D300] =	vst v63  }
0x95: {  	_ = 	snop  }
0x96: {  	[tilespmem:s28], [sflag:$0x4] =	stream.indirect.gather [hbm4b:s4+s26], $0x80, s26, s26, $0xb8;
	[tilespmem:$0x1D300] =	vst v63  }
.LBB2_4:
0x97: {  	_ =	swait.ge [sflag:s29], $0x4000  }
0x98: {  	[sflag:s29] =	ssyncset.done $0x0  }
0x99: {  	s0 =	simm.s32 $0x800;
	[sflag:s29] =	ssyncadd.s32 $0xFFFFC000  }
0x9a: {  	[spmem:s1] =	stream.indirect.scatter.add.f32 [tilespmem:s23], [sflag:$0x5], $0x80, s0, s26, $0xb8;
	[tilespmem:$0x1D300] =	vst v63  }
0x9b: {  	_ =	swait.ge [sflag:s24], $0x4000  }
0x9c: {  	[sflag:s24] =	ssyncset.done $0x0  }
0x9d: {  	s20 =	simm.s32 $0x100;
	[sflag:s24] =	ssyncadd.s32 $0xFFFFC000  }
0x9e: {  	[tilespmem:s23], [sflag:$0x3] =	stream.indirect.gather [hbm4b:s4+s26], $0x80, s20, s26, $0xb8;
	[tilespmem:$0x1D300] =	vst v63  }
0x9f: {  	_ =	swait.ge [sflag:s31], $0x4000  }
0xa0: {  	[sflag:s31] =	ssyncset.done $0x0  }
0xa1: {  	s2 =	simm.s32 $0x880;
	[sflag:s31] =	ssyncadd.s32 $0xFFFFC000  }
0xa2: {  	[spmem:s1] =	stream.indirect.scatter.add.f32 [tilespmem:s28], [sflag:$0x5], $0x80, s2, s26, $0xb8;
	[tilespmem:$0x1D300] =	vst v63  }
0xa3: {  	_ =	swait.ge [sflag:s24], $0x4000  }
0xa4: {  	[sflag:s24] =	ssyncset.done $0x0  }
0xa5: {  	s20 =	simm.s32 $0x180;
	[sflag:s24] =	ssyncadd.s32 $0xFFFFC000  }
0xa6: {  	[tilespmem:s28], [sflag:$0x4] =	stream.indirect.gather [hbm4b:s4+s26], $0x80, s20, s26, $0xb8;
	[tilespmem:$0x1D300] =	vst v63  }
0xa7: {  	_ =	swait.ge [sflag:s29], $0x4000  }
0xa8: {  	[sflag:s29] =	ssyncset.done $0x0  }
0xa9: {  	s2 =	simm.s32 $0x900;
	[sflag:s29] =	ssyncadd.s32 $0xFFFFC000  }
0xaa: {  	[spmem:s1] =	stream.indirect.scatter.add.f32 [tilespmem:s23], [sflag:$0x5], $0x80, s2, s26, $0xb8;
	[tilespmem:$0x1D300] =	vst v63  }
0xab: {  	_ =	swait.ge [sflag:s24], $0x4000  }
0xac: {  	[sflag:s24] =	ssyncset.done $0x0  }
0xad: {  	s20 =	simm.s32 $0x200;
	[sflag:s24] =	ssyncadd.s32 $0xFFFFC000  }
0xae: {  	[tilespmem:s23], [sflag:$0x3] =	stream.indirect.gather [hbm4b:s4+s26], $0x80, s20, s26, $0xb8;
	[tilespmem:$0x1D300] =	vst v63  }
0xaf: {  	_ =	swait.ge [sflag:s31], $0x4000  }
0xb0: {  	[sflag:s31] =	ssyncset.done $0x0  }
0xb1: {  	s2 =	simm.s32 $0x980;
	[sflag:s31] =	ssyncadd.s32 $0xFFFFC000  }
0xb2: {  	[spmem:s1] =	stream.indirect.scatter.add.f32 [tilespmem:s28], [sflag:$0x5], $0x80, s2, s26, $0xb8;
	[tilespmem:$0x1D300] =	vst v63  }
0xb3: {  	_ =	swait.ge [sflag:s24], $0x4000  }
0xb4: {  	[sflag:s24] =	ssyncset.done $0x0  }
0xb5: {  	s20 =	simm.s32 $0x280;
	[sflag:s24] =	ssyncadd.s32 $0xFFFFC000  }
0xb6: {  	[tilespmem:s28], [sflag:$0x4] =	stream.indirect.gather [hbm4b:s4+s26], $0x80, s20, s26, $0xb8;
	[tilespmem:$0x1D300] =	vst v63  }
0xb7: {  	_ =	swait.ge [sflag:s29], $0x4000  }
0xb8: {  	[sflag:s29] =	ssyncset.done $0x0  }
0xb9: {  	s2 =	simm.s32 $0xA00;
	[sflag:s29] =	ssyncadd.s32 $0xFFFFC000  }
0xba: {  	[spmem:s1] =	stream.indirect.scatter.add.f32 [tilespmem:s23], [sflag:$0x5], $0x80, s2, s26, $0xb8;
	[tilespmem:$0x1D300] =	vst v63  }
0xbb: {  	_ =	swait.ge [sflag:s24], $0x4000  }
0xbc: {  	[sflag:s24] =	ssyncset.done $0x0  }
0xbd: {  	s20 =	simm.s32 $0x300;
	[sflag:s24] =	ssyncadd.s32 $0xFFFFC000  }
0xbe: {  	[tilespmem:s23], [sflag:$0x3] =	stream.indirect.gather [hbm4b:s4+s26], $0x80, s20, s26, $0xb8;
	[tilespmem:$0x1D300] =	vst v63  }
0xbf: {  	_ =	swait.ge [sflag:s31], $0x4000  }
0xc0: {  	[sflag:s31] =	ssyncset.done $0x0  }
0xc1: {  	s2 =	simm.s32 $0xA80;
	[sflag:s31] =	ssyncadd.s32 $0xFFFFC000  }
0xc2: {  	[spmem:s1] =	stream.indirect.scatter.add.f32 [tilespmem:s28], [sflag:$0x5], $0x80, s2, s26, $0xb8;
	[tilespmem:$0x1D300] =	vst v63  }
0xc3: {  	_ =	swait.ge [sflag:s24], $0x4000  }
0xc4: {  	[sflag:s24] =	ssyncset.done $0x0  }
0xc5: {  	s20 =	simm.s32 $0x380;
	[sflag:s24] =	ssyncadd.s32 $0xFFFFC000  }
0xc6: {  	[tilespmem:s28], [sflag:$0x4] =	stream.indirect.gather [hbm4b:s4+s26], $0x80, s20, s26, $0xb8;
	[tilespmem:$0x1D300] =	vst v63  }
0xc7: {  	_ =	swait.ge [sflag:s29], $0x4000  }
0xc8: {  	[sflag:s29] =	ssyncset.done $0x0  }
0xc9: {  	s2 =	simm.s32 $0xB00;
	[sflag:s29] =	ssyncadd.s32 $0xFFFFC000  }
0xca: {  	[spmem:s1] =	stream.indirect.scatter.add.f32 [tilespmem:s23], [sflag:$0x5], $0x80, s2, s26, $0xb8;
	[tilespmem:$0x1D300] =	vst v63  }
0xcb: {  	_ =	swait.ge [sflag:s24], $0x4000  }
0xcc: {  	[sflag:s24] =	ssyncset.done $0x0  }
0xcd: {  	[sflag:s24] =	ssyncadd.s32 $0xFFFFC000  }
0xce: {  	_ =	swait.ge [sflag:s15], $0x400  }
0xcf: {  	[sflag:s15] =	ssyncset.done $0x0  }
0xd0: {  	[sflag:s15] =	ssyncadd.s32 $0xFFFFFC00  }
0xd1: {  	_ =	swait.ge [sflag:s15], $0x400  }
0xd2: {  	[sflag:s15] =	ssyncset.done $0x0  }
0xd3: {  	[sflag:s15] =	ssyncadd.s32 $0xFFFFFC00  }
0xd4: {  	[tilespmem:s23], [sflag:$0x3] =	stream.indirect.gather [hbm4b:s4+s26], $0x80, s21, s26, $0xb8;
	[tilespmem:$0x1D300] =	vst v63  }
0xd5: {  	_ =	swait.ge [sflag:s31], $0x4000  }
0xd6: {  	[sflag:s31] =	ssyncset.done $0x0  }
0xd7: {  	s20 =	simm.s32 $0xB80;
	[sflag:s31] =	ssyncadd.s32 $0xFFFFC000  }
0xd8: {  	[spmem:s1] =	stream.indirect.scatter.add.f32 [tilespmem:s28], [sflag:$0x5], $0x80, s20, s26, $0xb8;
	[tilespmem:$0x1D300] =	vst v63  }
0xd9: {  	_ =	swait.ge [sflag:s24], $0x4000  }
0xda: {  	[sflag:s24] =	ssyncset.done $0x0  }
0xdb: {  	p0 =	seq.s32 s30, $0x900;
	s2 =	simm.s32 $0x480;
	[sflag:s24] =	ssyncadd.s32 $0xFFFFC000  }
0xdc: {  	[tilespmem:s28], [sflag:$0x4] =	stream.indirect.gather [hbm4b:s4+s26], $0x80, s2, s26, $0xb8;
	[tilespmem:$0x1D300] =	vst v63  }
0xdd: {  	s0 =	simm.s32 @!p0 $0x0;
	s20 =	sadd.s32 @!p0 s30, s19  }
0xde: {  	[tilespmem:s0], [sflag:$0x1] =	stream.linear.gather @!p0 [hbm4b:s20+s0], $0x400, $0x38;
	[tilespmem:$0x1D300] =	vst v63  }
0xdf: {  	s2 =	simm.s32 @!p0 $0x800;
	s20 =	sadd.s32 @!p0 s30, s18  }
0xe0: {  	[tilespmem:s2], [sflag:$0x1] =	stream.linear.gather @!p0 [hbm4b:s20+s0], $0x400, $0x38;
	[tilespmem:$0x1D300] =	vst v63  }
0xe1: {  	_ =	swait.ge [sflag:s29], $0x4000  }
0xe2: {  	[sflag:s29] =	ssyncset.done $0x0  }
0xe3: {  	[sflag:s29] =	ssyncadd.s32 $0xFFFFC000  }
0xe4: {  	[spmem:s1] =	stream.indirect.scatter.add.f32 [tilespmem:s23], [sflag:$0x5], $0x80, s22, s26, $0xb8;
	[tilespmem:$0x1D300] =	vst v63  }
0xe5: {  	_ =	swait.ge [sflag:s24], $0x4000  }
0xe6: {  	[sflag:s24] =	ssyncset.done $0x0  }
0xe7: {  	s20 =	simm.s32 $0x500;
	[sflag:s24] =	ssyncadd.s32 $0xFFFFC000  }
0xe8: {  	[tilespmem:s23], [sflag:$0x3] =	stream.indirect.gather [hbm4b:s4+s26], $0x80, s20, s26, $0xb8;
	[tilespmem:$0x1D300] =	vst v63  }
0xe9: {  	_ =	swait.ge [sflag:s31], $0x4000  }
0xea: {  	[sflag:s31] =	ssyncset.done $0x0  }
0xeb: {  	s2 =	simm.s32 $0xC80;
	[sflag:s31] =	ssyncadd.s32 $0xFFFFC000  }
0xec: {  	[spmem:s1] =	stream.indirect.scatter.add.f32 [tilespmem:s28], [sflag:$0x5], $0x80, s2, s26, $0xb8;
	[tilespmem:$0x1D300] =	vst v63  }
0xed: {  	_ =	swait.ge [sflag:s24], $0x4000  }
0xee: {  	[sflag:s24] =	ssyncset.done $0x0  }
0xef: {  	s20 =	simm.s32 $0x580;
	[sflag:s24] =	ssyncadd.s32 $0xFFFFC000  }
0xf0: {  	[tilespmem:s28], [sflag:$0x4] =	stream.indirect.gather [hbm4b:s4+s26], $0x80, s20, s26, $0xb8;
	[tilespmem:$0x1D300] =	vst v63  }
0xf1: {  	_ =	swait.ge [sflag:s29], $0x4000  }
0xf2: {  	[sflag:s29] =	ssyncset.done $0x0  }
0xf3: {  	[sflag:s29] =	ssyncadd.s32 $0xFFFFC000  }
0xf4: {  	[spmem:s1] =	stream.indirect.scatter.add.f32 [tilespmem:s23], [sflag:$0x5], $0x80, s5, s26, $0xb8;
	[tilespmem:$0x1D300] =	vst v63  }
0xf5: {  	_ =	swait.ge [sflag:s24], $0x4000  }
0xf6: {  	[sflag:s24] =	ssyncset.done $0x0  }
0xf7: {  	[sflag:s24] =	ssyncadd.s32 $0xFFFFC000  }
0xf8: {  	[tilespmem:s23], [sflag:$0x3] =	stream.indirect.gather [hbm4b:s4+s26], $0x80, s6, s26, $0xb8;
	[tilespmem:$0x1D300] =	vst v63  }
0xf9: {  	_ =	swait.ge [sflag:s31], $0x4000  }
0xfa: {  	[sflag:s31] =	ssyncset.done $0x0  }
0xfb: {  	[sflag:s31] =	ssyncadd.s32 $0xFFFFC000  }
0xfc: {  	[spmem:s1] =	stream.indirect.scatter.add.f32 [tilespmem:s28], [sflag:$0x5], $0x80, s7, s26, $0xb8;
	[tilespmem:$0x1D300] =	vst v63  }
0xfd: {  	_ =	swait.ge [sflag:s24], $0x4000  }
0xfe: {  	[sflag:s24] =	ssyncset.done $0x0  }
0xff: {  	[sflag:s24] =	ssyncadd.s32 $0xFFFFC000  }
0x100: {  	[tilespmem:s28], [sflag:$0x4] =	stream.indirect.gather [hbm4b:s4+s26], $0x80, s9, s26, $0xb8;
	[tilespmem:$0x1D300] =	vst v63  }
0x101: {  	_ =	swait.ge [sflag:s29], $0x4000  }
0x102: {  	[sflag:s29] =	ssyncset.done $0x0  }
0x103: {  	[sflag:s29] =	ssyncadd.s32 $0xFFFFC000  }
0x104: {  	[spmem:s1] =	stream.indirect.scatter.add.f32 [tilespmem:s23], [sflag:$0x5], $0x80, s10, s26, $0xb8;
	[tilespmem:$0x1D300] =	vst v63  }
0x105: {  	_ =	swait.ge [sflag:s24], $0x4000  }
0x106: {  	[sflag:s24] =	ssyncset.done $0x0  }
0x107: {  	[sflag:s24] =	ssyncadd.s32 $0xFFFFC000  }
0x108: {  	[tilespmem:s23], [sflag:$0x3] =	stream.indirect.gather [hbm4b:s4+s26], $0x80, s11, s26, $0xb8;
	[tilespmem:$0x1D300] =	vst v63  }
0x109: {  	_ =	swait.ge [sflag:s31], $0x4000  }
0x10a: {  	[sflag:s31] =	ssyncset.done $0x0  }
0x10b: {  	[sflag:s31] =	ssyncadd.s32 $0xFFFFC000  }
0x10c: {  	[spmem:s1] =	stream.indirect.scatter.add.f32 [tilespmem:s28], [sflag:$0x5], $0x80, s12, s26, $0xb8;
	[tilespmem:$0x1D300] =	vst v63  }
0x10d: {  	_ =	swait.ge [sflag:s24], $0x4000  }
0x10e: {  	[sflag:s24] =	ssyncset.done $0x0  }
0x10f: {  	[sflag:s24] =	ssyncadd.s32 $0xFFFFC000  }
0x110: {  	[tilespmem:s28], [sflag:$0x4] =	stream.indirect.gather [hbm4b:s4+s26], $0x80, s13, s26, $0xb8;
	[tilespmem:$0x1D300] =	vst v63  }
0x111: {  	_ =	swait.ge [sflag:s29], $0x4000  }
0x112: {  	[sflag:s29] =	ssyncset.done $0x0  }
.Ltmp3:
0x113: {  	[sflag:s29] =	ssyncadd.s32 $0xFFFFC000;
	(pc) =	sbr.rel @p0 .LBB2_6-.Ltmp3, $4  }
0x114: {  	[spmem:s1] =	stream.indirect.scatter.add.f32 [tilespmem:s23], [sflag:$0x5], $0x80, s14, s26, $0xb8;
	[tilespmem:$0x1D300] =	vst v63  }
0x115: {  	_ =	swait.ge [sflag:s24], $0x4000  }
0x116: {  	[sflag:s24] =	ssyncset.done $0x0  }
0x117: {  	[sflag:s24] =	ssyncadd.s32 $0xFFFFC000  }
0x118: {  	_ =	swait.ge [sflag:s25], $0x400  }
0x119: {  	[sflag:s25] =	ssyncset.done $0x0  }
0x11a: {  	[sflag:s25] =	ssyncadd.s32 $0xFFFFFC00  }
0x11b: {  	_ =	swait.ge [sflag:s25], $0x400  }
0x11c: {  	[sflag:s25] =	ssyncset.done $0x0  }
0x11d: {  	[sflag:s25] =	ssyncadd.s32 $0xFFFFFC00  }
0x11e: {  	[tilespmem:s23], [sflag:$0x3] =	stream.indirect.gather [hbm4b:s4+s26], $0x80, s3, s26, $0xb8;
	[tilespmem:$0x1D300] =	vst v63  }
0x11f: {  	_ =	swait.ge [sflag:s31], $0x4000  }
0x120: {  	[sflag:s31] =	ssyncset.done $0x0  }
0x121: {  	[sflag:s31] =	ssyncadd.s32 $0xFFFFC000  }
0x122: {  	[spmem:s1] =	stream.indirect.scatter.add.f32 [tilespmem:s28], [sflag:$0x5], $0x80, s8, s26, $0xb8;
	[tilespmem:$0x1D300] =	vst v63  }
0x123: {  	_ =	swait.ge [sflag:s24], $0x4000  }
0x124: {  	[sflag:s24] =	ssyncset.done $0x0  }
0x125: {  	[sflag:s24] =	ssyncadd.s32 $0xFFFFC000  }
0x126: {  	[tilespmem:s28], [sflag:$0x4] =	stream.indirect.gather [hbm4b:s4+s26], $0x80, s26, s26, $0xb8;
	[tilespmem:$0x1D300] =	vst v63  }
.Ltmp4:
0x127: {  	_ = 	snop;
	(pc) =	sbr.rel .LBB2_4-.Ltmp4, $4  }
0x128: {  	s0 =	sadd.s32 s30, s17  }
0x129: {  	[tilespmem:s21], [sflag:$0x2] =	stream.linear.gather [hbm4b:s0+s3], $0x400, $0x38;
	[tilespmem:$0x1D300] =	vst v63  }
0x12a: {  	s20 =	sadd.s32 s30, s16;
	s30 =	sadd.s32 $0x100, s30  }
0x12b: {  	[tilespmem:s22], [sflag:$0x2] =	stream.linear.gather [hbm4b:s20+s3], $0x400, $0x38;
	[tilespmem:$0x1D300] =	vst v63  }
.LBB2_7:
0x12c: {  	_ =	sfence.sel $0x180000  }
0x12d: {  	[bflag:$0x0] =	sbarrier.arrive $0xFFFF  }
0x12e: {  	_ =	strace $0x9000004A  }
0x12f: {  	s0 =	stileid.u32;
	[bflag:$0x2] =	sbarrier.arrive $0xFFFF  }
0x130: {  	p0 =	sne.s32 s0, $0x0;
	s0 =	rddreg [dreg:$0x2]  }
0x131: {  	s0 =	sadd.s32 @!p0 $0x100000, s0  }
0x132: {  	[sflag:s0] =	ssyncadd.tile.s32 @!p0 $0x1;
	_ =	shalt  }
.Lfunc_end2:
_tile_overlayer_lowered:
.L_overlay_start_2:
0x133: {  	(tag) =	ssettag $0x2  }
0x134: {  	s0 =	rddreg [dreg:$0x0];
	s2 =	stileid.u32  }
0x135: {  	s1 =	rddreg [dreg:$0x1];
	p0 =	sne.s32 s2, $0x0  }
0x136: {  	s3 =	rddreg [dreg:$0x2];
	[bflag:$0x3] =	sbarrier.arrive $0xFFFF;
	s2 =	simm.s32 @!p0 $0x1C05  }
0x137: {  	[timem:s3], [sflag:s2] =	dma.local @!p0 [hbm:s0], s1  }
0x138: {  	s0 =	simm.s32 @!p0 $0x5  }
0x139: {  	_ =	swait.ge @!p0 [sflag:s0], s1  }
0x13a: {  	s1 =	ssub.s32 @!p0 $0x0, s1;
	[sflag:s0] =	ssyncset.done @!p0 $0x0  }
0x13b: {  	[sflag:s0] =	ssyncadd.s32 @!p0 s1  }
0x13c: {  	[bflag:$0x3] =	sbarrier.arrive $0xFFFF  }
0x13d: {  	_ =	shalt  }

// kernel: kernel.7.cloned.1.call-start
scs
__scs_entry_jumppad:
0x0: {  	(pc) =	sbr.rel $0x88, $3  }
0x1: {  	(tag) =	ssettag $0x0;
	lr =	simm.s32 $0x1  }
0x2: {  	[smem:$0x3F91] =	sst lr;
	_ =	strace $0xD0000000  }
0x3: {  	_ = 	snop  }
0x4: {  	_ = 	snop  }
0x5: {  	_ = 	snop  }
0x6: {  	_ = 	snop  }
0x7: {  	_ = 	snop  }
__scs_overlays_trampoline_lowered:
0x8: {  	[smem:$0x3FA0] =	sst s0  }
0x9: {  	[smem:$0x3FA1] =	sst s1  }
0xa: {  	[smem:$0x3FA2] =	sst s2  }
0xb: {  	[smem:$0x3FA3] =	sst s3  }
0xc: {  	[smem:$0x3FA4] =	sst s4  }
0xd: {  	[smem:$0x3FA5] =	sst s5  }
0xe: {  	[smem:$0x3FA6] =	sst s6  }
0xf: {  	[smem:$0x3FA7] =	sst s7  }
0x10: {  	[smem:$0x3FA8] =	sst s8  }
0x11: {  	[smem:$0x3FA9] =	sst s9;
	s0 =	simm.s32 @!p0 $0x0  }
0x12: {  	s1 =	sld [smem:$0x3F8F];
	s0 =	simm.s32 @p0 $0x1  }
0x13: {  	[smem:$0x3FAA] =	sst s0;
	s0 =	simm.s32 @!p1 $0x0  }
0x14: {  	s2 =	sld [smem:$0x3F8E];
	s0 =	simm.s32 @p1 $0x1  }
0x15: {  	[smem:$0x3FAB] =	sst s0;
	s0 =	simm.s32 @!p2 $0x0  }
0x16: {  	s3 =	sld [smem:$0x3FDB];
	s0 =	simm.s32 @p2 $0x1  }
0x17: {  	s4 =	simm.s32 $0x1BF5;
	[smem:$0x3FAD] =	sst s0  }
0x18: {  	s0 =	sld [smem:$0x3F90];
	_ =	swait.ge [sflag:s4], $0x0  }
0x19: {  	s7 =	sld [smem:$0x3F91]  }
0x1a: {  	s8 =	sadd.s32 $0xFFFFE003, lr  }
0x1b: {  	s9 =	sadd.s32 $0xFFFFFEF7, lr;
	s5 =	simm.s32 $0xFFFFFFFF;
	p2 =	slt.u32 s8, $0xFFFFF086  }
0x1c: {  	p1 =	slt.u32 s9, $0xF7A;
	s5 =	simm.s32 @!p2 $0x0  }
0x1d: {  	s5 =	simm.s32 @p1 $0x1;
	p0 =	seq.s32 s7, s2  }
0x1e: {  	s7 =	smul.u32 @!p0 $0xF7A, s2;
	p2 =	seq.s32 @!p0 s5, $0x0  }
0x1f: {  	s9 =	smul.u32 $0xF7A, s1;
	s8 =	simm.s32 @!p0 $0x1BF5;
	p2 =	por !p2, p0  }
0x20: {  	[sflag:s8] =	ssyncset.s32 @!p0 $0xFFFFF086;
	s6 =	sadd.s32 @!p0 s3, s7;
	s7 =	simm.s32 @!p0 $0x108  }
0x21: {  	s3 =	sadd.s32 s3, s9;
	s6 =	sadd.s32 @!p0 $0x88, s6;
	s7 =	simm.s32 @p2 $0x1082  }
0x22: {  	[simem:s7], [sflag:s8] =	dma.local @!p0 [hbm:s6], $0xF7A  }
0x23: {  	s9 =	sor.u32 $0xD0000000, s2;
	s6 =	simm.s32 $0x108;
	_ =	swait.ge @!p0 [sflag:s8], $0x0  }
0x24: {  	s3 =	sadd.s32 $0x88, s3;
	s6 =	simm.s32 @!p1 $0x1082;
	[sflag:s4] =	ssyncset.s32 $0xFFFFF086  }
0x25: {  	[simem:s6], [sflag:s4] =	dma.local [hbm:s3], $0xF7A  }
0x26: {  	[smem:$0x3F91] =	sst s1;
	(tag) =	ssettag s2;
	_ =	strace s9  }
0x27: {  	s1 =	sld [smem:$0x3FA1]  }
0x28: {  	s2 =	sld [smem:$0x3FA2]  }
0x29: {  	s4 =	sld [smem:$0x3FA4]  }
0x2a: {  	p0 =	seq.s32 s5, $0x0;
	s5 =	sld [smem:$0x3FA5]  }
0x2b: {  	s6 =	sld [smem:$0x3FA6]  }
0x2c: {  	s7 =	sld [smem:$0x3FA7]  }
0x2d: {  	s3 =	simm.s32 $0x108;
	s8 =	sld [smem:$0x3FA8]  }
0x2e: {  	s3 =	simm.s32 @!p0 $0x1082;
	s9 =	sld [smem:$0x3FA9]  }
0x2f: {  	lr =	sadd.s32 s0, s3;
	s0 =	sld [smem:$0x3FA0]  }
0x30: {  	s3 =	sld [smem:$0x3FA3]  }
0x31: {  	[smem:$0x3FAC] =	sst s10  }
0x32: {  	s10 =	sld [smem:$0x3FAA];
	_ =	sdelay $0x3  }
0x33: {  	p0 =	seq.s32 s10, $0x1;
	s10 =	sld [smem:$0x3FAC];
	_ =	sdelay $0x3  }
0x34: {  	[smem:$0x3FAC] =	sst s10  }
0x35: {  	s10 =	sld [smem:$0x3FAB];
	_ =	sdelay $0x3  }
0x36: {  	p1 =	seq.s32 s10, $0x1;
	s10 =	sld [smem:$0x3FAC];
	_ =	sdelay $0x3  }
0x37: {  	[smem:$0x3FAC] =	sst s10  }
0x38: {  	s10 =	sld [smem:$0x3FAD]  }
0x39: {  	_ = 	snop;
	(pc) =	sbr.ind lr, $3  }
0x3a: {  	_ = 	snop  }
0x3b: {  	_ = 	snop  }
0x3c: {  	p2 =	seq.s32 s10, $0x1;
	s10 =	sld [smem:$0x3FAC]  }
0x3d: {  	_ =	shalt  }
0x3e: {  	_ =	shalt  }
0x3f: {  	_ =	shalt  }
0x40: {  	_ =	shalt  }
0x41: {  	_ =	shalt  }
0x42: {  	_ =	shalt  }
0x43: {  	_ =	shalt  }
0x44: {  	_ =	shalt  }
0x45: {  	_ =	shalt  }
0x46: {  	_ =	shalt  }
0x47: {  	_ =	shalt  }
0x48: {  	_ =	shalt  }
0x49: {  	_ =	shalt  }
0x4a: {  	_ =	shalt  }
0x4b: {  	_ =	shalt  }
0x4c: {  	_ =	shalt  }
0x4d: {  	_ =	shalt  }
0x4e: {  	_ =	shalt  }
0x4f: {  	_ =	shalt  }
0x50: {  	_ =	shalt  }
0x51: {  	_ =	shalt  }
0x52: {  	_ =	shalt  }
0x53: {  	_ =	shalt  }
0x54: {  	_ =	shalt  }
0x55: {  	_ =	shalt  }
0x56: {  	_ =	shalt  }
0x57: {  	_ =	shalt  }
0x58: {  	_ =	shalt  }
0x59: {  	_ =	shalt  }
0x5a: {  	_ =	shalt  }
0x5b: {  	_ =	shalt  }
0x5c: {  	_ =	shalt  }
0x5d: {  	_ =	shalt  }
0x5e: {  	_ =	shalt  }
0x5f: {  	_ =	shalt  }
0x60: {  	_ =	shalt  }
0x61: {  	_ =	shalt  }
0x62: {  	_ =	shalt  }
0x63: {  	_ =	shalt  }
0x64: {  	_ =	shalt  }
0x65: {  	_ =	shalt  }
0x66: {  	_ =	shalt  }
0x67: {  	_ =	shalt  }
0x68: {  	_ =	shalt  }
0x69: {  	_ =	shalt  }
0x6a: {  	_ =	shalt  }
0x6b: {  	_ =	shalt  }
0x6c: {  	_ =	shalt  }
0x6d: {  	_ =	shalt  }
0x6e: {  	_ =	shalt  }
0x6f: {  	_ =	shalt  }
0x70: {  	_ =	shalt  }
0x71: {  	_ =	shalt  }
0x72: {  	_ =	shalt  }
0x73: {  	_ =	shalt  }
0x74: {  	_ =	shalt  }
0x75: {  	_ =	shalt  }
0x76: {  	_ =	shalt  }
0x77: {  	_ =	shalt  }
0x78: {  	_ =	shalt  }
0x79: {  	_ =	shalt  }
0x7a: {  	_ =	shalt  }
0x7b: {  	_ =	shalt  }
0x7c: {  	_ =	shalt  }
0x7d: {  	_ =	shalt  }
0x7e: {  	_ =	shalt  }
0x7f: {  	_ =	shalt  }
0x80: {  	_ =	shalt  }
0x81: {  	_ =	shalt  }
0x82: {  	_ =	shalt  }
0x83: {  	_ =	shalt  }
0x84: {  	_ =	shalt  }
0x85: {  	_ =	shalt  }
0x86: {  	_ =	shalt  }
0x87: {  	_ =	shalt  }
.Lfunc_end0:
.L_simem_size_0:
called_computation_lowered:
.L_overlay_start_0:
0x88: {  	s2 =	sld [smem:$0x3FD9]  }
0x89: {  	s3 =	sld [smem:$0x3FFE];
	_ =	sdelay $0x1  }
0x8a: {  	s1 =	srdreg.scid  }
0x8b: {  	s0 =	sand.u32 $0x1, s1  }
0x8c: {  	s17 =	sshll.u32 s0, $0xA;
	s2 =	sadd.s32 s3, s2  }
0x8d: {  	s2 =	sadd.s32 s2, s17  }
0x8e: {  	[smem:$0x3FB8] =	sst s2  }
0x8f: {  	_ = 	snop  }
0x90: {  	s2 =	sld [smem:$0x3FD0];
	(tm) =	ssettm $0x1  }
0x91: {  	s18 =	sld [smem:$0x3FFB];
	_ =	sdelay $0x3  }
0x92: {  	_ =	strace s18  }
0x93: {  	s3 =	sld [smem:$0x3FFC];
	_ =	sdelay $0x3  }
0x94: {  	_ =	strace s3  }
0x95: {  	s3 =	sld [smem:$0x3FFD];
	_ =	sdelay $0x3  }
0x96: {  	_ =	strace s3  }
0x97: {  	_ =	strace $0x8FFFFFFF  }
0x98: {  	s19 =	sld [smem:$0x3FDB];
	_ =	sdelay $0x1  }
0x99: {  	s4 =	simm.s32 $_scs_section_size  }
0x9a: {  	s5 =	simm.s32 $_size__tile_overlayer_lowered;
	s6 =	simm.s32 $_tile_overlayer_lowered  }
0x9b: {  	s22 =	simm.s32 $0x1BFF;
	s21 =	sshll.u32 s6, $0x1;
	s3 =	sadd.s32 s4, s19  }
0x9c: {  	s7 =	simm.s32 $0x0;
	s20 =	sshll.u32 s5, $0x1;
	s5 =	sadd.s32 s21, s3  }
0x9d: {  	[timem:s7], [sflag:s22] =	dma.local [hbm:s5], s20  }
0x9e: {  	_ =	swait.ge [sflag:s22], s20  }
0x9f: {  	s4 =	ssub.s32 $0x0, s20;
	[sflag:s22] =	ssyncset.done $0x0  }
0xa0: {  	[sflag:s22] =	ssyncadd.s32 s4;
	_ =	sdelay $0x1  }
0xa1: {  	s23 =	simm.s32 $0x1B8B  }
0xa2: {  	_ =	swait.ge [sflag:s23], $0x1  }
0xa3: {  	[sflag:s23] =	ssyncset.done $0x0  }
0xa4: {  	s25 =	simm.s32 $0x1B8E;
	s24 =	sld [smem:$0x3FFE];
	[sflag:s23] =	ssyncadd.s32 $0xFFFFFFFF  }
0xa5: {  	s26 =	simm.s32 $execute0_lowered;
	[smem:$0x3FD2] =	sst s25  }
0xa6: {  	s5 =	sshll.u32 s26, $0x1;
	_ =	strace $0x80000046;
	[dreg:$0x1] =	wrdreg $0xFFFFFFFF  }
0xa7: {  	s28 =	simm.s32 $_size_execute0_lowered;
	s3 =	sadd.s32 s3, s5;
	[dreg:$0x0] =	wrdreg $0x0  }
0xa8: {  	s5 =	sshll.u32 s28, $0x1;
	[dreg:$0x2] =	wrdreg s3  }
0xa9: {  	[dreg:$0x3] =	wrdreg s5  }
0xaa: {  	[dreg:$0x4] =	wrdreg $0xC0  }
0xab: {  	_ =	task [dreg:s7], $0x5FFFF  }
0xac: {  	[dreg:$0x1] =	wrdreg $0xFFFFFFFF  }
0xad: {  	[dreg:$0x0] =	wrdreg $0x60  }
0xae: {  	[dreg:$0x2] =	wrdreg s24  }
0xaf: {  	[dreg:$0x3] =	wrdreg s2  }
0xb0: {  	[dreg:$0x4] =	wrdreg $0x93000  }
0xb1: {  	[dreg:$0x5] =	wrdreg $0x1D3000  }
0xb2: {  	[dreg:$0x6] =	wrdreg $0x9  }
0xb3: {  	_ =	task.clear_ibuf [dreg:s7], $0x7FFFF;
	_ =	strace $0x90000046  }
0xb4: {  	s29 =	simm.s32 $0x9;
	_ =	strace $0x80000048  }
0xb5: {  	_ =	swait.ge [sflag:s29], $0x1  }
0xb6: {  	[sflag:s29] =	ssyncadd.s32 $0xFFFFFFFF  }
0xb7: {  	_ =	strace $0x90000048  }
0xb8: {  	_ =	sfence  }
0xb9: {  	s30 =	sld [smem:$0x0];
	_ =	sdelay $0x2  }
0xba: {  	s31 =	sshll.u32 s1, $0xD;
	s1 =	sshrl.u32 s1, $0x2  }
0xbb: {  	s3 =	sand.u32 $0x4000, s31;
	s1 =	sadd.s32 s1, s30  }
0xbc: {  	s0 =	sor.u32 s3, s0;
	s1 =	sshll.u32 s1, $0x11  }
0xbd: {  	s0 =	sor.u32 s1, s0  }
0xbe: {  	s0 =	sadd.s32 $0x8F2B, s0  }
0xbf: {  	[sflag:s0] =	ssyncadd.remote.s32 $0x1  }
0xc0: {  	_ =	sfence.sel $0xFFFF  }
0xc1: {  	[dreg:$0x0] =	wrdreg $0xFFFFFFFF;
	(pc) =	sbr.abs _section_cstart, $3  }
0xc2: {  	[dreg:$0x1] =	wrdreg $0xFFFFFFFF  }
0xc3: {  	_ =	task.clear_ibuf [dreg:s7], $0x2FFFF;
	_ =	strace $0x9FFFFFFF  }
0xc4: {  	(tm) =	ssettm $0x7FFFFFFF  }
0xc5: {  	_ =	shalt  }
tec
execute0_lowered:
.L_overlay_start_1:
0x0: {  	(tag) =	ssettag $0x1  }
0x1: {  	s0 =	rddreg [dreg:$0x0]  }
0x2: {  	s3 =	rddreg [dreg:$0x1]  }
0x3: {  	s1 =	rddreg [dreg:$0x2]  }
0x4: {  	s2 =	rddreg [dreg:$0x3]  }
0x5: {  	s5 =	simm.s32 $0x0;
	s4 =	srdreg.scid;
	s13 =	stileid.u32  }
0x6: {  	s28 =	simm.s32 $0x5;
	s31 =	simm.s32 $0x80;
	s6 =	smul.u32 $0x14000, s13  }
0x7: {  	s29 =	simm.s32 $0x3;
	s30 =	simm.s32 $0x2;
	s11 =	smul.u32 $0x5000, s13  }
0x8: {  	[smem:$0x7FF] =	sst s5;
	s4 =	sand.u32 $0x1, s4;
	s22 =	smul.u32 $0x50000, s13  }
0x9: {  	s7 =	sadd.s32 $0x18C00, s0;
	s8 =	sadd.s32 $0x4C00, s0;
	s25 =	smul.u32 $0xA00, s13  }
0xa: {  	s5 =	sadd.s32 $0x2CC00, s0;
	s15 =	smul.u32 $0x500, s13;
	s13 =	simm.s32 $0x980  }
0xb: {  	s20 =	smul.u32 $0x140000, s4;
	_ =	strace $0x80000047;
	s10 =	ssub.s32 $0x2, s4  }
0xc: {  	s9 =	smul.u32 $0x50000, s4;
	s4 =	sshll.u32 s4, $0x7;
	s12 =	sshrl.u32 s10, $0x1  }
0xd: {  	s24 =	sshrl.u32 s22, $0x2;
	s18 =	sshrl.u32 s25, $0x2;
	s4 =	sor.u32 s4, s15  }
0xe: {  	s15 =	simm.s32 $0xD00;
	s6 =	sadd.s32 s6, s20;
	s9 =	sadd.s32 s11, s9  }
0xf: {  	s26 =	sadd.s32 s24, s1;
	s20 =	sadd.s32 s18, s2;
	s4 =	sshrl.u32 s4, $0x3  }
0x10: {  	s18 =	simm.s32 $0xA80;
	s6 =	sshrl.u32 s6, $0x3;
	s21 =	sshrl.u32 s9, $0x3  }
0x11: {  	s11 =	sor.u32 $0x400, s9;
	s16 =	sadd.s32 $0x8000, s26;
	[dreg:$0x9] =	wrdreg s26  }
0x12: {  	s17 =	sadd.s32 $0xC000, s26;
	s19 =	sadd.s32 $0x10000, s26;
	[dreg:$0xe] =	wrdreg s20  }
0x13: {  	s22 =	sor.u32 $0xC00, s9;
	s24 =	sor.u32 $0x800, s9;
	s9 =	simm.s32 $0xE00  }
0x14: {  	s0 =	sadd.s32 s6, s0;
	s6 =	ssub.s32 s10, s12;
	[dreg:$0xb] =	wrdreg s16  }
0x15: {  	s14 =	sadd.s32 s7, s21;
	s10 =	sadd.s32 s8, s21;
	[dreg:$0xc] =	wrdreg s17  }
0x16: {  	s23 =	sshrl.u32 s11, $0x3;
	[dreg:$0xd] =	wrdreg s19;
	s21 =	sadd.s32 s3, s4  }
0x17: {  	s16 =	simm.s32 $0xA00;
	s12 =	simm.s32 $0xD80;
	[dreg:$0x5] =	wrdreg s14  }
0x18: {  	s17 =	simm.s32 $0xE80;
	s4 =	simm.s32 $0xF00;
	[dreg:$0x6] =	wrdreg s10  }
0x19: {  	s19 =	simm.s32 $0xF80;
	s11 =	sadd.s32 s7, s23;
	[dreg:$0x10] =	wrdreg s21  }
0x1a: {  	s10 =	sadd.s32 s8, s23;
	s0 =	sadd.s32 $0x7AE00, s0;
	[dreg:$0x7] =	wrdreg s11  }
0x1b: {  	s23 =	smax.u32 s6, $0x1;
	s6 =	simm.s32 $0xB80;
	[dreg:$0x8] =	wrdreg s10  }
0x1c: {  	s14 =	simm.s32 $0xC80;
	s21 =	simm.s32 $0x0;
	[dreg:$0xf] =	wrdreg s0  }
0x1d: {  	s11 =	sadd.s32 $0x4000, s26;
	[dreg:$0x11] =	wrdreg s23;
	s0 =	sshrl.u32 s22, $0x3  }
0x1e: {  	s26 =	sshrl.u32 s24, $0x3;
	s24 =	simm.s32 $0x400;
	s22 =	simm.s32 $0x1  }
0x1f: {  	s10 =	simm.s32 $0xB00;
	[dreg:$0xa] =	wrdreg s11;
	s25 =	sadd.s32 s0, s8  }
.Ltmp0:
0x20: {  	s0 =	sadd.s32 s0, s7;
	[dreg:$0x12] =	wrdreg s25;
	(pc) =	sbr.rel .LBB2_1-.Ltmp0, $4  }
0x21: {  	s3 =	sadd.s32 s26, s8;
	s8 =	simm.s32 $0x800;
	[dreg:$0x13] =	wrdreg s0  }
0x22: {  	s11 =	simm.s32 $0x900;
	[dreg:$0x14] =	wrdreg s3;
	s0 =	sadd.s32 s26, s7  }
0x23: {  	s25 =	simm.s32 $0xC00;
	s26 =	simm.s32 $0x1000;
	s3 =	simm.s32 $0x9000  }
0x24: {  	v0 =	vimm.f32 $0.0e+00;
	v1 =	vimm.f32 $1.000000000e+00;
	s7 =	simm.s32 $0x4;
	[dreg:$0x15] =	wrdreg s0;
	s0 =	simm.s32 $0x5000  }
.LBB2_6:
0x25: {  	s20 =	stileid.u32;
	[bflag:$0x0] =	sbarrier.arrive $0xFFFF  }
0x26: {  	s20 =	sshll.u32 s20, $0x6;
	s21 =	rddreg [dreg:$0x9]  }
0x27: {  	s24 =	rddreg [dreg:$0xf];
	s20 =	sor.u32 $0x1C05, s20;
	s21 =	sshrl.u32 s21, $0x3  }
0x28: {  	[hbm:s24], [sflag:s20] =	dma.local [spmem:s21], $0x2800  }
0x29: {  	_ =	swait.ge [sflag:s28], $0x2800  }
0x2a: {  	s23 =	simm.s32 $0x10;
	s22 =	rddreg [dreg:$0xe]  }
0x2b: {  	s11 =	simm.s32 $0x1;
	[sflag:s28] =	ssyncset.done $0x0;
	s24 =	rddreg [dreg:$0x10]  }
0x2c: {  	[sflag:s28] =	ssyncadd.s32 $0xFFFFD800;
	s21 =	sshrl.u32 s22, $0x3;
	s22 =	simm.s32 $0x20  }
0x2d: {  	[hbm:s24@s22], [sflag:s20] =	dma.strided [spmem:s21@s23], $0x50, s11, $0x10   }
0x2e: {  	_ =	swait.ge [sflag:s28], $0x50  }
0x2f: {  	s23 =	rddreg [dreg:$0x16]  }
0x30: {  	s24 =	rddreg [dreg:$0x11];
	s21 =	sadd.s32 $0x1, s23  }
0x31: {  	p0 =	sne.s32 s21, s24  }
.Ltmp1:
0x32: {  	_ = 	snop;
	(pc) =	sbr.rel @!p0 .LBB2_7-.Ltmp1, $3  }
0x33: {  	_ =	sdelay $0x1  }
0x34: {  	s11 =	simm.s32 $0x900;
	[sflag:s28] =	ssyncset.done $0x0  }
0x35: {  	s22 =	simm.s32 $0x1;
	[sflag:s28] =	ssyncadd.s32 $0xFFFFFFB0;
	s24 =	simm.s32 $0x400  }
.LBB2_1:
0x36: {  	s20 =	simm.s32 $0x0;
	s23 =	rddreg [dreg:$0x5]  }
0x37: {  	[tilespmem:s20], [sflag:$0x1] =	stream.linear.gather [hbm4b:s23+s20], $0x400, $0x38;
	[tilespmem:$0x1D580] =	vst v63  }
0x38: {  	s23 =	rddreg [dreg:$0x6]  }
0x39: {  	[tilespmem:s8], [sflag:$0x1] =	stream.linear.gather [hbm4b:s23+s20], $0x400, $0x38;
	[tilespmem:$0x1D580] =	vst v63  }
0x3a: {  	s8 =	rddreg [dreg:$0x7]  }
0x3b: {  	[tilespmem:s24], [sflag:$0x2] =	stream.linear.gather [hbm4b:s8+s20], $0x400, $0x38;
	[tilespmem:$0x1D580] =	vst v63  }
0x3c: {  	s23 =	rddreg [dreg:$0x8]  }
0x3d: {  	[tilespmem:s25], [sflag:$0x2] =	stream.linear.gather [hbm4b:s23+s20], $0x400, $0x38;
	[tilespmem:$0x1D580] =	vst v63  }
0x3e: {  	[dreg:$0x16] =	wrdreg s21;
	s21 =	simm.s32 $0x200;
	s20 =	simm.s32 $0x0  }
.LBB2_2:
0x3f: {  	p0 =	sne.s32 s21, $0xFE00;
	[tilespmem:s20+$0x1070] =	vst v0  }
0x40: {  	[tilespmem:s20+$0x1000] =	vst v0  }
0x41: {  	[tilespmem:s20+$0x1010] =	vst v0  }
.Ltmp2:
0x42: {  	[tilespmem:s20+$0x1020] =	vst v0;
	(pc) =	sbr.rel @p0 .LBB2_2-.Ltmp2, $4  }
0x43: {  	[tilespmem:s20+$0x1030] =	vst v0  }
0x44: {  	[tilespmem:s20+$0x1040] =	vst v0  }
0x45: {  	[tilespmem:s20+$0x1050] =	vst v0  }
0x46: {  	[tilespmem:s20+$0x1060] =	vst v0;
	s20 =	sshra.s32 s21, $0x2;
	s21 =	sadd.s32 $0x200, s21  }
0x47: {  	[tilespmem:s20+$0x1070] =	vst v0  }
0x48: {  	[tilespmem:s20+$0x1000] =	vst v0  }
0x49: {  	[tilespmem:s20+$0x1010] =	vst v0  }
0x4a: {  	[tilespmem:s20+$0x1020] =	vst v0  }
0x4b: {  	[tilespmem:s20+$0x1030] =	vst v0  }
0x4c: {  	[tilespmem:s20+$0x1040] =	vst v0  }
0x4d: {  	[tilespmem:s20+$0x1050] =	vst v0  }
0x4e: {  	[tilespmem:s20+$0x1060] =	vst v0  }
0x4f: {  	[tilespmem:$0x9000] =	vst v1  }
0x50: {  	[tilespmem:$0x9010] =	vst v1  }
0x51: {  	[tilespmem:$0x9020] =	vst v1  }
0x52: {  	[tilespmem:$0x9030] =	vst v1  }
0x53: {  	[tilespmem:$0x9040] =	vst v1  }
0x54: {  	[tilespmem:$0x9050] =	vst v1  }
0x55: {  	[tilespmem:$0x9060] =	vst v1  }
0x56: {  	[tilespmem:$0x9070] =	vst v1  }
0x57: {  	[tilespmem:$0x9080] =	vst v0  }
0x58: {  	[tilespmem:$0x9090] =	vst v0  }
0x59: {  	[tilespmem:$0x90A0] =	vst v0  }
0x5a: {  	[tilespmem:$0x90B0] =	vst v0  }
0x5b: {  	[tilespmem:$0x90C0] =	vst v0  }
0x5c: {  	[tilespmem:$0x90D0] =	vst v0  }
0x5d: {  	[tilespmem:$0x90E0] =	vst v0  }
0x5e: {  	[tilespmem:$0x90F0] =	vst v0  }
0x5f: {  	[tilespmem:$0x9100] =	vst v0  }
0x60: {  	[tilespmem:$0x9110] =	vst v0  }
0x61: {  	[tilespmem:$0x9120] =	vst v0  }
0x62: {  	[tilespmem:$0x9130] =	vst v0  }
0x63: {  	[tilespmem:$0x9140] =	vst v0  }
0x64: {  	[tilespmem:$0x9150] =	vst v0  }
0x65: {  	[tilespmem:$0x9160] =	vst v0  }
0x66: {  	[tilespmem:$0x9170] =	vst v0  }
0x67: {  	[tilespmem:$0x9180] =	vst v0  }
0x68: {  	[tilespmem:$0x9190] =	vst v0  }
0x69: {  	[tilespmem:$0x91A0] =	vst v0  }
0x6a: {  	[tilespmem:$0x91B0] =	vst v0  }
0x6b: {  	[tilespmem:$0x91C0] =	vst v0  }
0x6c: {  	[tilespmem:$0x91D0] =	vst v0  }
0x6d: {  	[tilespmem:$0x91E0] =	vst v0  }
0x6e: {  	[tilespmem:$0x91F0] =	vst v0  }
0x6f: {  	[tilespmem:$0x9200] =	vst v0  }
0x70: {  	[tilespmem:$0x9210] =	vst v0  }
0x71: {  	[tilespmem:$0x9220] =	vst v0  }
0x72: {  	[tilespmem:$0x9230] =	vst v0  }
0x73: {  	[tilespmem:$0x9240] =	vst v0  }
0x74: {  	[tilespmem:$0x9250] =	vst v0  }
0x75: {  	[tilespmem:$0x9260] =	vst v0  }
0x76: {  	[tilespmem:$0x9270] =	vst v0  }
0x77: {  	[tilespmem:$0x9280] =	vst v0  }
0x78: {  	[tilespmem:$0x9290] =	vst v0  }
0x79: {  	[tilespmem:$0x92A0] =	vst v0  }
0x7a: {  	[tilespmem:$0x92B0] =	vst v0  }
0x7b: {  	[tilespmem:$0x92C0] =	vst v0  }
0x7c: {  	[tilespmem:$0x92D0] =	vst v0  }
0x7d: {  	[tilespmem:$0x92E0] =	vst v0  }
0x7e: {  	s8 =	rddreg [dreg:$0x9];
	[tilespmem:$0x92F0] =	vst v0  }
0x7f: {  	[spmem:s8] =	stream.linear.scatter [tilespmem:s26], [sflag:$0x5], $0x4000, $0x38;
	[tilespmem:$0x1D580] =	vst v63  }
0x80: {  	_ =	swait.ge [sflag:s28], $0x4000  }
0x81: {  	[sflag:s28] =	ssyncset.done $0x0  }
0x82: {  	s8 =	rddreg [dreg:$0xa];
	[sflag:s28] =	ssyncadd.s32 $0xFFFFC000  }
0x83: {  	[spmem:s8] =	stream.linear.scatter [tilespmem:s26], [sflag:$0x5], $0x4000, $0x38;
	[tilespmem:$0x1D580] =	vst v63  }
0x84: {  	_ =	swait.ge [sflag:s28], $0x4000  }
0x85: {  	[sflag:s28] =	ssyncset.done $0x0  }
0x86: {  	s21 =	rddreg [dreg:$0xb];
	[sflag:s28] =	ssyncadd.s32 $0xFFFFC000  }
0x87: {  	[spmem:s21] =	stream.linear.scatter [tilespmem:s26], [sflag:$0x5], $0x4000, $0x38;
	[tilespmem:$0x1D580] =	vst v63  }
0x88: {  	_ =	swait.ge [sflag:s28], $0x4000  }
0x89: {  	[sflag:s28] =	ssyncset.done $0x0  }
0x8a: {  	s23 =	rddreg [dreg:$0xc];
	[sflag:s28] =	ssyncadd.s32 $0xFFFFC000  }
0x8b: {  	[spmem:s23] =	stream.linear.scatter [tilespmem:s26], [sflag:$0x5], $0x4000, $0x38;
	[tilespmem:$0x1D580] =	vst v63  }
0x8c: {  	_ =	swait.ge [sflag:s28], $0x4000  }
0x8d: {  	[sflag:s28] =	ssyncset.done $0x0  }
0x8e: {  	s8 =	rddreg [dreg:$0xd];
	[sflag:s28] =	ssyncadd.s32 $0xFFFFC000  }
0x8f: {  	[spmem:s8] =	stream.linear.scatter [tilespmem:s26], [sflag:$0x5], $0x4000, $0x38;
	[tilespmem:$0x1D580] =	vst v63  }
0x90: {  	_ =	swait.ge [sflag:s28], $0x4000  }
0x91: {  	[sflag:s28] =	ssyncset.done $0x0  }
0x92: {  	s23 =	simm.s32 $0x9080;
	s21 =	rddreg [dreg:$0xe];
	[sflag:s28] =	ssyncadd.s32 $0xFFFFC000  }
0x93: {  	[spmem:s21] =	stream.linear.scatter [tilespmem:s23], [sflag:$0x5], $0x280, $0x38;
	[tilespmem:$0x1D580] =	vst v63  }
0x94: {  	_ =	swait.ge [sflag:s28], $0x280  }
0x95: {  	[sflag:s28] =	ssyncset.done $0x0  }
0x96: {  	[sflag:s28] =	ssyncadd.s32 $0xFFFFFD80  }
0x97: {  	[bflag:$0x0] =	sbarrier.arrive $0xFFFF  }
0x98: {  	_ =	swait.ge [sflag:s22], $0x400  }
0x99: {  	[sflag:s22] =	ssyncset.done $0x0  }
0x9a: {  	[sflag:s22] =	ssyncadd.s32 $0xFFFFFC00  }
0x9b: {  	_ =	swait.ge [sflag:s22], $0x400  }
0x9c: {  	[sflag:s22] =	ssyncset.done $0x0  }
0x9d: {  	s20 =	simm.s32 $0x0;
	[sflag:s22] =	ssyncadd.s32 $0xFFFFFC00  }
0x9e: {  	[tilespmem:s26], [sflag:$0x3] =	stream.indirect.gather [hbm4b:s5+s31], $0x80, s20, s31, $0xb8;
	[tilespmem:$0x1D580] =	vst v63  }
0x9f: {  	_ = 	snop  }
0xa0: {  	[tilespmem:s0], [sflag:$0x4] =	stream.indirect.gather [hbm4b:s5+s31], $0x80, s31, s31, $0xb8;
	[tilespmem:$0x1D580] =	vst v63  }
.LBB2_4:
0xa1: {  	_ =	swait.ge [sflag:s29], $0x4000  }
0xa2: {  	[sflag:s29] =	ssyncset.done $0x0  }
0xa3: {  	s21 =	simm.s32 $0x800;
	[sflag:s29] =	ssyncadd.s32 $0xFFFFC000  }
0xa4: {  	[spmem:s1] =	stream.indirect.scatter.add.f32 [tilespmem:s26], [sflag:$0x5], $0x80, s21, s31, $0xb8;
	[tilespmem:$0x1D580] =	vst v63  }
0xa5: {  	_ =	swait.ge [sflag:s28], $0x4000  }
0xa6: {  	[sflag:s28] =	ssyncset.done $0x0  }
0xa7: {  	[sflag:s28] =	ssyncadd.s32 $0xFFFFC000  }
0xa8: {  	[spmem:s2] =	stream.indirect.scatter.add.f32 [tilespmem:s3], [sflag:$0x5], $0x1, s21, s31, $0xb8;
	[tilespmem:$0x1D580] =	vst v63  }
0xa9: {  	_ =	swait.ge [sflag:s28], $0x80  }
0xaa: {  	[sflag:s28] =	ssyncset.done $0x0  }
0xab: {  	s22 =	simm.s32 $0x100;
	[sflag:s28] =	ssyncadd.s32 $0xFFFFFF80  }
0xac: {  	[tilespmem:s26], [sflag:$0x3] =	stream.indirect.gather [hbm4b:s5+s31], $0x80, s22, s31, $0xb8;
	[tilespmem:$0x1D580] =	vst v63  }
0xad: {  	_ =	swait.ge [sflag:s7], $0x4000  }
0xae: {  	[sflag:s7] =	ssyncset.done $0x0  }
0xaf: {  	s23 =	simm.s32 $0x880;
	[sflag:s7] =	ssyncadd.s32 $0xFFFFC000  }
0xb0: {  	[spmem:s1] =	stream.indirect.scatter.add.f32 [tilespmem:s0], [sflag:$0x5], $0x80, s23, s31, $0xb8;
	[tilespmem:$0x1D580] =	vst v63  }
0xb1: {  	_ =	swait.ge [sflag:s28], $0x4000  }
0xb2: {  	[sflag:s28] =	ssyncset.done $0x0  }
0xb3: {  	[sflag:s28] =	ssyncadd.s32 $0xFFFFC000  }
0xb4: {  	[spmem:s2] =	stream.indirect.scatter.add.f32 [tilespmem:s3], [sflag:$0x5], $0x1, s23, s31, $0xb8;
	[tilespmem:$0x1D580] =	vst v63  }
0xb5: {  	_ =	swait.ge [sflag:s28], $0x80  }
0xb6: {  	[sflag:s28] =	ssyncset.done $0x0  }
0xb7: {  	s22 =	simm.s32 $0x180;
	[sflag:s28] =	ssyncadd.s32 $0xFFFFFF80  }
0xb8: {  	[tilespmem:s0], [sflag:$0x4] =	stream.indirect.gather [hbm4b:s5+s31], $0x80, s22, s31, $0xb8;
	[tilespmem:$0x1D580] =	vst v63  }
0xb9: {  	_ =	swait.ge [sflag:s29], $0x4000  }
0xba: {  	[sflag:s29] =	ssyncset.done $0x0  }
0xbb: {  	[sflag:s29] =	ssyncadd.s32 $0xFFFFC000  }
0xbc: {  	[spmem:s1] =	stream.indirect.scatter.add.f32 [tilespmem:s26], [sflag:$0x5], $0x80, s11, s31, $0xb8;
	[tilespmem:$0x1D580] =	vst v63  }
0xbd: {  	_ =	swait.ge [sflag:s28], $0x4000  }
0xbe: {  	[sflag:s28] =	ssyncset.done $0x0  }
0xbf: {  	[sflag:s28] =	ssyncadd.s32 $0xFFFFC000  }
0xc0: {  	[spmem:s2] =	stream.indirect.scatter.add.f32 [tilespmem:s3], [sflag:$0x5], $0x1, s11, s31, $0xb8;
	[tilespmem:$0x1D580] =	vst v63  }
0xc1: {  	_ =	swait.ge [sflag:s28], $0x80  }
0xc2: {  	[sflag:s28] =	ssyncset.done $0x0  }
0xc3: {  	s23 =	simm.s32 $0x200;
	[sflag:s28] =	ssyncadd.s32 $0xFFFFFF80  }
0xc4: {  	[tilespmem:s26], [sflag:$0x3] =	stream.indirect.gather [hbm4b:s5+s31], $0x80, s23, s31, $0xb8;
	[tilespmem:$0x1D580] =	vst v63  }
0xc5: {  	_ =	swait.ge [sflag:s7], $0x4000  }
0xc6: {  	[sflag:s7] =	ssyncset.done $0x0  }
0xc7: {  	[sflag:s7] =	ssyncadd.s32 $0xFFFFC000  }
0xc8: {  	[spmem:s1] =	stream.indirect.scatter.add.f32 [tilespmem:s0], [sflag:$0x5], $0x80, s13, s31, $0xb8;
	[tilespmem:$0x1D580] =	vst v63  }
0xc9: {  	_ =	swait.ge [sflag:s28], $0x4000  }
0xca: {  	[sflag:s28] =	ssyncset.done $0x0  }
0xcb: {  	[sflag:s28] =	ssyncadd.s32 $0xFFFFC000  }
0xcc: {  	[spmem:s2] =	stream.indirect.scatter.add.f32 [tilespmem:s3], [sflag:$0x5], $0x1, s13, s31, $0xb8;
	[tilespmem:$0x1D580] =	vst v63  }
0xcd: {  	_ =	swait.ge [sflag:s28], $0x80  }
0xce: {  	[sflag:s28] =	ssyncset.done $0x0  }
0xcf: {  	s22 =	simm.s32 $0x280;
	[sflag:s28] =	ssyncadd.s32 $0xFFFFFF80  }
0xd0: {  	[tilespmem:s0], [sflag:$0x4] =	stream.indirect.gather [hbm4b:s5+s31], $0x80, s22, s31, $0xb8;
	[tilespmem:$0x1D580] =	vst v63  }
0xd1: {  	_ =	swait.ge [sflag:s29], $0x4000  }
0xd2: {  	[sflag:s29] =	ssyncset.done $0x0  }
0xd3: {  	[sflag:s29] =	ssyncadd.s32 $0xFFFFC000  }
0xd4: {  	[spmem:s1] =	stream.indirect.scatter.add.f32 [tilespmem:s26], [sflag:$0x5], $0x80, s16, s31, $0xb8;
	[tilespmem:$0x1D580] =	vst v63  }
0xd5: {  	_ =	swait.ge [sflag:s28], $0x4000  }
0xd6: {  	[sflag:s28] =	ssyncset.done $0x0  }
0xd7: {  	[sflag:s28] =	ssyncadd.s32 $0xFFFFC000  }
0xd8: {  	[spmem:s2] =	stream.indirect.scatter.add.f32 [tilespmem:s3], [sflag:$0x5], $0x1, s16, s31, $0xb8;
	[tilespmem:$0x1D580] =	vst v63  }
0xd9: {  	_ =	swait.ge [sflag:s28], $0x80  }
0xda: {  	[sflag:s28] =	ssyncset.done $0x0  }
0xdb: {  	s23 =	simm.s32 $0x300;
	[sflag:s28] =	ssyncadd.s32 $0xFFFFFF80  }
0xdc: {  	[tilespmem:s26], [sflag:$0x3] =	stream.indirect.gather [hbm4b:s5+s31], $0x80, s23, s31, $0xb8;
	[tilespmem:$0x1D580] =	vst v63  }
0xdd: {  	_ =	swait.ge [sflag:s7], $0x4000  }
0xde: {  	[sflag:s7] =	ssyncset.done $0x0  }
0xdf: {  	[sflag:s7] =	ssyncadd.s32 $0xFFFFC000  }
0xe0: {  	[spmem:s1] =	stream.indirect.scatter.add.f32 [tilespmem:s0], [sflag:$0x5], $0x80, s18, s31, $0xb8;
	[tilespmem:$0x1D580] =	vst v63  }
0xe1: {  	_ =	swait.ge [sflag:s28], $0x4000  }
0xe2: {  	[sflag:s28] =	ssyncset.done $0x0  }
0xe3: {  	[sflag:s28] =	ssyncadd.s32 $0xFFFFC000  }
0xe4: {  	[spmem:s2] =	stream.indirect.scatter.add.f32 [tilespmem:s3], [sflag:$0x5], $0x1, s18, s31, $0xb8;
	[tilespmem:$0x1D580] =	vst v63  }
0xe5: {  	_ =	swait.ge [sflag:s28], $0x80  }
0xe6: {  	[sflag:s28] =	ssyncset.done $0x0  }
0xe7: {  	s22 =	simm.s32 $0x380;
	[sflag:s28] =	ssyncadd.s32 $0xFFFFFF80  }
0xe8: {  	[tilespmem:s0], [sflag:$0x4] =	stream.indirect.gather [hbm4b:s5+s31], $0x80, s22, s31, $0xb8;
	[tilespmem:$0x1D580] =	vst v63  }
0xe9: {  	_ =	swait.ge [sflag:s29], $0x4000  }
0xea: {  	[sflag:s29] =	ssyncset.done $0x0  }
0xeb: {  	[sflag:s29] =	ssyncadd.s32 $0xFFFFC000  }
0xec: {  	[spmem:s1] =	stream.indirect.scatter.add.f32 [tilespmem:s26], [sflag:$0x5], $0x80, s10, s31, $0xb8;
	[tilespmem:$0x1D580] =	vst v63  }
0xed: {  	_ =	swait.ge [sflag:s28], $0x4000  }
0xee: {  	[sflag:s28] =	ssyncset.done $0x0  }
0xef: {  	[sflag:s28] =	ssyncadd.s32 $0xFFFFC000  }
0xf0: {  	[spmem:s2] =	stream.indirect.scatter.add.f32 [tilespmem:s3], [sflag:$0x5], $0x1, s10, s31, $0xb8;
	[tilespmem:$0x1D580] =	vst v63  }
0xf1: {  	_ =	swait.ge [sflag:s28], $0x80  }
0xf2: {  	[sflag:s28] =	ssyncset.done $0x0  }
0xf3: {  	[sflag:s28] =	ssyncadd.s32 $0xFFFFFF80  }
0xf4: {  	_ =	swait.ge [sflag:s30], $0x400  }
0xf5: {  	[sflag:s30] =	ssyncset.done $0x0  }
0xf6: {  	[sflag:s30] =	ssyncadd.s32 $0xFFFFFC00  }
0xf7: {  	_ =	swait.ge [sflag:s30], $0x400  }
0xf8: {  	[sflag:s30] =	ssyncset.done $0x0  }
0xf9: {  	[sflag:s30] =	ssyncadd.s32 $0xFFFFFC00  }
0xfa: {  	[tilespmem:s26], [sflag:$0x3] =	stream.indirect.gather [hbm4b:s5+s31], $0x80, s24, s31, $0xb8;
	[tilespmem:$0x1D580] =	vst v63  }
0xfb: {  	_ =	swait.ge [sflag:s7], $0x4000  }
0xfc: {  	[sflag:s7] =	ssyncset.done $0x0  }
0xfd: {  	[sflag:s7] =	ssyncadd.s32 $0xFFFFC000  }
0xfe: {  	[spmem:s1] =	stream.indirect.scatter.add.f32 [tilespmem:s0], [sflag:$0x5], $0x80, s6, s31, $0xb8;
	[tilespmem:$0x1D580] =	vst v63  }
0xff: {  	_ =	swait.ge [sflag:s28], $0x4000  }
0x100: {  	[sflag:s28] =	ssyncset.done $0x0  }
0x101: {  	[sflag:s28] =	ssyncadd.s32 $0xFFFFC000  }
0x102: {  	[spmem:s2] =	stream.indirect.scatter.add.f32 [tilespmem:s3], [sflag:$0x5], $0x1, s6, s31, $0xb8;
	[tilespmem:$0x1D580] =	vst v63  }
0x103: {  	_ =	swait.ge [sflag:s28], $0x80  }
0x104: {  	p0 =	seq.s32 s20, $0x900;
	[sflag:s28] =	ssyncset.done $0x0  }
0x105: {  	s23 =	simm.s32 $0x480;
	s21 =	rddreg [dreg:$0x15];
	[sflag:s28] =	ssyncadd.s32 $0xFFFFFF80  }
0x106: {  	[tilespmem:s0], [sflag:$0x4] =	stream.indirect.gather [hbm4b:s5+s31], $0x80, s23, s31, $0xb8;
	[tilespmem:$0x1D580] =	vst v63  }
0x107: {  	s22 =	sadd.s32 @!p0 s20, s21;
	s21 =	simm.s32 @!p0 $0x0  }
0x108: {  	[tilespmem:s21], [sflag:$0x1] =	stream.linear.gather @!p0 [hbm4b:s22+s21], $0x400, $0x38;
	[tilespmem:$0x1D580] =	vst v63  }
0x109: {  	s22 =	rddreg [dreg:$0x14]  }
0x10a: {  	s24 =	simm.s32 @!p0 $0x800;
	s22 =	sadd.s32 @!p0 s20, s22  }
0x10b: {  	[tilespmem:s24], [sflag:$0x1] =	stream.linear.gather @!p0 [hbm4b:s22+s21], $0x400, $0x38;
	[tilespmem:$0x1D580] =	vst v63  }
0x10c: {  	_ =	swait.ge [sflag:s29], $0x4000  }
0x10d: {  	[sflag:s29] =	ssyncset.done $0x0  }
0x10e: {  	[sflag:s29] =	ssyncadd.s32 $0xFFFFC000  }
0x10f: {  	[spmem:s1] =	stream.indirect.scatter.add.f32 [tilespmem:s26], [sflag:$0x5], $0x80, s25, s31, $0xb8;
	[tilespmem:$0x1D580] =	vst v63  }
0x110: {  	_ =	swait.ge [sflag:s28], $0x4000  }
0x111: {  	[sflag:s28] =	ssyncset.done $0x0  }
0x112: {  	[sflag:s28] =	ssyncadd.s32 $0xFFFFC000  }
0x113: {  	[spmem:s2] =	stream.indirect.scatter.add.f32 [tilespmem:s3], [sflag:$0x5], $0x1, s25, s31, $0xb8;
	[tilespmem:$0x1D580] =	vst v63  }
0x114: {  	_ =	swait.ge [sflag:s28], $0x80  }
0x115: {  	[sflag:s28] =	ssyncset.done $0x0  }
0x116: {  	s24 =	simm.s32 $0x500;
	[sflag:s28] =	ssyncadd.s32 $0xFFFFFF80  }
0x117: {  	[tilespmem:s26], [sflag:$0x3] =	stream.indirect.gather [hbm4b:s5+s31], $0x80, s24, s31, $0xb8;
	[tilespmem:$0x1D580] =	vst v63  }
0x118: {  	_ =	swait.ge [sflag:s7], $0x4000  }
0x119: {  	[sflag:s7] =	ssyncset.done $0x0  }
0x11a: {  	[sflag:s7] =	ssyncadd.s32 $0xFFFFC000  }
0x11b: {  	[spmem:s1] =	stream.indirect.scatter.add.f32 [tilespmem:s0], [sflag:$0x5], $0x80, s14, s31, $0xb8;
	[tilespmem:$0x1D580] =	vst v63  }
0x11c: {  	_ =	swait.ge [sflag:s28], $0x4000  }
0x11d: {  	[sflag:s28] =	ssyncset.done $0x0  }
0x11e: {  	[sflag:s28] =	ssyncadd.s32 $0xFFFFC000  }
0x11f: {  	[spmem:s2] =	stream.indirect.scatter.add.f32 [tilespmem:s3], [sflag:$0x5], $0x1, s14, s31, $0xb8;
	[tilespmem:$0x1D580] =	vst v63  }
0x120: {  	_ =	swait.ge [sflag:s28], $0x80  }
0x121: {  	[sflag:s28] =	ssyncset.done $0x0  }
0x122: {  	s24 =	simm.s32 $0x580;
	[sflag:s28] =	ssyncadd.s32 $0xFFFFFF80  }
0x123: {  	[tilespmem:s0], [sflag:$0x4] =	stream.indirect.gather [hbm4b:s5+s31], $0x80, s24, s31, $0xb8;
	[tilespmem:$0x1D580] =	vst v63  }
0x124: {  	_ =	swait.ge [sflag:s29], $0x4000  }
0x125: {  	[sflag:s29] =	ssyncset.done $0x0  }
0x126: {  	[sflag:s29] =	ssyncadd.s32 $0xFFFFC000  }
0x127: {  	[spmem:s1] =	stream.indirect.scatter.add.f32 [tilespmem:s26], [sflag:$0x5], $0x80, s15, s31, $0xb8;
	[tilespmem:$0x1D580] =	vst v63  }
0x128: {  	_ =	swait.ge [sflag:s28], $0x4000  }
0x129: {  	[sflag:s28] =	ssyncset.done $0x0  }
0x12a: {  	[sflag:s28] =	ssyncadd.s32 $0xFFFFC000  }
0x12b: {  	[spmem:s2] =	stream.indirect.scatter.add.f32 [tilespmem:s3], [sflag:$0x5], $0x1, s15, s31, $0xb8;
	[tilespmem:$0x1D580] =	vst v63  }
0x12c: {  	_ =	swait.ge [sflag:s28], $0x80  }
0x12d: {  	[sflag:s28] =	ssyncset.done $0x0  }
0x12e: {  	s24 =	simm.s32 $0x600;
	[sflag:s28] =	ssyncadd.s32 $0xFFFFFF80  }
0x12f: {  	[tilespmem:s26], [sflag:$0x3] =	stream.indirect.gather [hbm4b:s5+s31], $0x80, s24, s31, $0xb8;
	[tilespmem:$0x1D580] =	vst v63  }
0x130: {  	_ =	swait.ge [sflag:s7], $0x4000  }
0x131: {  	[sflag:s7] =	ssyncset.done $0x0  }
0x132: {  	[sflag:s7] =	ssyncadd.s32 $0xFFFFC000  }
0x133: {  	[spmem:s1] =	stream.indirect.scatter.add.f32 [tilespmem:s0], [sflag:$0x5], $0x80, s12, s31, $0xb8;
	[tilespmem:$0x1D580] =	vst v63  }
0x134: {  	_ =	swait.ge [sflag:s28], $0x4000  }
0x135: {  	[sflag:s28] =	ssyncset.done $0x0  }
0x136: {  	[sflag:s28] =	ssyncadd.s32 $0xFFFFC000  }
0x137: {  	[spmem:s2] =	stream.indirect.scatter.add.f32 [tilespmem:s3], [sflag:$0x5], $0x1, s12, s31, $0xb8;
	[tilespmem:$0x1D580] =	vst v63  }
0x138: {  	_ =	swait.ge [sflag:s28], $0x80  }
0x139: {  	[sflag:s28] =	ssyncset.done $0x0  }
0x13a: {  	s24 =	simm.s32 $0x680;
	[sflag:s28] =	ssyncadd.s32 $0xFFFFFF80  }
0x13b: {  	[tilespmem:s0], [sflag:$0x4] =	stream.indirect.gather [hbm4b:s5+s31], $0x80, s24, s31, $0xb8;
	[tilespmem:$0x1D580] =	vst v63  }
0x13c: {  	_ =	swait.ge [sflag:s29], $0x4000  }
0x13d: {  	[sflag:s29] =	ssyncset.done $0x0  }
0x13e: {  	[sflag:s29] =	ssyncadd.s32 $0xFFFFC000  }
0x13f: {  	[spmem:s1] =	stream.indirect.scatter.add.f32 [tilespmem:s26], [sflag:$0x5], $0x80, s9, s31, $0xb8;
	[tilespmem:$0x1D580] =	vst v63  }
0x140: {  	_ =	swait.ge [sflag:s28], $0x4000  }
0x141: {  	[sflag:s28] =	ssyncset.done $0x0  }
0x142: {  	[sflag:s28] =	ssyncadd.s32 $0xFFFFC000  }
0x143: {  	[spmem:s2] =	stream.indirect.scatter.add.f32 [tilespmem:s3], [sflag:$0x5], $0x1, s9, s31, $0xb8;
	[tilespmem:$0x1D580] =	vst v63  }
0x144: {  	_ =	swait.ge [sflag:s28], $0x80  }
0x145: {  	[sflag:s28] =	ssyncset.done $0x0  }
0x146: {  	s24 =	simm.s32 $0x700;
	[sflag:s28] =	ssyncadd.s32 $0xFFFFFF80  }
0x147: {  	[tilespmem:s26], [sflag:$0x3] =	stream.indirect.gather [hbm4b:s5+s31], $0x80, s24, s31, $0xb8;
	[tilespmem:$0x1D580] =	vst v63  }
0x148: {  	_ =	swait.ge [sflag:s7], $0x4000  }
0x149: {  	[sflag:s7] =	ssyncset.done $0x0  }
0x14a: {  	[sflag:s7] =	ssyncadd.s32 $0xFFFFC000  }
0x14b: {  	[spmem:s1] =	stream.indirect.scatter.add.f32 [tilespmem:s0], [sflag:$0x5], $0x80, s17, s31, $0xb8;
	[tilespmem:$0x1D580] =	vst v63  }
0x14c: {  	_ =	swait.ge [sflag:s28], $0x4000  }
0x14d: {  	[sflag:s28] =	ssyncset.done $0x0  }
0x14e: {  	[sflag:s28] =	ssyncadd.s32 $0xFFFFC000  }
0x14f: {  	[spmem:s2] =	stream.indirect.scatter.add.f32 [tilespmem:s3], [sflag:$0x5], $0x1, s17, s31, $0xb8;
	[tilespmem:$0x1D580] =	vst v63  }
0x150: {  	_ =	swait.ge [sflag:s28], $0x80  }
0x151: {  	[sflag:s28] =	ssyncset.done $0x0  }
0x152: {  	s24 =	simm.s32 $0x780;
	[sflag:s28] =	ssyncadd.s32 $0xFFFFFF80  }
0x153: {  	[tilespmem:s0], [sflag:$0x4] =	stream.indirect.gather [hbm4b:s5+s31], $0x80, s24, s31, $0xb8;
	[tilespmem:$0x1D580] =	vst v63  }
0x154: {  	_ =	swait.ge [sflag:s29], $0x4000  }
0x155: {  	[sflag:s29] =	ssyncset.done $0x0  }
0x156: {  	[sflag:s29] =	ssyncadd.s32 $0xFFFFC000  }
0x157: {  	[spmem:s1] =	stream.indirect.scatter.add.f32 [tilespmem:s26], [sflag:$0x5], $0x80, s4, s31, $0xb8;
	[tilespmem:$0x1D580] =	vst v63  }
0x158: {  	_ =	swait.ge [sflag:s28], $0x4000  }
0x159: {  	[sflag:s28] =	ssyncset.done $0x0  }
0x15a: {  	[sflag:s28] =	ssyncadd.s32 $0xFFFFC000  }
0x15b: {  	[spmem:s2] =	stream.indirect.scatter.add.f32 [tilespmem:s3], [sflag:$0x5], $0x1, s4, s31, $0xb8;
	[tilespmem:$0x1D580] =	vst v63  }
0x15c: {  	_ =	swait.ge [sflag:s28], $0x80  }
0x15d: {  	[sflag:s28] =	ssyncset.done $0x0  }
0x15e: {  	s22 =	simm.s32 @!p0 $0x1;
	[sflag:s28] =	ssyncadd.s32 $0xFFFFFF80  }
0x15f: {  	_ =	swait.ge @!p0 [sflag:s22], $0x400  }
0x160: {  	[sflag:s22] =	ssyncset.done @!p0 $0x0  }
0x161: {  	[sflag:s22] =	ssyncadd.s32 @!p0 $0xFFFFFC00  }
0x162: {  	_ =	swait.ge @!p0 [sflag:s22], $0x400  }
0x163: {  	[sflag:s22] =	ssyncset.done @!p0 $0x0  }
0x164: {  	s24 =	simm.s32 @!p0 $0x1000;
	[sflag:s22] =	ssyncadd.s32 @!p0 $0xFFFFFC00;
	s22 =	simm.s32 @!p0 $0x80  }
0x165: {  	[tilespmem:s24], [sflag:$0x3] =	stream.indirect.gather @!p0 [hbm4b:s5+s22], $0x80, s21, s22, $0xb8;
	[tilespmem:$0x1D580] =	vst v63  }
0x166: {  	_ =	swait.ge [sflag:s7], $0x4000  }
0x167: {  	[sflag:s7] =	ssyncset.done $0x0  }
0x168: {  	[sflag:s7] =	ssyncadd.s32 $0xFFFFC000  }
0x169: {  	[spmem:s1] =	stream.indirect.scatter.add.f32 [tilespmem:s0], [sflag:$0x5], $0x80, s19, s31, $0xb8;
	[tilespmem:$0x1D580] =	vst v63  }
0x16a: {  	_ =	swait.ge [sflag:s28], $0x4000  }
0x16b: {  	[sflag:s28] =	ssyncset.done $0x0  }
.Ltmp3:
0x16c: {  	[sflag:s28] =	ssyncadd.s32 $0xFFFFC000;
	(pc) =	sbr.rel @p0 .LBB2_6-.Ltmp3, $4  }
0x16d: {  	[spmem:s2] =	stream.indirect.scatter.add.f32 [tilespmem:s3], [sflag:$0x5], $0x1, s19, s31, $0xb8;
	[tilespmem:$0x1D580] =	vst v63  }
0x16e: {  	_ =	swait.ge [sflag:s28], $0x80  }
0x16f: {  	[sflag:s28] =	ssyncset.done $0x0  }
0x170: {  	s8 =	simm.s32 $0x800;
	s23 =	simm.s32 $0x400;
	[sflag:s28] =	ssyncadd.s32 $0xFFFFFF80  }
0x171: {  	[tilespmem:s0], [sflag:$0x4] =	stream.indirect.gather [hbm4b:s5+s31], $0x80, s31, s31, $0xb8;
	[tilespmem:$0x1D580] =	vst v63  }
.Ltmp4:
0x172: {  	s21 =	rddreg [dreg:$0x13];
	(pc) =	sbr.rel .LBB2_4-.Ltmp4, $4  }
0x173: {  	s22 =	simm.s32 $0x0;
	s24 =	rddreg [dreg:$0x12];
	s21 =	sadd.s32 s20, s21  }
0x174: {  	[tilespmem:s23], [sflag:$0x2] =	stream.linear.gather [hbm4b:s21+s22], $0x400, $0x38;
	[tilespmem:$0x1D580] =	vst v63  }
0x175: {  	s21 =	sadd.s32 s20, s24;
	s20 =	sadd.s32 $0x100, s20;
	s24 =	simm.s32 $0x400  }
0x176: {  	[tilespmem:s25], [sflag:$0x2] =	stream.linear.gather [hbm4b:s21+s22], $0x400, $0x38;
	[tilespmem:$0x1D580] =	vst v63  }
.LBB2_7:
0x177: {  	_ =	sfence.sel $0x180000  }
0x178: {  	[bflag:$0x0] =	sbarrier.arrive $0xFFFF  }
0x179: {  	_ =	strace $0x90000047  }
0x17a: {  	s0 =	stileid.u32;
	[bflag:$0x2] =	sbarrier.arrive $0xFFFF  }
0x17b: {  	p0 =	sne.s32 s0, $0x0;
	s0 =	rddreg [dreg:$0x4]  }
0x17c: {  	s0 =	sadd.s32 @!p0 $0x100000, s0  }
0x17d: {  	[sflag:s0] =	ssyncadd.tile.s32 @!p0 $0x1;
	_ =	shalt  }
.Lfunc_end2:
_tile_overlayer_lowered:
.L_overlay_start_2:
0x17e: {  	(tag) =	ssettag $0x2  }
0x17f: {  	s0 =	rddreg [dreg:$0x0];
	s2 =	stileid.u32  }
0x180: {  	s1 =	rddreg [dreg:$0x1];
	p0 =	sne.s32 s2, $0x0  }
0x181: {  	s3 =	rddreg [dreg:$0x2];
	[bflag:$0x3] =	sbarrier.arrive $0xFFFF;
	s2 =	simm.s32 @!p0 $0x1C05  }
0x182: {  	[timem:s3], [sflag:s2] =	dma.local @!p0 [hbm:s0], s1  }
0x183: {  	s0 =	simm.s32 @!p0 $0x5  }
0x184: {  	_ =	swait.ge @!p0 [sflag:s0], s1  }
0x185: {  	s1 =	ssub.s32 @!p0 $0x0, s1;
	[sflag:s0] =	ssyncset.done @!p0 $0x0  }
0x186: {  	[sflag:s0] =	ssyncadd.s32 @!p0 s1  }
0x187: {  	[bflag:$0x3] =	sbarrier.arrive $0xFFFF  }
0x188: {  	_ =	shalt  }

</sc_bundles>
